<compile_context>
chip_gen: v7x
topology: tpu7x:2x2x1
jax: 0.10.2.dev20260603
libtpu: 0.0.44.dev20260713+nightly
codegen_flags: <defaults>
</compile_context>

<pallas_src>
import functools

import jax
import jax.numpy as jnp
from jax import lax
from jax.experimental import pallas as pl
from jax.experimental.pallas import tpu as pltpu
from jax.experimental.pallas import tpu_sc as plsc

N = 10000
E = 160000
D = 256
DH = 128
NC, NS = 2, 16
NW = NC * NS
EBLK = 256
NBD = E // EBLK
ITD = (NBD + NW - 1) // NW
NXD = 4
GBLK = 128
NBT = E // GBLK
NB = NBT // NS
NTAIL = NBT - NS * NB
NR = 3
NX = 6
HIST_N = 10240
HSLC = HIST_N // NS
RPT = 632
RPT_LAST = N - (NS - 1) * RPT
R = 5000


def _sc_mesh():
    return plsc.VectorSubcoreMesh(core_axis_name="c", subcore_axis_name="s")


def _deg_body(*a):
    edge_hbm, deg0_hbm, deg1_hbm = a[:3]
    dstb = a[3:3 + NXD]
    ones_v, zeros_v, trash_v, hist_sh, dsem, ssem = a[3 + NXD:]

    c = lax.axis_index("c")
    s = lax.axis_index("s")

    for j in range(EBLK // 16):
        ones_v[pl.ds(j * 16, 16)] = jnp.ones((16,), jnp.float32)
        trash_v[pl.ds(j * 16, 16)] = jnp.full((16,), N + j, jnp.int32)
    for j in range(HSLC // 16):
        zeros_v[pl.ds(j * 16, 16)] = jnp.zeros((16,), jnp.float32)

    pltpu.sync_copy(zeros_v, hist_sh.at[pl.ds(s * HSLC, HSLC)])
    plsc.subcore_barrier()

    w = c * NS + s

    def idx_ds(i):
        bc = jnp.minimum(w + i * NW, NBD - 1)
        return pl.ds(bc * EBLK, EBLK)

    for j in range(2):
        pltpu.async_copy(edge_hbm.at[1, idx_ds(j)], dstb[j], dsem.at[j])

    @pl.loop(0, ITD, step=NXD)
    def _deg_blocks(o):
        for bs in range(NXD):
            i = o + bs
            j2 = (bs + 2) % NXD

            pltpu.make_async_copy(edge_hbm.at[1, idx_ds(i)], dstb[bs],
                                  dsem.at[bs]).wait()

            @pl.when(w + i * NW < NBD)
            def _():
                pltpu.async_copy(ones_v, hist_sh.at[dstb[bs]],
                                 ssem.at[bs], add=True)

            @pl.when(w + i * NW >= NBD)
            def _():
                pltpu.async_copy(ones_v, hist_sh.at[trash_v],
                                 ssem.at[bs], add=True)

            @pl.when(i + 2 < ITD)
            def _():
                @pl.when(i >= 2)
                def _():
                    pltpu.make_async_copy(ones_v, hist_sh.at[dstb[j2]],
                                          ssem.at[j2]).wait()

                pltpu.async_copy(edge_hbm.at[1, idx_ds(i + 2)], dstb[j2],
                                 dsem.at[j2])

    for t in range(NXD):
        i = ITD - NXD + t
        pltpu.make_async_copy(ones_v, hist_sh.at[dstb[i % NXD]],
                              ssem.at[i % NXD]).wait()

    plsc.subcore_barrier()

    @pl.when(c == 0)
    def _():
        pltpu.sync_copy(hist_sh.at[pl.ds(s * HSLC, HSLC)],
                        deg0_hbm.at[pl.ds(s * HSLC, HSLC)])

    @pl.when(c == 1)
    def _():
        pltpu.sync_copy(hist_sh.at[pl.ds(s * HSLC, HSLC)],
                        deg1_hbm.at[pl.ds(s * HSLC, HSLC)])


_deg_call = pl.kernel(
    _deg_body,
    out_type=(jax.ShapeDtypeStruct((HIST_N,), jnp.float32),
              jax.ShapeDtypeStruct((HIST_N,), jnp.float32)),
    mesh=_sc_mesh(),
    scratch_types=(
        [pltpu.VMEM((EBLK,), jnp.int32) for _ in range(NXD)]
        + [pltpu.VMEM((EBLK,), jnp.float32),
           pltpu.VMEM((HSLC,), jnp.float32),
           pltpu.VMEM((EBLK,), jnp.int32),
           pltpu.VMEM_SHARED((HIST_N,), jnp.float32),
           pltpu.SemaphoreType.DMA((NXD,)),
           pltpu.SemaphoreType.DMA((NXD,))]
    ),
)


def _mm_body(d0_ref, d1_ref, x_ref, w_ref, g0_ref, g1_ref):
    deg = d0_ref[...] + d1_ref[...] + 1.0
    dinv = lax.rsqrt(deg)
    h = jnp.dot(x_ref[...], w_ref[...], preferred_element_type=jnp.float32)
    g = h * dinv
    g0_ref[...] = g[:, :DH]
    g1_ref[...] = g[:, DH:]


_mm_call = pl.pallas_call(
    _mm_body,
    grid=(N // R,),
    in_specs=[
        pl.BlockSpec((R, 1), lambda i: (i, 0)),
        pl.BlockSpec((R, 1), lambda i: (i, 0)),
        pl.BlockSpec((R, D), lambda i: (i, 0)),
        pl.BlockSpec((D, D), lambda i: (0, 0)),
    ],
    out_specs=[
        pl.BlockSpec((R, DH), lambda i: (i, 0)),
        pl.BlockSpec((R, DH), lambda i: (i, 0)),
    ],
    out_shape=[
        jax.ShapeDtypeStruct((N, DH), jnp.float32),
        jax.ShapeDtypeStruct((N, DH), jnp.float32),
    ],
)


def _edge_body(*a):
    g0_hbm, g1_hbm, e_hbm, a0_hbm, a1_hbm = a[:5]
    sb = a[5:5 + NX]
    db = a[5 + NX:5 + 2 * NX]
    rows = a[5 + 2 * NX:5 + 2 * NX + NR]
    isem, xsem, gsem, ssem, acc_sh = a[5 + 2 * NX + NR:]

    c = lax.axis_index("c")
    s = lax.axis_index("s")

    def idx_copy(base, j, slot, make_only):
        mk = pltpu.make_async_copy if make_only else \
            lambda sr, dr, sm: pltpu.async_copy(sr, dr, sm)
        ds_ = pl.ds((base + j) * GBLK, GBLK)
        return (mk(e_hbm.at[0, ds_], sb[slot], xsem.at[slot]),
                mk(e_hbm.at[1, ds_], db[slot], xsem.at[slot]))

    def work(g_hbm, o_hbm):
        base = s * NB

        @pl.when(s < NS - 1)
        def _():
            pltpu.async_copy(g_hbm.at[pl.ds(s * RPT, RPT)],
                             acc_sh.at[pl.ds(s * RPT, RPT)], isem)

        @pl.when(s == NS - 1)
        def _():
            pltpu.async_copy(g_hbm.at[pl.ds((NS - 1) * RPT, RPT_LAST)],
                             acc_sh.at[pl.ds((NS - 1) * RPT, RPT_LAST)], isem)

        for j in range(4):
            idx_copy(base, j, j, False)
        for j in range(2):
            d1, d2 = idx_copy(base, j, j, True)
            d1.wait()
            d2.wait()
            pltpu.async_copy(g_hbm.at[sb[j]], rows[j], gsem.at[j])

        @pl.when(s < NS - 1)
        def _():
            pltpu.make_async_copy(g_hbm.at[pl.ds(s * RPT, RPT)],
                                  acc_sh.at[pl.ds(s * RPT, RPT)], isem).wait()

        @pl.when(s == NS - 1)
        def _():
            pltpu.make_async_copy(
                g_hbm.at[pl.ds((NS - 1) * RPT, RPT_LAST)],
                acc_sh.at[pl.ds((NS - 1) * RPT, RPT_LAST)], isem).wait()

        plsc.subcore_barrier()

        @pl.loop(0, NB, step=NX)
        def _blocks(o):
            for bs in range(NX):
                i = o + bs
                r = bs % NR
                r2, x2 = (bs + 2) % NR, (bs + 2) % NX
                x4 = (bs + 4) % NX
                x5 = (bs + 5) % NX

                pltpu.make_async_copy(g_hbm.at[sb[bs]], rows[r],
                                      gsem.at[r]).wait()
                pltpu.async_copy(rows[r], acc_sh.at[db[bs]],
                                 ssem.at[r], add=True)

                @pl.when(i + 2 < NB)
                def _():
                    d1, d2 = idx_copy(base, i + 2, x2, True)
                    d1.wait()
                    d2.wait()

                    @pl.when(i >= 1)
                    def _():
                        pltpu.make_async_copy(
                            rows[r2], acc_sh.at[db[x5]],
                            ssem.at[r2]).wait()

                    pltpu.async_copy(g_hbm.at[sb[x2]], rows[r2],
                                     gsem.at[r2])

                @pl.when(i + 4 < NB)
                def _():
                    idx_copy(base, i + 4, x4, False)

        for t in range(NR):
            i = NB - NR + t
            pltpu.make_async_copy(rows[i % NR], acc_sh.at[db[i % NX]],
                                  ssem.at[i % NR]).wait()

        @pl.when(s < NTAIL)
        def _():
            ds_ = pl.ds((NS * NB) * GBLK + s * GBLK, GBLK)
            pltpu.sync_copy(e_hbm.at[0, ds_], sb[0])
            pltpu.sync_copy(e_hbm.at[1, ds_], db[0])
            pltpu.async_copy(g_hbm.at[sb[0]], rows[0], gsem.at[0])
            pltpu.make_async_copy(g_hbm.at[sb[0]], rows[0],
                                  gsem.at[0]).wait()
            pltpu.sync_copy(rows[0], acc_sh.at[db[0]], add=True)

        plsc.subcore_barrier()

        @pl.when(s < NS - 1)
        def _():
            pltpu.sync_copy(acc_sh.at[pl.ds(s * RPT, RPT)],
                            o_hbm.at[pl.ds(s * RPT, RPT)])

        @pl.when(s == NS - 1)
        def _():
            pltpu.sync_copy(acc_sh.at[pl.ds((NS - 1) * RPT, RPT_LAST)],
                            o_hbm.at[pl.ds((NS - 1) * RPT, RPT_LAST)])

    @pl.when(c == 0)
    def _():
        work(g0_hbm, a0_hbm)

    @pl.when(c == 1)
    def _():
        work(g1_hbm, a1_hbm)


_edge_call = pl.kernel(
    _edge_body,
    out_type=(jax.ShapeDtypeStruct((N, DH), jnp.float32),
              jax.ShapeDtypeStruct((N, DH), jnp.float32)),
    mesh=_sc_mesh(),
    scratch_types=(
        [pltpu.VMEM((GBLK,), jnp.int32) for _ in range(2 * NX)]
        + [pltpu.VMEM((GBLK, DH), jnp.float32) for _ in range(NR)]
        + [pltpu.SemaphoreType.DMA,
           pltpu.SemaphoreType.DMA((NX,)),
           pltpu.SemaphoreType.DMA((NR,)),
           pltpu.SemaphoreType.DMA((NR,)),
           pltpu.VMEM_SHARED((N, DH), jnp.float32)]
    ),
)


def _ep_body(d0_ref, d1_ref, b_ref, a0_ref, a1_ref, o_ref):
    dinv = lax.rsqrt(d0_ref[...] + d1_ref[...] + 1.0)
    o_ref[:, :DH] = a0_ref[...] * dinv + b_ref[:, :DH]
    o_ref[:, DH:] = a1_ref[...] * dinv + b_ref[:, DH:]


_ep_call = pl.pallas_call(
    _ep_body,
    grid=(N // R,),
    in_specs=[
        pl.BlockSpec((R, 1), lambda i: (i, 0)),
        pl.BlockSpec((R, 1), lambda i: (i, 0)),
        pl.BlockSpec((1, D), lambda i: (0, 0)),
        pl.BlockSpec((R, DH), lambda i: (i, 0)),
        pl.BlockSpec((R, DH), lambda i: (i, 0)),
    ],
    out_specs=pl.BlockSpec((R, D), lambda i: (i, 0)),
    out_shape=jax.ShapeDtypeStruct((N, D), jnp.float32),
)


def kernel(x, edge_index, W, b):
    deg0, deg1 = _deg_call(edge_index)
    d0 = deg0[:N].reshape(N, 1)
    d1 = deg1[:N].reshape(N, 1)
    g0, g1 = _mm_call(d0, d1, x, W)
    a0, a1 = _edge_call(g0, g1, edge_index)
    return _ep_call(d0, d1, b.reshape(1, D), a0, a1)

# --- scband reference (transcript-rebuilt; emitter-appended) ---
"""Pipeline reference for scband-graph-convolution-9302899163446 (READ-ONLY COPY).

The authoritative reference and input builder live on the scoring server;
editing this copy changes nothing except your own understanding.
"""

import jax, jax.numpy as jnp
import numpy as np

N = 10000
E = 160000
D_IN = 256
D_OUT = 256


def setup_inputs(seed: int = 0) -> dict:
    key = jax.random.key(seed)
    k1, k2, k3 = jax.random.split(key, 3)
    x = jax.random.normal(k1, (N, D_IN), dtype=jnp.float32)
    edge_index = jax.random.randint(k2, (2, E), 0, N, dtype=jnp.int32)
    # xavier_uniform_ init for weight, zeros for bias (per reset_parameters)
    limit = float(np.sqrt(6.0 / (D_IN + D_OUT)))
    W = jax.random.uniform(k3, (D_IN, D_OUT), minval=-limit, maxval=limit, dtype=jnp.float32)
    b = jnp.zeros((D_OUT,), dtype=jnp.float32)
    return {"x": x, "edge_index": edge_index, "W": W, "b": b}


def reference(x, edge_index, W, b):
    # adj from dilate_graph is binary with self-loops (setdiag(1));
    # normalize_adj computes D^{-1/2} A D^{-1/2}.
    n = x.shape[0]
    loop = jnp.arange(n, dtype=edge_index.dtype)
    src = jnp.concatenate([edge_index[0], loop])
    dst = jnp.concatenate([edge_index[1], loop])
    # degree = row sums of adjacency (with self-loops)
    deg = jnp.zeros((n,), dtype=x.dtype).at[dst].add(1.0)
    deg_inv_sqrt = 1.0 / jnp.sqrt(deg)
    edge_vals = deg_inv_sqrt[src] * deg_inv_sqrt[dst]
    # adj @ (x @ W) + bias
    h = x @ W
    msg = h[src] * edge_vals[:, None]
    out = jnp.zeros((n, W.shape[1]), dtype=x.dtype).at[dst].add(msg)
    return out + b

if __name__ == "__main__":
    import jax
    _d = setup_inputs()
    print(jax.jit(kernel)(*tuple(_d.values())))

</pallas_src>

<mosaic_0001>
#map = affine_map<(d0, d1) -> (0, 0)>
#map1 = affine_map<(d0, d1) -> (0)>
module attributes {stable_mosaic.version = 14 : i64} {
  func.func @_deg_body(%arg0: i32, %arg1: i32, %arg2: memref<2x160000xi32, #tpu.memory_space<hbm>>, %arg3: memref<10240xf32, #tpu.memory_space<hbm>>, %arg4: memref<10240xf32, #tpu.memory_space<hbm>>, %arg5: memref<256xi32, #tpu.memory_space<vmem>>, %arg6: memref<256xi32, #tpu.memory_space<vmem>>, %arg7: memref<256xi32, #tpu.memory_space<vmem>>, %arg8: memref<256xi32, #tpu.memory_space<vmem>>, %arg9: memref<256xf32, #tpu.memory_space<vmem>>, %arg10: memref<640xf32, #tpu.memory_space<vmem>>, %arg11: memref<256xi32, #tpu.memory_space<vmem>>, %arg12: memref<10240xf32, #tpu.memory_space<vmem_shared>>, %arg13: memref<4x!tpu.dma_semaphore, #tpu.memory_space<semaphore_mem>>, %arg14: memref<4x!tpu.dma_semaphore, #tpu.memory_space<semaphore_mem>>) attributes {dimension_semantics = [#tpu.dimension_semantics<core_parallel>, #tpu.dimension_semantics<subcore_parallel>], iteration_bounds = array<i64: 2, 16>, scalar_prefetch = 0 : i64, scratch_operands = 10 : i64, tpu.core_type = #tpu.core_type<sc_vector_subcore>, window_params = [{transform_indices = #map}, {transform_indices = #map1}, {transform_indices = #map1}]} {
    %broadcast_in_dim3A = arith.constant 1.000000e+00 : f32
    %broadcast_in_dim3A_0 = vector.broadcast %broadcast_in_dim3A : f32 to vector<16xf32>
    %swap3A = arith.constant 0 : index
    %swap3A_1 = tpu.vector_load %arg9[%swap3A] {strides = array<i32>} : memref<256xf32, #tpu.memory_space<vmem>>, vector<16xf32>,
    %swap3A_2 = vector.shape_cast %swap3A_1 : vector<16xf32> to vector<16xf32>
    %swap3A_3 = vector.shape_cast %broadcast_in_dim3A_0 : vector<16xf32> to vector<16xf32>
    tpu.vector_store %arg9[%swap3A], %swap3A_3 {strides = array<i32>} : memref<256xf32, #tpu.memory_space<vmem>>, vector<16xf32>,
    %broadcast_in_dim3A_4 = arith.constant 10000 : i32
    %broadcast_in_dim3A_5 = vector.broadcast %broadcast_in_dim3A_4 : i32 to vector<16xi32>
    %swap3A_6 = arith.constant 0 : index
    %swap3A_7 = tpu.vector_load %arg11[%swap3A_6] {strides = array<i32>} : memref<256xi32, #tpu.memory_space<vmem>>, vector<16xi32>,
    %swap3A_8 = vector.shape_cast %swap3A_7 : vector<16xi32> to vector<16xi32>
    %swap3A_9 = vector.shape_cast %broadcast_in_dim3A_5 : vector<16xi32> to vector<16xi32>
    tpu.vector_store %arg11[%swap3A_6], %swap3A_9 {strides = array<i32>} : memref<256xi32, #tpu.memory_space<vmem>>, vector<16xi32>,
    %broadcast_in_dim3A_10 = arith.constant 1.000000e+00 : f32
    %broadcast_in_dim3A_11 = vector.broadcast %broadcast_in_dim3A_10 : f32 to vector<16xf32>
    %swap3A_12 = arith.constant 16 : index
    %swap3A_13 = tpu.vector_load %arg9[%swap3A_12] {strides = array<i32>} : memref<256xf32, #tpu.memory_space<vmem>>, vector<16xf32>,
    %swap3A_14 = vector.shape_cast %swap3A_13 : vector<16xf32> to vector<16xf32>
    %swap3A_15 = vector.shape_cast %broadcast_in_dim3A_11 : vector<16xf32> to vector<16xf32>
    tpu.vector_store %arg9[%swap3A_12], %swap3A_15 {strides = array<i32>} : memref<256xf32, #tpu.memory_space<vmem>>, vector<16xf32>,
    %broadcast_in_dim3A_16 = arith.constant 10001 : i32
    %broadcast_in_dim3A_17 = vector.broadcast %broadcast_in_dim3A_16 : i32 to vector<16xi32>
    %swap3A_18 = arith.constant 16 : index
    %swap3A_19 = tpu.vector_load %arg11[%swap3A_18] {strides = array<i32>} : memref<256xi32, #tpu.memory_space<vmem>>, vector<16xi32>,
    %swap3A_20 = vector.shape_cast %swap3A_19 : vector<16xi32> to vector<16xi32>
    %swap3A_21 = vector.shape_cast %broadcast_in_dim3A_17 : vector<16xi32> to vector<16xi32>
    tpu.vector_store %arg11[%swap3A_18], %swap3A_21 {strides = array<i32>} : memref<256xi32, #tpu.memory_space<vmem>>, vector<16xi32>,
    %broadcast_in_dim3A_22 = arith.constant 1.000000e+00 : f32
    %broadcast_in_dim3A_23 = vector.broadcast %broadcast_in_dim3A_22 : f32 to vector<16xf32>
    %swap3A_24 = arith.constant 32 : index
    %swap3A_25 = tpu.vector_load %arg9[%swap3A_24] {strides = array<i32>} : memref<256xf32, #tpu.memory_space<vmem>>, vector<16xf32>,
    %swap3A_26 = vector.shape_cast %swap3A_25 : vector<16xf32> to vector<16xf32>
    %swap3A_27 = vector.shape_cast %broadcast_in_dim3A_23 : vector<16xf32> to vector<16xf32>
    tpu.vector_store %arg9[%swap3A_24], %swap3A_27 {strides = array<i32>} : memref<256xf32, #tpu.memory_space<vmem>>, vector<16xf32>,
    %broadcast_in_dim3A_28 = arith.constant 10002 : i32
    %broadcast_in_dim3A_29 = vector.broadcast %broadcast_in_dim3A_28 : i32 to vector<16xi32>
    %swap3A_30 = arith.constant 32 : index
    %swap3A_31 = tpu.vector_load %arg11[%swap3A_30] {strides = array<i32>} : memref<256xi32, #tpu.memory_space<vmem>>, vector<16xi32>,
    %swap3A_32 = vector.shape_cast %swap3A_31 : vector<16xi32> to vector<16xi32>
    %swap3A_33 = vector.shape_cast %broadcast_in_dim3A_29 : vector<16xi32> to vector<16xi32>
    tpu.vector_store %arg11[%swap3A_30], %swap3A_33 {strides = array<i32>} : memref<256xi32, #tpu.memory_space<vmem>>, vector<16xi32>,
    %broadcast_in_dim3A_34 = arith.constant 1.000000e+00 : f32
    %broadcast_in_dim3A_35 = vector.broadcast %broadcast_in_dim3A_34 : f32 to vector<16xf32>
    %swap3A_36 = arith.constant 48 : index
    %swap3A_37 = tpu.vector_load %arg9[%swap3A_36] {strides = array<i32>} : memref<256xf32, #tpu.memory_space<vmem>>, vector<16xf32>,
    %swap3A_38 = vector.shape_cast %swap3A_37 : vector<16xf32> to vector<16xf32>
    %swap3A_39 = vector.shape_cast %broadcast_in_dim3A_35 : vector<16xf32> to vector<16xf32>
    tpu.vector_store %arg9[%swap3A_36], %swap3A_39 {strides = array<i32>} : memref<256xf32, #tpu.memory_space<vmem>>, vector<16xf32>,
    %broadcast_in_dim3A_40 = arith.constant 10003 : i32
    %broadcast_in_dim3A_41 = vector.broadcast %broadcast_in_dim3A_40 : i32 to vector<16xi32>
    %swap3A_42 = arith.constant 48 : index
    %swap3A_43 = tpu.vector_load %arg11[%swap3A_42] {strides = array<i32>} : memref<256xi32, #tpu.memory_space<vmem>>, vector<16xi32>,
    %swap3A_44 = vector.shape_cast %swap3A_43 : vector<16xi32> to vector<16xi32>
    %swap3A_45 = vector.shape_cast %broadcast_in_dim3A_41 : vector<16xi32> to vector<16xi32>
    tpu.vector_store %arg11[%swap3A_42], %swap3A_45 {strides = array<i32>} : memref<256xi32, #tpu.memory_space<vmem>>, vector<16xi32>,
    %broadcast_in_dim3A_46 = arith.constant 1.000000e+00 : f32
    %broadcast_in_dim3A_47 = vector.broadcast %broadcast_in_dim3A_46 : f32 to vector<16xf32>
    %swap3A_48 = arith.constant 64 : index
    %swap3A_49 = tpu.vector_load %arg9[%swap3A_48] {strides = array<i32>} : memref<256xf32, #tpu.memory_space<vmem>>, vector<16xf32>,
    %swap3A_50 = vector.shape_cast %swap3A_49 : vector<16xf32> to vector<16xf32>
    %swap3A_51 = vector.shape_cast %broadcast_in_dim3A_47 : vector<16xf32> to vector<16xf32>
    tpu.vector_store %arg9[%swap3A_48], %swap3A_51 {strides = array<i32>} : memref<256xf32, #tpu.memory_space<vmem>>, vector<16xf32>,
    %broadcast_in_dim3A_52 = arith.constant 10004 : i32
    %broadcast_in_dim3A_53 = vector.broadcast %broadcast_in_dim3A_52 : i32 to vector<16xi32>
    %swap3A_54 = arith.constant 64 : index
    %swap3A_55 = tpu.vector_load %arg11[%swap3A_54] {strides = array<i32>} : memref<256xi32, #tpu.memory_space<vmem>>, vector<16xi32>,
    %swap3A_56 = vector.shape_cast %swap3A_55 : vector<16xi32> to vector<16xi32>
    %swap3A_57 = vector.shape_cast %broadcast_in_dim3A_53 : vector<16xi32> to vector<16xi32>
    tpu.vector_store %arg11[%swap3A_54], %swap3A_57 {strides = array<i32>} : memref<256xi32, #tpu.memory_space<vmem>>, vector<16xi32>,
    %broadcast_in_dim3A_58 = arith.constant 1.000000e+00 : f32
    %broadcast_in_dim3A_59 = vector.broadcast %broadcast_in_dim3A_58 : f32 to vector<16xf32>
    %swap3A_60 = arith.constant 80 : index
    %swap3A_61 = tpu.vector_load %arg9[%swap3A_60] {strides = array<i32>} : memref<256xf32, #tpu.memory_space<vmem>>, vector<16xf32>,
    %swap3A_62 = vector.shape_cast %swap3A_61 : vector<16xf32> to vector<16xf32>
    %swap3A_63 = vector.shape_cast %broadcast_in_dim3A_59 : vector<16xf32> to vector<16xf32>
    tpu.vector_store %arg9[%swap3A_60], %swap3A_63 {strides = array<i32>} : memref<256xf32, #tpu.memory_space<vmem>>, vector<16xf32>,
    %broadcast_in_dim3A_64 = arith.constant 10005 : i32
    %broadcast_in_dim3A_65 = vector.broadcast %broadcast_in_dim3A_64 : i32 to vector<16xi32>
    %swap3A_66 = arith.constant 80 : index
    %swap3A_67 = tpu.vector_load %arg11[%swap3A_66] {strides = array<i32>} : memref<256xi32, #tpu.memory_space<vmem>>, vector<16xi32>,
    %swap3A_68 = vector.shape_cast %swap3A_67 : vector<16xi32> to vector<16xi32>
    %swap3A_69 = vector.shape_cast %broadcast_in_dim3A_65 : vector<16xi32> to vector<16xi32>
    tpu.vector_store %arg11[%swap3A_66], %swap3A_69 {strides = array<i32>} : memref<256xi32, #tpu.memory_space<vmem>>, vector<16xi32>,
    %broadcast_in_dim3A_70 = arith.constant 1.000000e+00 : f32
    %broadcast_in_dim3A_71 = vector.broadcast %broadcast_in_dim3A_70 : f32 to vector<16xf32>
    %swap3A_72 = arith.constant 96 : index
    %swap3A_73 = tpu.vector_load %arg9[%swap3A_72] {strides = array<i32>} : memref<256xf32, #tpu.memory_space<vmem>>, vector<16xf32>,
    %swap3A_74 = vector.shape_cast %swap3A_73 : vector<16xf32> to vector<16xf32>
    %swap3A_75 = vector.shape_cast %broadcast_in_dim3A_71 : vector<16xf32> to vector<16xf32>
    tpu.vector_store %arg9[%swap3A_72], %swap3A_75 {strides = array<i32>} : memref<256xf32, #tpu.memory_space<vmem>>, vector<16xf32>,
    %broadcast_in_dim3A_76 = arith.constant 10006 : i32
    %broadcast_in_dim3A_77 = vector.broadcast %broadcast_in_dim3A_76 : i32 to vector<16xi32>
    %swap3A_78 = arith.constant 96 : index
    %swap3A_79 = tpu.vector_load %arg11[%swap3A_78] {strides = array<i32>} : memref<256xi32, #tpu.memory_space<vmem>>, vector<16xi32>,
    %swap3A_80 = vector.shape_cast %swap3A_79 : vector<16xi32> to vector<16xi32>
    %swap3A_81 = vector.shape_cast %broadcast_in_dim3A_77 : vector<16xi32> to vector<16xi32>
    tpu.vector_store %arg11[%swap3A_78], %swap3A_81 {strides = array<i32>} : memref<256xi32, #tpu.memory_space<vmem>>, vector<16xi32>,
    %broadcast_in_dim3A_82 = arith.constant 1.000000e+00 : f32
    %broadcast_in_dim3A_83 = vector.broadcast %broadcast_in_dim3A_82 : f32 to vector<16xf32>
    %swap3A_84 = arith.constant 112 : index
    %swap3A_85 = tpu.vector_load %arg9[%swap3A_84] {strides = array<i32>} : memref<256xf32, #tpu.memory_space<vmem>>, vector<16xf32>,
    %swap3A_86 = vector.shape_cast %swap3A_85 : vector<16xf32> to vector<16xf32>
    %swap3A_87 = vector.shape_cast %broadcast_in_dim3A_83 : vector<16xf32> to vector<16xf32>
    tpu.vector_store %arg9[%swap3A_84], %swap3A_87 {strides = array<i32>} : memref<256xf32, #tpu.memory_space<vmem>>, vector<16xf32>,
    %broadcast_in_dim3A_88 = arith.constant 10007 : i32
    %broadcast_in_dim3A_89 = vector.broadcast %broadcast_in_dim3A_88 : i32 to vector<16xi32>
    %swap3A_90 = arith.constant 112 : index
    %swap3A_91 = tpu.vector_load %arg11[%swap3A_90] {strides = array<i32>} : memref<256xi32, #tpu.memory_space<vmem>>, vector<16xi32>,
    %swap3A_92 = vector.shape_cast %swap3A_91 : vector<16xi32> to vector<16xi32>
    %swap3A_93 = vector.shape_cast %broadcast_in_dim3A_89 : vector<16xi32> to vector<16xi32>
    tpu.vector_store %arg11[%swap3A_90], %swap3A_93 {strides = array<i32>} : memref<256xi32, #tpu.memory_space<vmem>>, vector<16xi32>,
    %broadcast_in_dim3A_94 = arith.constant 1.000000e+00 : f32
    %broadcast_in_dim3A_95 = vector.broadcast %broadcast_in_dim3A_94 : f32 to vector<16xf32>
    %swap3A_96 = arith.constant 128 : index
    %swap3A_97 = tpu.vector_load %arg9[%swap3A_96] {strides = array<i32>} : memref<256xf32, #tpu.memory_space<vmem>>, vector<16xf32>,
    %swap3A_98 = vector.shape_cast %swap3A_97 : vector<16xf32> to vector<16xf32>
    %swap3A_99 = vector.shape_cast %broadcast_in_dim3A_95 : vector<16xf32> to vector<16xf32>
    tpu.vector_store %arg9[%swap3A_96], %swap3A_99 {strides = array<i32>} : memref<256xf32, #tpu.memory_space<vmem>>, vector<16xf32>,
    %broadcast_in_dim3A_100 = arith.constant 10008 : i32
    %broadcast_in_dim3A_101 = vector.broadcast %broadcast_in_dim3A_100 : i32 to vector<16xi32>
    %swap3A_102 = arith.constant 128 : index
    %swap3A_103 = tpu.vector_load %arg11[%swap3A_102] {strides = array<i32>} : memref<256xi32, #tpu.memory_space<vmem>>, vector<16xi32>,
    %swap3A_104 = vector.shape_cast %swap3A_103 : vector<16xi32> to vector<16xi32>
    %swap3A_105 = vector.shape_cast %broadcast_in_dim3A_101 : vector<16xi32> to vector<16xi32>
    tpu.vector_store %arg11[%swap3A_102], %swap3A_105 {strides = array<i32>} : memref<256xi32, #tpu.memory_space<vmem>>, vector<16xi32>,
    %broadcast_in_dim3A_106 = arith.constant 1.000000e+00 : f32
    %broadcast_in_dim3A_107 = vector.broadcast %broadcast_in_dim3A_106 : f32 to vector<16xf32>
    %swap3A_108 = arith.constant 144 : index
    %swap3A_109 = tpu.vector_load %arg9[%swap3A_108] {strides = array<i32>} : memref<256xf32, #tpu.memory_space<vmem>>, vector<16xf32>,
    %swap3A_110 = vector.shape_cast %swap3A_109 : vector<16xf32> to vector<16xf32>
    %swap3A_111 = vector.shape_cast %broadcast_in_dim3A_107 : vector<16xf32> to vector<16xf32>
    tpu.vector_store %arg9[%swap3A_108], %swap3A_111 {strides = array<i32>} : memref<256xf32, #tpu.memory_space<vmem>>, vector<16xf32>,
    %broadcast_in_dim3A_112 = arith.constant 10009 : i32
    %broadcast_in_dim3A_113 = vector.broadcast %broadcast_in_dim3A_112 : i32 to vector<16xi32>
    %swap3A_114 = arith.constant 144 : index
    %swap3A_115 = tpu.vector_load %arg11[%swap3A_114] {strides = array<i32>} : memref<256xi32, #tpu.memory_space<vmem>>, vector<16xi32>,
    %swap3A_116 = vector.shape_cast %swap3A_115 : vector<16xi32> to vector<16xi32>
    %swap3A_117 = vector.shape_cast %broadcast_in_dim3A_113 : vector<16xi32> to vector<16xi32>
    tpu.vector_store %arg11[%swap3A_114], %swap3A_117 {strides = array<i32>} : memref<256xi32, #tpu.memory_space<vmem>>, vector<16xi32>,
    %broadcast_in_dim3A_118 = arith.constant 1.000000e+00 : f32
    %broadcast_in_dim3A_119 = vector.broadcast %broadcast_in_dim3A_118 : f32 to vector<16xf32>
    %swap3A_120 = arith.constant 160 : index
    %swap3A_121 = tpu.vector_load %arg9[%swap3A_120] {strides = array<i32>} : memref<256xf32, #tpu.memory_space<vmem>>, vector<16xf32>,
    %swap3A_122 = vector.shape_cast %swap3A_121 : vector<16xf32> to vector<16xf32>
    %swap3A_123 = vector.shape_cast %broadcast_in_dim3A_119 : vector<16xf32> to vector<16xf32>
    tpu.vector_store %arg9[%swap3A_120], %swap3A_123 {strides = array<i32>} : memref<256xf32, #tpu.memory_space<vmem>>, vector<16xf32>,
    %broadcast_in_dim3A_124 = arith.constant 10010 : i32
    %broadcast_in_dim3A_125 = vector.broadcast %broadcast_in_dim3A_124 : i32 to vector<16xi32>
    %swap3A_126 = arith.constant 160 : index
    %swap3A_127 = tpu.vector_load %arg11[%swap3A_126] {strides = array<i32>} : memref<256xi32, #tpu.memory_space<vmem>>, vector<16xi32>,
    %swap3A_128 = vector.shape_cast %swap3A_127 : vector<16xi32> to vector<16xi32>
    %swap3A_129 = vector.shape_cast %broadcast_in_dim3A_125 : vector<16xi32> to vector<16xi32>
    tpu.vector_store %arg11[%swap3A_126], %swap3A_129 {strides = array<i32>} : memref<256xi32, #tpu.memory_space<vmem>>, vector<16xi32>,
    %broadcast_in_dim3A_130 = arith.constant 1.000000e+00 : f32
    %broadcast_in_dim3A_131 = vector.broadcast %broadcast_in_dim3A_130 : f32 to vector<16xf32>
    %swap3A_132 = arith.constant 176 : index
    %swap3A_133 = tpu.vector_load %arg9[%swap3A_132] {strides = array<i32>} : memref<256xf32, #tpu.memory_space<vmem>>, vector<16xf32>,
    %swap3A_134 = vector.shape_cast %swap3A_133 : vector<16xf32> to vector<16xf32>
    %swap3A_135 = vector.shape_cast %broadcast_in_dim3A_131 : vector<16xf32> to vector<16xf32>
    tpu.vector_store %arg9[%swap3A_132], %swap3A_135 {strides = array<i32>} : memref<256xf32, #tpu.memory_space<vmem>>, vector<16xf32>,
    %broadcast_in_dim3A_136 = arith.constant 10011 : i32
    %broadcast_in_dim3A_137 = vector.broadcast %broadcast_in_dim3A_136 : i32 to vector<16xi32>
    %swap3A_138 = arith.constant 176 : index
    %swap3A_139 = tpu.vector_load %arg11[%swap3A_138] {strides = array<i32>} : memref<256xi32, #tpu.memory_space<vmem>>, vector<16xi32>,
    %swap3A_140 = vector.shape_cast %swap3A_139 : vector<16xi32> to vector<16xi32>
    %swap3A_141 = vector.shape_cast %broadcast_in_dim3A_137 : vector<16xi32> to vector<16xi32>
    tpu.vector_store %arg11[%swap3A_138], %swap3A_141 {strides = array<i32>} : memref<256xi32, #tpu.memory_space<vmem>>, vector<16xi32>,
    %broadcast_in_dim3A_142 = arith.constant 1.000000e+00 : f32
    %broadcast_in_dim3A_143 = vector.broadcast %broadcast_in_dim3A_142 : f32 to vector<16xf32>
    %swap3A_144 = arith.constant 192 : index
    %swap3A_145 = tpu.vector_load %arg9[%swap3A_144] {strides = array<i32>} : memref<256xf32, #tpu.memory_space<vmem>>, vector<16xf32>,
    %swap3A_146 = vector.shape_cast %swap3A_145 : vector<16xf32> to vector<16xf32>
    %swap3A_147 = vector.shape_cast %broadcast_in_dim3A_143 : vector<16xf32> to vector<16xf32>
    tpu.vector_store %arg9[%swap3A_144], %swap3A_147 {strides = array<i32>} : memref<256xf32, #tpu.memory_space<vmem>>, vector<16xf32>,
    %broadcast_in_dim3A_148 = arith.constant 10012 : i32
    %broadcast_in_dim3A_149 = vector.broadcast %broadcast_in_dim3A_148 : i32 to vector<16xi32>
    %swap3A_150 = arith.constant 192 : index
    %swap3A_151 = tpu.vector_load %arg11[%swap3A_150] {strides = array<i32>} : memref<256xi32, #tpu.memory_space<vmem>>, vector<16xi32>,
    %swap3A_152 = vector.shape_cast %swap3A_151 : vector<16xi32> to vector<16xi32>
    %swap3A_153 = vector.shape_cast %broadcast_in_dim3A_149 : vector<16xi32> to vector<16xi32>
    tpu.vector_store %arg11[%swap3A_150], %swap3A_153 {strides = array<i32>} : memref<256xi32, #tpu.memory_space<vmem>>, vector<16xi32>,
    %broadcast_in_dim3A_154 = arith.constant 1.000000e+00 : f32
    %broadcast_in_dim3A_155 = vector.broadcast %broadcast_in_dim3A_154 : f32 to vector<16xf32>
    %swap3A_156 = arith.constant 208 : index
    %swap3A_157 = tpu.vector_load %arg9[%swap3A_156] {strides = array<i32>} : memref<256xf32, #tpu.memory_space<vmem>>, vector<16xf32>,
    %swap3A_158 = vector.shape_cast %swap3A_157 : vector<16xf32> to vector<16xf32>
    %swap3A_159 = vector.shape_cast %broadcast_in_dim3A_155 : vector<16xf32> to vector<16xf32>
    tpu.vector_store %arg9[%swap3A_156], %swap3A_159 {strides = array<i32>} : memref<256xf32, #tpu.memory_space<vmem>>, vector<16xf32>,
    %broadcast_in_dim3A_160 = arith.constant 10013 : i32
    %broadcast_in_dim3A_161 = vector.broadcast %broadcast_in_dim3A_160 : i32 to vector<16xi32>
    %swap3A_162 = arith.constant 208 : index
    %swap3A_163 = tpu.vector_load %arg11[%swap3A_162] {strides = array<i32>} : memref<256xi32, #tpu.memory_space<vmem>>, vector<16xi32>,
    %swap3A_164 = vector.shape_cast %swap3A_163 : vector<16xi32> to vector<16xi32>
    %swap3A_165 = vector.shape_cast %broadcast_in_dim3A_161 : vector<16xi32> to vector<16xi32>
    tpu.vector_store %arg11[%swap3A_162], %swap3A_165 {strides = array<i32>} : memref<256xi32, #tpu.memory_space<vmem>>, vector<16xi32>,
    %broadcast_in_dim3A_166 = arith.constant 1.000000e+00 : f32
    %broadcast_in_dim3A_167 = vector.broadcast %broadcast_in_dim3A_166 : f32 to vector<16xf32>
    %swap3A_168 = arith.constant 224 : index
    %swap3A_169 = tpu.vector_load %arg9[%swap3A_168] {strides = array<i32>} : memref<256xf32, #tpu.memory_space<vmem>>, vector<16xf32>,
    %swap3A_170 = vector.shape_cast %swap3A_169 : vector<16xf32> to vector<16xf32>
    %swap3A_171 = vector.shape_cast %broadcast_in_dim3A_167 : vector<16xf32> to vector<16xf32>
    tpu.vector_store %arg9[%swap3A_168], %swap3A_171 {strides = array<i32>} : memref<256xf32, #tpu.memory_space<vmem>>, vector<16xf32>,
    %broadcast_in_dim3A_172 = arith.constant 10014 : i32
    %broadcast_in_dim3A_173 = vector.broadcast %broadcast_in_dim3A_172 : i32 to vector<16xi32>
    %swap3A_174 = arith.constant 224 : index
    %swap3A_175 = tpu.vector_load %arg11[%swap3A_174] {strides = array<i32>} : memref<256xi32, #tpu.memory_space<vmem>>, vector<16xi32>,
    %swap3A_176 = vector.shape_cast %swap3A_175 : vector<16xi32> to vector<16xi32>
    %swap3A_177 = vector.shape_cast %broadcast_in_dim3A_173 : vector<16xi32> to vector<16xi32>
    tpu.vector_store %arg11[%swap3A_174], %swap3A_177 {strides = array<i32>} : memref<256xi32, #tpu.memory_space<vmem>>, vector<16xi32>,
    %broadcast_in_dim3A_178 = arith.constant 1.000000e+00 : f32
    %broadcast_in_dim3A_179 = vector.broadcast %broadcast_in_dim3A_178 : f32 to vector<16xf32>
    %swap3A_180 = arith.constant 240 : index
    %swap3A_181 = tpu.vector_load %arg9[%swap3A_180] {strides = array<i32>} : memref<256xf32, #tpu.memory_space<vmem>>, vector<16xf32>,
    %swap3A_182 = vector.shape_cast %swap3A_181 : vector<16xf32> to vector<16xf32>
    %swap3A_183 = vector.shape_cast %broadcast_in_dim3A_179 : vector<16xf32> to vector<16xf32>
    tpu.vector_store %arg9[%swap3A_180], %swap3A_183 {strides = array<i32>} : memref<256xf32, #tpu.memory_space<vmem>>, vector<16xf32>,
    %broadcast_in_dim3A_184 = arith.constant 10015 : i32
    %broadcast_in_dim3A_185 = vector.broadcast %broadcast_in_dim3A_184 : i32 to vector<16xi32>
    %swap3A_186 = arith.constant 240 : index
    %swap3A_187 = tpu.vector_load %arg11[%swap3A_186] {strides = array<i32>} : memref<256xi32, #tpu.memory_space<vmem>>, vector<16xi32>,
    %swap3A_188 = vector.shape_cast %swap3A_187 : vector<16xi32> to vector<16xi32>
    %swap3A_189 = vector.shape_cast %broadcast_in_dim3A_185 : vector<16xi32> to vector<16xi32>
    tpu.vector_store %arg11[%swap3A_186], %swap3A_189 {strides = array<i32>} : memref<256xi32, #tpu.memory_space<vmem>>, vector<16xi32>,
    %broadcast_in_dim3A_190 = arith.constant 0.000000e+00 : f32
    %broadcast_in_dim3A_191 = vector.broadcast %broadcast_in_dim3A_190 : f32 to vector<16xf32>
    %swap3A_192 = arith.constant 0 : index
    %swap3A_193 = tpu.vector_load %arg10[%swap3A_192] {strides = array<i32>} : memref<640xf32, #tpu.memory_space<vmem>>, vector<16xf32>,
    %swap3A_194 = vector.shape_cast %swap3A_193 : vector<16xf32> to vector<16xf32>
    %swap3A_195 = vector.shape_cast %broadcast_in_dim3A_191 : vector<16xf32> to vector<16xf32>
    tpu.vector_store %arg10[%swap3A_192], %swap3A_195 {strides = array<i32>} : memref<640xf32, #tpu.memory_space<vmem>>, vector<16xf32>,
    %broadcast_in_dim3A_196 = arith.constant 0.000000e+00 : f32
    %broadcast_in_dim3A_197 = vector.broadcast %broadcast_in_dim3A_196 : f32 to vector<16xf32>
    %swap3A_198 = arith.constant 16 : index
    %swap3A_199 = tpu.vector_load %arg10[%swap3A_198] {strides = array<i32>} : memref<640xf32, #tpu.memory_space<vmem>>, vector<16xf32>,
    %swap3A_200 = vector.shape_cast %swap3A_199 : vector<16xf32> to vector<16xf32>
    %swap3A_201 = vector.shape_cast %broadcast_in_dim3A_197 : vector<16xf32> to vector<16xf32>
    tpu.vector_store %arg10[%swap3A_198], %swap3A_201 {strides = array<i32>} : memref<640xf32, #tpu.memory_space<vmem>>, vector<16xf32>,
    %broadcast_in_dim3A_202 = arith.constant 0.000000e+00 : f32
    %broadcast_in_dim3A_203 = vector.broadcast %broadcast_in_dim3A_202 : f32 to vector<16xf32>
    %swap3A_204 = arith.constant 32 : index
    %swap3A_205 = tpu.vector_load %arg10[%swap3A_204] {strides = array<i32>} : memref<640xf32, #tpu.memory_space<vmem>>, vector<16xf32>,
    %swap3A_206 = vector.shape_cast %swap3A_205 : vector<16xf32> to vector<16xf32>
    %swap3A_207 = vector.shape_cast %broadcast_in_dim3A_203 : vector<16xf32> to vector<16xf32>
    tpu.vector_store %arg10[%swap3A_204], %swap3A_207 {strides = array<i32>} : memref<640xf32, #tpu.memory_space<vmem>>, vector<16xf32>,
    %broadcast_in_dim3A_208 = arith.constant 0.000000e+00 : f32
    %broadcast_in_dim3A_209 = vector.broadcast %broadcast_in_dim3A_208 : f32 to vector<16xf32>
    %swap3A_210 = arith.constant 48 : index
    %swap3A_211 = tpu.vector_load %arg10[%swap3A_210] {strides = array<i32>} : memref<640xf32, #tpu.memory_space<vmem>>, vector<16xf32>,
    %swap3A_212 = vector.shape_cast %swap3A_211 : vector<16xf32> to vector<16xf32>
    %swap3A_213 = vector.shape_cast %broadcast_in_dim3A_209 : vector<16xf32> to vector<16xf32>
    tpu.vector_store %arg10[%swap3A_210], %swap3A_213 {strides = array<i32>} : memref<640xf32, #tpu.memory_space<vmem>>, vector<16xf32>,
    %broadcast_in_dim3A_214 = arith.constant 0.000000e+00 : f32
    %broadcast_in_dim3A_215 = vector.broadcast %broadcast_in_dim3A_214 : f32 to vector<16xf32>
    %swap3A_216 = arith.constant 64 : index
    %swap3A_217 = tpu.vector_load %arg10[%swap3A_216] {strides = array<i32>} : memref<640xf32, #tpu.memory_space<vmem>>, vector<16xf32>,
    %swap3A_218 = vector.shape_cast %swap3A_217 : vector<16xf32> to vector<16xf32>
    %swap3A_219 = vector.shape_cast %broadcast_in_dim3A_215 : vector<16xf32> to vector<16xf32>
    tpu.vector_store %arg10[%swap3A_216], %swap3A_219 {strides = array<i32>} : memref<640xf32, #tpu.memory_space<vmem>>, vector<16xf32>,
    %broadcast_in_dim3A_220 = arith.constant 0.000000e+00 : f32
    %broadcast_in_dim3A_221 = vector.broadcast %broadcast_in_dim3A_220 : f32 to vector<16xf32>
    %swap3A_222 = arith.constant 80 : index
    %swap3A_223 = tpu.vector_load %arg10[%swap3A_222] {strides = array<i32>} : memref<640xf32, #tpu.memory_space<vmem>>, vector<16xf32>,
    %swap3A_224 = vector.shape_cast %swap3A_223 : vector<16xf32> to vector<16xf32>
    %swap3A_225 = vector.shape_cast %broadcast_in_dim3A_221 : vector<16xf32> to vector<16xf32>
    tpu.vector_store %arg10[%swap3A_222], %swap3A_225 {strides = array<i32>} : memref<640xf32, #tpu.memory_space<vmem>>, vector<16xf32>,
    %broadcast_in_dim3A_226 = arith.constant 0.000000e+00 : f32
    %broadcast_in_dim3A_227 = vector.broadcast %broadcast_in_dim3A_226 : f32 to vector<16xf32>
    %swap3A_228 = arith.constant 96 : index
    %swap3A_229 = tpu.vector_load %arg10[%swap3A_228] {strides = array<i32>} : memref<640xf32, #tpu.memory_space<vmem>>, vector<16xf32>,
    %swap3A_230 = vector.shape_cast %swap3A_229 : vector<16xf32> to vector<16xf32>
    %swap3A_231 = vector.shape_cast %broadcast_in_dim3A_227 : vector<16xf32> to vector<16xf32>
    tpu.vector_store %arg10[%swap3A_228], %swap3A_231 {strides = array<i32>} : memref<640xf32, #tpu.memory_space<vmem>>, vector<16xf32>,
    %broadcast_in_dim3A_232 = arith.constant 0.000000e+00 : f32
    %broadcast_in_dim3A_233 = vector.broadcast %broadcast_in_dim3A_232 : f32 to vector<16xf32>
    %swap3A_234 = arith.constant 112 : index
    %swap3A_235 = tpu.vector_load %arg10[%swap3A_234] {strides = array<i32>} : memref<640xf32, #tpu.memory_space<vmem>>, vector<16xf32>,
    %swap3A_236 = vector.shape_cast %swap3A_235 : vector<16xf32> to vector<16xf32>
    %swap3A_237 = vector.shape_cast %broadcast_in_dim3A_233 : vector<16xf32> to vector<16xf32>
    tpu.vector_store %arg10[%swap3A_234], %swap3A_237 {strides = array<i32>} : memref<640xf32, #tpu.memory_space<vmem>>, vector<16xf32>,
    %broadcast_in_dim3A_238 = arith.constant 0.000000e+00 : f32
    %broadcast_in_dim3A_239 = vector.broadcast %broadcast_in_dim3A_238 : f32 to vector<16xf32>
    %swap3A_240 = arith.constant 128 : index
    %swap3A_241 = tpu.vector_load %arg10[%swap3A_240] {strides = array<i32>} : memref<640xf32, #tpu.memory_space<vmem>>, vector<16xf32>,
    %swap3A_242 = vector.shape_cast %swap3A_241 : vector<16xf32> to vector<16xf32>
    %swap3A_243 = vector.shape_cast %broadcast_in_dim3A_239 : vector<16xf32> to vector<16xf32>
    tpu.vector_store %arg10[%swap3A_240], %swap3A_243 {strides = array<i32>} : memref<640xf32, #tpu.memory_space<vmem>>, vector<16xf32>,
    %broadcast_in_dim3A_244 = arith.constant 0.000000e+00 : f32
    %broadcast_in_dim3A_245 = vector.broadcast %broadcast_in_dim3A_244 : f32 to vector<16xf32>
    %swap3A_246 = arith.constant 144 : index
    %swap3A_247 = tpu.vector_load %arg10[%swap3A_246] {strides = array<i32>} : memref<640xf32, #tpu.memory_space<vmem>>, vector<16xf32>,
    %swap3A_248 = vector.shape_cast %swap3A_247 : vector<16xf32> to vector<16xf32>
    %swap3A_249 = vector.shape_cast %broadcast_in_dim3A_245 : vector<16xf32> to vector<16xf32>
    tpu.vector_store %arg10[%swap3A_246], %swap3A_249 {strides = array<i32>} : memref<640xf32, #tpu.memory_space<vmem>>, vector<16xf32>,
    %broadcast_in_dim3A_250 = arith.constant 0.000000e+00 : f32
    %broadcast_in_dim3A_251 = vector.broadcast %broadcast_in_dim3A_250 : f32 to vector<16xf32>
    %swap3A_252 = arith.constant 160 : index
    %swap3A_253 = tpu.vector_load %arg10[%swap3A_252] {strides = array<i32>} : memref<640xf32, #tpu.memory_space<vmem>>, vector<16xf32>,
    %swap3A_254 = vector.shape_cast %swap3A_253 : vector<16xf32> to vector<16xf32>
    %swap3A_255 = vector.shape_cast %broadcast_in_dim3A_251 : vector<16xf32> to vector<16xf32>
    tpu.vector_store %arg10[%swap3A_252], %swap3A_255 {strides = array<i32>} : memref<640xf32, #tpu.memory_space<vmem>>, vector<16xf32>,
    %broadcast_in_dim3A_256 = arith.constant 0.000000e+00 : f32
    %broadcast_in_dim3A_257 = vector.broadcast %broadcast_in_dim3A_256 : f32 to vector<16xf32>
    %swap3A_258 = arith.constant 176 : index
    %swap3A_259 = tpu.vector_load %arg10[%swap3A_258] {strides = array<i32>} : memref<640xf32, #tpu.memory_space<vmem>>, vector<16xf32>,
    %swap3A_260 = vector.shape_cast %swap3A_259 : vector<16xf32> to vector<16xf32>
    %swap3A_261 = vector.shape_cast %broadcast_in_dim3A_257 : vector<16xf32> to vector<16xf32>
    tpu.vector_store %arg10[%swap3A_258], %swap3A_261 {strides = array<i32>} : memref<640xf32, #tpu.memory_space<vmem>>, vector<16xf32>,
    %broadcast_in_dim3A_262 = arith.constant 0.000000e+00 : f32
    %broadcast_in_dim3A_263 = vector.broadcast %broadcast_in_dim3A_262 : f32 to vector<16xf32>
    %swap3A_264 = arith.constant 192 : index
    %swap3A_265 = tpu.vector_load %arg10[%swap3A_264] {strides = array<i32>} : memref<640xf32, #tpu.memory_space<vmem>>, vector<16xf32>,
    %swap3A_266 = vector.shape_cast %swap3A_265 : vector<16xf32> to vector<16xf32>
    %swap3A_267 = vector.shape_cast %broadcast_in_dim3A_263 : vector<16xf32> to vector<16xf32>
    tpu.vector_store %arg10[%swap3A_264], %swap3A_267 {strides = array<i32>} : memref<640xf32, #tpu.memory_space<vmem>>, vector<16xf32>,
    %broadcast_in_dim3A_268 = arith.constant 0.000000e+00 : f32
    %broadcast_in_dim3A_269 = vector.broadcast %broadcast_in_dim3A_268 : f32 to vector<16xf32>
    %swap3A_270 = arith.constant 208 : index
    %swap3A_271 = tpu.vector_load %arg10[%swap3A_270] {strides = array<i32>} : memref<640xf32, #tpu.memory_space<vmem>>, vector<16xf32>,
    %swap3A_272 = vector.shape_cast %swap3A_271 : vector<16xf32> to vector<16xf32>
    %swap3A_273 = vector.shape_cast %broadcast_in_dim3A_269 : vector<16xf32> to vector<16xf32>
    tpu.vector_store %arg10[%swap3A_270], %swap3A_273 {strides = array<i32>} : memref<640xf32, #tpu.memory_space<vmem>>, vector<16xf32>,
    %broadcast_in_dim3A_274 = arith.constant 0.000000e+00 : f32
    %broadcast_in_dim3A_275 = vector.broadcast %broadcast_in_dim3A_274 : f32 to vector<16xf32>
    %swap3A_276 = arith.constant 224 : index
    %swap3A_277 = tpu.vector_load %arg10[%swap3A_276] {strides = array<i32>} : memref<640xf32, #tpu.memory_space<vmem>>, vector<16xf32>,
    %swap3A_278 = vector.shape_cast %swap3A_277 : vector<16xf32> to vector<16xf32>
    %swap3A_279 = vector.shape_cast %broadcast_in_dim3A_275 : vector<16xf32> to vector<16xf32>
    tpu.vector_store %arg10[%swap3A_276], %swap3A_279 {strides = array<i32>} : memref<640xf32, #tpu.memory_space<vmem>>, vector<16xf32>,
    %broadcast_in_dim3A_280 = arith.constant 0.000000e+00 : f32
    %broadcast_in_dim3A_281 = vector.broadcast %broadcast_in_dim3A_280 : f32 to vector<16xf32>
    %swap3A_282 = arith.constant 240 : index
    %swap3A_283 = tpu.vector_load %arg10[%swap3A_282] {strides = array<i32>} : memref<640xf32, #tpu.memory_space<vmem>>, vector<16xf32>,
    %swap3A_284 = vector.shape_cast %swap3A_283 : vector<16xf32> to vector<16xf32>
    %swap3A_285 = vector.shape_cast %broadcast_in_dim3A_281 : vector<16xf32> to vector<16xf32>
    tpu.vector_store %arg10[%swap3A_282], %swap3A_285 {strides = array<i32>} : memref<640xf32, #tpu.memory_space<vmem>>, vector<16xf32>,
    %broadcast_in_dim3A_286 = arith.constant 0.000000e+00 : f32
    %broadcast_in_dim3A_287 = vector.broadcast %broadcast_in_dim3A_286 : f32 to vector<16xf32>
    %swap3A_288 = arith.constant 256 : index
    %swap3A_289 = tpu.vector_load %arg10[%swap3A_288] {strides = array<i32>} : memref<640xf32, #tpu.memory_space<vmem>>, vector<16xf32>,
    %swap3A_290 = vector.shape_cast %swap3A_289 : vector<16xf32> to vector<16xf32>
    %swap3A_291 = vector.shape_cast %broadcast_in_dim3A_287 : vector<16xf32> to vector<16xf32>
    tpu.vector_store %arg10[%swap3A_288], %swap3A_291 {strides = array<i32>} : memref<640xf32, #tpu.memory_space<vmem>>, vector<16xf32>,
    %broadcast_in_dim3A_292 = arith.constant 0.000000e+00 : f32
    %broadcast_in_dim3A_293 = vector.broadcast %broadcast_in_dim3A_292 : f32 to vector<16xf32>
    %swap3A_294 = arith.constant 272 : index
    %swap3A_295 = tpu.vector_load %arg10[%swap3A_294] {strides = array<i32>} : memref<640xf32, #tpu.memory_space<vmem>>, vector<16xf32>,
    %swap3A_296 = vector.shape_cast %swap3A_295 : vector<16xf32> to vector<16xf32>
    %swap3A_297 = vector.shape_cast %broadcast_in_dim3A_293 : vector<16xf32> to vector<16xf32>
    tpu.vector_store %arg10[%swap3A_294], %swap3A_297 {strides = array<i32>} : memref<640xf32, #tpu.memory_space<vmem>>, vector<16xf32>,
    %broadcast_in_dim3A_298 = arith.constant 0.000000e+00 : f32
    %broadcast_in_dim3A_299 = vector.broadcast %broadcast_in_dim3A_298 : f32 to vector<16xf32>
    %swap3A_300 = arith.constant 288 : index
    %swap3A_301 = tpu.vector_load %arg10[%swap3A_300] {strides = array<i32>} : memref<640xf32, #tpu.memory_space<vmem>>, vector<16xf32>,
    %swap3A_302 = vector.shape_cast %swap3A_301 : vector<16xf32> to vector<16xf32>
    %swap3A_303 = vector.shape_cast %broadcast_in_dim3A_299 : vector<16xf32> to vector<16xf32>
    tpu.vector_store %arg10[%swap3A_300], %swap3A_303 {strides = array<i32>} : memref<640xf32, #tpu.memory_space<vmem>>, vector<16xf32>,
    %broadcast_in_dim3A_304 = arith.constant 0.000000e+00 : f32
    %broadcast_in_dim3A_305 = vector.broadcast %broadcast_in_dim3A_304 : f32 to vector<16xf32>
    %swap3A_306 = arith.constant 304 : index
    %swap3A_307 = tpu.vector_load %arg10[%swap3A_306] {strides = array<i32>} : memref<640xf32, #tpu.memory_space<vmem>>, vector<16xf32>,
    %swap3A_308 = vector.shape_cast %swap3A_307 : vector<16xf32> to vector<16xf32>
    %swap3A_309 = vector.shape_cast %broadcast_in_dim3A_305 : vector<16xf32> to vector<16xf32>
    tpu.vector_store %arg10[%swap3A_306], %swap3A_309 {strides = array<i32>} : memref<640xf32, #tpu.memory_space<vmem>>, vector<16xf32>,
    %broadcast_in_dim3A_310 = arith.constant 0.000000e+00 : f32
    %broadcast_in_dim3A_311 = vector.broadcast %broadcast_in_dim3A_310 : f32 to vector<16xf32>
    %swap3A_312 = arith.constant 320 : index
    %swap3A_313 = tpu.vector_load %arg10[%swap3A_312] {strides = array<i32>} : memref<640xf32, #tpu.memory_space<vmem>>, vector<16xf32>,
    %swap3A_314 = vector.shape_cast %swap3A_313 : vector<16xf32> to vector<16xf32>
    %swap3A_315 = vector.shape_cast %broadcast_in_dim3A_311 : vector<16xf32> to vector<16xf32>
    tpu.vector_store %arg10[%swap3A_312], %swap3A_315 {strides = array<i32>} : memref<640xf32, #tpu.memory_space<vmem>>, vector<16xf32>,
    %broadcast_in_dim3A_316 = arith.constant 0.000000e+00 : f32
    %broadcast_in_dim3A_317 = vector.broadcast %broadcast_in_dim3A_316 : f32 to vector<16xf32>
    %swap3A_318 = arith.constant 336 : index
    %swap3A_319 = tpu.vector_load %arg10[%swap3A_318] {strides = array<i32>} : memref<640xf32, #tpu.memory_space<vmem>>, vector<16xf32>,
    %swap3A_320 = vector.shape_cast %swap3A_319 : vector<16xf32> to vector<16xf32>
    %swap3A_321 = vector.shape_cast %broadcast_in_dim3A_317 : vector<16xf32> to vector<16xf32>
    tpu.vector_store %arg10[%swap3A_318], %swap3A_321 {strides = array<i32>} : memref<640xf32, #tpu.memory_space<vmem>>, vector<16xf32>,
    %broadcast_in_dim3A_322 = arith.constant 0.000000e+00 : f32
    %broadcast_in_dim3A_323 = vector.broadcast %broadcast_in_dim3A_322 : f32 to vector<16xf32>
    %swap3A_324 = arith.constant 352 : index
    %swap3A_325 = tpu.vector_load %arg10[%swap3A_324] {strides = array<i32>} : memref<640xf32, #tpu.memory_space<vmem>>, vector<16xf32>,
    %swap3A_326 = vector.shape_cast %swap3A_325 : vector<16xf32> to vector<16xf32>
    %swap3A_327 = vector.shape_cast %broadcast_in_dim3A_323 : vector<16xf32> to vector<16xf32>
    tpu.vector_store %arg10[%swap3A_324], %swap3A_327 {strides = array<i32>} : memref<640xf32, #tpu.memory_space<vmem>>, vector<16xf32>,
    %broadcast_in_dim3A_328 = arith.constant 0.000000e+00 : f32
    %broadcast_in_dim3A_329 = vector.broadcast %broadcast_in_dim3A_328 : f32 to vector<16xf32>
    %swap3A_330 = arith.constant 368 : index
    %swap3A_331 = tpu.vector_load %arg10[%swap3A_330] {strides = array<i32>} : memref<640xf32, #tpu.memory_space<vmem>>, vector<16xf32>,
    %swap3A_332 = vector.shape_cast %swap3A_331 : vector<16xf32> to vector<16xf32>
    %swap3A_333 = vector.shape_cast %broadcast_in_dim3A_329 : vector<16xf32> to vector<16xf32>
    tpu.vector_store %arg10[%swap3A_330], %swap3A_333 {strides = array<i32>} : memref<640xf32, #tpu.memory_space<vmem>>, vector<16xf32>,
    %broadcast_in_dim3A_334 = arith.constant 0.000000e+00 : f32
    %broadcast_in_dim3A_335 = vector.broadcast %broadcast_in_dim3A_334 : f32 to vector<16xf32>
    %swap3A_336 = arith.constant 384 : index
    %swap3A_337 = tpu.vector_load %arg10[%swap3A_336] {strides = array<i32>} : memref<640xf32, #tpu.memory_space<vmem>>, vector<16xf32>,
    %swap3A_338 = vector.shape_cast %swap3A_337 : vector<16xf32> to vector<16xf32>
    %swap3A_339 = vector.shape_cast %broadcast_in_dim3A_335 : vector<16xf32> to vector<16xf32>
    tpu.vector_store %arg10[%swap3A_336], %swap3A_339 {strides = array<i32>} : memref<640xf32, #tpu.memory_space<vmem>>, vector<16xf32>,
    %broadcast_in_dim3A_340 = arith.constant 0.000000e+00 : f32
    %broadcast_in_dim3A_341 = vector.broadcast %broadcast_in_dim3A_340 : f32 to vector<16xf32>
    %swap3A_342 = arith.constant 400 : index
    %swap3A_343 = tpu.vector_load %arg10[%swap3A_342] {strides = array<i32>} : memref<640xf32, #tpu.memory_space<vmem>>, vector<16xf32>,
    %swap3A_344 = vector.shape_cast %swap3A_343 : vector<16xf32> to vector<16xf32>
    %swap3A_345 = vector.shape_cast %broadcast_in_dim3A_341 : vector<16xf32> to vector<16xf32>
    tpu.vector_store %arg10[%swap3A_342], %swap3A_345 {strides = array<i32>} : memref<640xf32, #tpu.memory_space<vmem>>, vector<16xf32>,
    %broadcast_in_dim3A_346 = arith.constant 0.000000e+00 : f32
    %broadcast_in_dim3A_347 = vector.broadcast %broadcast_in_dim3A_346 : f32 to vector<16xf32>
    %swap3A_348 = arith.constant 416 : index
    %swap3A_349 = tpu.vector_load %arg10[%swap3A_348] {strides = array<i32>} : memref<640xf32, #tpu.memory_space<vmem>>, vector<16xf32>,
    %swap3A_350 = vector.shape_cast %swap3A_349 : vector<16xf32> to vector<16xf32>
    %swap3A_351 = vector.shape_cast %broadcast_in_dim3A_347 : vector<16xf32> to vector<16xf32>
    tpu.vector_store %arg10[%swap3A_348], %swap3A_351 {strides = array<i32>} : memref<640xf32, #tpu.memory_space<vmem>>, vector<16xf32>,
    %broadcast_in_dim3A_352 = arith.constant 0.000000e+00 : f32
    %broadcast_in_dim3A_353 = vector.broadcast %broadcast_in_dim3A_352 : f32 to vector<16xf32>
    %swap3A_354 = arith.constant 432 : index
    %swap3A_355 = tpu.vector_load %arg10[%swap3A_354] {strides = array<i32>} : memref<640xf32, #tpu.memory_space<vmem>>, vector<16xf32>,
    %swap3A_356 = vector.shape_cast %swap3A_355 : vector<16xf32> to vector<16xf32>
    %swap3A_357 = vector.shape_cast %broadcast_in_dim3A_353 : vector<16xf32> to vector<16xf32>
    tpu.vector_store %arg10[%swap3A_354], %swap3A_357 {strides = array<i32>} : memref<640xf32, #tpu.memory_space<vmem>>, vector<16xf32>,
    %broadcast_in_dim3A_358 = arith.constant 0.000000e+00 : f32
    %broadcast_in_dim3A_359 = vector.broadcast %broadcast_in_dim3A_358 : f32 to vector<16xf32>
    %swap3A_360 = arith.constant 448 : index
    %swap3A_361 = tpu.vector_load %arg10[%swap3A_360] {strides = array<i32>} : memref<640xf32, #tpu.memory_space<vmem>>, vector<16xf32>,
    %swap3A_362 = vector.shape_cast %swap3A_361 : vector<16xf32> to vector<16xf32>
    %swap3A_363 = vector.shape_cast %broadcast_in_dim3A_359 : vector<16xf32> to vector<16xf32>
    tpu.vector_store %arg10[%swap3A_360], %swap3A_363 {strides = array<i32>} : memref<640xf32, #tpu.memory_space<vmem>>, vector<16xf32>,
    %broadcast_in_dim3A_364 = arith.constant 0.000000e+00 : f32
    %broadcast_in_dim3A_365 = vector.broadcast %broadcast_in_dim3A_364 : f32 to vector<16xf32>
    %swap3A_366 = arith.constant 464 : index
    %swap3A_367 = tpu.vector_load %arg10[%swap3A_366] {strides = array<i32>} : memref<640xf32, #tpu.memory_space<vmem>>, vector<16xf32>,
    %swap3A_368 = vector.shape_cast %swap3A_367 : vector<16xf32> to vector<16xf32>
    %swap3A_369 = vector.shape_cast %broadcast_in_dim3A_365 : vector<16xf32> to vector<16xf32>
    tpu.vector_store %arg10[%swap3A_366], %swap3A_369 {strides = array<i32>} : memref<640xf32, #tpu.memory_space<vmem>>, vector<16xf32>,
    %broadcast_in_dim3A_370 = arith.constant 0.000000e+00 : f32
    %broadcast_in_dim3A_371 = vector.broadcast %broadcast_in_dim3A_370 : f32 to vector<16xf32>
    %swap3A_372 = arith.constant 480 : index
    %swap3A_373 = tpu.vector_load %arg10[%swap3A_372] {strides = array<i32>} : memref<640xf32, #tpu.memory_space<vmem>>, vector<16xf32>,
    %swap3A_374 = vector.shape_cast %swap3A_373 : vector<16xf32> to vector<16xf32>
    %swap3A_375 = vector.shape_cast %broadcast_in_dim3A_371 : vector<16xf32> to vector<16xf32>
    tpu.vector_store %arg10[%swap3A_372], %swap3A_375 {strides = array<i32>} : memref<640xf32, #tpu.memory_space<vmem>>, vector<16xf32>,
    %broadcast_in_dim3A_376 = arith.constant 0.000000e+00 : f32
    %broadcast_in_dim3A_377 = vector.broadcast %broadcast_in_dim3A_376 : f32 to vector<16xf32>
    %swap3A_378 = arith.constant 496 : index
    %swap3A_379 = tpu.vector_load %arg10[%swap3A_378] {strides = array<i32>} : memref<640xf32, #tpu.memory_space<vmem>>, vector<16xf32>,
    %swap3A_380 = vector.shape_cast %swap3A_379 : vector<16xf32> to vector<16xf32>
    %swap3A_381 = vector.shape_cast %broadcast_in_dim3A_377 : vector<16xf32> to vector<16xf32>
    tpu.vector_store %arg10[%swap3A_378], %swap3A_381 {strides = array<i32>} : memref<640xf32, #tpu.memory_space<vmem>>, vector<16xf32>,
    %broadcast_in_dim3A_382 = arith.constant 0.000000e+00 : f32
    %broadcast_in_dim3A_383 = vector.broadcast %broadcast_in_dim3A_382 : f32 to vector<16xf32>
    %swap3A_384 = arith.constant 512 : index
    %swap3A_385 = tpu.vector_load %arg10[%swap3A_384] {strides = array<i32>} : memref<640xf32, #tpu.memory_space<vmem>>, vector<16xf32>,
    %swap3A_386 = vector.shape_cast %swap3A_385 : vector<16xf32> to vector<16xf32>
    %swap3A_387 = vector.shape_cast %broadcast_in_dim3A_383 : vector<16xf32> to vector<16xf32>
    tpu.vector_store %arg10[%swap3A_384], %swap3A_387 {strides = array<i32>} : memref<640xf32, #tpu.memory_space<vmem>>, vector<16xf32>,
    %broadcast_in_dim3A_388 = arith.constant 0.000000e+00 : f32
    %broadcast_in_dim3A_389 = vector.broadcast %broadcast_in_dim3A_388 : f32 to vector<16xf32>
    %swap3A_390 = arith.constant 528 : index
    %swap3A_391 = tpu.vector_load %arg10[%swap3A_390] {strides = array<i32>} : memref<640xf32, #tpu.memory_space<vmem>>, vector<16xf32>,
    %swap3A_392 = vector.shape_cast %swap3A_391 : vector<16xf32> to vector<16xf32>
    %swap3A_393 = vector.shape_cast %broadcast_in_dim3A_389 : vector<16xf32> to vector<16xf32>
    tpu.vector_store %arg10[%swap3A_390], %swap3A_393 {strides = array<i32>} : memref<640xf32, #tpu.memory_space<vmem>>, vector<16xf32>,
    %broadcast_in_dim3A_394 = arith.constant 0.000000e+00 : f32
    %broadcast_in_dim3A_395 = vector.broadcast %broadcast_in_dim3A_394 : f32 to vector<16xf32>
    %swap3A_396 = arith.constant 544 : index
    %swap3A_397 = tpu.vector_load %arg10[%swap3A_396] {strides = array<i32>} : memref<640xf32, #tpu.memory_space<vmem>>, vector<16xf32>,
    %swap3A_398 = vector.shape_cast %swap3A_397 : vector<16xf32> to vector<16xf32>
    %swap3A_399 = vector.shape_cast %broadcast_in_dim3A_395 : vector<16xf32> to vector<16xf32>
    tpu.vector_store %arg10[%swap3A_396], %swap3A_399 {strides = array<i32>} : memref<640xf32, #tpu.memory_space<vmem>>, vector<16xf32>,
    %broadcast_in_dim3A_400 = arith.constant 0.000000e+00 : f32
    %broadcast_in_dim3A_401 = vector.broadcast %broadcast_in_dim3A_400 : f32 to vector<16xf32>
    %swap3A_402 = arith.constant 560 : index
    %swap3A_403 = tpu.vector_load %arg10[%swap3A_402] {strides = array<i32>} : memref<640xf32, #tpu.memory_space<vmem>>, vector<16xf32>,
    %swap3A_404 = vector.shape_cast %swap3A_403 : vector<16xf32> to vector<16xf32>
    %swap3A_405 = vector.shape_cast %broadcast_in_dim3A_401 : vector<16xf32> to vector<16xf32>
    tpu.vector_store %arg10[%swap3A_402], %swap3A_405 {strides = array<i32>} : memref<640xf32, #tpu.memory_space<vmem>>, vector<16xf32>,
    %broadcast_in_dim3A_406 = arith.constant 0.000000e+00 : f32
    %broadcast_in_dim3A_407 = vector.broadcast %broadcast_in_dim3A_406 : f32 to vector<16xf32>
    %swap3A_408 = arith.constant 576 : index
    %swap3A_409 = tpu.vector_load %arg10[%swap3A_408] {strides = array<i32>} : memref<640xf32, #tpu.memory_space<vmem>>, vector<16xf32>,
    %swap3A_410 = vector.shape_cast %swap3A_409 : vector<16xf32> to vector<16xf32>
    %swap3A_411 = vector.shape_cast %broadcast_in_dim3A_407 : vector<16xf32> to vector<16xf32>
    tpu.vector_store %arg10[%swap3A_408], %swap3A_411 {strides = array<i32>} : memref<640xf32, #tpu.memory_space<vmem>>, vector<16xf32>,
    %broadcast_in_dim3A_412 = arith.constant 0.000000e+00 : f32
    %broadcast_in_dim3A_413 = vector.broadcast %broadcast_in_dim3A_412 : f32 to vector<16xf32>
    %swap3A_414 = arith.constant 592 : index
    %swap3A_415 = tpu.vector_load %arg10[%swap3A_414] {strides = array<i32>} : memref<640xf32, #tpu.memory_space<vmem>>, vector<16xf32>,
    %swap3A_416 = vector.shape_cast %swap3A_415 : vector<16xf32> to vector<16xf32>
    %swap3A_417 = vector.shape_cast %broadcast_in_dim3A_413 : vector<16xf32> to vector<16xf32>
    tpu.vector_store %arg10[%swap3A_414], %swap3A_417 {strides = array<i32>} : memref<640xf32, #tpu.memory_space<vmem>>, vector<16xf32>,
    %broadcast_in_dim3A_418 = arith.constant 0.000000e+00 : f32
    %broadcast_in_dim3A_419 = vector.broadcast %broadcast_in_dim3A_418 : f32 to vector<16xf32>
    %swap3A_420 = arith.constant 608 : index
    %swap3A_421 = tpu.vector_load %arg10[%swap3A_420] {strides = array<i32>} : memref<640xf32, #tpu.memory_space<vmem>>, vector<16xf32>,
    %swap3A_422 = vector.shape_cast %swap3A_421 : vector<16xf32> to vector<16xf32>
    %swap3A_423 = vector.shape_cast %broadcast_in_dim3A_419 : vector<16xf32> to vector<16xf32>
    tpu.vector_store %arg10[%swap3A_420], %swap3A_423 {strides = array<i32>} : memref<640xf32, #tpu.memory_space<vmem>>, vector<16xf32>,
    %broadcast_in_dim3A_424 = arith.constant 0.000000e+00 : f32
    %broadcast_in_dim3A_425 = vector.broadcast %broadcast_in_dim3A_424 : f32 to vector<16xf32>
    %swap3A_426 = arith.constant 624 : index
    %swap3A_427 = tpu.vector_load %arg10[%swap3A_426] {strides = array<i32>} : memref<640xf32, #tpu.memory_space<vmem>>, vector<16xf32>,
    %swap3A_428 = vector.shape_cast %swap3A_427 : vector<16xf32> to vector<16xf32>
    %swap3A_429 = vector.shape_cast %broadcast_in_dim3A_425 : vector<16xf32> to vector<16xf32>
    tpu.vector_store %arg10[%swap3A_426], %swap3A_429 {strides = array<i32>} : memref<640xf32, #tpu.memory_space<vmem>>, vector<16xf32>,
    %mul3A = arith.constant 640 : i32
    %mul3A_430 = arith.muli %arg1, %mul3A : i32
    "tpu.region"() ({
      %run_scoped3A = tpu.sem_alloc : memref<!tpu.dma_semaphore, #tpu.memory_space<semaphore_mem>>
      %dma_start3A_490 = tpu.memref_slice %arg12[%mul3A_430] : memref<10240xf32, #tpu.memory_space<vmem_shared>> -> memref<640xf32, #tpu.memory_space<vmem_shared>>
      %dma_start3A_491 = tpu.memref_slice %arg12[%mul3A_430] : memref<10240xf32, #tpu.memory_space<vmem_shared>> -> memref<640xf32, #tpu.memory_space<vmem_shared>>
      tpu.enqueue_dma source(%arg10 : memref<640xf32, #tpu.memory_space<vmem>>) target(%dma_start3A_491 : memref<640xf32, #tpu.memory_space<vmem_shared>>) target_semaphore(%run_scoped3A : memref<!tpu.dma_semaphore, #tpu.memory_space<semaphore_mem>>)
      %dma_wait3A_492 = tpu.memref_slice %arg12[%mul3A_430] : memref<10240xf32, #tpu.memory_space<vmem_shared>> -> memref<640xf32, #tpu.memory_space<vmem_shared>>
      %dma_wait3A_493 = tpu.memref_slice %arg12[%mul3A_430] : memref<10240xf32, #tpu.memory_space<vmem_shared>> -> memref<640xf32, #tpu.memory_space<vmem_shared>>
      tpu.wait_dma2 semaphore(%run_scoped3A : memref<!tpu.dma_semaphore, #tpu.memory_space<semaphore_mem>>) src(%arg10 : memref<640xf32, #tpu.memory_space<vmem>>) dst(%dma_wait3A_493 : memref<640xf32, #tpu.memory_space<vmem_shared>>)
      tpu.yield
    }) : () -> ()
    %barrier3A = arith.constant 0 : index
    tpu.barrier barrier_id(%barrier3A)
    %mul3A_431 = arith.constant 16 : i32
    %mul3A_432 = arith.muli %arg0, %mul3A_431 : i32
    %add3A = arith.addi %mul3A_432, %arg1 : i32
    %add3A_433 = arith.constant 0 : i32
    %add3A_434 = arith.addi %add3A, %add3A_433 : i32
    %min3A = arith.constant 624 : i32
    %min3A_435 = arith.minsi %add3A_434, %min3A : i32
    %mul3A_436 = arith.constant 256 : i32
    %mul3A_437 = arith.muli %min3A_435, %mul3A_436 : i32
    %dma_start3A = arith.constant 1 : i32
    %dma_start3A_438 = arith.constant 0 : i32
    %dma_start3A_439 = tpu.memref_slice %arg2[%dma_start3A, %mul3A_437] : memref<2x160000xi32, #tpu.memory_space<hbm>> -> memref<1x256xi32, #tpu.memory_space<hbm>>
    %dma_start3A_440 = tpu.memref_squeeze %dma_start3A_439 : memref<1x256xi32, #tpu.memory_space<hbm>> -> memref<256xi32, #tpu.memory_space<hbm>>
    %dma_start3A_441 = tpu.memref_slice %arg13[%dma_start3A_438] : memref<4x!tpu.dma_semaphore, #tpu.memory_space<semaphore_mem>> -> memref<1x!tpu.dma_semaphore, #tpu.memory_space<semaphore_mem>>
    %dma_start3A_442 = tpu.memref_squeeze %dma_start3A_441 : memref<1x!tpu.dma_semaphore, #tpu.memory_space<semaphore_mem>> -> memref<!tpu.dma_semaphore, #tpu.memory_space<semaphore_mem>>
    %dma_start3A_443 = tpu.memref_slice %arg2[%dma_start3A, %mul3A_437] : memref<2x160000xi32, #tpu.memory_space<hbm>> -> memref<1x256xi32, #tpu.memory_space<hbm>>
    %dma_start3A_444 = tpu.memref_squeeze %dma_start3A_443 : memref<1x256xi32, #tpu.memory_space<hbm>> -> memref<256xi32, #tpu.memory_space<hbm>>
    tpu.enqueue_dma source(%dma_start3A_444 : memref<256xi32, #tpu.memory_space<hbm>>) target(%arg5 : memref<256xi32, #tpu.memory_space<vmem>>) target_semaphore(%dma_start3A_442 : memref<!tpu.dma_semaphore, #tpu.memory_space<semaphore_mem>>)
    %add3A_445 = arith.constant 32 : i32
    %add3A_446 = arith.addi %add3A, %add3A_445 : i32
    %min3A_447 = arith.constant 624 : i32
    %min3A_448 = arith.minsi %add3A_446, %min3A_447 : i32
    %mul3A_449 = arith.constant 256 : i32
    %mul3A_450 = arith.muli %min3A_448, %mul3A_449 : i32
    %dma_start3A_451 = arith.constant 1 : i32
    %dma_start3A_452 = arith.constant 1 : i32
    %dma_start3A_453 = tpu.memref_slice %arg2[%dma_start3A_451, %mul3A_450] : memref<2x160000xi32, #tpu.memory_space<hbm>> -> memref<1x256xi32, #tpu.memory_space<hbm>>
    %dma_start3A_454 = tpu.memref_squeeze %dma_start3A_453 : memref<1x256xi32, #tpu.memory_space<hbm>> -> memref<256xi32, #tpu.memory_space<hbm>>
    %dma_start3A_455 = tpu.memref_slice %arg13[%dma_start3A_452] : memref<4x!tpu.dma_semaphore, #tpu.memory_space<semaphore_mem>> -> memref<1x!tpu.dma_semaphore, #tpu.memory_space<semaphore_mem>>
    %dma_start3A_456 = tpu.memref_squeeze %dma_start3A_455 : memref<1x!tpu.dma_semaphore, #tpu.memory_space<semaphore_mem>> -> memref<!tpu.dma_semaphore, #tpu.memory_space<semaphore_mem>>
    %dma_start3A_457 = tpu.memref_slice %arg2[%dma_start3A_451, %mul3A_450] : memref<2x160000xi32, #tpu.memory_space<hbm>> -> memref<1x256xi32, #tpu.memory_space<hbm>>
    %dma_start3A_458 = tpu.memref_squeeze %dma_start3A_457 : memref<1x256xi32, #tpu.memory_space<hbm>> -> memref<256xi32, #tpu.memory_space<hbm>>
    tpu.enqueue_dma source(%dma_start3A_458 : memref<256xi32, #tpu.memory_space<hbm>>) target(%arg6 : memref<256xi32, #tpu.memory_space<vmem>>) target_semaphore(%dma_start3A_456 : memref<!tpu.dma_semaphore, #tpu.memory_space<semaphore_mem>>)
    %scan3A = arith.constant 0 : i32
    %scan3A_459 = arith.constant 5 : i32
    %scan3A_460 = arith.addi %scan3A, %scan3A_459 : i32
    %scan3A_461 = arith.constant 1 : i32
    scf.for %scan3A_490 = %scan3A to %scan3A_460 step %scan3A_461  : i32 {
      %mul3A_491 = arith.constant 4 : i32
      %mul3A_492 = arith.muli %scan3A_490, %mul3A_491 : i32
      %add3A_493 = arith.constant 0 : i32
      %add3A_494 = arith.addi %add3A_493, %mul3A_492 : i32
      %add3A_495 = arith.constant 0 : i32
      %add3A_496 = arith.addi %add3A_494, %add3A_495 : i32
      %mul3A_497 = arith.constant 32 : i32
      %mul3A_498 = arith.muli %add3A_496, %mul3A_497 : i32
      %add3A_499 = arith.addi %add3A, %mul3A_498 : i32
      %min3A_500 = arith.constant 624 : i32
      %min3A_501 = arith.minsi %add3A_499, %min3A_500 : i32
      %mul3A_502 = arith.constant 256 : i32
      %mul3A_503 = arith.muli %min3A_501, %mul3A_502 : i32
      %dma_wait3A_504 = arith.constant 1 : i32
      %dma_wait3A_505 = arith.constant 0 : i32
      %dma_wait3A_506 = tpu.memref_slice %arg2[%dma_wait3A_504, %mul3A_503] : memref<2x160000xi32, #tpu.memory_space<hbm>> -> memref<1x256xi32, #tpu.memory_space<hbm>>
      %dma_wait3A_507 = tpu.memref_squeeze %dma_wait3A_506 : memref<1x256xi32, #tpu.memory_space<hbm>> -> memref<256xi32, #tpu.memory_space<hbm>>
      %dma_wait3A_508 = tpu.memref_slice %arg13[%dma_wait3A_505] : memref<4x!tpu.dma_semaphore, #tpu.memory_space<semaphore_mem>> -> memref<1x!tpu.dma_semaphore, #tpu.memory_space<semaphore_mem>>
      %dma_wait3A_509 = tpu.memref_squeeze %dma_wait3A_508 : memref<1x!tpu.dma_semaphore, #tpu.memory_space<semaphore_mem>> -> memref<!tpu.dma_semaphore, #tpu.memory_space<semaphore_mem>>
      %dma_wait3A_510 = tpu.memref_slice %arg2[%dma_wait3A_504, %mul3A_503] : memref<2x160000xi32, #tpu.memory_space<hbm>> -> memref<1x256xi32, #tpu.memory_space<hbm>>
      %dma_wait3A_511 = tpu.memref_squeeze %dma_wait3A_510 : memref<1x256xi32, #tpu.memory_space<hbm>> -> memref<256xi32, #tpu.memory_space<hbm>>
      tpu.wait_dma2 semaphore(%dma_wait3A_509 : memref<!tpu.dma_semaphore, #tpu.memory_space<semaphore_mem>>) src(%dma_wait3A_511 : memref<256xi32, #tpu.memory_space<hbm>>) dst(%arg5 : memref<256xi32, #tpu.memory_space<vmem>>)
      %mul3A_512 = arith.constant 32 : i32
      %mul3A_513 = arith.muli %add3A_496, %mul3A_512 : i32
      %add3A_514 = arith.addi %add3A, %mul3A_513 : i32
      %lt3A = arith.constant 625 : i32
      %lt3A_515 = arith.cmpi slt, %add3A_514, %lt3A : i32
      %convert_element_type3A_516 = arith.extui %lt3A_515 : i1 to i32
      %cond3A_517 = arith.constant 0 : i32
      %cond3A_518 = arith.cmpi ne, %convert_element_type3A_516, %cond3A_517 : i32
      scf.if %cond3A_518 {
        %dma_start3A_653 = arith.constant 0 : i32
        %dma_start3A_654 = arith.constant 0 : i32
        %dma_start3A_655 = tpu.memref_slice %arg12[%dma_start3A_654] : memref<10240xf32, #tpu.memory_space<vmem_shared>> -> memref<10240xf32, #tpu.memory_space<vmem_shared>>
        %dma_start3A_656 = tpu.memref_slice %arg14[%dma_start3A_653] : memref<4x!tpu.dma_semaphore, #tpu.memory_space<semaphore_mem>> -> memref<1x!tpu.dma_semaphore, #tpu.memory_space<semaphore_mem>>
        %dma_start3A_657 = tpu.memref_squeeze %dma_start3A_656 : memref<1x!tpu.dma_semaphore, #tpu.memory_space<semaphore_mem>> -> memref<!tpu.dma_semaphore, #tpu.memory_space<semaphore_mem>>
        tpu.enqueue_indirect_dma source(%arg9 : memref<256xf32, #tpu.memory_space<vmem>>) target(%dma_start3A_655 : memref<10240xf32, #tpu.memory_space<vmem_shared>>) offsets(%arg5 : memref<256xi32, #tpu.memory_space<vmem>>) semaphore(%dma_start3A_657 : memref<!tpu.dma_semaphore, #tpu.memory_space<semaphore_mem>>) {add = true}
      } else {
      }
      %mul3A_519 = arith.constant 32 : i32
      %mul3A_520 = arith.muli %add3A_496, %mul3A_519 : i32
      %add3A_521 = arith.addi %add3A, %mul3A_520 : i32
      %ge3A = arith.constant 625 : i32
      %ge3A_522 = arith.cmpi sge, %add3A_521, %ge3A : i32
      %convert_element_type3A_523 = arith.extui %ge3A_522 : i1 to i32
      %cond3A_524 = arith.constant 0 : i32
      %cond3A_525 = arith.cmpi ne, %convert_element_type3A_523, %cond3A_524 : i32
      scf.if %cond3A_525 {
        %dma_start3A_653 = arith.constant 0 : i32
        %dma_start3A_654 = arith.constant 0 : i32
        %dma_start3A_655 = tpu.memref_slice %arg12[%dma_start3A_654] : memref<10240xf32, #tpu.memory_space<vmem_shared>> -> memref<10240xf32, #tpu.memory_space<vmem_shared>>
        %dma_start3A_656 = tpu.memref_slice %arg14[%dma_start3A_653] : memref<4x!tpu.dma_semaphore, #tpu.memory_space<semaphore_mem>> -> memref<1x!tpu.dma_semaphore, #tpu.memory_space<semaphore_mem>>
        %dma_start3A_657 = tpu.memref_squeeze %dma_start3A_656 : memref<1x!tpu.dma_semaphore, #tpu.memory_space<semaphore_mem>> -> memref<!tpu.dma_semaphore, #tpu.memory_space<semaphore_mem>>
        tpu.enqueue_indirect_dma source(%arg9 : memref<256xf32, #tpu.memory_space<vmem>>) target(%dma_start3A_655 : memref<10240xf32, #tpu.memory_space<vmem_shared>>) offsets(%arg11 : memref<256xi32, #tpu.memory_space<vmem>>) semaphore(%dma_start3A_657 : memref<!tpu.dma_semaphore, #tpu.memory_space<semaphore_mem>>) {add = true}
      } else {
      }
      %add3A_526 = arith.constant 2 : i32
      %add3A_527 = arith.addi %add3A_496, %add3A_526 : i32
      %lt3A_528 = arith.constant 20 : i32
      %lt3A_529 = arith.cmpi slt, %add3A_527, %lt3A_528 : i32
      %convert_element_type3A_530 = arith.extui %lt3A_529 : i1 to i32
      %cond3A_531 = arith.constant 0 : i32
      %cond3A_532 = arith.cmpi ne, %convert_element_type3A_530, %cond3A_531 : i32
      scf.if %cond3A_532 {
        %ge3A_653 = arith.constant 2 : i32
        %ge3A_654 = arith.cmpi sge, %add3A_496, %ge3A_653 : i32
        %convert_element_type3A_655 = arith.extui %ge3A_654 : i1 to i32
        %cond3A_656 = arith.constant 0 : i32
        %cond3A_657 = arith.cmpi ne, %convert_element_type3A_655, %cond3A_656 : i32
        scf.if %cond3A_657 {
          %dma_wait3A_675 = arith.constant 2 : i32
          %dma_wait3A_676 = arith.constant 0 : i32
          %dma_wait3A_677 = tpu.memref_slice %arg12[%dma_wait3A_676] : memref<10240xf32, #tpu.memory_space<vmem_shared>> -> memref<10240xf32, #tpu.memory_space<vmem_shared>>
          %dma_wait3A_678 = tpu.memref_slice %arg14[%dma_wait3A_675] : memref<4x!tpu.dma_semaphore, #tpu.memory_space<semaphore_mem>> -> memref<1x!tpu.dma_semaphore, #tpu.memory_space<semaphore_mem>>
          %dma_wait3A_679 = tpu.memref_squeeze %dma_wait3A_678 : memref<1x!tpu.dma_semaphore, #tpu.memory_space<semaphore_mem>> -> memref<!tpu.dma_semaphore, #tpu.memory_space<semaphore_mem>>
          tpu.wait_indirect_dma semaphore(%dma_wait3A_679 : memref<!tpu.dma_semaphore, #tpu.memory_space<semaphore_mem>>) src(%arg9 : memref<256xf32, #tpu.memory_space<vmem>>) dst(%dma_wait3A_677 : memref<10240xf32, #tpu.memory_space<vmem_shared>>)
        } else {
        }
        %add3A_658 = arith.constant 2 : i32
        %add3A_659 = arith.addi %add3A_496, %add3A_658 : i32
        %mul3A_660 = arith.constant 32 : i32
        %mul3A_661 = arith.muli %add3A_659, %mul3A_660 : i32
        %add3A_662 = arith.addi %add3A, %mul3A_661 : i32
        %min3A_663 = arith.constant 624 : i32
        %min3A_664 = arith.minsi %add3A_662, %min3A_663 : i32
        %mul3A_665 = arith.constant 256 : i32
        %mul3A_666 = arith.muli %min3A_664, %mul3A_665 : i32
        %dma_start3A_667 = arith.constant 1 : i32
        %dma_start3A_668 = arith.constant 2 : i32
        %dma_start3A_669 = tpu.memref_slice %arg2[%dma_start3A_667, %mul3A_666] : memref<2x160000xi32, #tpu.memory_space<hbm>> -> memref<1x256xi32, #tpu.memory_space<hbm>>
        %dma_start3A_670 = tpu.memref_squeeze %dma_start3A_669 : memref<1x256xi32, #tpu.memory_space<hbm>> -> memref<256xi32, #tpu.memory_space<hbm>>
        %dma_start3A_671 = tpu.memref_slice %arg13[%dma_start3A_668] : memref<4x!tpu.dma_semaphore, #tpu.memory_space<semaphore_mem>> -> memref<1x!tpu.dma_semaphore, #tpu.memory_space<semaphore_mem>>
        %dma_start3A_672 = tpu.memref_squeeze %dma_start3A_671 : memref<1x!tpu.dma_semaphore, #tpu.memory_space<semaphore_mem>> -> memref<!tpu.dma_semaphore, #tpu.memory_space<semaphore_mem>>
        %dma_start3A_673 = tpu.memref_slice %arg2[%dma_start3A_667, %mul3A_666] : memref<2x160000xi32, #tpu.memory_space<hbm>> -> memref<1x256xi32, #tpu.memory_space<hbm>>
        %dma_start3A_674 = tpu.memref_squeeze %dma_start3A_673 : memref<1x256xi32, #tpu.memory_space<hbm>> -> memref<256xi32, #tpu.memory_space<hbm>>
        tpu.enqueue_dma source(%dma_start3A_674 : memref<256xi32, #tpu.memory_space<hbm>>) target(%arg7 : memref<256xi32, #tpu.memory_space<vmem>>) target_semaphore(%dma_start3A_672 : memref<!tpu.dma_semaphore, #tpu.memory_space<semaphore_mem>>)
      } else {
      }
      %add3A_533 = arith.constant 1 : i32
      %add3A_534 = arith.addi %add3A_494, %add3A_533 : i32
      %mul3A_535 = arith.constant 32 : i32
      %mul3A_536 = arith.muli %add3A_534, %mul3A_535 : i32
      %add3A_537 = arith.addi %add3A, %mul3A_536 : i32
      %min3A_538 = arith.constant 624 : i32
      %min3A_539 = arith.minsi %add3A_537, %min3A_538 : i32
      %mul3A_540 = arith.constant 256 : i32
      %mul3A_541 = arith.muli %min3A_539, %mul3A_540 : i32
      %dma_wait3A_542 = arith.constant 1 : i32
      %dma_wait3A_543 = arith.constant 1 : i32
      %dma_wait3A_544 = tpu.memref_slice %arg2[%dma_wait3A_542, %mul3A_541] : memref<2x160000xi32, #tpu.memory_space<hbm>> -> memref<1x256xi32, #tpu.memory_space<hbm>>
      %dma_wait3A_545 = tpu.memref_squeeze %dma_wait3A_544 : memref<1x256xi32, #tpu.memory_space<hbm>> -> memref<256xi32, #tpu.memory_space<hbm>>
      %dma_wait3A_546 = tpu.memref_slice %arg13[%dma_wait3A_543] : memref<4x!tpu.dma_semaphore, #tpu.memory_space<semaphore_mem>> -> memref<1x!tpu.dma_semaphore, #tpu.memory_space<semaphore_mem>>
      %dma_wait3A_547 = tpu.memref_squeeze %dma_wait3A_546 : memref<1x!tpu.dma_semaphore, #tpu.memory_space<semaphore_mem>> -> memref<!tpu.dma_semaphore, #tpu.memory_space<semaphore_mem>>
      %dma_wait3A_548 = tpu.memref_slice %arg2[%dma_wait3A_542, %mul3A_541] : memref<2x160000xi32, #tpu.memory_space<hbm>> -> memref<1x256xi32, #tpu.memory_space<hbm>>
      %dma_wait3A_549 = tpu.memref_squeeze %dma_wait3A_548 : memref<1x256xi32, #tpu.memory_space<hbm>> -> memref<256xi32, #tpu.memory_space<hbm>>
      tpu.wait_dma2 semaphore(%dma_wait3A_547 : memref<!tpu.dma_semaphore, #tpu.memory_space<semaphore_mem>>) src(%dma_wait3A_549 : memref<256xi32, #tpu.memory_space<hbm>>) dst(%arg6 : memref<256xi32, #tpu.memory_space<vmem>>)
      %mul3A_550 = arith.constant 32 : i32
      %mul3A_551 = arith.muli %add3A_534, %mul3A_550 : i32
      %add3A_552 = arith.addi %add3A, %mul3A_551 : i32
      %lt3A_553 = arith.constant 625 : i32
      %lt3A_554 = arith.cmpi slt, %add3A_552, %lt3A_553 : i32
      %convert_element_type3A_555 = arith.extui %lt3A_554 : i1 to i32
      %cond3A_556 = arith.constant 0 : i32
      %cond3A_557 = arith.cmpi ne, %convert_element_type3A_555, %cond3A_556 : i32
      scf.if %cond3A_557 {
        %dma_start3A_653 = arith.constant 1 : i32
        %dma_start3A_654 = arith.constant 0 : i32
        %dma_start3A_655 = tpu.memref_slice %arg12[%dma_start3A_654] : memref<10240xf32, #tpu.memory_space<vmem_shared>> -> memref<10240xf32, #tpu.memory_space<vmem_shared>>
        %dma_start3A_656 = tpu.memref_slice %arg14[%dma_start3A_653] : memref<4x!tpu.dma_semaphore, #tpu.memory_space<semaphore_mem>> -> memref<1x!tpu.dma_semaphore, #tpu.memory_space<semaphore_mem>>
        %dma_start3A_657 = tpu.memref_squeeze %dma_start3A_656 : memref<1x!tpu.dma_semaphore, #tpu.memory_space<semaphore_mem>> -> memref<!tpu.dma_semaphore, #tpu.memory_space<semaphore_mem>>
        tpu.enqueue_indirect_dma source(%arg9 : memref<256xf32, #tpu.memory_space<vmem>>) target(%dma_start3A_655 : memref<10240xf32, #tpu.memory_space<vmem_shared>>) offsets(%arg6 : memref<256xi32, #tpu.memory_space<vmem>>) semaphore(%dma_start3A_657 : memref<!tpu.dma_semaphore, #tpu.memory_space<semaphore_mem>>) {add = true}
      } else {
      }
      %mul3A_558 = arith.constant 32 : i32
      %mul3A_559 = arith.muli %add3A_534, %mul3A_558 : i32
      %add3A_560 = arith.addi %add3A, %mul3A_559 : i32
      %ge3A_561 = arith.constant 625 : i32
      %ge3A_562 = arith.cmpi sge, %add3A_560, %ge3A_561 : i32
      %convert_element_type3A_563 = arith.extui %ge3A_562 : i1 to i32
      %cond3A_564 = arith.constant 0 : i32
      %cond3A_565 = arith.cmpi ne, %convert_element_type3A_563, %cond3A_564 : i32
      scf.if %cond3A_565 {
        %dma_start3A_653 = arith.constant 1 : i32
        %dma_start3A_654 = arith.constant 0 : i32
        %dma_start3A_655 = tpu.memref_slice %arg12[%dma_start3A_654] : memref<10240xf32, #tpu.memory_space<vmem_shared>> -> memref<10240xf32, #tpu.memory_space<vmem_shared>>
        %dma_start3A_656 = tpu.memref_slice %arg14[%dma_start3A_653] : memref<4x!tpu.dma_semaphore, #tpu.memory_space<semaphore_mem>> -> memref<1x!tpu.dma_semaphore, #tpu.memory_space<semaphore_mem>>
        %dma_start3A_657 = tpu.memref_squeeze %dma_start3A_656 : memref<1x!tpu.dma_semaphore, #tpu.memory_space<semaphore_mem>> -> memref<!tpu.dma_semaphore, #tpu.memory_space<semaphore_mem>>
        tpu.enqueue_indirect_dma source(%arg9 : memref<256xf32, #tpu.memory_space<vmem>>) target(%dma_start3A_655 : memref<10240xf32, #tpu.memory_space<vmem_shared>>) offsets(%arg11 : memref<256xi32, #tpu.memory_space<vmem>>) semaphore(%dma_start3A_657 : memref<!tpu.dma_semaphore, #tpu.memory_space<semaphore_mem>>) {add = true}
      } else {
      }
      %add3A_566 = arith.constant 2 : i32
      %add3A_567 = arith.addi %add3A_534, %add3A_566 : i32
      %lt3A_568 = arith.constant 20 : i32
      %lt3A_569 = arith.cmpi slt, %add3A_567, %lt3A_568 : i32
      %convert_element_type3A_570 = arith.extui %lt3A_569 : i1 to i32
      %cond3A_571 = arith.constant 0 : i32
      %cond3A_572 = arith.cmpi ne, %convert_element_type3A_570, %cond3A_571 : i32
      scf.if %cond3A_572 {
        %ge3A_653 = arith.constant 2 : i32
        %ge3A_654 = arith.cmpi sge, %add3A_534, %ge3A_653 : i32
        %convert_element_type3A_655 = arith.extui %ge3A_654 : i1 to i32
        %cond3A_656 = arith.constant 0 : i32
        %cond3A_657 = arith.cmpi ne, %convert_element_type3A_655, %cond3A_656 : i32
        scf.if %cond3A_657 {
          %dma_wait3A_675 = arith.constant 3 : i32
          %dma_wait3A_676 = arith.constant 0 : i32
          %dma_wait3A_677 = tpu.memref_slice %arg12[%dma_wait3A_676] : memref<10240xf32, #tpu.memory_space<vmem_shared>> -> memref<10240xf32, #tpu.memory_space<vmem_shared>>
          %dma_wait3A_678 = tpu.memref_slice %arg14[%dma_wait3A_675] : memref<4x!tpu.dma_semaphore, #tpu.memory_space<semaphore_mem>> -> memref<1x!tpu.dma_semaphore, #tpu.memory_space<semaphore_mem>>
          %dma_wait3A_679 = tpu.memref_squeeze %dma_wait3A_678 : memref<1x!tpu.dma_semaphore, #tpu.memory_space<semaphore_mem>> -> memref<!tpu.dma_semaphore, #tpu.memory_space<semaphore_mem>>
          tpu.wait_indirect_dma semaphore(%dma_wait3A_679 : memref<!tpu.dma_semaphore, #tpu.memory_space<semaphore_mem>>) src(%arg9 : memref<256xf32, #tpu.memory_space<vmem>>) dst(%dma_wait3A_677 : memref<10240xf32, #tpu.memory_space<vmem_shared>>)
        } else {
        }
        %add3A_658 = arith.constant 2 : i32
        %add3A_659 = arith.addi %add3A_534, %add3A_658 : i32
        %mul3A_660 = arith.constant 32 : i32
        %mul3A_661 = arith.muli %add3A_659, %mul3A_660 : i32
        %add3A_662 = arith.addi %add3A, %mul3A_661 : i32
        %min3A_663 = arith.constant 624 : i32
        %min3A_664 = arith.minsi %add3A_662, %min3A_663 : i32
        %mul3A_665 = arith.constant 256 : i32
        %mul3A_666 = arith.muli %min3A_664, %mul3A_665 : i32
        %dma_start3A_667 = arith.constant 1 : i32
        %dma_start3A_668 = arith.constant 3 : i32
        %dma_start3A_669 = tpu.memref_slice %arg2[%dma_start3A_667, %mul3A_666] : memref<2x160000xi32, #tpu.memory_space<hbm>> -> memref<1x256xi32, #tpu.memory_space<hbm>>
        %dma_start3A_670 = tpu.memref_squeeze %dma_start3A_669 : memref<1x256xi32, #tpu.memory_space<hbm>> -> memref<256xi32, #tpu.memory_space<hbm>>
        %dma_start3A_671 = tpu.memref_slice %arg13[%dma_start3A_668] : memref<4x!tpu.dma_semaphore, #tpu.memory_space<semaphore_mem>> -> memref<1x!tpu.dma_semaphore, #tpu.memory_space<semaphore_mem>>
        %dma_start3A_672 = tpu.memref_squeeze %dma_start3A_671 : memref<1x!tpu.dma_semaphore, #tpu.memory_space<semaphore_mem>> -> memref<!tpu.dma_semaphore, #tpu.memory_space<semaphore_mem>>
        %dma_start3A_673 = tpu.memref_slice %arg2[%dma_start3A_667, %mul3A_666] : memref<2x160000xi32, #tpu.memory_space<hbm>> -> memref<1x256xi32, #tpu.memory_space<hbm>>
        %dma_start3A_674 = tpu.memref_squeeze %dma_start3A_673 : memref<1x256xi32, #tpu.memory_space<hbm>> -> memref<256xi32, #tpu.memory_space<hbm>>
        tpu.enqueue_dma source(%dma_start3A_674 : memref<256xi32, #tpu.memory_space<hbm>>) target(%arg8 : memref<256xi32, #tpu.memory_space<vmem>>) target_semaphore(%dma_start3A_672 : memref<!tpu.dma_semaphore, #tpu.memory_space<semaphore_mem>>)
      } else {
      }
      %add3A_573 = arith.constant 2 : i32
      %add3A_574 = arith.addi %add3A_494, %add3A_573 : i32
      %mul3A_575 = arith.constant 32 : i32
      %mul3A_576 = arith.muli %add3A_574, %mul3A_575 : i32
      %add3A_577 = arith.addi %add3A, %mul3A_576 : i32
      %min3A_578 = arith.constant 624 : i32
      %min3A_579 = arith.minsi %add3A_577, %min3A_578 : i32
      %mul3A_580 = arith.constant 256 : i32
      %mul3A_581 = arith.muli %min3A_579, %mul3A_580 : i32
      %dma_wait3A_582 = arith.constant 1 : i32
      %dma_wait3A_583 = arith.constant 2 : i32
      %dma_wait3A_584 = tpu.memref_slice %arg2[%dma_wait3A_582, %mul3A_581] : memref<2x160000xi32, #tpu.memory_space<hbm>> -> memref<1x256xi32, #tpu.memory_space<hbm>>
      %dma_wait3A_585 = tpu.memref_squeeze %dma_wait3A_584 : memref<1x256xi32, #tpu.memory_space<hbm>> -> memref<256xi32, #tpu.memory_space<hbm>>
      %dma_wait3A_586 = tpu.memref_slice %arg13[%dma_wait3A_583] : memref<4x!tpu.dma_semaphore, #tpu.memory_space<semaphore_mem>> -> memref<1x!tpu.dma_semaphore, #tpu.memory_space<semaphore_mem>>
      %dma_wait3A_587 = tpu.memref_squeeze %dma_wait3A_586 : memref<1x!tpu.dma_semaphore, #tpu.memory_space<semaphore_mem>> -> memref<!tpu.dma_semaphore, #tpu.memory_space<semaphore_mem>>
      %dma_wait3A_588 = tpu.memref_slice %arg2[%dma_wait3A_582, %mul3A_581] : memref<2x160000xi32, #tpu.memory_space<hbm>> -> memref<1x256xi32, #tpu.memory_space<hbm>>
      %dma_wait3A_589 = tpu.memref_squeeze %dma_wait3A_588 : memref<1x256xi32, #tpu.memory_space<hbm>> -> memref<256xi32, #tpu.memory_space<hbm>>
      tpu.wait_dma2 semaphore(%dma_wait3A_587 : memref<!tpu.dma_semaphore, #tpu.memory_space<semaphore_mem>>) src(%dma_wait3A_589 : memref<256xi32, #tpu.memory_space<hbm>>) dst(%arg7 : memref<256xi32, #tpu.memory_space<vmem>>)
      %mul3A_590 = arith.constant 32 : i32
      %mul3A_591 = arith.muli %add3A_574, %mul3A_590 : i32
      %add3A_592 = arith.addi %add3A, %mul3A_591 : i32
      %lt3A_593 = arith.constant 625 : i32
      %lt3A_594 = arith.cmpi slt, %add3A_592, %lt3A_593 : i32
      %convert_element_type3A_595 = arith.extui %lt3A_594 : i1 to i32
      %cond3A_596 = arith.constant 0 : i32
      %cond3A_597 = arith.cmpi ne, %convert_element_type3A_595, %cond3A_596 : i32
      scf.if %cond3A_597 {
        %dma_start3A_653 = arith.constant 2 : i32
        %dma_start3A_654 = arith.constant 0 : i32
        %dma_start3A_655 = tpu.memref_slice %arg12[%dma_start3A_654] : memref<10240xf32, #tpu.memory_space<vmem_shared>> -> memref<10240xf32, #tpu.memory_space<vmem_shared>>
        %dma_start3A_656 = tpu.memref_slice %arg14[%dma_start3A_653] : memref<4x!tpu.dma_semaphore, #tpu.memory_space<semaphore_mem>> -> memref<1x!tpu.dma_semaphore, #tpu.memory_space<semaphore_mem>>
        %dma_start3A_657 = tpu.memref_squeeze %dma_start3A_656 : memref<1x!tpu.dma_semaphore, #tpu.memory_space<semaphore_mem>> -> memref<!tpu.dma_semaphore, #tpu.memory_space<semaphore_mem>>
        tpu.enqueue_indirect_dma source(%arg9 : memref<256xf32, #tpu.memory_space<vmem>>) target(%dma_start3A_655 : memref<10240xf32, #tpu.memory_space<vmem_shared>>) offsets(%arg7 : memref<256xi32, #tpu.memory_space<vmem>>) semaphore(%dma_start3A_657 : memref<!tpu.dma_semaphore, #tpu.memory_space<semaphore_mem>>) {add = true}
      } else {
      }
      %mul3A_598 = arith.constant 32 : i32
      %mul3A_599 = arith.muli %add3A_574, %mul3A_598 : i32
      %add3A_600 = arith.addi %add3A, %mul3A_599 : i32
      %ge3A_601 = arith.constant 625 : i32
      %ge3A_602 = arith.cmpi sge, %add3A_600, %ge3A_601 : i32
      %convert_element_type3A_603 = arith.extui %ge3A_602 : i1 to i32
      %cond3A_604 = arith.constant 0 : i32
      %cond3A_605 = arith.cmpi ne, %convert_element_type3A_603, %cond3A_604 : i32
      scf.if %cond3A_605 {
        %dma_start3A_653 = arith.constant 2 : i32
        %dma_start3A_654 = arith.constant 0 : i32
        %dma_start3A_655 = tpu.memref_slice %arg12[%dma_start3A_654] : memref<10240xf32, #tpu.memory_space<vmem_shared>> -> memref<10240xf32, #tpu.memory_space<vmem_shared>>
        %dma_start3A_656 = tpu.memref_slice %arg14[%dma_start3A_653] : memref<4x!tpu.dma_semaphore, #tpu.memory_space<semaphore_mem>> -> memref<1x!tpu.dma_semaphore, #tpu.memory_space<semaphore_mem>>
        %dma_start3A_657 = tpu.memref_squeeze %dma_start3A_656 : memref<1x!tpu.dma_semaphore, #tpu.memory_space<semaphore_mem>> -> memref<!tpu.dma_semaphore, #tpu.memory_space<semaphore_mem>>
        tpu.enqueue_indirect_dma source(%arg9 : memref<256xf32, #tpu.memory_space<vmem>>) target(%dma_start3A_655 : memref<10240xf32, #tpu.memory_space<vmem_shared>>) offsets(%arg11 : memref<256xi32, #tpu.memory_space<vmem>>) semaphore(%dma_start3A_657 : memref<!tpu.dma_semaphore, #tpu.memory_space<semaphore_mem>>) {add = true}
      } else {
      }
      %add3A_606 = arith.constant 2 : i32
      %add3A_607 = arith.addi %add3A_574, %add3A_606 : i32
      %lt3A_608 = arith.constant 20 : i32
      %lt3A_609 = arith.cmpi slt, %add3A_607, %lt3A_608 : i32
      %convert_element_type3A_610 = arith.extui %lt3A_609 : i1 to i32
      %cond3A_611 = arith.constant 0 : i32
      %cond3A_612 = arith.cmpi ne, %convert_element_type3A_610, %cond3A_611 : i32
      scf.if %cond3A_612 {
        %ge3A_653 = arith.constant 2 : i32
        %ge3A_654 = arith.cmpi sge, %add3A_574, %ge3A_653 : i32
        %convert_element_type3A_655 = arith.extui %ge3A_654 : i1 to i32
        %cond3A_656 = arith.constant 0 : i32
        %cond3A_657 = arith.cmpi ne, %convert_element_type3A_655, %cond3A_656 : i32
        scf.if %cond3A_657 {
          %dma_wait3A_675 = arith.constant 0 : i32
          %dma_wait3A_676 = arith.constant 0 : i32
          %dma_wait3A_677 = tpu.memref_slice %arg12[%dma_wait3A_676] : memref<10240xf32, #tpu.memory_space<vmem_shared>> -> memref<10240xf32, #tpu.memory_space<vmem_shared>>
          %dma_wait3A_678 = tpu.memref_slice %arg14[%dma_wait3A_675] : memref<4x!tpu.dma_semaphore, #tpu.memory_space<semaphore_mem>> -> memref<1x!tpu.dma_semaphore, #tpu.memory_space<semaphore_mem>>
          %dma_wait3A_679 = tpu.memref_squeeze %dma_wait3A_678 : memref<1x!tpu.dma_semaphore, #tpu.memory_space<semaphore_mem>> -> memref<!tpu.dma_semaphore, #tpu.memory_space<semaphore_mem>>
          tpu.wait_indirect_dma semaphore(%dma_wait3A_679 : memref<!tpu.dma_semaphore, #tpu.memory_space<semaphore_mem>>) src(%arg9 : memref<256xf32, #tpu.memory_space<vmem>>) dst(%dma_wait3A_677 : memref<10240xf32, #tpu.memory_space<vmem_shared>>)
        } else {
        }
        %add3A_658 = arith.constant 2 : i32
        %add3A_659 = arith.addi %add3A_574, %add3A_658 : i32
        %mul3A_660 = arith.constant 32 : i32
        %mul3A_661 = arith.muli %add3A_659, %mul3A_660 : i32
        %add3A_662 = arith.addi %add3A, %mul3A_661 : i32
        %min3A_663 = arith.constant 624 : i32
        %min3A_664 = arith.minsi %add3A_662, %min3A_663 : i32
        %mul3A_665 = arith.constant 256 : i32
        %mul3A_666 = arith.muli %min3A_664, %mul3A_665 : i32
        %dma_start3A_667 = arith.constant 1 : i32
        %dma_start3A_668 = arith.constant 0 : i32
        %dma_start3A_669 = tpu.memref_slice %arg2[%dma_start3A_667, %mul3A_666] : memref<2x160000xi32, #tpu.memory_space<hbm>> -> memref<1x256xi32, #tpu.memory_space<hbm>>
        %dma_start3A_670 = tpu.memref_squeeze %dma_start3A_669 : memref<1x256xi32, #tpu.memory_space<hbm>> -> memref<256xi32, #tpu.memory_space<hbm>>
        %dma_start3A_671 = tpu.memref_slice %arg13[%dma_start3A_668] : memref<4x!tpu.dma_semaphore, #tpu.memory_space<semaphore_mem>> -> memref<1x!tpu.dma_semaphore, #tpu.memory_space<semaphore_mem>>
        %dma_start3A_672 = tpu.memref_squeeze %dma_start3A_671 : memref<1x!tpu.dma_semaphore, #tpu.memory_space<semaphore_mem>> -> memref<!tpu.dma_semaphore, #tpu.memory_space<semaphore_mem>>
        %dma_start3A_673 = tpu.memref_slice %arg2[%dma_start3A_667, %mul3A_666] : memref<2x160000xi32, #tpu.memory_space<hbm>> -> memref<1x256xi32, #tpu.memory_space<hbm>>
        %dma_start3A_674 = tpu.memref_squeeze %dma_start3A_673 : memref<1x256xi32, #tpu.memory_space<hbm>> -> memref<256xi32, #tpu.memory_space<hbm>>
        tpu.enqueue_dma source(%dma_start3A_674 : memref<256xi32, #tpu.memory_space<hbm>>) target(%arg5 : memref<256xi32, #tpu.memory_space<vmem>>) target_semaphore(%dma_start3A_672 : memref<!tpu.dma_semaphore, #tpu.memory_space<semaphore_mem>>)
      } else {
      }
      %add3A_613 = arith.constant 3 : i32
      %add3A_614 = arith.addi %add3A_494, %add3A_613 : i32
      %mul3A_615 = arith.constant 32 : i32
      %mul3A_616 = arith.muli %add3A_614, %mul3A_615 : i32
      %add3A_617 = arith.addi %add3A, %mul3A_616 : i32
      %min3A_618 = arith.constant 624 : i32
      %min3A_619 = arith.minsi %add3A_617, %min3A_618 : i32
      %mul3A_620 = arith.constant 256 : i32
      %mul3A_621 = arith.muli %min3A_619, %mul3A_620 : i32
      %dma_wait3A_622 = arith.constant 1 : i32
      %dma_wait3A_623 = arith.constant 3 : i32
      %dma_wait3A_624 = tpu.memref_slice %arg2[%dma_wait3A_622, %mul3A_621] : memref<2x160000xi32, #tpu.memory_space<hbm>> -> memref<1x256xi32, #tpu.memory_space<hbm>>
      %dma_wait3A_625 = tpu.memref_squeeze %dma_wait3A_624 : memref<1x256xi32, #tpu.memory_space<hbm>> -> memref<256xi32, #tpu.memory_space<hbm>>
      %dma_wait3A_626 = tpu.memref_slice %arg13[%dma_wait3A_623] : memref<4x!tpu.dma_semaphore, #tpu.memory_space<semaphore_mem>> -> memref<1x!tpu.dma_semaphore, #tpu.memory_space<semaphore_mem>>
      %dma_wait3A_627 = tpu.memref_squeeze %dma_wait3A_626 : memref<1x!tpu.dma_semaphore, #tpu.memory_space<semaphore_mem>> -> memref<!tpu.dma_semaphore, #tpu.memory_space<semaphore_mem>>
      %dma_wait3A_628 = tpu.memref_slice %arg2[%dma_wait3A_622, %mul3A_621] : memref<2x160000xi32, #tpu.memory_space<hbm>> -> memref<1x256xi32, #tpu.memory_space<hbm>>
      %dma_wait3A_629 = tpu.memref_squeeze %dma_wait3A_628 : memref<1x256xi32, #tpu.memory_space<hbm>> -> memref<256xi32, #tpu.memory_space<hbm>>
      tpu.wait_dma2 semaphore(%dma_wait3A_627 : memref<!tpu.dma_semaphore, #tpu.memory_space<semaphore_mem>>) src(%dma_wait3A_629 : memref<256xi32, #tpu.memory_space<hbm>>) dst(%arg8 : memref<256xi32, #tpu.memory_space<vmem>>)
      %mul3A_630 = arith.constant 32 : i32
      %mul3A_631 = arith.muli %add3A_614, %mul3A_630 : i32
      %add3A_632 = arith.addi %add3A, %mul3A_631 : i32
      %lt3A_633 = arith.constant 625 : i32
      %lt3A_634 = arith.cmpi slt, %add3A_632, %lt3A_633 : i32
      %convert_element_type3A_635 = arith.extui %lt3A_634 : i1 to i32
      %cond3A_636 = arith.constant 0 : i32
      %cond3A_637 = arith.cmpi ne, %convert_element_type3A_635, %cond3A_636 : i32
      scf.if %cond3A_637 {
        %dma_start3A_653 = arith.constant 3 : i32
        %dma_start3A_654 = arith.constant 0 : i32
        %dma_start3A_655 = tpu.memref_slice %arg12[%dma_start3A_654] : memref<10240xf32, #tpu.memory_space<vmem_shared>> -> memref<10240xf32, #tpu.memory_space<vmem_shared>>
        %dma_start3A_656 = tpu.memref_slice %arg14[%dma_start3A_653] : memref<4x!tpu.dma_semaphore, #tpu.memory_space<semaphore_mem>> -> memref<1x!tpu.dma_semaphore, #tpu.memory_space<semaphore_mem>>
        %dma_start3A_657 = tpu.memref_squeeze %dma_start3A_656 : memref<1x!tpu.dma_semaphore, #tpu.memory_space<semaphore_mem>> -> memref<!tpu.dma_semaphore, #tpu.memory_space<semaphore_mem>>
        tpu.enqueue_indirect_dma source(%arg9 : memref<256xf32, #tpu.memory_space<vmem>>) target(%dma_start3A_655 : memref<10240xf32, #tpu.memory_space<vmem_shared>>) offsets(%arg8 : memref<256xi32, #tpu.memory_space<vmem>>) semaphore(%dma_start3A_657 : memref<!tpu.dma_semaphore, #tpu.memory_space<semaphore_mem>>) {add = true}
      } else {
      }
      %mul3A_638 = arith.constant 32 : i32
      %mul3A_639 = arith.muli %add3A_614, %mul3A_638 : i32
      %add3A_640 = arith.addi %add3A, %mul3A_639 : i32
      %ge3A_641 = arith.constant 625 : i32
      %ge3A_642 = arith.cmpi sge, %add3A_640, %ge3A_641 : i32
      %convert_element_type3A_643 = arith.extui %ge3A_642 : i1 to i32
      %cond3A_644 = arith.constant 0 : i32
      %cond3A_645 = arith.cmpi ne, %convert_element_type3A_643, %cond3A_644 : i32
      scf.if %cond3A_645 {
        %dma_start3A_653 = arith.constant 3 : i32
        %dma_start3A_654 = arith.constant 0 : i32
        %dma_start3A_655 = tpu.memref_slice %arg12[%dma_start3A_654] : memref<10240xf32, #tpu.memory_space<vmem_shared>> -> memref<10240xf32, #tpu.memory_space<vmem_shared>>
        %dma_start3A_656 = tpu.memref_slice %arg14[%dma_start3A_653] : memref<4x!tpu.dma_semaphore, #tpu.memory_space<semaphore_mem>> -> memref<1x!tpu.dma_semaphore, #tpu.memory_space<semaphore_mem>>
        %dma_start3A_657 = tpu.memref_squeeze %dma_start3A_656 : memref<1x!tpu.dma_semaphore, #tpu.memory_space<semaphore_mem>> -> memref<!tpu.dma_semaphore, #tpu.memory_space<semaphore_mem>>
        tpu.enqueue_indirect_dma source(%arg9 : memref<256xf32, #tpu.memory_space<vmem>>) target(%dma_start3A_655 : memref<10240xf32, #tpu.memory_space<vmem_shared>>) offsets(%arg11 : memref<256xi32, #tpu.memory_space<vmem>>) semaphore(%dma_start3A_657 : memref<!tpu.dma_semaphore, #tpu.memory_space<semaphore_mem>>) {add = true}
      } else {
      }
      %add3A_646 = arith.constant 2 : i32
      %add3A_647 = arith.addi %add3A_614, %add3A_646 : i32
      %lt3A_648 = arith.constant 20 : i32
      %lt3A_649 = arith.cmpi slt, %add3A_647, %lt3A_648 : i32
      %convert_element_type3A_650 = arith.extui %lt3A_649 : i1 to i32
      %cond3A_651 = arith.constant 0 : i32
      %cond3A_652 = arith.cmpi ne, %convert_element_type3A_650, %cond3A_651 : i32
      scf.if %cond3A_652 {
        %ge3A_653 = arith.constant 2 : i32
        %ge3A_654 = arith.cmpi sge, %add3A_614, %ge3A_653 : i32
        %convert_element_type3A_655 = arith.extui %ge3A_654 : i1 to i32
        %cond3A_656 = arith.constant 0 : i32
        %cond3A_657 = arith.cmpi ne, %convert_element_type3A_655, %cond3A_656 : i32
        scf.if %cond3A_657 {
          %dma_wait3A_675 = arith.constant 1 : i32
          %dma_wait3A_676 = arith.constant 0 : i32
          %dma_wait3A_677 = tpu.memref_slice %arg12[%dma_wait3A_676] : memref<10240xf32, #tpu.memory_space<vmem_shared>> -> memref<10240xf32, #tpu.memory_space<vmem_shared>>
          %dma_wait3A_678 = tpu.memref_slice %arg14[%dma_wait3A_675] : memref<4x!tpu.dma_semaphore, #tpu.memory_space<semaphore_mem>> -> memref<1x!tpu.dma_semaphore, #tpu.memory_space<semaphore_mem>>
          %dma_wait3A_679 = tpu.memref_squeeze %dma_wait3A_678 : memref<1x!tpu.dma_semaphore, #tpu.memory_space<semaphore_mem>> -> memref<!tpu.dma_semaphore, #tpu.memory_space<semaphore_mem>>
          tpu.wait_indirect_dma semaphore(%dma_wait3A_679 : memref<!tpu.dma_semaphore, #tpu.memory_space<semaphore_mem>>) src(%arg9 : memref<256xf32, #tpu.memory_space<vmem>>) dst(%dma_wait3A_677 : memref<10240xf32, #tpu.memory_space<vmem_shared>>)
        } else {
        }
        %add3A_658 = arith.constant 2 : i32
        %add3A_659 = arith.addi %add3A_614, %add3A_658 : i32
        %mul3A_660 = arith.constant 32 : i32
        %mul3A_661 = arith.muli %add3A_659, %mul3A_660 : i32
        %add3A_662 = arith.addi %add3A, %mul3A_661 : i32
        %min3A_663 = arith.constant 624 : i32
        %min3A_664 = arith.minsi %add3A_662, %min3A_663 : i32
        %mul3A_665 = arith.constant 256 : i32
        %mul3A_666 = arith.muli %min3A_664, %mul3A_665 : i32
        %dma_start3A_667 = arith.constant 1 : i32
        %dma_start3A_668 = arith.constant 1 : i32
        %dma_start3A_669 = tpu.memref_slice %arg2[%dma_start3A_667, %mul3A_666] : memref<2x160000xi32, #tpu.memory_space<hbm>> -> memref<1x256xi32, #tpu.memory_space<hbm>>
        %dma_start3A_670 = tpu.memref_squeeze %dma_start3A_669 : memref<1x256xi32, #tpu.memory_space<hbm>> -> memref<256xi32, #tpu.memory_space<hbm>>
        %dma_start3A_671 = tpu.memref_slice %arg13[%dma_start3A_668] : memref<4x!tpu.dma_semaphore, #tpu.memory_space<semaphore_mem>> -> memref<1x!tpu.dma_semaphore, #tpu.memory_space<semaphore_mem>>
        %dma_start3A_672 = tpu.memref_squeeze %dma_start3A_671 : memref<1x!tpu.dma_semaphore, #tpu.memory_space<semaphore_mem>> -> memref<!tpu.dma_semaphore, #tpu.memory_space<semaphore_mem>>
        %dma_start3A_673 = tpu.memref_slice %arg2[%dma_start3A_667, %mul3A_666] : memref<2x160000xi32, #tpu.memory_space<hbm>> -> memref<1x256xi32, #tpu.memory_space<hbm>>
        %dma_start3A_674 = tpu.memref_squeeze %dma_start3A_673 : memref<1x256xi32, #tpu.memory_space<hbm>> -> memref<256xi32, #tpu.memory_space<hbm>>
        tpu.enqueue_dma source(%dma_start3A_674 : memref<256xi32, #tpu.memory_space<hbm>>) target(%arg6 : memref<256xi32, #tpu.memory_space<vmem>>) target_semaphore(%dma_start3A_672 : memref<!tpu.dma_semaphore, #tpu.memory_space<semaphore_mem>>)
      } else {
      }
    }
    %scan3A_462 = arith.constant 5 : i32
    %dma_wait3A = arith.constant 0 : i32
    %dma_wait3A_463 = arith.constant 0 : i32
    %dma_wait3A_464 = tpu.memref_slice %arg12[%dma_wait3A_463] : memref<10240xf32, #tpu.memory_space<vmem_shared>> -> memref<10240xf32, #tpu.memory_space<vmem_shared>>
    %dma_wait3A_465 = tpu.memref_slice %arg14[%dma_wait3A] : memref<4x!tpu.dma_semaphore, #tpu.memory_space<semaphore_mem>> -> memref<1x!tpu.dma_semaphore, #tpu.memory_space<semaphore_mem>>
    %dma_wait3A_466 = tpu.memref_squeeze %dma_wait3A_465 : memref<1x!tpu.dma_semaphore, #tpu.memory_space<semaphore_mem>> -> memref<!tpu.dma_semaphore, #tpu.memory_space<semaphore_mem>>
    tpu.wait_indirect_dma semaphore(%dma_wait3A_466 : memref<!tpu.dma_semaphore, #tpu.memory_space<semaphore_mem>>) src(%arg9 : memref<256xf32, #tpu.memory_space<vmem>>) dst(%dma_wait3A_464 : memref<10240xf32, #tpu.memory_space<vmem_shared>>)
    %dma_wait3A_467 = arith.constant 1 : i32
    %dma_wait3A_468 = arith.constant 0 : i32
    %dma_wait3A_469 = tpu.memref_slice %arg12[%dma_wait3A_468] : memref<10240xf32, #tpu.memory_space<vmem_shared>> -> memref<10240xf32, #tpu.memory_space<vmem_shared>>
    %dma_wait3A_470 = tpu.memref_slice %arg14[%dma_wait3A_467] : memref<4x!tpu.dma_semaphore, #tpu.memory_space<semaphore_mem>> -> memref<1x!tpu.dma_semaphore, #tpu.memory_space<semaphore_mem>>
    %dma_wait3A_471 = tpu.memref_squeeze %dma_wait3A_470 : memref<1x!tpu.dma_semaphore, #tpu.memory_space<semaphore_mem>> -> memref<!tpu.dma_semaphore, #tpu.memory_space<semaphore_mem>>
    tpu.wait_indirect_dma semaphore(%dma_wait3A_471 : memref<!tpu.dma_semaphore, #tpu.memory_space<semaphore_mem>>) src(%arg9 : memref<256xf32, #tpu.memory_space<vmem>>) dst(%dma_wait3A_469 : memref<10240xf32, #tpu.memory_space<vmem_shared>>)
    %dma_wait3A_472 = arith.constant 2 : i32
    %dma_wait3A_473 = arith.constant 0 : i32
    %dma_wait3A_474 = tpu.memref_slice %arg12[%dma_wait3A_473] : memref<10240xf32, #tpu.memory_space<vmem_shared>> -> memref<10240xf32, #tpu.memory_space<vmem_shared>>
    %dma_wait3A_475 = tpu.memref_slice %arg14[%dma_wait3A_472] : memref<4x!tpu.dma_semaphore, #tpu.memory_space<semaphore_mem>> -> memref<1x!tpu.dma_semaphore, #tpu.memory_space<semaphore_mem>>
    %dma_wait3A_476 = tpu.memref_squeeze %dma_wait3A_475 : memref<1x!tpu.dma_semaphore, #tpu.memory_space<semaphore_mem>> -> memref<!tpu.dma_semaphore, #tpu.memory_space<semaphore_mem>>
    tpu.wait_indirect_dma semaphore(%dma_wait3A_476 : memref<!tpu.dma_semaphore, #tpu.memory_space<semaphore_mem>>) src(%arg9 : memref<256xf32, #tpu.memory_space<vmem>>) dst(%dma_wait3A_474 : memref<10240xf32, #tpu.memory_space<vmem_shared>>)
    %dma_wait3A_477 = arith.constant 3 : i32
    %dma_wait3A_478 = arith.constant 0 : i32
    %dma_wait3A_479 = tpu.memref_slice %arg12[%dma_wait3A_478] : memref<10240xf32, #tpu.memory_space<vmem_shared>> -> memref<10240xf32, #tpu.memory_space<vmem_shared>>
    %dma_wait3A_480 = tpu.memref_slice %arg14[%dma_wait3A_477] : memref<4x!tpu.dma_semaphore, #tpu.memory_space<semaphore_mem>> -> memref<1x!tpu.dma_semaphore, #tpu.memory_space<semaphore_mem>>
    %dma_wait3A_481 = tpu.memref_squeeze %dma_wait3A_480 : memref<1x!tpu.dma_semaphore, #tpu.memory_space<semaphore_mem>> -> memref<!tpu.dma_semaphore, #tpu.memory_space<semaphore_mem>>
    tpu.wait_indirect_dma semaphore(%dma_wait3A_481 : memref<!tpu.dma_semaphore, #tpu.memory_space<semaphore_mem>>) src(%arg9 : memref<256xf32, #tpu.memory_space<vmem>>) dst(%dma_wait3A_479 : memref<10240xf32, #tpu.memory_space<vmem_shared>>)
    %barrier3A_482 = arith.constant 0 : index
    tpu.barrier barrier_id(%barrier3A_482)
    %eq3A = arith.constant 0 : i32
    %eq3A_483 = arith.cmpi eq, %arg0, %eq3A : i32
    %convert_element_type3A = arith.extui %eq3A_483 : i1 to i32
    %cond3A = arith.constant 0 : i32
    %cond3A_484 = arith.cmpi ne, %convert_element_type3A, %cond3A : i32
    scf.if %cond3A_484 {
      %mul3A_490 = arith.constant 640 : i32
      %mul3A_491 = arith.muli %arg1, %mul3A_490 : i32
      %mul3A_492 = arith.constant 640 : i32
      %mul3A_493 = arith.muli %arg1, %mul3A_492 : i32
      "tpu.region"() ({
        %run_scoped3A = tpu.sem_alloc : memref<!tpu.dma_semaphore, #tpu.memory_space<semaphore_mem>>
        %dma_start3A_494 = tpu.memref_slice %arg3[%mul3A_493] : memref<10240xf32, #tpu.memory_space<hbm>> -> memref<640xf32, #tpu.memory_space<hbm>>
        %dma_start3A_495 = tpu.memref_slice %arg12[%mul3A_491] : memref<10240xf32, #tpu.memory_space<vmem_shared>> -> memref<640xf32, #tpu.memory_space<vmem_shared>>
        tpu.enqueue_dma source(%dma_start3A_495 : memref<640xf32, #tpu.memory_space<vmem_shared>>) target(%dma_start3A_494 : memref<640xf32, #tpu.memory_space<hbm>>) target_semaphore(%run_scoped3A : memref<!tpu.dma_semaphore, #tpu.memory_space<semaphore_mem>>)
        %dma_wait3A_496 = tpu.memref_slice %arg3[%mul3A_493] : memref<10240xf32, #tpu.memory_space<hbm>> -> memref<640xf32, #tpu.memory_space<hbm>>
        %dma_wait3A_497 = tpu.memref_slice %arg12[%mul3A_491] : memref<10240xf32, #tpu.memory_space<vmem_shared>> -> memref<640xf32, #tpu.memory_space<vmem_shared>>
        tpu.wait_dma2 semaphore(%run_scoped3A : memref<!tpu.dma_semaphore, #tpu.memory_space<semaphore_mem>>) src(%dma_wait3A_497 : memref<640xf32, #tpu.memory_space<vmem_shared>>) dst(%dma_wait3A_496 : memref<640xf32, #tpu.memory_space<hbm>>)
        tpu.yield
      }) : () -> ()
    } else {
    }
    %eq3A_485 = arith.constant 1 : i32
    %eq3A_486 = arith.cmpi eq, %arg0, %eq3A_485 : i32
    %convert_element_type3A_487 = arith.extui %eq3A_486 : i1 to i32
    %cond3A_488 = arith.constant 0 : i32
    %cond3A_489 = arith.cmpi ne, %convert_element_type3A_487, %cond3A_488 : i32
    scf.if %cond3A_489 {
      %mul3A_490 = arith.constant 640 : i32
      %mul3A_491 = arith.muli %arg1, %mul3A_490 : i32
      %mul3A_492 = arith.constant 640 : i32
      %mul3A_493 = arith.muli %arg1, %mul3A_492 : i32
      "tpu.region"() ({
        %run_scoped3A = tpu.sem_alloc : memref<!tpu.dma_semaphore, #tpu.memory_space<semaphore_mem>>
        %dma_start3A_494 = tpu.memref_slice %arg4[%mul3A_493] : memref<10240xf32, #tpu.memory_space<hbm>> -> memref<640xf32, #tpu.memory_space<hbm>>
        %dma_start3A_495 = tpu.memref_slice %arg12[%mul3A_491] : memref<10240xf32, #tpu.memory_space<vmem_shared>> -> memref<640xf32, #tpu.memory_space<vmem_shared>>
        tpu.enqueue_dma source(%dma_start3A_495 : memref<640xf32, #tpu.memory_space<vmem_shared>>) target(%dma_start3A_494 : memref<640xf32, #tpu.memory_space<hbm>>) target_semaphore(%run_scoped3A : memref<!tpu.dma_semaphore, #tpu.memory_space<semaphore_mem>>)
        %dma_wait3A_496 = tpu.memref_slice %arg4[%mul3A_493] : memref<10240xf32, #tpu.memory_space<hbm>> -> memref<640xf32, #tpu.memory_space<hbm>>
        %dma_wait3A_497 = tpu.memref_slice %arg12[%mul3A_491] : memref<10240xf32, #tpu.memory_space<vmem_shared>> -> memref<640xf32, #tpu.memory_space<vmem_shared>>
        tpu.wait_dma2 semaphore(%run_scoped3A : memref<!tpu.dma_semaphore, #tpu.memory_space<semaphore_mem>>) src(%dma_wait3A_497 : memref<640xf32, #tpu.memory_space<vmem_shared>>) dst(%dma_wait3A_496 : memref<640xf32, #tpu.memory_space<hbm>>)
        tpu.yield
      }) : () -> ()
    } else {
    }
    return
  }
}

#map = affine_map<(d0, d1) -> (0, 0)>
module attributes {stable_mosaic.version = 14 : i64} {
  func.func @_edge_body(%arg0: i32, %arg1: i32, %arg2: memref<10000x128xf32, #tpu.memory_space<hbm>>, %arg3: memref<10000x128xf32, #tpu.memory_space<hbm>>, %arg4: memref<2x160000xi32, #tpu.memory_space<hbm>>, %arg5: memref<10000x128xf32, #tpu.memory_space<hbm>>, %arg6: memref<10000x128xf32, #tpu.memory_space<hbm>>, %arg7: memref<128xi32, #tpu.memory_space<vmem>>, %arg8: memref<128xi32, #tpu.memory_space<vmem>>, %arg9: memref<128xi32, #tpu.memory_space<vmem>>, %arg10: memref<128xi32, #tpu.memory_space<vmem>>, %arg11: memref<128xi32, #tpu.memory_space<vmem>>, %arg12: memref<128xi32, #tpu.memory_space<vmem>>, %arg13: memref<128xi32, #tpu.memory_space<vmem>>, %arg14: memref<128xi32, #tpu.memory_space<vmem>>, %arg15: memref<128xi32, #tpu.memory_space<vmem>>, %arg16: memref<128xi32, #tpu.memory_space<vmem>>, %arg17: memref<128xi32, #tpu.memory_space<vmem>>, %arg18: memref<128xi32, #tpu.memory_space<vmem>>, %arg19: memref<128x128xf32, #tpu.memory_space<vmem>>, %arg20: memref<128x128xf32, #tpu.memory_space<vmem>>, %arg21: memref<128x128xf32, #tpu.memory_space<vmem>>, %arg22: memref<!tpu.dma_semaphore, #tpu.memory_space<semaphore_mem>>, %arg23: memref<6x!tpu.dma_semaphore, #tpu.memory_space<semaphore_mem>>, %arg24: memref<3x!tpu.dma_semaphore, #tpu.memory_space<semaphore_mem>>, %arg25: memref<3x!tpu.dma_semaphore, #tpu.memory_space<semaphore_mem>>, %arg26: memref<10000x128xf32, #tpu.memory_space<vmem_shared>>) attributes {dimension_semantics = [#tpu.dimension_semantics<core_parallel>, #tpu.dimension_semantics<subcore_parallel>], iteration_bounds = array<i64: 2, 16>, scalar_prefetch = 0 : i64, scratch_operands = 20 : i64, tpu.core_type = #tpu.core_type<sc_vector_subcore>, window_params = [{transform_indices = #map}, {transform_indices = #map}, {transform_indices = #map}, {transform_indices = #map}, {transform_indices = #map}]} {
    %eq3A = arith.constant 0 : i32
    %eq3A_0 = arith.cmpi eq, %arg0, %eq3A : i32
    %convert_element_type3A = arith.extui %eq3A_0 : i1 to i32
    %cond3A = arith.constant 0 : i32
    %cond3A_1 = arith.cmpi ne, %convert_element_type3A, %cond3A : i32
    scf.if %cond3A_1 {
      %mul3A = arith.constant 78 : i32
      %mul3A_7 = arith.muli %arg1, %mul3A : i32
      %lt3A = arith.constant 15 : i32
      %lt3A_8 = arith.cmpi slt, %arg1, %lt3A : i32
      %convert_element_type3A_9 = arith.extui %lt3A_8 : i1 to i32
      %cond3A_10 = arith.constant 0 : i32
      %cond3A_11 = arith.cmpi ne, %convert_element_type3A_9, %cond3A_10 : i32
      scf.if %cond3A_11 {
        %mul3A_194 = arith.constant 632 : i32
        %mul3A_195 = arith.muli %arg1, %mul3A_194 : i32
        %mul3A_196 = arith.constant 632 : i32
        %mul3A_197 = arith.muli %arg1, %mul3A_196 : i32
        %dma_start3A_198 = arith.constant 0 : i32
        %dma_start3A_199 = tpu.memref_slice %arg26[%mul3A_197, %dma_start3A_198] : memref<10000x128xf32, #tpu.memory_space<vmem_shared>> -> memref<632x128xf32, #tpu.memory_space<vmem_shared>>
        %dma_start3A_200 = arith.constant 0 : i32
        %dma_start3A_201 = tpu.memref_slice %arg2[%mul3A_195, %dma_start3A_200] : memref<10000x128xf32, #tpu.memory_space<hbm>> -> memref<632x128xf32, #tpu.memory_space<hbm>>
        tpu.enqueue_dma source(%dma_start3A_201 : memref<632x128xf32, #tpu.memory_space<hbm>>) target(%dma_start3A_199 : memref<632x128xf32, #tpu.memory_space<vmem_shared>>) target_semaphore(%arg22 : memref<!tpu.dma_semaphore, #tpu.memory_space<semaphore_mem>>)
      } else {
      }
      %eq3A_12 = arith.constant 15 : i32
      %eq3A_13 = arith.cmpi eq, %arg1, %eq3A_12 : i32
      %convert_element_type3A_14 = arith.extui %eq3A_13 : i1 to i32
      %cond3A_15 = arith.constant 0 : i32
      %cond3A_16 = arith.cmpi ne, %convert_element_type3A_14, %cond3A_15 : i32
      scf.if %cond3A_16 {
        %dma_start3A_194 = arith.constant 9480 : i32
        %dma_start3A_195 = arith.constant 0 : i32
        %dma_start3A_196 = tpu.memref_slice %arg26[%dma_start3A_194, %dma_start3A_195] : memref<10000x128xf32, #tpu.memory_space<vmem_shared>> -> memref<520x128xf32, #tpu.memory_space<vmem_shared>>
        %dma_start3A_197 = arith.constant 9480 : i32
        %dma_start3A_198 = arith.constant 0 : i32
        %dma_start3A_199 = tpu.memref_slice %arg2[%dma_start3A_197, %dma_start3A_198] : memref<10000x128xf32, #tpu.memory_space<hbm>> -> memref<520x128xf32, #tpu.memory_space<hbm>>
        tpu.enqueue_dma source(%dma_start3A_199 : memref<520x128xf32, #tpu.memory_space<hbm>>) target(%dma_start3A_196 : memref<520x128xf32, #tpu.memory_space<vmem_shared>>) target_semaphore(%arg22 : memref<!tpu.dma_semaphore, #tpu.memory_space<semaphore_mem>>)
      } else {
      }
      %add3A = arith.constant 0 : i32
      %add3A_17 = arith.addi %mul3A_7, %add3A : i32
      %mul3A_18 = arith.constant 128 : i32
      %mul3A_19 = arith.muli %add3A_17, %mul3A_18 : i32
      %dma_start3A = arith.constant 0 : i32
      %dma_start3A_20 = arith.constant 0 : i32
      %dma_start3A_21 = tpu.memref_slice %arg4[%dma_start3A, %mul3A_19] : memref<2x160000xi32, #tpu.memory_space<hbm>> -> memref<1x128xi32, #tpu.memory_space<hbm>>
      %dma_start3A_22 = tpu.memref_squeeze %dma_start3A_21 : memref<1x128xi32, #tpu.memory_space<hbm>> -> memref<128xi32, #tpu.memory_space<hbm>>
      %dma_start3A_23 = tpu.memref_slice %arg23[%dma_start3A_20] : memref<6x!tpu.dma_semaphore, #tpu.memory_space<semaphore_mem>> -> memref<1x!tpu.dma_semaphore, #tpu.memory_space<semaphore_mem>>
      %dma_start3A_24 = tpu.memref_squeeze %dma_start3A_23 : memref<1x!tpu.dma_semaphore, #tpu.memory_space<semaphore_mem>> -> memref<!tpu.dma_semaphore, #tpu.memory_space<semaphore_mem>>
      %dma_start3A_25 = tpu.memref_slice %arg4[%dma_start3A, %mul3A_19] : memref<2x160000xi32, #tpu.memory_space<hbm>> -> memref<1x128xi32, #tpu.memory_space<hbm>>
      %dma_start3A_26 = tpu.memref_squeeze %dma_start3A_25 : memref<1x128xi32, #tpu.memory_space<hbm>> -> memref<128xi32, #tpu.memory_space<hbm>>
      tpu.enqueue_dma source(%dma_start3A_26 : memref<128xi32, #tpu.memory_space<hbm>>) target(%arg7 : memref<128xi32, #tpu.memory_space<vmem>>) target_semaphore(%dma_start3A_24 : memref<!tpu.dma_semaphore, #tpu.memory_space<semaphore_mem>>)
      %dma_start3A_27 = arith.constant 1 : i32
      %dma_start3A_28 = arith.constant 0 : i32
      %dma_start3A_29 = tpu.memref_slice %arg4[%dma_start3A_27, %mul3A_19] : memref<2x160000xi32, #tpu.memory_space<hbm>> -> memref<1x128xi32, #tpu.memory_space<hbm>>
      %dma_start3A_30 = tpu.memref_squeeze %dma_start3A_29 : memref<1x128xi32, #tpu.memory_space<hbm>> -> memref<128xi32, #tpu.memory_space<hbm>>
      %dma_start3A_31 = tpu.memref_slice %arg23[%dma_start3A_28] : memref<6x!tpu.dma_semaphore, #tpu.memory_space<semaphore_mem>> -> memref<1x!tpu.dma_semaphore, #tpu.memory_space<semaphore_mem>>
      %dma_start3A_32 = tpu.memref_squeeze %dma_start3A_31 : memref<1x!tpu.dma_semaphore, #tpu.memory_space<semaphore_mem>> -> memref<!tpu.dma_semaphore, #tpu.memory_space<semaphore_mem>>
      %dma_start3A_33 = tpu.memref_slice %arg4[%dma_start3A_27, %mul3A_19] : memref<2x160000xi32, #tpu.memory_space<hbm>> -> memref<1x128xi32, #tpu.memory_space<hbm>>
      %dma_start3A_34 = tpu.memref_squeeze %dma_start3A_33 : memref<1x128xi32, #tpu.memory_space<hbm>> -> memref<128xi32, #tpu.memory_space<hbm>>
      tpu.enqueue_dma source(%dma_start3A_34 : memref<128xi32, #tpu.memory_space<hbm>>) target(%arg13 : memref<128xi32, #tpu.memory_space<vmem>>) target_semaphore(%dma_start3A_32 : memref<!tpu.dma_semaphore, #tpu.memory_space<semaphore_mem>>)
      %add3A_35 = arith.constant 1 : i32
      %add3A_36 = arith.addi %mul3A_7, %add3A_35 : i32
      %mul3A_37 = arith.constant 128 : i32
      %mul3A_38 = arith.muli %add3A_36, %mul3A_37 : i32
      %dma_start3A_39 = arith.constant 0 : i32
      %dma_start3A_40 = arith.constant 1 : i32
      %dma_start3A_41 = tpu.memref_slice %arg4[%dma_start3A_39, %mul3A_38] : memref<2x160000xi32, #tpu.memory_space<hbm>> -> memref<1x128xi32, #tpu.memory_space<hbm>>
      %dma_start3A_42 = tpu.memref_squeeze %dma_start3A_41 : memref<1x128xi32, #tpu.memory_space<hbm>> -> memref<128xi32, #tpu.memory_space<hbm>>
      %dma_start3A_43 = tpu.memref_slice %arg23[%dma_start3A_40] : memref<6x!tpu.dma_semaphore, #tpu.memory_space<semaphore_mem>> -> memref<1x!tpu.dma_semaphore, #tpu.memory_space<semaphore_mem>>
      %dma_start3A_44 = tpu.memref_squeeze %dma_start3A_43 : memref<1x!tpu.dma_semaphore, #tpu.memory_space<semaphore_mem>> -> memref<!tpu.dma_semaphore, #tpu.memory_space<semaphore_mem>>
      %dma_start3A_45 = tpu.memref_slice %arg4[%dma_start3A_39, %mul3A_38] : memref<2x160000xi32, #tpu.memory_space<hbm>> -> memref<1x128xi32, #tpu.memory_space<hbm>>
      %dma_start3A_46 = tpu.memref_squeeze %dma_start3A_45 : memref<1x128xi32, #tpu.memory_space<hbm>> -> memref<128xi32, #tpu.memory_space<hbm>>
      tpu.enqueue_dma source(%dma_start3A_46 : memref<128xi32, #tpu.memory_space<hbm>>) target(%arg8 : memref<128xi32, #tpu.memory_space<vmem>>) target_semaphore(%dma_start3A_44 : memref<!tpu.dma_semaphore, #tpu.memory_space<semaphore_mem>>)
      %dma_start3A_47 = arith.constant 1 : i32
      %dma_start3A_48 = arith.constant 1 : i32
      %dma_start3A_49 = tpu.memref_slice %arg4[%dma_start3A_47, %mul3A_38] : memref<2x160000xi32, #tpu.memory_space<hbm>> -> memref<1x128xi32, #tpu.memory_space<hbm>>
      %dma_start3A_50 = tpu.memref_squeeze %dma_start3A_49 : memref<1x128xi32, #tpu.memory_space<hbm>> -> memref<128xi32, #tpu.memory_space<hbm>>
      %dma_start3A_51 = tpu.memref_slice %arg23[%dma_start3A_48] : memref<6x!tpu.dma_semaphore, #tpu.memory_space<semaphore_mem>> -> memref<1x!tpu.dma_semaphore, #tpu.memory_space<semaphore_mem>>
      %dma_start3A_52 = tpu.memref_squeeze %dma_start3A_51 : memref<1x!tpu.dma_semaphore, #tpu.memory_space<semaphore_mem>> -> memref<!tpu.dma_semaphore, #tpu.memory_space<semaphore_mem>>
      %dma_start3A_53 = tpu.memref_slice %arg4[%dma_start3A_47, %mul3A_38] : memref<2x160000xi32, #tpu.memory_space<hbm>> -> memref<1x128xi32, #tpu.memory_space<hbm>>
      %dma_start3A_54 = tpu.memref_squeeze %dma_start3A_53 : memref<1x128xi32, #tpu.memory_space<hbm>> -> memref<128xi32, #tpu.memory_space<hbm>>
      tpu.enqueue_dma source(%dma_start3A_54 : memref<128xi32, #tpu.memory_space<hbm>>) target(%arg14 : memref<128xi32, #tpu.memory_space<vmem>>) target_semaphore(%dma_start3A_52 : memref<!tpu.dma_semaphore, #tpu.memory_space<semaphore_mem>>)
      %add3A_55 = arith.constant 2 : i32
      %add3A_56 = arith.addi %mul3A_7, %add3A_55 : i32
      %mul3A_57 = arith.constant 128 : i32
      %mul3A_58 = arith.muli %add3A_56, %mul3A_57 : i32
      %dma_start3A_59 = arith.constant 0 : i32
      %dma_start3A_60 = arith.constant 2 : i32
      %dma_start3A_61 = tpu.memref_slice %arg4[%dma_start3A_59, %mul3A_58] : memref<2x160000xi32, #tpu.memory_space<hbm>> -> memref<1x128xi32, #tpu.memory_space<hbm>>
      %dma_start3A_62 = tpu.memref_squeeze %dma_start3A_61 : memref<1x128xi32, #tpu.memory_space<hbm>> -> memref<128xi32, #tpu.memory_space<hbm>>
      %dma_start3A_63 = tpu.memref_slice %arg23[%dma_start3A_60] : memref<6x!tpu.dma_semaphore, #tpu.memory_space<semaphore_mem>> -> memref<1x!tpu.dma_semaphore, #tpu.memory_space<semaphore_mem>>
      %dma_start3A_64 = tpu.memref_squeeze %dma_start3A_63 : memref<1x!tpu.dma_semaphore, #tpu.memory_space<semaphore_mem>> -> memref<!tpu.dma_semaphore, #tpu.memory_space<semaphore_mem>>
      %dma_start3A_65 = tpu.memref_slice %arg4[%dma_start3A_59, %mul3A_58] : memref<2x160000xi32, #tpu.memory_space<hbm>> -> memref<1x128xi32, #tpu.memory_space<hbm>>
      %dma_start3A_66 = tpu.memref_squeeze %dma_start3A_65 : memref<1x128xi32, #tpu.memory_space<hbm>> -> memref<128xi32, #tpu.memory_space<hbm>>
      tpu.enqueue_dma source(%dma_start3A_66 : memref<128xi32, #tpu.memory_space<hbm>>) target(%arg9 : memref<128xi32, #tpu.memory_space<vmem>>) target_semaphore(%dma_start3A_64 : memref<!tpu.dma_semaphore, #tpu.memory_space<semaphore_mem>>)
      %dma_start3A_67 = arith.constant 1 : i32
      %dma_start3A_68 = arith.constant 2 : i32
      %dma_start3A_69 = tpu.memref_slice %arg4[%dma_start3A_67, %mul3A_58] : memref<2x160000xi32, #tpu.memory_space<hbm>> -> memref<1x128xi32, #tpu.memory_space<hbm>>
      %dma_start3A_70 = tpu.memref_squeeze %dma_start3A_69 : memref<1x128xi32, #tpu.memory_space<hbm>> -> memref<128xi32, #tpu.memory_space<hbm>>
      %dma_start3A_71 = tpu.memref_slice %arg23[%dma_start3A_68] : memref<6x!tpu.dma_semaphore, #tpu.memory_space<semaphore_mem>> -> memref<1x!tpu.dma_semaphore, #tpu.memory_space<semaphore_mem>>
      %dma_start3A_72 = tpu.memref_squeeze %dma_start3A_71 : memref<1x!tpu.dma_semaphore, #tpu.memory_space<semaphore_mem>> -> memref<!tpu.dma_semaphore, #tpu.memory_space<semaphore_mem>>
      %dma_start3A_73 = tpu.memref_slice %arg4[%dma_start3A_67, %mul3A_58] : memref<2x160000xi32, #tpu.memory_space<hbm>> -> memref<1x128xi32, #tpu.memory_space<hbm>>
      %dma_start3A_74 = tpu.memref_squeeze %dma_start3A_73 : memref<1x128xi32, #tpu.memory_space<hbm>> -> memref<128xi32, #tpu.memory_space<hbm>>
      tpu.enqueue_dma source(%dma_start3A_74 : memref<128xi32, #tpu.memory_space<hbm>>) target(%arg15 : memref<128xi32, #tpu.memory_space<vmem>>) target_semaphore(%dma_start3A_72 : memref<!tpu.dma_semaphore, #tpu.memory_space<semaphore_mem>>)
      %add3A_75 = arith.constant 3 : i32
      %add3A_76 = arith.addi %mul3A_7, %add3A_75 : i32
      %mul3A_77 = arith.constant 128 : i32
      %mul3A_78 = arith.muli %add3A_76, %mul3A_77 : i32
      %dma_start3A_79 = arith.constant 0 : i32
      %dma_start3A_80 = arith.constant 3 : i32
      %dma_start3A_81 = tpu.memref_slice %arg4[%dma_start3A_79, %mul3A_78] : memref<2x160000xi32, #tpu.memory_space<hbm>> -> memref<1x128xi32, #tpu.memory_space<hbm>>
      %dma_start3A_82 = tpu.memref_squeeze %dma_start3A_81 : memref<1x128xi32, #tpu.memory_space<hbm>> -> memref<128xi32, #tpu.memory_space<hbm>>
      %dma_start3A_83 = tpu.memref_slice %arg23[%dma_start3A_80] : memref<6x!tpu.dma_semaphore, #tpu.memory_space<semaphore_mem>> -> memref<1x!tpu.dma_semaphore, #tpu.memory_space<semaphore_mem>>
      %dma_start3A_84 = tpu.memref_squeeze %dma_start3A_83 : memref<1x!tpu.dma_semaphore, #tpu.memory_space<semaphore_mem>> -> memref<!tpu.dma_semaphore, #tpu.memory_space<semaphore_mem>>
      %dma_start3A_85 = tpu.memref_slice %arg4[%dma_start3A_79, %mul3A_78] : memref<2x160000xi32, #tpu.memory_space<hbm>> -> memref<1x128xi32, #tpu.memory_space<hbm>>
      %dma_start3A_86 = tpu.memref_squeeze %dma_start3A_85 : memref<1x128xi32, #tpu.memory_space<hbm>> -> memref<128xi32, #tpu.memory_space<hbm>>
      tpu.enqueue_dma source(%dma_start3A_86 : memref<128xi32, #tpu.memory_space<hbm>>) target(%arg10 : memref<128xi32, #tpu.memory_space<vmem>>) target_semaphore(%dma_start3A_84 : memref<!tpu.dma_semaphore, #tpu.memory_space<semaphore_mem>>)
      %dma_start3A_87 = arith.constant 1 : i32
      %dma_start3A_88 = arith.constant 3 : i32
      %dma_start3A_89 = tpu.memref_slice %arg4[%dma_start3A_87, %mul3A_78] : memref<2x160000xi32, #tpu.memory_space<hbm>> -> memref<1x128xi32, #tpu.memory_space<hbm>>
      %dma_start3A_90 = tpu.memref_squeeze %dma_start3A_89 : memref<1x128xi32, #tpu.memory_space<hbm>> -> memref<128xi32, #tpu.memory_space<hbm>>
      %dma_start3A_91 = tpu.memref_slice %arg23[%dma_start3A_88] : memref<6x!tpu.dma_semaphore, #tpu.memory_space<semaphore_mem>> -> memref<1x!tpu.dma_semaphore, #tpu.memory_space<semaphore_mem>>
      %dma_start3A_92 = tpu.memref_squeeze %dma_start3A_91 : memref<1x!tpu.dma_semaphore, #tpu.memory_space<semaphore_mem>> -> memref<!tpu.dma_semaphore, #tpu.memory_space<semaphore_mem>>
      %dma_start3A_93 = tpu.memref_slice %arg4[%dma_start3A_87, %mul3A_78] : memref<2x160000xi32, #tpu.memory_space<hbm>> -> memref<1x128xi32, #tpu.memory_space<hbm>>
      %dma_start3A_94 = tpu.memref_squeeze %dma_start3A_93 : memref<1x128xi32, #tpu.memory_space<hbm>> -> memref<128xi32, #tpu.memory_space<hbm>>
      tpu.enqueue_dma source(%dma_start3A_94 : memref<128xi32, #tpu.memory_space<hbm>>) target(%arg16 : memref<128xi32, #tpu.memory_space<vmem>>) target_semaphore(%dma_start3A_92 : memref<!tpu.dma_semaphore, #tpu.memory_space<semaphore_mem>>)
      %add3A_95 = arith.constant 0 : i32
      %add3A_96 = arith.addi %mul3A_7, %add3A_95 : i32
      %mul3A_97 = arith.constant 128 : i32
      %mul3A_98 = arith.muli %add3A_96, %mul3A_97 : i32
      %dma_wait3A = arith.constant 0 : i32
      %dma_wait3A_99 = arith.constant 0 : i32
      %dma_wait3A_100 = tpu.memref_slice %arg4[%dma_wait3A, %mul3A_98] : memref<2x160000xi32, #tpu.memory_space<hbm>> -> memref<1x128xi32, #tpu.memory_space<hbm>>
      %dma_wait3A_101 = tpu.memref_squeeze %dma_wait3A_100 : memref<1x128xi32, #tpu.memory_space<hbm>> -> memref<128xi32, #tpu.memory_space<hbm>>
      %dma_wait3A_102 = tpu.memref_slice %arg23[%dma_wait3A_99] : memref<6x!tpu.dma_semaphore, #tpu.memory_space<semaphore_mem>> -> memref<1x!tpu.dma_semaphore, #tpu.memory_space<semaphore_mem>>
      %dma_wait3A_103 = tpu.memref_squeeze %dma_wait3A_102 : memref<1x!tpu.dma_semaphore, #tpu.memory_space<semaphore_mem>> -> memref<!tpu.dma_semaphore, #tpu.memory_space<semaphore_mem>>
      %dma_wait3A_104 = tpu.memref_slice %arg4[%dma_wait3A, %mul3A_98] : memref<2x160000xi32, #tpu.memory_space<hbm>> -> memref<1x128xi32, #tpu.memory_space<hbm>>
      %dma_wait3A_105 = tpu.memref_squeeze %dma_wait3A_104 : memref<1x128xi32, #tpu.memory_space<hbm>> -> memref<128xi32, #tpu.memory_space<hbm>>
      tpu.wait_dma2 semaphore(%dma_wait3A_103 : memref<!tpu.dma_semaphore, #tpu.memory_space<semaphore_mem>>) src(%dma_wait3A_105 : memref<128xi32, #tpu.memory_space<hbm>>) dst(%arg7 : memref<128xi32, #tpu.memory_space<vmem>>)
      %dma_wait3A_106 = arith.constant 1 : i32
      %dma_wait3A_107 = arith.constant 0 : i32
      %dma_wait3A_108 = tpu.memref_slice %arg4[%dma_wait3A_106, %mul3A_98] : memref<2x160000xi32, #tpu.memory_space<hbm>> -> memref<1x128xi32, #tpu.memory_space<hbm>>
      %dma_wait3A_109 = tpu.memref_squeeze %dma_wait3A_108 : memref<1x128xi32, #tpu.memory_space<hbm>> -> memref<128xi32, #tpu.memory_space<hbm>>
      %dma_wait3A_110 = tpu.memref_slice %arg23[%dma_wait3A_107] : memref<6x!tpu.dma_semaphore, #tpu.memory_space<semaphore_mem>> -> memref<1x!tpu.dma_semaphore, #tpu.memory_space<semaphore_mem>>
      %dma_wait3A_111 = tpu.memref_squeeze %dma_wait3A_110 : memref<1x!tpu.dma_semaphore, #tpu.memory_space<semaphore_mem>> -> memref<!tpu.dma_semaphore, #tpu.memory_space<semaphore_mem>>
      %dma_wait3A_112 = tpu.memref_slice %arg4[%dma_wait3A_106, %mul3A_98] : memref<2x160000xi32, #tpu.memory_space<hbm>> -> memref<1x128xi32, #tpu.memory_space<hbm>>
      %dma_wait3A_113 = tpu.memref_squeeze %dma_wait3A_112 : memref<1x128xi32, #tpu.memory_space<hbm>> -> memref<128xi32, #tpu.memory_space<hbm>>
      tpu.wait_dma2 semaphore(%dma_wait3A_111 : memref<!tpu.dma_semaphore, #tpu.memory_space<semaphore_mem>>) src(%dma_wait3A_113 : memref<128xi32, #tpu.memory_space<hbm>>) dst(%arg13 : memref<128xi32, #tpu.memory_space<vmem>>)
      %dma_start3A_114 = arith.constant 0 : i32
      %dma_start3A_115 = arith.constant 0 : i32
      %dma_start3A_116 = arith.constant 0 : i32
      %dma_start3A_117 = tpu.memref_slice %arg2[%dma_start3A_115, %dma_start3A_116] : memref<10000x128xf32, #tpu.memory_space<hbm>> -> memref<10000x128xf32, #tpu.memory_space<hbm>>
      %dma_start3A_118 = tpu.memref_slice %arg24[%dma_start3A_114] : memref<3x!tpu.dma_semaphore, #tpu.memory_space<semaphore_mem>> -> memref<1x!tpu.dma_semaphore, #tpu.memory_space<semaphore_mem>>
      %dma_start3A_119 = tpu.memref_squeeze %dma_start3A_118 : memref<1x!tpu.dma_semaphore, #tpu.memory_space<semaphore_mem>> -> memref<!tpu.dma_semaphore, #tpu.memory_space<semaphore_mem>>
      tpu.enqueue_indirect_dma source(%dma_start3A_117 : memref<10000x128xf32, #tpu.memory_space<hbm>>) target(%arg19 : memref<128x128xf32, #tpu.memory_space<vmem>>) offsets(%arg7 : memref<128xi32, #tpu.memory_space<vmem>>) semaphore(%dma_start3A_119 : memref<!tpu.dma_semaphore, #tpu.memory_space<semaphore_mem>>)
      %add3A_120 = arith.constant 1 : i32
      %add3A_121 = arith.addi %mul3A_7, %add3A_120 : i32
      %mul3A_122 = arith.constant 128 : i32
      %mul3A_123 = arith.muli %add3A_121, %mul3A_122 : i32
      %dma_wait3A_124 = arith.constant 0 : i32
      %dma_wait3A_125 = arith.constant 1 : i32
      %dma_wait3A_126 = tpu.memref_slice %arg4[%dma_wait3A_124, %mul3A_123] : memref<2x160000xi32, #tpu.memory_space<hbm>> -> memref<1x128xi32, #tpu.memory_space<hbm>>
      %dma_wait3A_127 = tpu.memref_squeeze %dma_wait3A_126 : memref<1x128xi32, #tpu.memory_space<hbm>> -> memref<128xi32, #tpu.memory_space<hbm>>
      %dma_wait3A_128 = tpu.memref_slice %arg23[%dma_wait3A_125] : memref<6x!tpu.dma_semaphore, #tpu.memory_space<semaphore_mem>> -> memref<1x!tpu.dma_semaphore, #tpu.memory_space<semaphore_mem>>
      %dma_wait3A_129 = tpu.memref_squeeze %dma_wait3A_128 : memref<1x!tpu.dma_semaphore, #tpu.memory_space<semaphore_mem>> -> memref<!tpu.dma_semaphore, #tpu.memory_space<semaphore_mem>>
      %dma_wait3A_130 = tpu.memref_slice %arg4[%dma_wait3A_124, %mul3A_123] : memref<2x160000xi32, #tpu.memory_space<hbm>> -> memref<1x128xi32, #tpu.memory_space<hbm>>
      %dma_wait3A_131 = tpu.memref_squeeze %dma_wait3A_130 : memref<1x128xi32, #tpu.memory_space<hbm>> -> memref<128xi32, #tpu.memory_space<hbm>>
      tpu.wait_dma2 semaphore(%dma_wait3A_129 : memref<!tpu.dma_semaphore, #tpu.memory_space<semaphore_mem>>) src(%dma_wait3A_131 : memref<128xi32, #tpu.memory_space<hbm>>) dst(%arg8 : memref<128xi32, #tpu.memory_space<vmem>>)
      %dma_wait3A_132 = arith.constant 1 : i32
      %dma_wait3A_133 = arith.constant 1 : i32
      %dma_wait3A_134 = tpu.memref_slice %arg4[%dma_wait3A_132, %mul3A_123] : memref<2x160000xi32, #tpu.memory_space<hbm>> -> memref<1x128xi32, #tpu.memory_space<hbm>>
      %dma_wait3A_135 = tpu.memref_squeeze %dma_wait3A_134 : memref<1x128xi32, #tpu.memory_space<hbm>> -> memref<128xi32, #tpu.memory_space<hbm>>
      %dma_wait3A_136 = tpu.memref_slice %arg23[%dma_wait3A_133] : memref<6x!tpu.dma_semaphore, #tpu.memory_space<semaphore_mem>> -> memref<1x!tpu.dma_semaphore, #tpu.memory_space<semaphore_mem>>
      %dma_wait3A_137 = tpu.memref_squeeze %dma_wait3A_136 : memref<1x!tpu.dma_semaphore, #tpu.memory_space<semaphore_mem>> -> memref<!tpu.dma_semaphore, #tpu.memory_space<semaphore_mem>>
      %dma_wait3A_138 = tpu.memref_slice %arg4[%dma_wait3A_132, %mul3A_123] : memref<2x160000xi32, #tpu.memory_space<hbm>> -> memref<1x128xi32, #tpu.memory_space<hbm>>
      %dma_wait3A_139 = tpu.memref_squeeze %dma_wait3A_138 : memref<1x128xi32, #tpu.memory_space<hbm>> -> memref<128xi32, #tpu.memory_space<hbm>>
      tpu.wait_dma2 semaphore(%dma_wait3A_137 : memref<!tpu.dma_semaphore, #tpu.memory_space<semaphore_mem>>) src(%dma_wait3A_139 : memref<128xi32, #tpu.memory_space<hbm>>) dst(%arg14 : memref<128xi32, #tpu.memory_space<vmem>>)
      %dma_start3A_140 = arith.constant 1 : i32
      %dma_start3A_141 = arith.constant 0 : i32
      %dma_start3A_142 = arith.constant 0 : i32
      %dma_start3A_143 = tpu.memref_slice %arg2[%dma_start3A_141, %dma_start3A_142] : memref<10000x128xf32, #tpu.memory_space<hbm>> -> memref<10000x128xf32, #tpu.memory_space<hbm>>
      %dma_start3A_144 = tpu.memref_slice %arg24[%dma_start3A_140] : memref<3x!tpu.dma_semaphore, #tpu.memory_space<semaphore_mem>> -> memref<1x!tpu.dma_semaphore, #tpu.memory_space<semaphore_mem>>
      %dma_start3A_145 = tpu.memref_squeeze %dma_start3A_144 : memref<1x!tpu.dma_semaphore, #tpu.memory_space<semaphore_mem>> -> memref<!tpu.dma_semaphore, #tpu.memory_space<semaphore_mem>>
      tpu.enqueue_indirect_dma source(%dma_start3A_143 : memref<10000x128xf32, #tpu.memory_space<hbm>>) target(%arg20 : memref<128x128xf32, #tpu.memory_space<vmem>>) offsets(%arg8 : memref<128xi32, #tpu.memory_space<vmem>>) semaphore(%dma_start3A_145 : memref<!tpu.dma_semaphore, #tpu.memory_space<semaphore_mem>>)
      %lt3A_146 = arith.constant 15 : i32
      %lt3A_147 = arith.cmpi slt, %arg1, %lt3A_146 : i32
      %convert_element_type3A_148 = arith.extui %lt3A_147 : i1 to i32
      %cond3A_149 = arith.constant 0 : i32
      %cond3A_150 = arith.cmpi ne, %convert_element_type3A_148, %cond3A_149 : i32
      scf.if %cond3A_150 {
        %mul3A_194 = arith.constant 632 : i32
        %mul3A_195 = arith.muli %arg1, %mul3A_194 : i32
        %mul3A_196 = arith.constant 632 : i32
        %mul3A_197 = arith.muli %arg1, %mul3A_196 : i32
        %dma_wait3A_198 = arith.constant 0 : i32
        %dma_wait3A_199 = tpu.memref_slice %arg26[%mul3A_197, %dma_wait3A_198] : memref<10000x128xf32, #tpu.memory_space<vmem_shared>> -> memref<632x128xf32, #tpu.memory_space<vmem_shared>>
        %dma_wait3A_200 = arith.constant 0 : i32
        %dma_wait3A_201 = tpu.memref_slice %arg2[%mul3A_195, %dma_wait3A_200] : memref<10000x128xf32, #tpu.memory_space<hbm>> -> memref<632x128xf32, #tpu.memory_space<hbm>>
        tpu.wait_dma2 semaphore(%arg22 : memref<!tpu.dma_semaphore, #tpu.memory_space<semaphore_mem>>) src(%dma_wait3A_201 : memref<632x128xf32, #tpu.memory_space<hbm>>) dst(%dma_wait3A_199 : memref<632x128xf32, #tpu.memory_space<vmem_shared>>)
      } else {
      }
      %eq3A_151 = arith.constant 15 : i32
      %eq3A_152 = arith.cmpi eq, %arg1, %eq3A_151 : i32
      %convert_element_type3A_153 = arith.extui %eq3A_152 : i1 to i32
      %cond3A_154 = arith.constant 0 : i32
      %cond3A_155 = arith.cmpi ne, %convert_element_type3A_153, %cond3A_154 : i32
      scf.if %cond3A_155 {
        %dma_wait3A_194 = arith.constant 9480 : i32
        %dma_wait3A_195 = arith.constant 0 : i32
        %dma_wait3A_196 = tpu.memref_slice %arg26[%dma_wait3A_194, %dma_wait3A_195] : memref<10000x128xf32, #tpu.memory_space<vmem_shared>> -> memref<520x128xf32, #tpu.memory_space<vmem_shared>>
        %dma_wait3A_197 = arith.constant 9480 : i32
        %dma_wait3A_198 = arith.constant 0 : i32
        %dma_wait3A_199 = tpu.memref_slice %arg2[%dma_wait3A_197, %dma_wait3A_198] : memref<10000x128xf32, #tpu.memory_space<hbm>> -> memref<520x128xf32, #tpu.memory_space<hbm>>
        tpu.wait_dma2 semaphore(%arg22 : memref<!tpu.dma_semaphore, #tpu.memory_space<semaphore_mem>>) src(%dma_wait3A_199 : memref<520x128xf32, #tpu.memory_space<hbm>>) dst(%dma_wait3A_196 : memref<520x128xf32, #tpu.memory_space<vmem_shared>>)
      } else {
      }
      %barrier3A = arith.constant 0 : index
      tpu.barrier barrier_id(%barrier3A)
      %scan3A = arith.constant 0 : i32
      %scan3A_156 = arith.constant 13 : i32
      %scan3A_157 = arith.addi %scan3A, %scan3A_156 : i32
      %scan3A_158 = arith.constant 1 : i32
      scf.for %scan3A_194 = %scan3A to %scan3A_157 step %scan3A_158  : i32 {
        %mul3A_195 = arith.constant 6 : i32
        %mul3A_196 = arith.muli %scan3A_194, %mul3A_195 : i32
        %add3A_197 = arith.constant 0 : i32
        %add3A_198 = arith.addi %add3A_197, %mul3A_196 : i32
        %add3A_199 = arith.constant 0 : i32
        %add3A_200 = arith.addi %add3A_198, %add3A_199 : i32
        %dma_wait3A_201 = arith.constant 0 : i32
        %dma_wait3A_202 = arith.constant 0 : i32
        %dma_wait3A_203 = arith.constant 0 : i32
        %dma_wait3A_204 = tpu.memref_slice %arg2[%dma_wait3A_202, %dma_wait3A_203] : memref<10000x128xf32, #tpu.memory_space<hbm>> -> memref<10000x128xf32, #tpu.memory_space<hbm>>
        %dma_wait3A_205 = tpu.memref_slice %arg24[%dma_wait3A_201] : memref<3x!tpu.dma_semaphore, #tpu.memory_space<semaphore_mem>> -> memref<1x!tpu.dma_semaphore, #tpu.memory_space<semaphore_mem>>
        %dma_wait3A_206 = tpu.memref_squeeze %dma_wait3A_205 : memref<1x!tpu.dma_semaphore, #tpu.memory_space<semaphore_mem>> -> memref<!tpu.dma_semaphore, #tpu.memory_space<semaphore_mem>>
        tpu.wait_indirect_dma semaphore(%dma_wait3A_206 : memref<!tpu.dma_semaphore, #tpu.memory_space<semaphore_mem>>) src(%dma_wait3A_204 : memref<10000x128xf32, #tpu.memory_space<hbm>>) dst(%arg19 : memref<128x128xf32, #tpu.memory_space<vmem>>)
        %dma_start3A_207 = arith.constant 0 : i32
        %dma_start3A_208 = arith.constant 0 : i32
        %dma_start3A_209 = arith.constant 0 : i32
        %dma_start3A_210 = tpu.memref_slice %arg26[%dma_start3A_208, %dma_start3A_209] : memref<10000x128xf32, #tpu.memory_space<vmem_shared>> -> memref<10000x128xf32, #tpu.memory_space<vmem_shared>>
        %dma_start3A_211 = tpu.memref_slice %arg25[%dma_start3A_207] : memref<3x!tpu.dma_semaphore, #tpu.memory_space<semaphore_mem>> -> memref<1x!tpu.dma_semaphore, #tpu.memory_space<semaphore_mem>>
        %dma_start3A_212 = tpu.memref_squeeze %dma_start3A_211 : memref<1x!tpu.dma_semaphore, #tpu.memory_space<semaphore_mem>> -> memref<!tpu.dma_semaphore, #tpu.memory_space<semaphore_mem>>
        tpu.enqueue_indirect_dma source(%arg19 : memref<128x128xf32, #tpu.memory_space<vmem>>) target(%dma_start3A_210 : memref<10000x128xf32, #tpu.memory_space<vmem_shared>>) offsets(%arg13 : memref<128xi32, #tpu.memory_space<vmem>>) semaphore(%dma_start3A_212 : memref<!tpu.dma_semaphore, #tpu.memory_space<semaphore_mem>>) {add = true}
        %add3A_213 = arith.constant 2 : i32
        %add3A_214 = arith.addi %add3A_200, %add3A_213 : i32
        %lt3A_215 = arith.constant 78 : i32
        %lt3A_216 = arith.cmpi slt, %add3A_214, %lt3A_215 : i32
        %convert_element_type3A_217 = arith.extui %lt3A_216 : i1 to i32
        %cond3A_218 = arith.constant 0 : i32
        %cond3A_219 = arith.cmpi ne, %convert_element_type3A_217, %cond3A_218 : i32
        scf.if %cond3A_219 {
          %add3A_367 = arith.constant 2 : i32
          %add3A_368 = arith.addi %add3A_200, %add3A_367 : i32
          %add3A_369 = arith.addi %mul3A_7, %add3A_368 : i32
          %mul3A_370 = arith.constant 128 : i32
          %mul3A_371 = arith.muli %add3A_369, %mul3A_370 : i32
          %dma_wait3A_372 = arith.constant 0 : i32
          %dma_wait3A_373 = arith.constant 2 : i32
          %dma_wait3A_374 = tpu.memref_slice %arg4[%dma_wait3A_372, %mul3A_371] : memref<2x160000xi32, #tpu.memory_space<hbm>> -> memref<1x128xi32, #tpu.memory_space<hbm>>
          %dma_wait3A_375 = tpu.memref_squeeze %dma_wait3A_374 : memref<1x128xi32, #tpu.memory_space<hbm>> -> memref<128xi32, #tpu.memory_space<hbm>>
          %dma_wait3A_376 = tpu.memref_slice %arg23[%dma_wait3A_373] : memref<6x!tpu.dma_semaphore, #tpu.memory_space<semaphore_mem>> -> memref<1x!tpu.dma_semaphore, #tpu.memory_space<semaphore_mem>>
          %dma_wait3A_377 = tpu.memref_squeeze %dma_wait3A_376 : memref<1x!tpu.dma_semaphore, #tpu.memory_space<semaphore_mem>> -> memref<!tpu.dma_semaphore, #tpu.memory_space<semaphore_mem>>
          %dma_wait3A_378 = tpu.memref_slice %arg4[%dma_wait3A_372, %mul3A_371] : memref<2x160000xi32, #tpu.memory_space<hbm>> -> memref<1x128xi32, #tpu.memory_space<hbm>>
          %dma_wait3A_379 = tpu.memref_squeeze %dma_wait3A_378 : memref<1x128xi32, #tpu.memory_space<hbm>> -> memref<128xi32, #tpu.memory_space<hbm>>
          tpu.wait_dma2 semaphore(%dma_wait3A_377 : memref<!tpu.dma_semaphore, #tpu.memory_space<semaphore_mem>>) src(%dma_wait3A_379 : memref<128xi32, #tpu.memory_space<hbm>>) dst(%arg9 : memref<128xi32, #tpu.memory_space<vmem>>)
          %dma_wait3A_380 = arith.constant 1 : i32
          %dma_wait3A_381 = arith.constant 2 : i32
          %dma_wait3A_382 = tpu.memref_slice %arg4[%dma_wait3A_380, %mul3A_371] : memref<2x160000xi32, #tpu.memory_space<hbm>> -> memref<1x128xi32, #tpu.memory_space<hbm>>
          %dma_wait3A_383 = tpu.memref_squeeze %dma_wait3A_382 : memref<1x128xi32, #tpu.memory_space<hbm>> -> memref<128xi32, #tpu.memory_space<hbm>>
          %dma_wait3A_384 = tpu.memref_slice %arg23[%dma_wait3A_381] : memref<6x!tpu.dma_semaphore, #tpu.memory_space<semaphore_mem>> -> memref<1x!tpu.dma_semaphore, #tpu.memory_space<semaphore_mem>>
          %dma_wait3A_385 = tpu.memref_squeeze %dma_wait3A_384 : memref<1x!tpu.dma_semaphore, #tpu.memory_space<semaphore_mem>> -> memref<!tpu.dma_semaphore, #tpu.memory_space<semaphore_mem>>
          %dma_wait3A_386 = tpu.memref_slice %arg4[%dma_wait3A_380, %mul3A_371] : memref<2x160000xi32, #tpu.memory_space<hbm>> -> memref<1x128xi32, #tpu.memory_space<hbm>>
          %dma_wait3A_387 = tpu.memref_squeeze %dma_wait3A_386 : memref<1x128xi32, #tpu.memory_space<hbm>> -> memref<128xi32, #tpu.memory_space<hbm>>
          tpu.wait_dma2 semaphore(%dma_wait3A_385 : memref<!tpu.dma_semaphore, #tpu.memory_space<semaphore_mem>>) src(%dma_wait3A_387 : memref<128xi32, #tpu.memory_space<hbm>>) dst(%arg15 : memref<128xi32, #tpu.memory_space<vmem>>)
          %ge3A = arith.constant 1 : i32
          %ge3A_388 = arith.cmpi sge, %add3A_200, %ge3A : i32
          %convert_element_type3A_389 = arith.extui %ge3A_388 : i1 to i32
          %cond3A_390 = arith.constant 0 : i32
          %cond3A_391 = arith.cmpi ne, %convert_element_type3A_389, %cond3A_390 : i32
          scf.if %cond3A_391 {
            %dma_wait3A_398 = arith.constant 2 : i32
            %dma_wait3A_399 = arith.constant 0 : i32
            %dma_wait3A_400 = arith.constant 0 : i32
            %dma_wait3A_401 = tpu.memref_slice %arg26[%dma_wait3A_399, %dma_wait3A_400] : memref<10000x128xf32, #tpu.memory_space<vmem_shared>> -> memref<10000x128xf32, #tpu.memory_space<vmem_shared>>
            %dma_wait3A_402 = tpu.memref_slice %arg25[%dma_wait3A_398] : memref<3x!tpu.dma_semaphore, #tpu.memory_space<semaphore_mem>> -> memref<1x!tpu.dma_semaphore, #tpu.memory_space<semaphore_mem>>
            %dma_wait3A_403 = tpu.memref_squeeze %dma_wait3A_402 : memref<1x!tpu.dma_semaphore, #tpu.memory_space<semaphore_mem>> -> memref<!tpu.dma_semaphore, #tpu.memory_space<semaphore_mem>>
            tpu.wait_indirect_dma semaphore(%dma_wait3A_403 : memref<!tpu.dma_semaphore, #tpu.memory_space<semaphore_mem>>) src(%arg21 : memref<128x128xf32, #tpu.memory_space<vmem>>) dst(%dma_wait3A_401 : memref<10000x128xf32, #tpu.memory_space<vmem_shared>>)
          } else {
          }
          %dma_start3A_392 = arith.constant 2 : i32
          %dma_start3A_393 = arith.constant 0 : i32
          %dma_start3A_394 = arith.constant 0 : i32
          %dma_start3A_395 = tpu.memref_slice %arg2[%dma_start3A_393, %dma_start3A_394] : memref<10000x128xf32, #tpu.memory_space<hbm>> -> memref<10000x128xf32, #tpu.memory_space<hbm>>
          %dma_start3A_396 = tpu.memref_slice %arg24[%dma_start3A_392] : memref<3x!tpu.dma_semaphore, #tpu.memory_space<semaphore_mem>> -> memref<1x!tpu.dma_semaphore, #tpu.memory_space<semaphore_mem>>
          %dma_start3A_397 = tpu.memref_squeeze %dma_start3A_396 : memref<1x!tpu.dma_semaphore, #tpu.memory_space<semaphore_mem>> -> memref<!tpu.dma_semaphore, #tpu.memory_space<semaphore_mem>>
          tpu.enqueue_indirect_dma source(%dma_start3A_395 : memref<10000x128xf32, #tpu.memory_space<hbm>>) target(%arg21 : memref<128x128xf32, #tpu.memory_space<vmem>>) offsets(%arg9 : memref<128xi32, #tpu.memory_space<vmem>>) semaphore(%dma_start3A_397 : memref<!tpu.dma_semaphore, #tpu.memory_space<semaphore_mem>>)
        } else {
        }
        %add3A_220 = arith.constant 4 : i32
        %add3A_221 = arith.addi %add3A_200, %add3A_220 : i32
        %lt3A_222 = arith.constant 78 : i32
        %lt3A_223 = arith.cmpi slt, %add3A_221, %lt3A_222 : i32
        %convert_element_type3A_224 = arith.extui %lt3A_223 : i1 to i32
        %cond3A_225 = arith.constant 0 : i32
        %cond3A_226 = arith.cmpi ne, %convert_element_type3A_224, %cond3A_225 : i32
        scf.if %cond3A_226 {
          %add3A_367 = arith.constant 4 : i32
          %add3A_368 = arith.addi %add3A_200, %add3A_367 : i32
          %add3A_369 = arith.addi %mul3A_7, %add3A_368 : i32
          %mul3A_370 = arith.constant 128 : i32
          %mul3A_371 = arith.muli %add3A_369, %mul3A_370 : i32
          %dma_start3A_372 = arith.constant 0 : i32
          %dma_start3A_373 = arith.constant 4 : i32
          %dma_start3A_374 = tpu.memref_slice %arg4[%dma_start3A_372, %mul3A_371] : memref<2x160000xi32, #tpu.memory_space<hbm>> -> memref<1x128xi32, #tpu.memory_space<hbm>>
          %dma_start3A_375 = tpu.memref_squeeze %dma_start3A_374 : memref<1x128xi32, #tpu.memory_space<hbm>> -> memref<128xi32, #tpu.memory_space<hbm>>
          %dma_start3A_376 = tpu.memref_slice %arg23[%dma_start3A_373] : memref<6x!tpu.dma_semaphore, #tpu.memory_space<semaphore_mem>> -> memref<1x!tpu.dma_semaphore, #tpu.memory_space<semaphore_mem>>
          %dma_start3A_377 = tpu.memref_squeeze %dma_start3A_376 : memref<1x!tpu.dma_semaphore, #tpu.memory_space<semaphore_mem>> -> memref<!tpu.dma_semaphore, #tpu.memory_space<semaphore_mem>>
          %dma_start3A_378 = tpu.memref_slice %arg4[%dma_start3A_372, %mul3A_371] : memref<2x160000xi32, #tpu.memory_space<hbm>> -> memref<1x128xi32, #tpu.memory_space<hbm>>
          %dma_start3A_379 = tpu.memref_squeeze %dma_start3A_378 : memref<1x128xi32, #tpu.memory_space<hbm>> -> memref<128xi32, #tpu.memory_space<hbm>>
          tpu.enqueue_dma source(%dma_start3A_379 : memref<128xi32, #tpu.memory_space<hbm>>) target(%arg11 : memref<128xi32, #tpu.memory_space<vmem>>) target_semaphore(%dma_start3A_377 : memref<!tpu.dma_semaphore, #tpu.memory_space<semaphore_mem>>)
          %dma_start3A_380 = arith.constant 1 : i32
          %dma_start3A_381 = arith.constant 4 : i32
          %dma_start3A_382 = tpu.memref_slice %arg4[%dma_start3A_380, %mul3A_371] : memref<2x160000xi32, #tpu.memory_space<hbm>> -> memref<1x128xi32, #tpu.memory_space<hbm>>
          %dma_start3A_383 = tpu.memref_squeeze %dma_start3A_382 : memref<1x128xi32, #tpu.memory_space<hbm>> -> memref<128xi32, #tpu.memory_space<hbm>>
          %dma_start3A_384 = tpu.memref_slice %arg23[%dma_start3A_381] : memref<6x!tpu.dma_semaphore, #tpu.memory_space<semaphore_mem>> -> memref<1x!tpu.dma_semaphore, #tpu.memory_space<semaphore_mem>>
          %dma_start3A_385 = tpu.memref_squeeze %dma_start3A_384 : memref<1x!tpu.dma_semaphore, #tpu.memory_space<semaphore_mem>> -> memref<!tpu.dma_semaphore, #tpu.memory_space<semaphore_mem>>
          %dma_start3A_386 = tpu.memref_slice %arg4[%dma_start3A_380, %mul3A_371] : memref<2x160000xi32, #tpu.memory_space<hbm>> -> memref<1x128xi32, #tpu.memory_space<hbm>>
          %dma_start3A_387 = tpu.memref_squeeze %dma_start3A_386 : memref<1x128xi32, #tpu.memory_space<hbm>> -> memref<128xi32, #tpu.memory_space<hbm>>
          tpu.enqueue_dma source(%dma_start3A_387 : memref<128xi32, #tpu.memory_space<hbm>>) target(%arg17 : memref<128xi32, #tpu.memory_space<vmem>>) target_semaphore(%dma_start3A_385 : memref<!tpu.dma_semaphore, #tpu.memory_space<semaphore_mem>>)
        } else {
        }
        %add3A_227 = arith.constant 1 : i32
        %add3A_228 = arith.addi %add3A_198, %add3A_227 : i32
        %dma_wait3A_229 = arith.constant 1 : i32
        %dma_wait3A_230 = arith.constant 0 : i32
        %dma_wait3A_231 = arith.constant 0 : i32
        %dma_wait3A_232 = tpu.memref_slice %arg2[%dma_wait3A_230, %dma_wait3A_231] : memref<10000x128xf32, #tpu.memory_space<hbm>> -> memref<10000x128xf32, #tpu.memory_space<hbm>>
        %dma_wait3A_233 = tpu.memref_slice %arg24[%dma_wait3A_229] : memref<3x!tpu.dma_semaphore, #tpu.memory_space<semaphore_mem>> -> memref<1x!tpu.dma_semaphore, #tpu.memory_space<semaphore_mem>>
        %dma_wait3A_234 = tpu.memref_squeeze %dma_wait3A_233 : memref<1x!tpu.dma_semaphore, #tpu.memory_space<semaphore_mem>> -> memref<!tpu.dma_semaphore, #tpu.memory_space<semaphore_mem>>
        tpu.wait_indirect_dma semaphore(%dma_wait3A_234 : memref<!tpu.dma_semaphore, #tpu.memory_space<semaphore_mem>>) src(%dma_wait3A_232 : memref<10000x128xf32, #tpu.memory_space<hbm>>) dst(%arg20 : memref<128x128xf32, #tpu.memory_space<vmem>>)
        %dma_start3A_235 = arith.constant 1 : i32
        %dma_start3A_236 = arith.constant 0 : i32
        %dma_start3A_237 = arith.constant 0 : i32
        %dma_start3A_238 = tpu.memref_slice %arg26[%dma_start3A_236, %dma_start3A_237] : memref<10000x128xf32, #tpu.memory_space<vmem_shared>> -> memref<10000x128xf32, #tpu.memory_space<vmem_shared>>
        %dma_start3A_239 = tpu.memref_slice %arg25[%dma_start3A_235] : memref<3x!tpu.dma_semaphore, #tpu.memory_space<semaphore_mem>> -> memref<1x!tpu.dma_semaphore, #tpu.memory_space<semaphore_mem>>
        %dma_start3A_240 = tpu.memref_squeeze %dma_start3A_239 : memref<1x!tpu.dma_semaphore, #tpu.memory_space<semaphore_mem>> -> memref<!tpu.dma_semaphore, #tpu.memory_space<semaphore_mem>>
        tpu.enqueue_indirect_dma source(%arg20 : memref<128x128xf32, #tpu.memory_space<vmem>>) target(%dma_start3A_238 : memref<10000x128xf32, #tpu.memory_space<vmem_shared>>) offsets(%arg14 : memref<128xi32, #tpu.memory_space<vmem>>) semaphore(%dma_start3A_240 : memref<!tpu.dma_semaphore, #tpu.memory_space<semaphore_mem>>) {add = true}
        %add3A_241 = arith.constant 2 : i32
        %add3A_242 = arith.addi %add3A_228, %add3A_241 : i32
        %lt3A_243 = arith.constant 78 : i32
        %lt3A_244 = arith.cmpi slt, %add3A_242, %lt3A_243 : i32
        %convert_element_type3A_245 = arith.extui %lt3A_244 : i1 to i32
        %cond3A_246 = arith.constant 0 : i32
        %cond3A_247 = arith.cmpi ne, %convert_element_type3A_245, %cond3A_246 : i32
        scf.if %cond3A_247 {
          %add3A_367 = arith.constant 2 : i32
          %add3A_368 = arith.addi %add3A_228, %add3A_367 : i32
          %add3A_369 = arith.addi %mul3A_7, %add3A_368 : i32
          %mul3A_370 = arith.constant 128 : i32
          %mul3A_371 = arith.muli %add3A_369, %mul3A_370 : i32
          %dma_wait3A_372 = arith.constant 0 : i32
          %dma_wait3A_373 = arith.constant 3 : i32
          %dma_wait3A_374 = tpu.memref_slice %arg4[%dma_wait3A_372, %mul3A_371] : memref<2x160000xi32, #tpu.memory_space<hbm>> -> memref<1x128xi32, #tpu.memory_space<hbm>>
          %dma_wait3A_375 = tpu.memref_squeeze %dma_wait3A_374 : memref<1x128xi32, #tpu.memory_space<hbm>> -> memref<128xi32, #tpu.memory_space<hbm>>
          %dma_wait3A_376 = tpu.memref_slice %arg23[%dma_wait3A_373] : memref<6x!tpu.dma_semaphore, #tpu.memory_space<semaphore_mem>> -> memref<1x!tpu.dma_semaphore, #tpu.memory_space<semaphore_mem>>
          %dma_wait3A_377 = tpu.memref_squeeze %dma_wait3A_376 : memref<1x!tpu.dma_semaphore, #tpu.memory_space<semaphore_mem>> -> memref<!tpu.dma_semaphore, #tpu.memory_space<semaphore_mem>>
          %dma_wait3A_378 = tpu.memref_slice %arg4[%dma_wait3A_372, %mul3A_371] : memref<2x160000xi32, #tpu.memory_space<hbm>> -> memref<1x128xi32, #tpu.memory_space<hbm>>
          %dma_wait3A_379 = tpu.memref_squeeze %dma_wait3A_378 : memref<1x128xi32, #tpu.memory_space<hbm>> -> memref<128xi32, #tpu.memory_space<hbm>>
          tpu.wait_dma2 semaphore(%dma_wait3A_377 : memref<!tpu.dma_semaphore, #tpu.memory_space<semaphore_mem>>) src(%dma_wait3A_379 : memref<128xi32, #tpu.memory_space<hbm>>) dst(%arg10 : memref<128xi32, #tpu.memory_space<vmem>>)
          %dma_wait3A_380 = arith.constant 1 : i32
          %dma_wait3A_381 = arith.constant 3 : i32
          %dma_wait3A_382 = tpu.memref_slice %arg4[%dma_wait3A_380, %mul3A_371] : memref<2x160000xi32, #tpu.memory_space<hbm>> -> memref<1x128xi32, #tpu.memory_space<hbm>>
          %dma_wait3A_383 = tpu.memref_squeeze %dma_wait3A_382 : memref<1x128xi32, #tpu.memory_space<hbm>> -> memref<128xi32, #tpu.memory_space<hbm>>
          %dma_wait3A_384 = tpu.memref_slice %arg23[%dma_wait3A_381] : memref<6x!tpu.dma_semaphore, #tpu.memory_space<semaphore_mem>> -> memref<1x!tpu.dma_semaphore, #tpu.memory_space<semaphore_mem>>
          %dma_wait3A_385 = tpu.memref_squeeze %dma_wait3A_384 : memref<1x!tpu.dma_semaphore, #tpu.memory_space<semaphore_mem>> -> memref<!tpu.dma_semaphore, #tpu.memory_space<semaphore_mem>>
          %dma_wait3A_386 = tpu.memref_slice %arg4[%dma_wait3A_380, %mul3A_371] : memref<2x160000xi32, #tpu.memory_space<hbm>> -> memref<1x128xi32, #tpu.memory_space<hbm>>
          %dma_wait3A_387 = tpu.memref_squeeze %dma_wait3A_386 : memref<1x128xi32, #tpu.memory_space<hbm>> -> memref<128xi32, #tpu.memory_space<hbm>>
          tpu.wait_dma2 semaphore(%dma_wait3A_385 : memref<!tpu.dma_semaphore, #tpu.memory_space<semaphore_mem>>) src(%dma_wait3A_387 : memref<128xi32, #tpu.memory_space<hbm>>) dst(%arg16 : memref<128xi32, #tpu.memory_space<vmem>>)
          %ge3A = arith.constant 1 : i32
          %ge3A_388 = arith.cmpi sge, %add3A_228, %ge3A : i32
          %convert_element_type3A_389 = arith.extui %ge3A_388 : i1 to i32
          %cond3A_390 = arith.constant 0 : i32
          %cond3A_391 = arith.cmpi ne, %convert_element_type3A_389, %cond3A_390 : i32
          scf.if %cond3A_391 {
            %dma_wait3A_398 = arith.constant 0 : i32
            %dma_wait3A_399 = arith.constant 0 : i32
            %dma_wait3A_400 = arith.constant 0 : i32
            %dma_wait3A_401 = tpu.memref_slice %arg26[%dma_wait3A_399, %dma_wait3A_400] : memref<10000x128xf32, #tpu.memory_space<vmem_shared>> -> memref<10000x128xf32, #tpu.memory_space<vmem_shared>>
            %dma_wait3A_402 = tpu.memref_slice %arg25[%dma_wait3A_398] : memref<3x!tpu.dma_semaphore, #tpu.memory_space<semaphore_mem>> -> memref<1x!tpu.dma_semaphore, #tpu.memory_space<semaphore_mem>>
            %dma_wait3A_403 = tpu.memref_squeeze %dma_wait3A_402 : memref<1x!tpu.dma_semaphore, #tpu.memory_space<semaphore_mem>> -> memref<!tpu.dma_semaphore, #tpu.memory_space<semaphore_mem>>
            tpu.wait_indirect_dma semaphore(%dma_wait3A_403 : memref<!tpu.dma_semaphore, #tpu.memory_space<semaphore_mem>>) src(%arg19 : memref<128x128xf32, #tpu.memory_space<vmem>>) dst(%dma_wait3A_401 : memref<10000x128xf32, #tpu.memory_space<vmem_shared>>)
          } else {
          }
          %dma_start3A_392 = arith.constant 0 : i32
          %dma_start3A_393 = arith.constant 0 : i32
          %dma_start3A_394 = arith.constant 0 : i32
          %dma_start3A_395 = tpu.memref_slice %arg2[%dma_start3A_393, %dma_start3A_394] : memref<10000x128xf32, #tpu.memory_space<hbm>> -> memref<10000x128xf32, #tpu.memory_space<hbm>>
          %dma_start3A_396 = tpu.memref_slice %arg24[%dma_start3A_392] : memref<3x!tpu.dma_semaphore, #tpu.memory_space<semaphore_mem>> -> memref<1x!tpu.dma_semaphore, #tpu.memory_space<semaphore_mem>>
          %dma_start3A_397 = tpu.memref_squeeze %dma_start3A_396 : memref<1x!tpu.dma_semaphore, #tpu.memory_space<semaphore_mem>> -> memref<!tpu.dma_semaphore, #tpu.memory_space<semaphore_mem>>
          tpu.enqueue_indirect_dma source(%dma_start3A_395 : memref<10000x128xf32, #tpu.memory_space<hbm>>) target(%arg19 : memref<128x128xf32, #tpu.memory_space<vmem>>) offsets(%arg10 : memref<128xi32, #tpu.memory_space<vmem>>) semaphore(%dma_start3A_397 : memref<!tpu.dma_semaphore, #tpu.memory_space<semaphore_mem>>)
        } else {
        }
        %add3A_248 = arith.constant 4 : i32
        %add3A_249 = arith.addi %add3A_228, %add3A_248 : i32
        %lt3A_250 = arith.constant 78 : i32
        %lt3A_251 = arith.cmpi slt, %add3A_249, %lt3A_250 : i32
        %convert_element_type3A_252 = arith.extui %lt3A_251 : i1 to i32
        %cond3A_253 = arith.constant 0 : i32
        %cond3A_254 = arith.cmpi ne, %convert_element_type3A_252, %cond3A_253 : i32
        scf.if %cond3A_254 {
          %add3A_367 = arith.constant 4 : i32
          %add3A_368 = arith.addi %add3A_228, %add3A_367 : i32
          %add3A_369 = arith.addi %mul3A_7, %add3A_368 : i32
          %mul3A_370 = arith.constant 128 : i32
          %mul3A_371 = arith.muli %add3A_369, %mul3A_370 : i32
          %dma_start3A_372 = arith.constant 0 : i32
          %dma_start3A_373 = arith.constant 5 : i32
          %dma_start3A_374 = tpu.memref_slice %arg4[%dma_start3A_372, %mul3A_371] : memref<2x160000xi32, #tpu.memory_space<hbm>> -> memref<1x128xi32, #tpu.memory_space<hbm>>
          %dma_start3A_375 = tpu.memref_squeeze %dma_start3A_374 : memref<1x128xi32, #tpu.memory_space<hbm>> -> memref<128xi32, #tpu.memory_space<hbm>>
          %dma_start3A_376 = tpu.memref_slice %arg23[%dma_start3A_373] : memref<6x!tpu.dma_semaphore, #tpu.memory_space<semaphore_mem>> -> memref<1x!tpu.dma_semaphore, #tpu.memory_space<semaphore_mem>>
          %dma_start3A_377 = tpu.memref_squeeze %dma_start3A_376 : memref<1x!tpu.dma_semaphore, #tpu.memory_space<semaphore_mem>> -> memref<!tpu.dma_semaphore, #tpu.memory_space<semaphore_mem>>
          %dma_start3A_378 = tpu.memref_slice %arg4[%dma_start3A_372, %mul3A_371] : memref<2x160000xi32, #tpu.memory_space<hbm>> -> memref<1x128xi32, #tpu.memory_space<hbm>>
          %dma_start3A_379 = tpu.memref_squeeze %dma_start3A_378 : memref<1x128xi32, #tpu.memory_space<hbm>> -> memref<128xi32, #tpu.memory_space<hbm>>
          tpu.enqueue_dma source(%dma_start3A_379 : memref<128xi32, #tpu.memory_space<hbm>>) target(%arg12 : memref<128xi32, #tpu.memory_space<vmem>>) target_semaphore(%dma_start3A_377 : memref<!tpu.dma_semaphore, #tpu.memory_space<semaphore_mem>>)
          %dma_start3A_380 = arith.constant 1 : i32
          %dma_start3A_381 = arith.constant 5 : i32
          %dma_start3A_382 = tpu.memref_slice %arg4[%dma_start3A_380, %mul3A_371] : memref<2x160000xi32, #tpu.memory_space<hbm>> -> memref<1x128xi32, #tpu.memory_space<hbm>>
          %dma_start3A_383 = tpu.memref_squeeze %dma_start3A_382 : memref<1x128xi32, #tpu.memory_space<hbm>> -> memref<128xi32, #tpu.memory_space<hbm>>
          %dma_start3A_384 = tpu.memref_slice %arg23[%dma_start3A_381] : memref<6x!tpu.dma_semaphore, #tpu.memory_space<semaphore_mem>> -> memref<1x!tpu.dma_semaphore, #tpu.memory_space<semaphore_mem>>
          %dma_start3A_385 = tpu.memref_squeeze %dma_start3A_384 : memref<1x!tpu.dma_semaphore, #tpu.memory_space<semaphore_mem>> -> memref<!tpu.dma_semaphore, #tpu.memory_space<semaphore_mem>>
          %dma_start3A_386 = tpu.memref_slice %arg4[%dma_start3A_380, %mul3A_371] : memref<2x160000xi32, #tpu.memory_space<hbm>> -> memref<1x128xi32, #tpu.memory_space<hbm>>
          %dma_start3A_387 = tpu.memref_squeeze %dma_start3A_386 : memref<1x128xi32, #tpu.memory_space<hbm>> -> memref<128xi32, #tpu.memory_space<hbm>>
          tpu.enqueue_dma source(%dma_start3A_387 : memref<128xi32, #tpu.memory_space<hbm>>) target(%arg18 : memref<128xi32, #tpu.memory_space<vmem>>) target_semaphore(%dma_start3A_385 : memref<!tpu.dma_semaphore, #tpu.memory_space<semaphore_mem>>)
        } else {
        }
        %add3A_255 = arith.constant 2 : i32
        %add3A_256 = arith.addi %add3A_198, %add3A_255 : i32
        %dma_wait3A_257 = arith.constant 2 : i32
        %dma_wait3A_258 = arith.constant 0 : i32
        %dma_wait3A_259 = arith.constant 0 : i32
        %dma_wait3A_260 = tpu.memref_slice %arg2[%dma_wait3A_258, %dma_wait3A_259] : memref<10000x128xf32, #tpu.memory_space<hbm>> -> memref<10000x128xf32, #tpu.memory_space<hbm>>
        %dma_wait3A_261 = tpu.memref_slice %arg24[%dma_wait3A_257] : memref<3x!tpu.dma_semaphore, #tpu.memory_space<semaphore_mem>> -> memref<1x!tpu.dma_semaphore, #tpu.memory_space<semaphore_mem>>
        %dma_wait3A_262 = tpu.memref_squeeze %dma_wait3A_261 : memref<1x!tpu.dma_semaphore, #tpu.memory_space<semaphore_mem>> -> memref<!tpu.dma_semaphore, #tpu.memory_space<semaphore_mem>>
        tpu.wait_indirect_dma semaphore(%dma_wait3A_262 : memref<!tpu.dma_semaphore, #tpu.memory_space<semaphore_mem>>) src(%dma_wait3A_260 : memref<10000x128xf32, #tpu.memory_space<hbm>>) dst(%arg21 : memref<128x128xf32, #tpu.memory_space<vmem>>)
        %dma_start3A_263 = arith.constant 2 : i32
        %dma_start3A_264 = arith.constant 0 : i32
        %dma_start3A_265 = arith.constant 0 : i32
        %dma_start3A_266 = tpu.memref_slice %arg26[%dma_start3A_264, %dma_start3A_265] : memref<10000x128xf32, #tpu.memory_space<vmem_shared>> -> memref<10000x128xf32, #tpu.memory_space<vmem_shared>>
        %dma_start3A_267 = tpu.memref_slice %arg25[%dma_start3A_263] : memref<3x!tpu.dma_semaphore, #tpu.memory_space<semaphore_mem>> -> memref<1x!tpu.dma_semaphore, #tpu.memory_space<semaphore_mem>>
        %dma_start3A_268 = tpu.memref_squeeze %dma_start3A_267 : memref<1x!tpu.dma_semaphore, #tpu.memory_space<semaphore_mem>> -> memref<!tpu.dma_semaphore, #tpu.memory_space<semaphore_mem>>
        tpu.enqueue_indirect_dma source(%arg21 : memref<128x128xf32, #tpu.memory_space<vmem>>) target(%dma_start3A_266 : memref<10000x128xf32, #tpu.memory_space<vmem_shared>>) offsets(%arg15 : memref<128xi32, #tpu.memory_space<vmem>>) semaphore(%dma_start3A_268 : memref<!tpu.dma_semaphore, #tpu.memory_space<semaphore_mem>>) {add = true}
        %add3A_269 = arith.constant 2 : i32
        %add3A_270 = arith.addi %add3A_256, %add3A_269 : i32
        %lt3A_271 = arith.constant 78 : i32
        %lt3A_272 = arith.cmpi slt, %add3A_270, %lt3A_271 : i32
        %convert_element_type3A_273 = arith.extui %lt3A_272 : i1 to i32
        %cond3A_274 = arith.constant 0 : i32
        %cond3A_275 = arith.cmpi ne, %convert_element_type3A_273, %cond3A_274 : i32
        scf.if %cond3A_275 {
          %add3A_367 = arith.constant 2 : i32
          %add3A_368 = arith.addi %add3A_256, %add3A_367 : i32
          %add3A_369 = arith.addi %mul3A_7, %add3A_368 : i32
          %mul3A_370 = arith.constant 128 : i32
          %mul3A_371 = arith.muli %add3A_369, %mul3A_370 : i32
          %dma_wait3A_372 = arith.constant 0 : i32
          %dma_wait3A_373 = arith.constant 4 : i32
          %dma_wait3A_374 = tpu.memref_slice %arg4[%dma_wait3A_372, %mul3A_371] : memref<2x160000xi32, #tpu.memory_space<hbm>> -> memref<1x128xi32, #tpu.memory_space<hbm>>
          %dma_wait3A_375 = tpu.memref_squeeze %dma_wait3A_374 : memref<1x128xi32, #tpu.memory_space<hbm>> -> memref<128xi32, #tpu.memory_space<hbm>>
          %dma_wait3A_376 = tpu.memref_slice %arg23[%dma_wait3A_373] : memref<6x!tpu.dma_semaphore, #tpu.memory_space<semaphore_mem>> -> memref<1x!tpu.dma_semaphore, #tpu.memory_space<semaphore_mem>>
          %dma_wait3A_377 = tpu.memref_squeeze %dma_wait3A_376 : memref<1x!tpu.dma_semaphore, #tpu.memory_space<semaphore_mem>> -> memref<!tpu.dma_semaphore, #tpu.memory_space<semaphore_mem>>
          %dma_wait3A_378 = tpu.memref_slice %arg4[%dma_wait3A_372, %mul3A_371] : memref<2x160000xi32, #tpu.memory_space<hbm>> -> memref<1x128xi32, #tpu.memory_space<hbm>>
          %dma_wait3A_379 = tpu.memref_squeeze %dma_wait3A_378 : memref<1x128xi32, #tpu.memory_space<hbm>> -> memref<128xi32, #tpu.memory_space<hbm>>
          tpu.wait_dma2 semaphore(%dma_wait3A_377 : memref<!tpu.dma_semaphore, #tpu.memory_space<semaphore_mem>>) src(%dma_wait3A_379 : memref<128xi32, #tpu.memory_space<hbm>>) dst(%arg11 : memref<128xi32, #tpu.memory_space<vmem>>)
          %dma_wait3A_380 = arith.constant 1 : i32
          %dma_wait3A_381 = arith.constant 4 : i32
          %dma_wait3A_382 = tpu.memref_slice %arg4[%dma_wait3A_380, %mul3A_371] : memref<2x160000xi32, #tpu.memory_space<hbm>> -> memref<1x128xi32, #tpu.memory_space<hbm>>
          %dma_wait3A_383 = tpu.memref_squeeze %dma_wait3A_382 : memref<1x128xi32, #tpu.memory_space<hbm>> -> memref<128xi32, #tpu.memory_space<hbm>>
          %dma_wait3A_384 = tpu.memref_slice %arg23[%dma_wait3A_381] : memref<6x!tpu.dma_semaphore, #tpu.memory_space<semaphore_mem>> -> memref<1x!tpu.dma_semaphore, #tpu.memory_space<semaphore_mem>>
          %dma_wait3A_385 = tpu.memref_squeeze %dma_wait3A_384 : memref<1x!tpu.dma_semaphore, #tpu.memory_space<semaphore_mem>> -> memref<!tpu.dma_semaphore, #tpu.memory_space<semaphore_mem>>
          %dma_wait3A_386 = tpu.memref_slice %arg4[%dma_wait3A_380, %mul3A_371] : memref<2x160000xi32, #tpu.memory_space<hbm>> -> memref<1x128xi32, #tpu.memory_space<hbm>>
          %dma_wait3A_387 = tpu.memref_squeeze %dma_wait3A_386 : memref<1x128xi32, #tpu.memory_space<hbm>> -> memref<128xi32, #tpu.memory_space<hbm>>
          tpu.wait_dma2 semaphore(%dma_wait3A_385 : memref<!tpu.dma_semaphore, #tpu.memory_space<semaphore_mem>>) src(%dma_wait3A_387 : memref<128xi32, #tpu.memory_space<hbm>>) dst(%arg17 : memref<128xi32, #tpu.memory_space<vmem>>)
          %ge3A = arith.constant 1 : i32
          %ge3A_388 = arith.cmpi sge, %add3A_256, %ge3A : i32
          %convert_element_type3A_389 = arith.extui %ge3A_388 : i1 to i32
          %cond3A_390 = arith.constant 0 : i32
          %cond3A_391 = arith.cmpi ne, %convert_element_type3A_389, %cond3A_390 : i32
          scf.if %cond3A_391 {
            %dma_wait3A_398 = arith.constant 1 : i32
            %dma_wait3A_399 = arith.constant 0 : i32
            %dma_wait3A_400 = arith.constant 0 : i32
            %dma_wait3A_401 = tpu.memref_slice %arg26[%dma_wait3A_399, %dma_wait3A_400] : memref<10000x128xf32, #tpu.memory_space<vmem_shared>> -> memref<10000x128xf32, #tpu.memory_space<vmem_shared>>
            %dma_wait3A_402 = tpu.memref_slice %arg25[%dma_wait3A_398] : memref<3x!tpu.dma_semaphore, #tpu.memory_space<semaphore_mem>> -> memref<1x!tpu.dma_semaphore, #tpu.memory_space<semaphore_mem>>
            %dma_wait3A_403 = tpu.memref_squeeze %dma_wait3A_402 : memref<1x!tpu.dma_semaphore, #tpu.memory_space<semaphore_mem>> -> memref<!tpu.dma_semaphore, #tpu.memory_space<semaphore_mem>>
            tpu.wait_indirect_dma semaphore(%dma_wait3A_403 : memref<!tpu.dma_semaphore, #tpu.memory_space<semaphore_mem>>) src(%arg20 : memref<128x128xf32, #tpu.memory_space<vmem>>) dst(%dma_wait3A_401 : memref<10000x128xf32, #tpu.memory_space<vmem_shared>>)
          } else {
          }
          %dma_start3A_392 = arith.constant 1 : i32
          %dma_start3A_393 = arith.constant 0 : i32
          %dma_start3A_394 = arith.constant 0 : i32
          %dma_start3A_395 = tpu.memref_slice %arg2[%dma_start3A_393, %dma_start3A_394] : memref<10000x128xf32, #tpu.memory_space<hbm>> -> memref<10000x128xf32, #tpu.memory_space<hbm>>
          %dma_start3A_396 = tpu.memref_slice %arg24[%dma_start3A_392] : memref<3x!tpu.dma_semaphore, #tpu.memory_space<semaphore_mem>> -> memref<1x!tpu.dma_semaphore, #tpu.memory_space<semaphore_mem>>
          %dma_start3A_397 = tpu.memref_squeeze %dma_start3A_396 : memref<1x!tpu.dma_semaphore, #tpu.memory_space<semaphore_mem>> -> memref<!tpu.dma_semaphore, #tpu.memory_space<semaphore_mem>>
          tpu.enqueue_indirect_dma source(%dma_start3A_395 : memref<10000x128xf32, #tpu.memory_space<hbm>>) target(%arg20 : memref<128x128xf32, #tpu.memory_space<vmem>>) offsets(%arg11 : memref<128xi32, #tpu.memory_space<vmem>>) semaphore(%dma_start3A_397 : memref<!tpu.dma_semaphore, #tpu.memory_space<semaphore_mem>>)
        } else {
        }
        %add3A_276 = arith.constant 4 : i32
        %add3A_277 = arith.addi %add3A_256, %add3A_276 : i32
        %lt3A_278 = arith.constant 78 : i32
        %lt3A_279 = arith.cmpi slt, %add3A_277, %lt3A_278 : i32
        %convert_element_type3A_280 = arith.extui %lt3A_279 : i1 to i32
        %cond3A_281 = arith.constant 0 : i32
        %cond3A_282 = arith.cmpi ne, %convert_element_type3A_280, %cond3A_281 : i32
        scf.if %cond3A_282 {
          %add3A_367 = arith.constant 4 : i32
          %add3A_368 = arith.addi %add3A_256, %add3A_367 : i32
          %add3A_369 = arith.addi %mul3A_7, %add3A_368 : i32
          %mul3A_370 = arith.constant 128 : i32
          %mul3A_371 = arith.muli %add3A_369, %mul3A_370 : i32
          %dma_start3A_372 = arith.constant 0 : i32
          %dma_start3A_373 = arith.constant 0 : i32
          %dma_start3A_374 = tpu.memref_slice %arg4[%dma_start3A_372, %mul3A_371] : memref<2x160000xi32, #tpu.memory_space<hbm>> -> memref<1x128xi32, #tpu.memory_space<hbm>>
          %dma_start3A_375 = tpu.memref_squeeze %dma_start3A_374 : memref<1x128xi32, #tpu.memory_space<hbm>> -> memref<128xi32, #tpu.memory_space<hbm>>
          %dma_start3A_376 = tpu.memref_slice %arg23[%dma_start3A_373] : memref<6x!tpu.dma_semaphore, #tpu.memory_space<semaphore_mem>> -> memref<1x!tpu.dma_semaphore, #tpu.memory_space<semaphore_mem>>
          %dma_start3A_377 = tpu.memref_squeeze %dma_start3A_376 : memref<1x!tpu.dma_semaphore, #tpu.memory_space<semaphore_mem>> -> memref<!tpu.dma_semaphore, #tpu.memory_space<semaphore_mem>>
          %dma_start3A_378 = tpu.memref_slice %arg4[%dma_start3A_372, %mul3A_371] : memref<2x160000xi32, #tpu.memory_space<hbm>> -> memref<1x128xi32, #tpu.memory_space<hbm>>
          %dma_start3A_379 = tpu.memref_squeeze %dma_start3A_378 : memref<1x128xi32, #tpu.memory_space<hbm>> -> memref<128xi32, #tpu.memory_space<hbm>>
          tpu.enqueue_dma source(%dma_start3A_379 : memref<128xi32, #tpu.memory_space<hbm>>) target(%arg7 : memref<128xi32, #tpu.memory_space<vmem>>) target_semaphore(%dma_start3A_377 : memref<!tpu.dma_semaphore, #tpu.memory_space<semaphore_mem>>)
          %dma_start3A_380 = arith.constant 1 : i32
          %dma_start3A_381 = arith.constant 0 : i32
          %dma_start3A_382 = tpu.memref_slice %arg4[%dma_start3A_380, %mul3A_371] : memref<2x160000xi32, #tpu.memory_space<hbm>> -> memref<1x128xi32, #tpu.memory_space<hbm>>
          %dma_start3A_383 = tpu.memref_squeeze %dma_start3A_382 : memref<1x128xi32, #tpu.memory_space<hbm>> -> memref<128xi32, #tpu.memory_space<hbm>>
          %dma_start3A_384 = tpu.memref_slice %arg23[%dma_start3A_381] : memref<6x!tpu.dma_semaphore, #tpu.memory_space<semaphore_mem>> -> memref<1x!tpu.dma_semaphore, #tpu.memory_space<semaphore_mem>>
          %dma_start3A_385 = tpu.memref_squeeze %dma_start3A_384 : memref<1x!tpu.dma_semaphore, #tpu.memory_space<semaphore_mem>> -> memref<!tpu.dma_semaphore, #tpu.memory_space<semaphore_mem>>
          %dma_start3A_386 = tpu.memref_slice %arg4[%dma_start3A_380, %mul3A_371] : memref<2x160000xi32, #tpu.memory_space<hbm>> -> memref<1x128xi32, #tpu.memory_space<hbm>>
          %dma_start3A_387 = tpu.memref_squeeze %dma_start3A_386 : memref<1x128xi32, #tpu.memory_space<hbm>> -> memref<128xi32, #tpu.memory_space<hbm>>
          tpu.enqueue_dma source(%dma_start3A_387 : memref<128xi32, #tpu.memory_space<hbm>>) target(%arg13 : memref<128xi32, #tpu.memory_space<vmem>>) target_semaphore(%dma_start3A_385 : memref<!tpu.dma_semaphore, #tpu.memory_space<semaphore_mem>>)
        } else {
        }
        %add3A_283 = arith.constant 3 : i32
        %add3A_284 = arith.addi %add3A_198, %add3A_283 : i32
        %dma_wait3A_285 = arith.constant 0 : i32
        %dma_wait3A_286 = arith.constant 0 : i32
        %dma_wait3A_287 = arith.constant 0 : i32
        %dma_wait3A_288 = tpu.memref_slice %arg2[%dma_wait3A_286, %dma_wait3A_287] : memref<10000x128xf32, #tpu.memory_space<hbm>> -> memref<10000x128xf32, #tpu.memory_space<hbm>>
        %dma_wait3A_289 = tpu.memref_slice %arg24[%dma_wait3A_285] : memref<3x!tpu.dma_semaphore, #tpu.memory_space<semaphore_mem>> -> memref<1x!tpu.dma_semaphore, #tpu.memory_space<semaphore_mem>>
        %dma_wait3A_290 = tpu.memref_squeeze %dma_wait3A_289 : memref<1x!tpu.dma_semaphore, #tpu.memory_space<semaphore_mem>> -> memref<!tpu.dma_semaphore, #tpu.memory_space<semaphore_mem>>
        tpu.wait_indirect_dma semaphore(%dma_wait3A_290 : memref<!tpu.dma_semaphore, #tpu.memory_space<semaphore_mem>>) src(%dma_wait3A_288 : memref<10000x128xf32, #tpu.memory_space<hbm>>) dst(%arg19 : memref<128x128xf32, #tpu.memory_space<vmem>>)
        %dma_start3A_291 = arith.constant 0 : i32
        %dma_start3A_292 = arith.constant 0 : i32
        %dma_start3A_293 = arith.constant 0 : i32
        %dma_start3A_294 = tpu.memref_slice %arg26[%dma_start3A_292, %dma_start3A_293] : memref<10000x128xf32, #tpu.memory_space<vmem_shared>> -> memref<10000x128xf32, #tpu.memory_space<vmem_shared>>
        %dma_start3A_295 = tpu.memref_slice %arg25[%dma_start3A_291] : memref<3x!tpu.dma_semaphore, #tpu.memory_space<semaphore_mem>> -> memref<1x!tpu.dma_semaphore, #tpu.memory_space<semaphore_mem>>
        %dma_start3A_296 = tpu.memref_squeeze %dma_start3A_295 : memref<1x!tpu.dma_semaphore, #tpu.memory_space<semaphore_mem>> -> memref<!tpu.dma_semaphore, #tpu.memory_space<semaphore_mem>>
        tpu.enqueue_indirect_dma source(%arg19 : memref<128x128xf32, #tpu.memory_space<vmem>>) target(%dma_start3A_294 : memref<10000x128xf32, #tpu.memory_space<vmem_shared>>) offsets(%arg16 : memref<128xi32, #tpu.memory_space<vmem>>) semaphore(%dma_start3A_296 : memref<!tpu.dma_semaphore, #tpu.memory_space<semaphore_mem>>) {add = true}
        %add3A_297 = arith.constant 2 : i32
        %add3A_298 = arith.addi %add3A_284, %add3A_297 : i32
        %lt3A_299 = arith.constant 78 : i32
        %lt3A_300 = arith.cmpi slt, %add3A_298, %lt3A_299 : i32
        %convert_element_type3A_301 = arith.extui %lt3A_300 : i1 to i32
        %cond3A_302 = arith.constant 0 : i32
        %cond3A_303 = arith.cmpi ne, %convert_element_type3A_301, %cond3A_302 : i32
        scf.if %cond3A_303 {
          %add3A_367 = arith.constant 2 : i32
          %add3A_368 = arith.addi %add3A_284, %add3A_367 : i32
          %add3A_369 = arith.addi %mul3A_7, %add3A_368 : i32
          %mul3A_370 = arith.constant 128 : i32
          %mul3A_371 = arith.muli %add3A_369, %mul3A_370 : i32
          %dma_wait3A_372 = arith.constant 0 : i32
          %dma_wait3A_373 = arith.constant 5 : i32
          %dma_wait3A_374 = tpu.memref_slice %arg4[%dma_wait3A_372, %mul3A_371] : memref<2x160000xi32, #tpu.memory_space<hbm>> -> memref<1x128xi32, #tpu.memory_space<hbm>>
          %dma_wait3A_375 = tpu.memref_squeeze %dma_wait3A_374 : memref<1x128xi32, #tpu.memory_space<hbm>> -> memref<128xi32, #tpu.memory_space<hbm>>
          %dma_wait3A_376 = tpu.memref_slice %arg23[%dma_wait3A_373] : memref<6x!tpu.dma_semaphore, #tpu.memory_space<semaphore_mem>> -> memref<1x!tpu.dma_semaphore, #tpu.memory_space<semaphore_mem>>
          %dma_wait3A_377 = tpu.memref_squeeze %dma_wait3A_376 : memref<1x!tpu.dma_semaphore, #tpu.memory_space<semaphore_mem>> -> memref<!tpu.dma_semaphore, #tpu.memory_space<semaphore_mem>>
          %dma_wait3A_378 = tpu.memref_slice %arg4[%dma_wait3A_372, %mul3A_371] : memref<2x160000xi32, #tpu.memory_space<hbm>> -> memref<1x128xi32, #tpu.memory_space<hbm>>
          %dma_wait3A_379 = tpu.memref_squeeze %dma_wait3A_378 : memref<1x128xi32, #tpu.memory_space<hbm>> -> memref<128xi32, #tpu.memory_space<hbm>>
          tpu.wait_dma2 semaphore(%dma_wait3A_377 : memref<!tpu.dma_semaphore, #tpu.memory_space<semaphore_mem>>) src(%dma_wait3A_379 : memref<128xi32, #tpu.memory_space<hbm>>) dst(%arg12 : memref<128xi32, #tpu.memory_space<vmem>>)
          %dma_wait3A_380 = arith.constant 1 : i32
          %dma_wait3A_381 = arith.constant 5 : i32
          %dma_wait3A_382 = tpu.memref_slice %arg4[%dma_wait3A_380, %mul3A_371] : memref<2x160000xi32, #tpu.memory_space<hbm>> -> memref<1x128xi32, #tpu.memory_space<hbm>>
          %dma_wait3A_383 = tpu.memref_squeeze %dma_wait3A_382 : memref<1x128xi32, #tpu.memory_space<hbm>> -> memref<128xi32, #tpu.memory_space<hbm>>
          %dma_wait3A_384 = tpu.memref_slice %arg23[%dma_wait3A_381] : memref<6x!tpu.dma_semaphore, #tpu.memory_space<semaphore_mem>> -> memref<1x!tpu.dma_semaphore, #tpu.memory_space<semaphore_mem>>
          %dma_wait3A_385 = tpu.memref_squeeze %dma_wait3A_384 : memref<1x!tpu.dma_semaphore, #tpu.memory_space<semaphore_mem>> -> memref<!tpu.dma_semaphore, #tpu.memory_space<semaphore_mem>>
          %dma_wait3A_386 = tpu.memref_slice %arg4[%dma_wait3A_380, %mul3A_371] : memref<2x160000xi32, #tpu.memory_space<hbm>> -> memref<1x128xi32, #tpu.memory_space<hbm>>
          %dma_wait3A_387 = tpu.memref_squeeze %dma_wait3A_386 : memref<1x128xi32, #tpu.memory_space<hbm>> -> memref<128xi32, #tpu.memory_space<hbm>>
          tpu.wait_dma2 semaphore(%dma_wait3A_385 : memref<!tpu.dma_semaphore, #tpu.memory_space<semaphore_mem>>) src(%dma_wait3A_387 : memref<128xi32, #tpu.memory_space<hbm>>) dst(%arg18 : memref<128xi32, #tpu.memory_space<vmem>>)
          %ge3A = arith.constant 1 : i32
          %ge3A_388 = arith.cmpi sge, %add3A_284, %ge3A : i32
          %convert_element_type3A_389 = arith.extui %ge3A_388 : i1 to i32
          %cond3A_390 = arith.constant 0 : i32
          %cond3A_391 = arith.cmpi ne, %convert_element_type3A_389, %cond3A_390 : i32
          scf.if %cond3A_391 {
            %dma_wait3A_398 = arith.constant 2 : i32
            %dma_wait3A_399 = arith.constant 0 : i32
            %dma_wait3A_400 = arith.constant 0 : i32
            %dma_wait3A_401 = tpu.memref_slice %arg26[%dma_wait3A_399, %dma_wait3A_400] : memref<10000x128xf32, #tpu.memory_space<vmem_shared>> -> memref<10000x128xf32, #tpu.memory_space<vmem_shared>>
            %dma_wait3A_402 = tpu.memref_slice %arg25[%dma_wait3A_398] : memref<3x!tpu.dma_semaphore, #tpu.memory_space<semaphore_mem>> -> memref<1x!tpu.dma_semaphore, #tpu.memory_space<semaphore_mem>>
            %dma_wait3A_403 = tpu.memref_squeeze %dma_wait3A_402 : memref<1x!tpu.dma_semaphore, #tpu.memory_space<semaphore_mem>> -> memref<!tpu.dma_semaphore, #tpu.memory_space<semaphore_mem>>
            tpu.wait_indirect_dma semaphore(%dma_wait3A_403 : memref<!tpu.dma_semaphore, #tpu.memory_space<semaphore_mem>>) src(%arg21 : memref<128x128xf32, #tpu.memory_space<vmem>>) dst(%dma_wait3A_401 : memref<10000x128xf32, #tpu.memory_space<vmem_shared>>)
          } else {
          }
          %dma_start3A_392 = arith.constant 2 : i32
          %dma_start3A_393 = arith.constant 0 : i32
          %dma_start3A_394 = arith.constant 0 : i32
          %dma_start3A_395 = tpu.memref_slice %arg2[%dma_start3A_393, %dma_start3A_394] : memref<10000x128xf32, #tpu.memory_space<hbm>> -> memref<10000x128xf32, #tpu.memory_space<hbm>>
          %dma_start3A_396 = tpu.memref_slice %arg24[%dma_start3A_392] : memref<3x!tpu.dma_semaphore, #tpu.memory_space<semaphore_mem>> -> memref<1x!tpu.dma_semaphore, #tpu.memory_space<semaphore_mem>>
          %dma_start3A_397 = tpu.memref_squeeze %dma_start3A_396 : memref<1x!tpu.dma_semaphore, #tpu.memory_space<semaphore_mem>> -> memref<!tpu.dma_semaphore, #tpu.memory_space<semaphore_mem>>
          tpu.enqueue_indirect_dma source(%dma_start3A_395 : memref<10000x128xf32, #tpu.memory_space<hbm>>) target(%arg21 : memref<128x128xf32, #tpu.memory_space<vmem>>) offsets(%arg12 : memref<128xi32, #tpu.memory_space<vmem>>) semaphore(%dma_start3A_397 : memref<!tpu.dma_semaphore, #tpu.memory_space<semaphore_mem>>)
        } else {
        }
        %add3A_304 = arith.constant 4 : i32
        %add3A_305 = arith.addi %add3A_284, %add3A_304 : i32
        %lt3A_306 = arith.constant 78 : i32
        %lt3A_307 = arith.cmpi slt, %add3A_305, %lt3A_306 : i32
        %convert_element_type3A_308 = arith.extui %lt3A_307 : i1 to i32
        %cond3A_309 = arith.constant 0 : i32
        %cond3A_310 = arith.cmpi ne, %convert_element_type3A_308, %cond3A_309 : i32
        scf.if %cond3A_310 {
          %add3A_367 = arith.constant 4 : i32
          %add3A_368 = arith.addi %add3A_284, %add3A_367 : i32
          %add3A_369 = arith.addi %mul3A_7, %add3A_368 : i32
          %mul3A_370 = arith.constant 128 : i32
          %mul3A_371 = arith.muli %add3A_369, %mul3A_370 : i32
          %dma_start3A_372 = arith.constant 0 : i32
          %dma_start3A_373 = arith.constant 1 : i32
          %dma_start3A_374 = tpu.memref_slice %arg4[%dma_start3A_372, %mul3A_371] : memref<2x160000xi32, #tpu.memory_space<hbm>> -> memref<1x128xi32, #tpu.memory_space<hbm>>
          %dma_start3A_375 = tpu.memref_squeeze %dma_start3A_374 : memref<1x128xi32, #tpu.memory_space<hbm>> -> memref<128xi32, #tpu.memory_space<hbm>>
          %dma_start3A_376 = tpu.memref_slice %arg23[%dma_start3A_373] : memref<6x!tpu.dma_semaphore, #tpu.memory_space<semaphore_mem>> -> memref<1x!tpu.dma_semaphore, #tpu.memory_space<semaphore_mem>>
          %dma_start3A_377 = tpu.memref_squeeze %dma_start3A_376 : memref<1x!tpu.dma_semaphore, #tpu.memory_space<semaphore_mem>> -> memref<!tpu.dma_semaphore, #tpu.memory_space<semaphore_mem>>
          %dma_start3A_378 = tpu.memref_slice %arg4[%dma_start3A_372, %mul3A_371] : memref<2x160000xi32, #tpu.memory_space<hbm>> -> memref<1x128xi32, #tpu.memory_space<hbm>>
          %dma_start3A_379 = tpu.memref_squeeze %dma_start3A_378 : memref<1x128xi32, #tpu.memory_space<hbm>> -> memref<128xi32, #tpu.memory_space<hbm>>
          tpu.enqueue_dma source(%dma_start3A_379 : memref<128xi32, #tpu.memory_space<hbm>>) target(%arg8 : memref<128xi32, #tpu.memory_space<vmem>>) target_semaphore(%dma_start3A_377 : memref<!tpu.dma_semaphore, #tpu.memory_space<semaphore_mem>>)
          %dma_start3A_380 = arith.constant 1 : i32
          %dma_start3A_381 = arith.constant 1 : i32
          %dma_start3A_382 = tpu.memref_slice %arg4[%dma_start3A_380, %mul3A_371] : memref<2x160000xi32, #tpu.memory_space<hbm>> -> memref<1x128xi32, #tpu.memory_space<hbm>>
          %dma_start3A_383 = tpu.memref_squeeze %dma_start3A_382 : memref<1x128xi32, #tpu.memory_space<hbm>> -> memref<128xi32, #tpu.memory_space<hbm>>
          %dma_start3A_384 = tpu.memref_slice %arg23[%dma_start3A_381] : memref<6x!tpu.dma_semaphore, #tpu.memory_space<semaphore_mem>> -> memref<1x!tpu.dma_semaphore, #tpu.memory_space<semaphore_mem>>
          %dma_start3A_385 = tpu.memref_squeeze %dma_start3A_384 : memref<1x!tpu.dma_semaphore, #tpu.memory_space<semaphore_mem>> -> memref<!tpu.dma_semaphore, #tpu.memory_space<semaphore_mem>>
          %dma_start3A_386 = tpu.memref_slice %arg4[%dma_start3A_380, %mul3A_371] : memref<2x160000xi32, #tpu.memory_space<hbm>> -> memref<1x128xi32, #tpu.memory_space<hbm>>
          %dma_start3A_387 = tpu.memref_squeeze %dma_start3A_386 : memref<1x128xi32, #tpu.memory_space<hbm>> -> memref<128xi32, #tpu.memory_space<hbm>>
          tpu.enqueue_dma source(%dma_start3A_387 : memref<128xi32, #tpu.memory_space<hbm>>) target(%arg14 : memref<128xi32, #tpu.memory_space<vmem>>) target_semaphore(%dma_start3A_385 : memref<!tpu.dma_semaphore, #tpu.memory_space<semaphore_mem>>)
        } else {
        }
        %add3A_311 = arith.constant 4 : i32
        %add3A_312 = arith.addi %add3A_198, %add3A_311 : i32
        %dma_wait3A_313 = arith.constant 1 : i32
        %dma_wait3A_314 = arith.constant 0 : i32
        %dma_wait3A_315 = arith.constant 0 : i32
        %dma_wait3A_316 = tpu.memref_slice %arg2[%dma_wait3A_314, %dma_wait3A_315] : memref<10000x128xf32, #tpu.memory_space<hbm>> -> memref<10000x128xf32, #tpu.memory_space<hbm>>
        %dma_wait3A_317 = tpu.memref_slice %arg24[%dma_wait3A_313] : memref<3x!tpu.dma_semaphore, #tpu.memory_space<semaphore_mem>> -> memref<1x!tpu.dma_semaphore, #tpu.memory_space<semaphore_mem>>
        %dma_wait3A_318 = tpu.memref_squeeze %dma_wait3A_317 : memref<1x!tpu.dma_semaphore, #tpu.memory_space<semaphore_mem>> -> memref<!tpu.dma_semaphore, #tpu.memory_space<semaphore_mem>>
        tpu.wait_indirect_dma semaphore(%dma_wait3A_318 : memref<!tpu.dma_semaphore, #tpu.memory_space<semaphore_mem>>) src(%dma_wait3A_316 : memref<10000x128xf32, #tpu.memory_space<hbm>>) dst(%arg20 : memref<128x128xf32, #tpu.memory_space<vmem>>)
        %dma_start3A_319 = arith.constant 1 : i32
        %dma_start3A_320 = arith.constant 0 : i32
        %dma_start3A_321 = arith.constant 0 : i32
        %dma_start3A_322 = tpu.memref_slice %arg26[%dma_start3A_320, %dma_start3A_321] : memref<10000x128xf32, #tpu.memory_space<vmem_shared>> -> memref<10000x128xf32, #tpu.memory_space<vmem_shared>>
        %dma_start3A_323 = tpu.memref_slice %arg25[%dma_start3A_319] : memref<3x!tpu.dma_semaphore, #tpu.memory_space<semaphore_mem>> -> memref<1x!tpu.dma_semaphore, #tpu.memory_space<semaphore_mem>>
        %dma_start3A_324 = tpu.memref_squeeze %dma_start3A_323 : memref<1x!tpu.dma_semaphore, #tpu.memory_space<semaphore_mem>> -> memref<!tpu.dma_semaphore, #tpu.memory_space<semaphore_mem>>
        tpu.enqueue_indirect_dma source(%arg20 : memref<128x128xf32, #tpu.memory_space<vmem>>) target(%dma_start3A_322 : memref<10000x128xf32, #tpu.memory_space<vmem_shared>>) offsets(%arg17 : memref<128xi32, #tpu.memory_space<vmem>>) semaphore(%dma_start3A_324 : memref<!tpu.dma_semaphore, #tpu.memory_space<semaphore_mem>>) {add = true}
        %add3A_325 = arith.constant 2 : i32
        %add3A_326 = arith.addi %add3A_312, %add3A_325 : i32
        %lt3A_327 = arith.constant 78 : i32
        %lt3A_328 = arith.cmpi slt, %add3A_326, %lt3A_327 : i32
        %convert_element_type3A_329 = arith.extui %lt3A_328 : i1 to i32
        %cond3A_330 = arith.constant 0 : i32
        %cond3A_331 = arith.cmpi ne, %convert_element_type3A_329, %cond3A_330 : i32
        scf.if %cond3A_331 {
          %add3A_367 = arith.constant 2 : i32
          %add3A_368 = arith.addi %add3A_312, %add3A_367 : i32
          %add3A_369 = arith.addi %mul3A_7, %add3A_368 : i32
          %mul3A_370 = arith.constant 128 : i32
          %mul3A_371 = arith.muli %add3A_369, %mul3A_370 : i32
          %dma_wait3A_372 = arith.constant 0 : i32
          %dma_wait3A_373 = arith.constant 0 : i32
          %dma_wait3A_374 = tpu.memref_slice %arg4[%dma_wait3A_372, %mul3A_371] : memref<2x160000xi32, #tpu.memory_space<hbm>> -> memref<1x128xi32, #tpu.memory_space<hbm>>
          %dma_wait3A_375 = tpu.memref_squeeze %dma_wait3A_374 : memref<1x128xi32, #tpu.memory_space<hbm>> -> memref<128xi32, #tpu.memory_space<hbm>>
          %dma_wait3A_376 = tpu.memref_slice %arg23[%dma_wait3A_373] : memref<6x!tpu.dma_semaphore, #tpu.memory_space<semaphore_mem>> -> memref<1x!tpu.dma_semaphore, #tpu.memory_space<semaphore_mem>>
          %dma_wait3A_377 = tpu.memref_squeeze %dma_wait3A_376 : memref<1x!tpu.dma_semaphore, #tpu.memory_space<semaphore_mem>> -> memref<!tpu.dma_semaphore, #tpu.memory_space<semaphore_mem>>
          %dma_wait3A_378 = tpu.memref_slice %arg4[%dma_wait3A_372, %mul3A_371] : memref<2x160000xi32, #tpu.memory_space<hbm>> -> memref<1x128xi32, #tpu.memory_space<hbm>>
          %dma_wait3A_379 = tpu.memref_squeeze %dma_wait3A_378 : memref<1x128xi32, #tpu.memory_space<hbm>> -> memref<128xi32, #tpu.memory_space<hbm>>
          tpu.wait_dma2 semaphore(%dma_wait3A_377 : memref<!tpu.dma_semaphore, #tpu.memory_space<semaphore_mem>>) src(%dma_wait3A_379 : memref<128xi32, #tpu.memory_space<hbm>>) dst(%arg7 : memref<128xi32, #tpu.memory_space<vmem>>)
          %dma_wait3A_380 = arith.constant 1 : i32
          %dma_wait3A_381 = arith.constant 0 : i32
          %dma_wait3A_382 = tpu.memref_slice %arg4[%dma_wait3A_380, %mul3A_371] : memref<2x160000xi32, #tpu.memory_space<hbm>> -> memref<1x128xi32, #tpu.memory_space<hbm>>
          %dma_wait3A_383 = tpu.memref_squeeze %dma_wait3A_382 : memref<1x128xi32, #tpu.memory_space<hbm>> -> memref<128xi32, #tpu.memory_space<hbm>>
          %dma_wait3A_384 = tpu.memref_slice %arg23[%dma_wait3A_381] : memref<6x!tpu.dma_semaphore, #tpu.memory_space<semaphore_mem>> -> memref<1x!tpu.dma_semaphore, #tpu.memory_space<semaphore_mem>>
          %dma_wait3A_385 = tpu.memref_squeeze %dma_wait3A_384 : memref<1x!tpu.dma_semaphore, #tpu.memory_space<semaphore_mem>> -> memref<!tpu.dma_semaphore, #tpu.memory_space<semaphore_mem>>
          %dma_wait3A_386 = tpu.memref_slice %arg4[%dma_wait3A_380, %mul3A_371] : memref<2x160000xi32, #tpu.memory_space<hbm>> -> memref<1x128xi32, #tpu.memory_space<hbm>>
          %dma_wait3A_387 = tpu.memref_squeeze %dma_wait3A_386 : memref<1x128xi32, #tpu.memory_space<hbm>> -> memref<128xi32, #tpu.memory_space<hbm>>
          tpu.wait_dma2 semaphore(%dma_wait3A_385 : memref<!tpu.dma_semaphore, #tpu.memory_space<semaphore_mem>>) src(%dma_wait3A_387 : memref<128xi32, #tpu.memory_space<hbm>>) dst(%arg13 : memref<128xi32, #tpu.memory_space<vmem>>)
          %ge3A = arith.constant 1 : i32
          %ge3A_388 = arith.cmpi sge, %add3A_312, %ge3A : i32
          %convert_element_type3A_389 = arith.extui %ge3A_388 : i1 to i32
          %cond3A_390 = arith.constant 0 : i32
          %cond3A_391 = arith.cmpi ne, %convert_element_type3A_389, %cond3A_390 : i32
          scf.if %cond3A_391 {
            %dma_wait3A_398 = arith.constant 0 : i32
            %dma_wait3A_399 = arith.constant 0 : i32
            %dma_wait3A_400 = arith.constant 0 : i32
            %dma_wait3A_401 = tpu.memref_slice %arg26[%dma_wait3A_399, %dma_wait3A_400] : memref<10000x128xf32, #tpu.memory_space<vmem_shared>> -> memref<10000x128xf32, #tpu.memory_space<vmem_shared>>
            %dma_wait3A_402 = tpu.memref_slice %arg25[%dma_wait3A_398] : memref<3x!tpu.dma_semaphore, #tpu.memory_space<semaphore_mem>> -> memref<1x!tpu.dma_semaphore, #tpu.memory_space<semaphore_mem>>
            %dma_wait3A_403 = tpu.memref_squeeze %dma_wait3A_402 : memref<1x!tpu.dma_semaphore, #tpu.memory_space<semaphore_mem>> -> memref<!tpu.dma_semaphore, #tpu.memory_space<semaphore_mem>>
            tpu.wait_indirect_dma semaphore(%dma_wait3A_403 : memref<!tpu.dma_semaphore, #tpu.memory_space<semaphore_mem>>) src(%arg19 : memref<128x128xf32, #tpu.memory_space<vmem>>) dst(%dma_wait3A_401 : memref<10000x128xf32, #tpu.memory_space<vmem_shared>>)
          } else {
          }
          %dma_start3A_392 = arith.constant 0 : i32
          %dma_start3A_393 = arith.constant 0 : i32
          %dma_start3A_394 = arith.constant 0 : i32
          %dma_start3A_395 = tpu.memref_slice %arg2[%dma_start3A_393, %dma_start3A_394] : memref<10000x128xf32, #tpu.memory_space<hbm>> -> memref<10000x128xf32, #tpu.memory_space<hbm>>
          %dma_start3A_396 = tpu.memref_slice %arg24[%dma_start3A_392] : memref<3x!tpu.dma_semaphore, #tpu.memory_space<semaphore_mem>> -> memref<1x!tpu.dma_semaphore, #tpu.memory_space<semaphore_mem>>
          %dma_start3A_397 = tpu.memref_squeeze %dma_start3A_396 : memref<1x!tpu.dma_semaphore, #tpu.memory_space<semaphore_mem>> -> memref<!tpu.dma_semaphore, #tpu.memory_space<semaphore_mem>>
          tpu.enqueue_indirect_dma source(%dma_start3A_395 : memref<10000x128xf32, #tpu.memory_space<hbm>>) target(%arg19 : memref<128x128xf32, #tpu.memory_space<vmem>>) offsets(%arg7 : memref<128xi32, #tpu.memory_space<vmem>>) semaphore(%dma_start3A_397 : memref<!tpu.dma_semaphore, #tpu.memory_space<semaphore_mem>>)
        } else {
        }
        %add3A_332 = arith.constant 4 : i32
        %add3A_333 = arith.addi %add3A_312, %add3A_332 : i32
        %lt3A_334 = arith.constant 78 : i32
        %lt3A_335 = arith.cmpi slt, %add3A_333, %lt3A_334 : i32
        %convert_element_type3A_336 = arith.extui %lt3A_335 : i1 to i32
        %cond3A_337 = arith.constant 0 : i32
        %cond3A_338 = arith.cmpi ne, %convert_element_type3A_336, %cond3A_337 : i32
        scf.if %cond3A_338 {
          %add3A_367 = arith.constant 4 : i32
          %add3A_368 = arith.addi %add3A_312, %add3A_367 : i32
          %add3A_369 = arith.addi %mul3A_7, %add3A_368 : i32
          %mul3A_370 = arith.constant 128 : i32
          %mul3A_371 = arith.muli %add3A_369, %mul3A_370 : i32
          %dma_start3A_372 = arith.constant 0 : i32
          %dma_start3A_373 = arith.constant 2 : i32
          %dma_start3A_374 = tpu.memref_slice %arg4[%dma_start3A_372, %mul3A_371] : memref<2x160000xi32, #tpu.memory_space<hbm>> -> memref<1x128xi32, #tpu.memory_space<hbm>>
          %dma_start3A_375 = tpu.memref_squeeze %dma_start3A_374 : memref<1x128xi32, #tpu.memory_space<hbm>> -> memref<128xi32, #tpu.memory_space<hbm>>
          %dma_start3A_376 = tpu.memref_slice %arg23[%dma_start3A_373] : memref<6x!tpu.dma_semaphore, #tpu.memory_space<semaphore_mem>> -> memref<1x!tpu.dma_semaphore, #tpu.memory_space<semaphore_mem>>
          %dma_start3A_377 = tpu.memref_squeeze %dma_start3A_376 : memref<1x!tpu.dma_semaphore, #tpu.memory_space<semaphore_mem>> -> memref<!tpu.dma_semaphore, #tpu.memory_space<semaphore_mem>>
          %dma_start3A_378 = tpu.memref_slice %arg4[%dma_start3A_372, %mul3A_371] : memref<2x160000xi32, #tpu.memory_space<hbm>> -> memref<1x128xi32, #tpu.memory_space<hbm>>
          %dma_start3A_379 = tpu.memref_squeeze %dma_start3A_378 : memref<1x128xi32, #tpu.memory_space<hbm>> -> memref<128xi32, #tpu.memory_space<hbm>>
          tpu.enqueue_dma source(%dma_start3A_379 : memref<128xi32, #tpu.memory_space<hbm>>) target(%arg9 : memref<128xi32, #tpu.memory_space<vmem>>) target_semaphore(%dma_start3A_377 : memref<!tpu.dma_semaphore, #tpu.memory_space<semaphore_mem>>)
          %dma_start3A_380 = arith.constant 1 : i32
          %dma_start3A_381 = arith.constant 2 : i32
          %dma_start3A_382 = tpu.memref_slice %arg4[%dma_start3A_380, %mul3A_371] : memref<2x160000xi32, #tpu.memory_space<hbm>> -> memref<1x128xi32, #tpu.memory_space<hbm>>
          %dma_start3A_383 = tpu.memref_squeeze %dma_start3A_382 : memref<1x128xi32, #tpu.memory_space<hbm>> -> memref<128xi32, #tpu.memory_space<hbm>>
          %dma_start3A_384 = tpu.memref_slice %arg23[%dma_start3A_381] : memref<6x!tpu.dma_semaphore, #tpu.memory_space<semaphore_mem>> -> memref<1x!tpu.dma_semaphore, #tpu.memory_space<semaphore_mem>>
          %dma_start3A_385 = tpu.memref_squeeze %dma_start3A_384 : memref<1x!tpu.dma_semaphore, #tpu.memory_space<semaphore_mem>> -> memref<!tpu.dma_semaphore, #tpu.memory_space<semaphore_mem>>
          %dma_start3A_386 = tpu.memref_slice %arg4[%dma_start3A_380, %mul3A_371] : memref<2x160000xi32, #tpu.memory_space<hbm>> -> memref<1x128xi32, #tpu.memory_space<hbm>>
          %dma_start3A_387 = tpu.memref_squeeze %dma_start3A_386 : memref<1x128xi32, #tpu.memory_space<hbm>> -> memref<128xi32, #tpu.memory_space<hbm>>
          tpu.enqueue_dma source(%dma_start3A_387 : memref<128xi32, #tpu.memory_space<hbm>>) target(%arg15 : memref<128xi32, #tpu.memory_space<vmem>>) target_semaphore(%dma_start3A_385 : memref<!tpu.dma_semaphore, #tpu.memory_space<semaphore_mem>>)
        } else {
        }
        %add3A_339 = arith.constant 5 : i32
        %add3A_340 = arith.addi %add3A_198, %add3A_339 : i32
        %dma_wait3A_341 = arith.constant 2 : i32
        %dma_wait3A_342 = arith.constant 0 : i32
        %dma_wait3A_343 = arith.constant 0 : i32
        %dma_wait3A_344 = tpu.memref_slice %arg2[%dma_wait3A_342, %dma_wait3A_343] : memref<10000x128xf32, #tpu.memory_space<hbm>> -> memref<10000x128xf32, #tpu.memory_space<hbm>>
        %dma_wait3A_345 = tpu.memref_slice %arg24[%dma_wait3A_341] : memref<3x!tpu.dma_semaphore, #tpu.memory_space<semaphore_mem>> -> memref<1x!tpu.dma_semaphore, #tpu.memory_space<semaphore_mem>>
        %dma_wait3A_346 = tpu.memref_squeeze %dma_wait3A_345 : memref<1x!tpu.dma_semaphore, #tpu.memory_space<semaphore_mem>> -> memref<!tpu.dma_semaphore, #tpu.memory_space<semaphore_mem>>
        tpu.wait_indirect_dma semaphore(%dma_wait3A_346 : memref<!tpu.dma_semaphore, #tpu.memory_space<semaphore_mem>>) src(%dma_wait3A_344 : memref<10000x128xf32, #tpu.memory_space<hbm>>) dst(%arg21 : memref<128x128xf32, #tpu.memory_space<vmem>>)
        %dma_start3A_347 = arith.constant 2 : i32
        %dma_start3A_348 = arith.constant 0 : i32
        %dma_start3A_349 = arith.constant 0 : i32
        %dma_start3A_350 = tpu.memref_slice %arg26[%dma_start3A_348, %dma_start3A_349] : memref<10000x128xf32, #tpu.memory_space<vmem_shared>> -> memref<10000x128xf32, #tpu.memory_space<vmem_shared>>
        %dma_start3A_351 = tpu.memref_slice %arg25[%dma_start3A_347] : memref<3x!tpu.dma_semaphore, #tpu.memory_space<semaphore_mem>> -> memref<1x!tpu.dma_semaphore, #tpu.memory_space<semaphore_mem>>
        %dma_start3A_352 = tpu.memref_squeeze %dma_start3A_351 : memref<1x!tpu.dma_semaphore, #tpu.memory_space<semaphore_mem>> -> memref<!tpu.dma_semaphore, #tpu.memory_space<semaphore_mem>>
        tpu.enqueue_indirect_dma source(%arg21 : memref<128x128xf32, #tpu.memory_space<vmem>>) target(%dma_start3A_350 : memref<10000x128xf32, #tpu.memory_space<vmem_shared>>) offsets(%arg18 : memref<128xi32, #tpu.memory_space<vmem>>) semaphore(%dma_start3A_352 : memref<!tpu.dma_semaphore, #tpu.memory_space<semaphore_mem>>) {add = true}
        %add3A_353 = arith.constant 2 : i32
        %add3A_354 = arith.addi %add3A_340, %add3A_353 : i32
        %lt3A_355 = arith.constant 78 : i32
        %lt3A_356 = arith.cmpi slt, %add3A_354, %lt3A_355 : i32
        %convert_element_type3A_357 = arith.extui %lt3A_356 : i1 to i32
        %cond3A_358 = arith.constant 0 : i32
        %cond3A_359 = arith.cmpi ne, %convert_element_type3A_357, %cond3A_358 : i32
        scf.if %cond3A_359 {
          %add3A_367 = arith.constant 2 : i32
          %add3A_368 = arith.addi %add3A_340, %add3A_367 : i32
          %add3A_369 = arith.addi %mul3A_7, %add3A_368 : i32
          %mul3A_370 = arith.constant 128 : i32
          %mul3A_371 = arith.muli %add3A_369, %mul3A_370 : i32
          %dma_wait3A_372 = arith.constant 0 : i32
          %dma_wait3A_373 = arith.constant 1 : i32
          %dma_wait3A_374 = tpu.memref_slice %arg4[%dma_wait3A_372, %mul3A_371] : memref<2x160000xi32, #tpu.memory_space<hbm>> -> memref<1x128xi32, #tpu.memory_space<hbm>>
          %dma_wait3A_375 = tpu.memref_squeeze %dma_wait3A_374 : memref<1x128xi32, #tpu.memory_space<hbm>> -> memref<128xi32, #tpu.memory_space<hbm>>
          %dma_wait3A_376 = tpu.memref_slice %arg23[%dma_wait3A_373] : memref<6x!tpu.dma_semaphore, #tpu.memory_space<semaphore_mem>> -> memref<1x!tpu.dma_semaphore, #tpu.memory_space<semaphore_mem>>
          %dma_wait3A_377 = tpu.memref_squeeze %dma_wait3A_376 : memref<1x!tpu.dma_semaphore, #tpu.memory_space<semaphore_mem>> -> memref<!tpu.dma_semaphore, #tpu.memory_space<semaphore_mem>>
          %dma_wait3A_378 = tpu.memref_slice %arg4[%dma_wait3A_372, %mul3A_371] : memref<2x160000xi32, #tpu.memory_space<hbm>> -> memref<1x128xi32, #tpu.memory_space<hbm>>
          %dma_wait3A_379 = tpu.memref_squeeze %dma_wait3A_378 : memref<1x128xi32, #tpu.memory_space<hbm>> -> memref<128xi32, #tpu.memory_space<hbm>>
          tpu.wait_dma2 semaphore(%dma_wait3A_377 : memref<!tpu.dma_semaphore, #tpu.memory_space<semaphore_mem>>) src(%dma_wait3A_379 : memref<128xi32, #tpu.memory_space<hbm>>) dst(%arg8 : memref<128xi32, #tpu.memory_space<vmem>>)
          %dma_wait3A_380 = arith.constant 1 : i32
          %dma_wait3A_381 = arith.constant 1 : i32
          %dma_wait3A_382 = tpu.memref_slice %arg4[%dma_wait3A_380, %mul3A_371] : memref<2x160000xi32, #tpu.memory_space<hbm>> -> memref<1x128xi32, #tpu.memory_space<hbm>>
          %dma_wait3A_383 = tpu.memref_squeeze %dma_wait3A_382 : memref<1x128xi32, #tpu.memory_space<hbm>> -> memref<128xi32, #tpu.memory_space<hbm>>
          %dma_wait3A_384 = tpu.memref_slice %arg23[%dma_wait3A_381] : memref<6x!tpu.dma_semaphore, #tpu.memory_space<semaphore_mem>> -> memref<1x!tpu.dma_semaphore, #tpu.memory_space<semaphore_mem>>
          %dma_wait3A_385 = tpu.memref_squeeze %dma_wait3A_384 : memref<1x!tpu.dma_semaphore, #tpu.memory_space<semaphore_mem>> -> memref<!tpu.dma_semaphore, #tpu.memory_space<semaphore_mem>>
          %dma_wait3A_386 = tpu.memref_slice %arg4[%dma_wait3A_380, %mul3A_371] : memref<2x160000xi32, #tpu.memory_space<hbm>> -> memref<1x128xi32, #tpu.memory_space<hbm>>
          %dma_wait3A_387 = tpu.memref_squeeze %dma_wait3A_386 : memref<1x128xi32, #tpu.memory_space<hbm>> -> memref<128xi32, #tpu.memory_space<hbm>>
          tpu.wait_dma2 semaphore(%dma_wait3A_385 : memref<!tpu.dma_semaphore, #tpu.memory_space<semaphore_mem>>) src(%dma_wait3A_387 : memref<128xi32, #tpu.memory_space<hbm>>) dst(%arg14 : memref<128xi32, #tpu.memory_space<vmem>>)
          %ge3A = arith.constant 1 : i32
          %ge3A_388 = arith.cmpi sge, %add3A_340, %ge3A : i32
          %convert_element_type3A_389 = arith.extui %ge3A_388 : i1 to i32
          %cond3A_390 = arith.constant 0 : i32
          %cond3A_391 = arith.cmpi ne, %convert_element_type3A_389, %cond3A_390 : i32
          scf.if %cond3A_391 {
            %dma_wait3A_398 = arith.constant 1 : i32
            %dma_wait3A_399 = arith.constant 0 : i32
            %dma_wait3A_400 = arith.constant 0 : i32
            %dma_wait3A_401 = tpu.memref_slice %arg26[%dma_wait3A_399, %dma_wait3A_400] : memref<10000x128xf32, #tpu.memory_space<vmem_shared>> -> memref<10000x128xf32, #tpu.memory_space<vmem_shared>>
            %dma_wait3A_402 = tpu.memref_slice %arg25[%dma_wait3A_398] : memref<3x!tpu.dma_semaphore, #tpu.memory_space<semaphore_mem>> -> memref<1x!tpu.dma_semaphore, #tpu.memory_space<semaphore_mem>>
            %dma_wait3A_403 = tpu.memref_squeeze %dma_wait3A_402 : memref<1x!tpu.dma_semaphore, #tpu.memory_space<semaphore_mem>> -> memref<!tpu.dma_semaphore, #tpu.memory_space<semaphore_mem>>
            tpu.wait_indirect_dma semaphore(%dma_wait3A_403 : memref<!tpu.dma_semaphore, #tpu.memory_space<semaphore_mem>>) src(%arg20 : memref<128x128xf32, #tpu.memory_space<vmem>>) dst(%dma_wait3A_401 : memref<10000x128xf32, #tpu.memory_space<vmem_shared>>)
          } else {
          }
          %dma_start3A_392 = arith.constant 1 : i32
          %dma_start3A_393 = arith.constant 0 : i32
          %dma_start3A_394 = arith.constant 0 : i32
          %dma_start3A_395 = tpu.memref_slice %arg2[%dma_start3A_393, %dma_start3A_394] : memref<10000x128xf32, #tpu.memory_space<hbm>> -> memref<10000x128xf32, #tpu.memory_space<hbm>>
          %dma_start3A_396 = tpu.memref_slice %arg24[%dma_start3A_392] : memref<3x!tpu.dma_semaphore, #tpu.memory_space<semaphore_mem>> -> memref<1x!tpu.dma_semaphore, #tpu.memory_space<semaphore_mem>>
          %dma_start3A_397 = tpu.memref_squeeze %dma_start3A_396 : memref<1x!tpu.dma_semaphore, #tpu.memory_space<semaphore_mem>> -> memref<!tpu.dma_semaphore, #tpu.memory_space<semaphore_mem>>
          tpu.enqueue_indirect_dma source(%dma_start3A_395 : memref<10000x128xf32, #tpu.memory_space<hbm>>) target(%arg20 : memref<128x128xf32, #tpu.memory_space<vmem>>) offsets(%arg8 : memref<128xi32, #tpu.memory_space<vmem>>) semaphore(%dma_start3A_397 : memref<!tpu.dma_semaphore, #tpu.memory_space<semaphore_mem>>)
        } else {
        }
        %add3A_360 = arith.constant 4 : i32
        %add3A_361 = arith.addi %add3A_340, %add3A_360 : i32
        %lt3A_362 = arith.constant 78 : i32
        %lt3A_363 = arith.cmpi slt, %add3A_361, %lt3A_362 : i32
        %convert_element_type3A_364 = arith.extui %lt3A_363 : i1 to i32
        %cond3A_365 = arith.constant 0 : i32
        %cond3A_366 = arith.cmpi ne, %convert_element_type3A_364, %cond3A_365 : i32
        scf.if %cond3A_366 {
          %add3A_367 = arith.constant 4 : i32
          %add3A_368 = arith.addi %add3A_340, %add3A_367 : i32
          %add3A_369 = arith.addi %mul3A_7, %add3A_368 : i32
          %mul3A_370 = arith.constant 128 : i32
          %mul3A_371 = arith.muli %add3A_369, %mul3A_370 : i32
          %dma_start3A_372 = arith.constant 0 : i32
          %dma_start3A_373 = arith.constant 3 : i32
          %dma_start3A_374 = tpu.memref_slice %arg4[%dma_start3A_372, %mul3A_371] : memref<2x160000xi32, #tpu.memory_space<hbm>> -> memref<1x128xi32, #tpu.memory_space<hbm>>
          %dma_start3A_375 = tpu.memref_squeeze %dma_start3A_374 : memref<1x128xi32, #tpu.memory_space<hbm>> -> memref<128xi32, #tpu.memory_space<hbm>>
          %dma_start3A_376 = tpu.memref_slice %arg23[%dma_start3A_373] : memref<6x!tpu.dma_semaphore, #tpu.memory_space<semaphore_mem>> -> memref<1x!tpu.dma_semaphore, #tpu.memory_space<semaphore_mem>>
          %dma_start3A_377 = tpu.memref_squeeze %dma_start3A_376 : memref<1x!tpu.dma_semaphore, #tpu.memory_space<semaphore_mem>> -> memref<!tpu.dma_semaphore, #tpu.memory_space<semaphore_mem>>
          %dma_start3A_378 = tpu.memref_slice %arg4[%dma_start3A_372, %mul3A_371] : memref<2x160000xi32, #tpu.memory_space<hbm>> -> memref<1x128xi32, #tpu.memory_space<hbm>>
          %dma_start3A_379 = tpu.memref_squeeze %dma_start3A_378 : memref<1x128xi32, #tpu.memory_space<hbm>> -> memref<128xi32, #tpu.memory_space<hbm>>
          tpu.enqueue_dma source(%dma_start3A_379 : memref<128xi32, #tpu.memory_space<hbm>>) target(%arg10 : memref<128xi32, #tpu.memory_space<vmem>>) target_semaphore(%dma_start3A_377 : memref<!tpu.dma_semaphore, #tpu.memory_space<semaphore_mem>>)
          %dma_start3A_380 = arith.constant 1 : i32
          %dma_start3A_381 = arith.constant 3 : i32
          %dma_start3A_382 = tpu.memref_slice %arg4[%dma_start3A_380, %mul3A_371] : memref<2x160000xi32, #tpu.memory_space<hbm>> -> memref<1x128xi32, #tpu.memory_space<hbm>>
          %dma_start3A_383 = tpu.memref_squeeze %dma_start3A_382 : memref<1x128xi32, #tpu.memory_space<hbm>> -> memref<128xi32, #tpu.memory_space<hbm>>
          %dma_start3A_384 = tpu.memref_slice %arg23[%dma_start3A_381] : memref<6x!tpu.dma_semaphore, #tpu.memory_space<semaphore_mem>> -> memref<1x!tpu.dma_semaphore, #tpu.memory_space<semaphore_mem>>
          %dma_start3A_385 = tpu.memref_squeeze %dma_start3A_384 : memref<1x!tpu.dma_semaphore, #tpu.memory_space<semaphore_mem>> -> memref<!tpu.dma_semaphore, #tpu.memory_space<semaphore_mem>>
          %dma_start3A_386 = tpu.memref_slice %arg4[%dma_start3A_380, %mul3A_371] : memref<2x160000xi32, #tpu.memory_space<hbm>> -> memref<1x128xi32, #tpu.memory_space<hbm>>
          %dma_start3A_387 = tpu.memref_squeeze %dma_start3A_386 : memref<1x128xi32, #tpu.memory_space<hbm>> -> memref<128xi32, #tpu.memory_space<hbm>>
          tpu.enqueue_dma source(%dma_start3A_387 : memref<128xi32, #tpu.memory_space<hbm>>) target(%arg16 : memref<128xi32, #tpu.memory_space<vmem>>) target_semaphore(%dma_start3A_385 : memref<!tpu.dma_semaphore, #tpu.memory_space<semaphore_mem>>)
        } else {
        }
      }
      %scan3A_159 = arith.constant 13 : i32
      %dma_wait3A_160 = arith.constant 0 : i32
      %dma_wait3A_161 = arith.constant 0 : i32
      %dma_wait3A_162 = arith.constant 0 : i32
      %dma_wait3A_163 = tpu.memref_slice %arg26[%dma_wait3A_161, %dma_wait3A_162] : memref<10000x128xf32, #tpu.memory_space<vmem_shared>> -> memref<10000x128xf32, #tpu.memory_space<vmem_shared>>
      %dma_wait3A_164 = tpu.memref_slice %arg25[%dma_wait3A_160] : memref<3x!tpu.dma_semaphore, #tpu.memory_space<semaphore_mem>> -> memref<1x!tpu.dma_semaphore, #tpu.memory_space<semaphore_mem>>
      %dma_wait3A_165 = tpu.memref_squeeze %dma_wait3A_164 : memref<1x!tpu.dma_semaphore, #tpu.memory_space<semaphore_mem>> -> memref<!tpu.dma_semaphore, #tpu.memory_space<semaphore_mem>>
      tpu.wait_indirect_dma semaphore(%dma_wait3A_165 : memref<!tpu.dma_semaphore, #tpu.memory_space<semaphore_mem>>) src(%arg19 : memref<128x128xf32, #tpu.memory_space<vmem>>) dst(%dma_wait3A_163 : memref<10000x128xf32, #tpu.memory_space<vmem_shared>>)
      %dma_wait3A_166 = arith.constant 1 : i32
      %dma_wait3A_167 = arith.constant 0 : i32
      %dma_wait3A_168 = arith.constant 0 : i32
      %dma_wait3A_169 = tpu.memref_slice %arg26[%dma_wait3A_167, %dma_wait3A_168] : memref<10000x128xf32, #tpu.memory_space<vmem_shared>> -> memref<10000x128xf32, #tpu.memory_space<vmem_shared>>
      %dma_wait3A_170 = tpu.memref_slice %arg25[%dma_wait3A_166] : memref<3x!tpu.dma_semaphore, #tpu.memory_space<semaphore_mem>> -> memref<1x!tpu.dma_semaphore, #tpu.memory_space<semaphore_mem>>
      %dma_wait3A_171 = tpu.memref_squeeze %dma_wait3A_170 : memref<1x!tpu.dma_semaphore, #tpu.memory_space<semaphore_mem>> -> memref<!tpu.dma_semaphore, #tpu.memory_space<semaphore_mem>>
      tpu.wait_indirect_dma semaphore(%dma_wait3A_171 : memref<!tpu.dma_semaphore, #tpu.memory_space<semaphore_mem>>) src(%arg20 : memref<128x128xf32, #tpu.memory_space<vmem>>) dst(%dma_wait3A_169 : memref<10000x128xf32, #tpu.memory_space<vmem_shared>>)
      %dma_wait3A_172 = arith.constant 2 : i32
      %dma_wait3A_173 = arith.constant 0 : i32
      %dma_wait3A_174 = arith.constant 0 : i32
      %dma_wait3A_175 = tpu.memref_slice %arg26[%dma_wait3A_173, %dma_wait3A_174] : memref<10000x128xf32, #tpu.memory_space<vmem_shared>> -> memref<10000x128xf32, #tpu.memory_space<vmem_shared>>
      %dma_wait3A_176 = tpu.memref_slice %arg25[%dma_wait3A_172] : memref<3x!tpu.dma_semaphore, #tpu.memory_space<semaphore_mem>> -> memref<1x!tpu.dma_semaphore, #tpu.memory_space<semaphore_mem>>
      %dma_wait3A_177 = tpu.memref_squeeze %dma_wait3A_176 : memref<1x!tpu.dma_semaphore, #tpu.memory_space<semaphore_mem>> -> memref<!tpu.dma_semaphore, #tpu.memory_space<semaphore_mem>>
      tpu.wait_indirect_dma semaphore(%dma_wait3A_177 : memref<!tpu.dma_semaphore, #tpu.memory_space<semaphore_mem>>) src(%arg21 : memref<128x128xf32, #tpu.memory_space<vmem>>) dst(%dma_wait3A_175 : memref<10000x128xf32, #tpu.memory_space<vmem_shared>>)
      %lt3A_178 = arith.constant 2 : i32
      %lt3A_179 = arith.cmpi slt, %arg1, %lt3A_178 : i32
      %convert_element_type3A_180 = arith.extui %lt3A_179 : i1 to i32
      %cond3A_181 = arith.constant 0 : i32
      %cond3A_182 = arith.cmpi ne, %convert_element_type3A_180, %cond3A_181 : i32
      scf.if %cond3A_182 {
        %mul3A_194 = arith.constant 128 : i32
        %mul3A_195 = arith.muli %arg1, %mul3A_194 : i32
        %add3A_196 = arith.constant 159744 : i32
        %add3A_197 = arith.addi %add3A_196, %mul3A_195 : i32
        %run_scoped3A = arith.constant 0 : i32
        "tpu.region"() ({
          %run_scoped3A_211 = tpu.sem_alloc : memref<!tpu.dma_semaphore, #tpu.memory_space<semaphore_mem>>
          %dma_start3A_212 = tpu.memref_slice %arg4[%run_scoped3A, %add3A_197] : memref<2x160000xi32, #tpu.memory_space<hbm>> -> memref<1x128xi32, #tpu.memory_space<hbm>>
          %dma_start3A_213 = tpu.memref_squeeze %dma_start3A_212 : memref<1x128xi32, #tpu.memory_space<hbm>> -> memref<128xi32, #tpu.memory_space<hbm>>
          %dma_start3A_214 = tpu.memref_slice %arg4[%run_scoped3A, %add3A_197] : memref<2x160000xi32, #tpu.memory_space<hbm>> -> memref<1x128xi32, #tpu.memory_space<hbm>>
          %dma_start3A_215 = tpu.memref_squeeze %dma_start3A_214 : memref<1x128xi32, #tpu.memory_space<hbm>> -> memref<128xi32, #tpu.memory_space<hbm>>
          tpu.enqueue_dma source(%dma_start3A_215 : memref<128xi32, #tpu.memory_space<hbm>>) target(%arg7 : memref<128xi32, #tpu.memory_space<vmem>>) target_semaphore(%run_scoped3A_211 : memref<!tpu.dma_semaphore, #tpu.memory_space<semaphore_mem>>)
          %dma_wait3A_216 = tpu.memref_slice %arg4[%run_scoped3A, %add3A_197] : memref<2x160000xi32, #tpu.memory_space<hbm>> -> memref<1x128xi32, #tpu.memory_space<hbm>>
          %dma_wait3A_217 = tpu.memref_squeeze %dma_wait3A_216 : memref<1x128xi32, #tpu.memory_space<hbm>> -> memref<128xi32, #tpu.memory_space<hbm>>
          %dma_wait3A_218 = tpu.memref_slice %arg4[%run_scoped3A, %add3A_197] : memref<2x160000xi32, #tpu.memory_space<hbm>> -> memref<1x128xi32, #tpu.memory_space<hbm>>
          %dma_wait3A_219 = tpu.memref_squeeze %dma_wait3A_218 : memref<1x128xi32, #tpu.memory_space<hbm>> -> memref<128xi32, #tpu.memory_space<hbm>>
          tpu.wait_dma2 semaphore(%run_scoped3A_211 : memref<!tpu.dma_semaphore, #tpu.memory_space<semaphore_mem>>) src(%dma_wait3A_219 : memref<128xi32, #tpu.memory_space<hbm>>) dst(%arg7 : memref<128xi32, #tpu.memory_space<vmem>>)
          tpu.yield
        }) : () -> ()
        %run_scoped3A_198 = arith.constant 1 : i32
        "tpu.region"() ({
          %run_scoped3A_211 = tpu.sem_alloc : memref<!tpu.dma_semaphore, #tpu.memory_space<semaphore_mem>>
          %dma_start3A_212 = tpu.memref_slice %arg4[%run_scoped3A_198, %add3A_197] : memref<2x160000xi32, #tpu.memory_space<hbm>> -> memref<1x128xi32, #tpu.memory_space<hbm>>
          %dma_start3A_213 = tpu.memref_squeeze %dma_start3A_212 : memref<1x128xi32, #tpu.memory_space<hbm>> -> memref<128xi32, #tpu.memory_space<hbm>>
          %dma_start3A_214 = tpu.memref_slice %arg4[%run_scoped3A_198, %add3A_197] : memref<2x160000xi32, #tpu.memory_space<hbm>> -> memref<1x128xi32, #tpu.memory_space<hbm>>
          %dma_start3A_215 = tpu.memref_squeeze %dma_start3A_214 : memref<1x128xi32, #tpu.memory_space<hbm>> -> memref<128xi32, #tpu.memory_space<hbm>>
          tpu.enqueue_dma source(%dma_start3A_215 : memref<128xi32, #tpu.memory_space<hbm>>) target(%arg13 : memref<128xi32, #tpu.memory_space<vmem>>) target_semaphore(%run_scoped3A_211 : memref<!tpu.dma_semaphore, #tpu.memory_space<semaphore_mem>>)
          %dma_wait3A_216 = tpu.memref_slice %arg4[%run_scoped3A_198, %add3A_197] : memref<2x160000xi32, #tpu.memory_space<hbm>> -> memref<1x128xi32, #tpu.memory_space<hbm>>
          %dma_wait3A_217 = tpu.memref_squeeze %dma_wait3A_216 : memref<1x128xi32, #tpu.memory_space<hbm>> -> memref<128xi32, #tpu.memory_space<hbm>>
          %dma_wait3A_218 = tpu.memref_slice %arg4[%run_scoped3A_198, %add3A_197] : memref<2x160000xi32, #tpu.memory_space<hbm>> -> memref<1x128xi32, #tpu.memory_space<hbm>>
          %dma_wait3A_219 = tpu.memref_squeeze %dma_wait3A_218 : memref<1x128xi32, #tpu.memory_space<hbm>> -> memref<128xi32, #tpu.memory_space<hbm>>
          tpu.wait_dma2 semaphore(%run_scoped3A_211 : memref<!tpu.dma_semaphore, #tpu.memory_space<semaphore_mem>>) src(%dma_wait3A_219 : memref<128xi32, #tpu.memory_space<hbm>>) dst(%arg13 : memref<128xi32, #tpu.memory_space<vmem>>)
          tpu.yield
        }) : () -> ()
        %dma_start3A_199 = arith.constant 0 : i32
        %dma_start3A_200 = arith.constant 0 : i32
        %dma_start3A_201 = arith.constant 0 : i32
        %dma_start3A_202 = tpu.memref_slice %arg2[%dma_start3A_200, %dma_start3A_201] : memref<10000x128xf32, #tpu.memory_space<hbm>> -> memref<10000x128xf32, #tpu.memory_space<hbm>>
        %dma_start3A_203 = tpu.memref_slice %arg24[%dma_start3A_199] : memref<3x!tpu.dma_semaphore, #tpu.memory_space<semaphore_mem>> -> memref<1x!tpu.dma_semaphore, #tpu.memory_space<semaphore_mem>>
        %dma_start3A_204 = tpu.memref_squeeze %dma_start3A_203 : memref<1x!tpu.dma_semaphore, #tpu.memory_space<semaphore_mem>> -> memref<!tpu.dma_semaphore, #tpu.memory_space<semaphore_mem>>
        tpu.enqueue_indirect_dma source(%dma_start3A_202 : memref<10000x128xf32, #tpu.memory_space<hbm>>) target(%arg19 : memref<128x128xf32, #tpu.memory_space<vmem>>) offsets(%arg7 : memref<128xi32, #tpu.memory_space<vmem>>) semaphore(%dma_start3A_204 : memref<!tpu.dma_semaphore, #tpu.memory_space<semaphore_mem>>)
        %dma_wait3A_205 = arith.constant 0 : i32
        %dma_wait3A_206 = arith.constant 0 : i32
        %dma_wait3A_207 = arith.constant 0 : i32
        %dma_wait3A_208 = tpu.memref_slice %arg2[%dma_wait3A_206, %dma_wait3A_207] : memref<10000x128xf32, #tpu.memory_space<hbm>> -> memref<10000x128xf32, #tpu.memory_space<hbm>>
        %dma_wait3A_209 = tpu.memref_slice %arg24[%dma_wait3A_205] : memref<3x!tpu.dma_semaphore, #tpu.memory_space<semaphore_mem>> -> memref<1x!tpu.dma_semaphore, #tpu.memory_space<semaphore_mem>>
        %dma_wait3A_210 = tpu.memref_squeeze %dma_wait3A_209 : memref<1x!tpu.dma_semaphore, #tpu.memory_space<semaphore_mem>> -> memref<!tpu.dma_semaphore, #tpu.memory_space<semaphore_mem>>
        tpu.wait_indirect_dma semaphore(%dma_wait3A_210 : memref<!tpu.dma_semaphore, #tpu.memory_space<semaphore_mem>>) src(%dma_wait3A_208 : memref<10000x128xf32, #tpu.memory_space<hbm>>) dst(%arg19 : memref<128x128xf32, #tpu.memory_space<vmem>>)
        "tpu.region"() ({
          %run_scoped3A_211 = tpu.sem_alloc : memref<!tpu.dma_semaphore, #tpu.memory_space<semaphore_mem>>
          %dma_start3A_212 = arith.constant 0 : i32
          %dma_start3A_213 = arith.constant 0 : i32
          %dma_start3A_214 = tpu.memref_slice %arg26[%dma_start3A_212, %dma_start3A_213] : memref<10000x128xf32, #tpu.memory_space<vmem_shared>> -> memref<10000x128xf32, #tpu.memory_space<vmem_shared>>
          tpu.enqueue_indirect_dma source(%arg19 : memref<128x128xf32, #tpu.memory_space<vmem>>) target(%dma_start3A_214 : memref<10000x128xf32, #tpu.memory_space<vmem_shared>>) offsets(%arg13 : memref<128xi32, #tpu.memory_space<vmem>>) semaphore(%run_scoped3A_211 : memref<!tpu.dma_semaphore, #tpu.memory_space<semaphore_mem>>) {add = true}
          %dma_wait3A_215 = arith.constant 0 : i32
          %dma_wait3A_216 = arith.constant 0 : i32
          %dma_wait3A_217 = tpu.memref_slice %arg26[%dma_wait3A_215, %dma_wait3A_216] : memref<10000x128xf32, #tpu.memory_space<vmem_shared>> -> memref<10000x128xf32, #tpu.memory_space<vmem_shared>>
          tpu.wait_indirect_dma semaphore(%run_scoped3A_211 : memref<!tpu.dma_semaphore, #tpu.memory_space<semaphore_mem>>) src(%arg19 : memref<128x128xf32, #tpu.memory_space<vmem>>) dst(%dma_wait3A_217 : memref<10000x128xf32, #tpu.memory_space<vmem_shared>>)
          tpu.yield
        }) : () -> ()
      } else {
      }
      %barrier3A_183 = arith.constant 0 : index
      tpu.barrier barrier_id(%barrier3A_183)
      %lt3A_184 = arith.constant 15 : i32
      %lt3A_185 = arith.cmpi slt, %arg1, %lt3A_184 : i32
      %convert_element_type3A_186 = arith.extui %lt3A_185 : i1 to i32
      %cond3A_187 = arith.constant 0 : i32
      %cond3A_188 = arith.cmpi ne, %convert_element_type3A_186, %cond3A_187 : i32
      scf.if %cond3A_188 {
        %mul3A_194 = arith.constant 632 : i32
        %mul3A_195 = arith.muli %arg1, %mul3A_194 : i32
        %mul3A_196 = arith.constant 632 : i32
        %mul3A_197 = arith.muli %arg1, %mul3A_196 : i32
        "tpu.region"() ({
          %run_scoped3A = tpu.sem_alloc : memref<!tpu.dma_semaphore, #tpu.memory_space<semaphore_mem>>
          %dma_start3A_198 = arith.constant 0 : i32
          %dma_start3A_199 = tpu.memref_slice %arg5[%mul3A_197, %dma_start3A_198] : memref<10000x128xf32, #tpu.memory_space<hbm>> -> memref<632x128xf32, #tpu.memory_space<hbm>>
          %dma_start3A_200 = arith.constant 0 : i32
          %dma_start3A_201 = tpu.memref_slice %arg26[%mul3A_195, %dma_start3A_200] : memref<10000x128xf32, #tpu.memory_space<vmem_shared>> -> memref<632x128xf32, #tpu.memory_space<vmem_shared>>
          tpu.enqueue_dma source(%dma_start3A_201 : memref<632x128xf32, #tpu.memory_space<vmem_shared>>) target(%dma_start3A_199 : memref<632x128xf32, #tpu.memory_space<hbm>>) target_semaphore(%run_scoped3A : memref<!tpu.dma_semaphore, #tpu.memory_space<semaphore_mem>>)
          %dma_wait3A_202 = arith.constant 0 : i32
          %dma_wait3A_203 = tpu.memref_slice %arg5[%mul3A_197, %dma_wait3A_202] : memref<10000x128xf32, #tpu.memory_space<hbm>> -> memref<632x128xf32, #tpu.memory_space<hbm>>
          %dma_wait3A_204 = arith.constant 0 : i32
          %dma_wait3A_205 = tpu.memref_slice %arg26[%mul3A_195, %dma_wait3A_204] : memref<10000x128xf32, #tpu.memory_space<vmem_shared>> -> memref<632x128xf32, #tpu.memory_space<vmem_shared>>
          tpu.wait_dma2 semaphore(%run_scoped3A : memref<!tpu.dma_semaphore, #tpu.memory_space<semaphore_mem>>) src(%dma_wait3A_205 : memref<632x128xf32, #tpu.memory_space<vmem_shared>>) dst(%dma_wait3A_203 : memref<632x128xf32, #tpu.memory_space<hbm>>)
          tpu.yield
        }) : () -> ()
      } else {
      }
      %eq3A_189 = arith.constant 15 : i32
      %eq3A_190 = arith.cmpi eq, %arg1, %eq3A_189 : i32
      %convert_element_type3A_191 = arith.extui %eq3A_190 : i1 to i32
      %cond3A_192 = arith.constant 0 : i32
      %cond3A_193 = arith.cmpi ne, %convert_element_type3A_191, %cond3A_192 : i32
      scf.if %cond3A_193 {
        "tpu.region"() ({
          %run_scoped3A = tpu.sem_alloc : memref<!tpu.dma_semaphore, #tpu.memory_space<semaphore_mem>>
          %dma_start3A_194 = arith.constant 9480 : i32
          %dma_start3A_195 = arith.constant 0 : i32
          %dma_start3A_196 = tpu.memref_slice %arg5[%dma_start3A_194, %dma_start3A_195] : memref<10000x128xf32, #tpu.memory_space<hbm>> -> memref<520x128xf32, #tpu.memory_space<hbm>>
          %dma_start3A_197 = arith.constant 9480 : i32
          %dma_start3A_198 = arith.constant 0 : i32
          %dma_start3A_199 = tpu.memref_slice %arg26[%dma_start3A_197, %dma_start3A_198] : memref<10000x128xf32, #tpu.memory_space<vmem_shared>> -> memref<520x128xf32, #tpu.memory_space<vmem_shared>>
          tpu.enqueue_dma source(%dma_start3A_199 : memref<520x128xf32, #tpu.memory_space<vmem_shared>>) target(%dma_start3A_196 : memref<520x128xf32, #tpu.memory_space<hbm>>) target_semaphore(%run_scoped3A : memref<!tpu.dma_semaphore, #tpu.memory_space<semaphore_mem>>)
          %dma_wait3A_200 = arith.constant 9480 : i32
          %dma_wait3A_201 = arith.constant 0 : i32
          %dma_wait3A_202 = tpu.memref_slice %arg5[%dma_wait3A_200, %dma_wait3A_201] : memref<10000x128xf32, #tpu.memory_space<hbm>> -> memref<520x128xf32, #tpu.memory_space<hbm>>
          %dma_wait3A_203 = arith.constant 9480 : i32
          %dma_wait3A_204 = arith.constant 0 : i32
          %dma_wait3A_205 = tpu.memref_slice %arg26[%dma_wait3A_203, %dma_wait3A_204] : memref<10000x128xf32, #tpu.memory_space<vmem_shared>> -> memref<520x128xf32, #tpu.memory_space<vmem_shared>>
          tpu.wait_dma2 semaphore(%run_scoped3A : memref<!tpu.dma_semaphore, #tpu.memory_space<semaphore_mem>>) src(%dma_wait3A_205 : memref<520x128xf32, #tpu.memory_space<vmem_shared>>) dst(%dma_wait3A_202 : memref<520x128xf32, #tpu.memory_space<hbm>>)
          tpu.yield
        }) : () -> ()
      } else {
      }
    } else {
    }
    %eq3A_2 = arith.constant 1 : i32
    %eq3A_3 = arith.cmpi eq, %arg0, %eq3A_2 : i32
    %convert_element_type3A_4 = arith.extui %eq3A_3 : i1 to i32
    %cond3A_5 = arith.constant 0 : i32
    %cond3A_6 = arith.cmpi ne, %convert_element_type3A_4, %cond3A_5 : i32
    scf.if %cond3A_6 {
      %mul3A = arith.constant 78 : i32
      %mul3A_7 = arith.muli %arg1, %mul3A : i32
      %lt3A = arith.constant 15 : i32
      %lt3A_8 = arith.cmpi slt, %arg1, %lt3A : i32
      %convert_element_type3A_9 = arith.extui %lt3A_8 : i1 to i32
      %cond3A_10 = arith.constant 0 : i32
      %cond3A_11 = arith.cmpi ne, %convert_element_type3A_9, %cond3A_10 : i32
      scf.if %cond3A_11 {
        %mul3A_194 = arith.constant 632 : i32
        %mul3A_195 = arith.muli %arg1, %mul3A_194 : i32
        %mul3A_196 = arith.constant 632 : i32
        %mul3A_197 = arith.muli %arg1, %mul3A_196 : i32
        %dma_start3A_198 = arith.constant 0 : i32
        %dma_start3A_199 = tpu.memref_slice %arg26[%mul3A_197, %dma_start3A_198] : memref<10000x128xf32, #tpu.memory_space<vmem_shared>> -> memref<632x128xf32, #tpu.memory_space<vmem_shared>>
        %dma_start3A_200 = arith.constant 0 : i32
        %dma_start3A_201 = tpu.memref_slice %arg3[%mul3A_195, %dma_start3A_200] : memref<10000x128xf32, #tpu.memory_space<hbm>> -> memref<632x128xf32, #tpu.memory_space<hbm>>
        tpu.enqueue_dma source(%dma_start3A_201 : memref<632x128xf32, #tpu.memory_space<hbm>>) target(%dma_start3A_199 : memref<632x128xf32, #tpu.memory_space<vmem_shared>>) target_semaphore(%arg22 : memref<!tpu.dma_semaphore, #tpu.memory_space<semaphore_mem>>)
      } else {
      }
      %eq3A_12 = arith.constant 15 : i32
      %eq3A_13 = arith.cmpi eq, %arg1, %eq3A_12 : i32
      %convert_element_type3A_14 = arith.extui %eq3A_13 : i1 to i32
      %cond3A_15 = arith.constant 0 : i32
      %cond3A_16 = arith.cmpi ne, %convert_element_type3A_14, %cond3A_15 : i32
      scf.if %cond3A_16 {
        %dma_start3A_194 = arith.constant 9480 : i32
        %dma_start3A_195 = arith.constant 0 : i32
        %dma_start3A_196 = tpu.memref_slice %arg26[%dma_start3A_194, %dma_start3A_195] : memref<10000x128xf32, #tpu.memory_space<vmem_shared>> -> memref<520x128xf32, #tpu.memory_space<vmem_shared>>
        %dma_start3A_197 = arith.constant 9480 : i32
        %dma_start3A_198 = arith.constant 0 : i32
        %dma_start3A_199 = tpu.memref_slice %arg3[%dma_start3A_197, %dma_start3A_198] : memref<10000x128xf32, #tpu.memory_space<hbm>> -> memref<520x128xf32, #tpu.memory_space<hbm>>
        tpu.enqueue_dma source(%dma_start3A_199 : memref<520x128xf32, #tpu.memory_space<hbm>>) target(%dma_start3A_196 : memref<520x128xf32, #tpu.memory_space<vmem_shared>>) target_semaphore(%arg22 : memref<!tpu.dma_semaphore, #tpu.memory_space<semaphore_mem>>)
      } else {
      }
      %add3A = arith.constant 0 : i32
      %add3A_17 = arith.addi %mul3A_7, %add3A : i32
      %mul3A_18 = arith.constant 128 : i32
      %mul3A_19 = arith.muli %add3A_17, %mul3A_18 : i32
      %dma_start3A = arith.constant 0 : i32
      %dma_start3A_20 = arith.constant 0 : i32
      %dma_start3A_21 = tpu.memref_slice %arg4[%dma_start3A, %mul3A_19] : memref<2x160000xi32, #tpu.memory_space<hbm>> -> memref<1x128xi32, #tpu.memory_space<hbm>>
      %dma_start3A_22 = tpu.memref_squeeze %dma_start3A_21 : memref<1x128xi32, #tpu.memory_space<hbm>> -> memref<128xi32, #tpu.memory_space<hbm>>
      %dma_start3A_23 = tpu.memref_slice %arg23[%dma_start3A_20] : memref<6x!tpu.dma_semaphore, #tpu.memory_space<semaphore_mem>> -> memref<1x!tpu.dma_semaphore, #tpu.memory_space<semaphore_mem>>
      %dma_start3A_24 = tpu.memref_squeeze %dma_start3A_23 : memref<1x!tpu.dma_semaphore, #tpu.memory_space<semaphore_mem>> -> memref<!tpu.dma_semaphore, #tpu.memory_space<semaphore_mem>>
      %dma_start3A_25 = tpu.memref_slice %arg4[%dma_start3A, %mul3A_19] : memref<2x160000xi32, #tpu.memory_space<hbm>> -> memref<1x128xi32, #tpu.memory_space<hbm>>
      %dma_start3A_26 = tpu.memref_squeeze %dma_start3A_25 : memref<1x128xi32, #tpu.memory_space<hbm>> -> memref<128xi32, #tpu.memory_space<hbm>>
      tpu.enqueue_dma source(%dma_start3A_26 : memref<128xi32, #tpu.memory_space<hbm>>) target(%arg7 : memref<128xi32, #tpu.memory_space<vmem>>) target_semaphore(%dma_start3A_24 : memref<!tpu.dma_semaphore, #tpu.memory_space<semaphore_mem>>)
      %dma_start3A_27 = arith.constant 1 : i32
      %dma_start3A_28 = arith.constant 0 : i32
      %dma_start3A_29 = tpu.memref_slice %arg4[%dma_start3A_27, %mul3A_19] : memref<2x160000xi32, #tpu.memory_space<hbm>> -> memref<1x128xi32, #tpu.memory_space<hbm>>
      %dma_start3A_30 = tpu.memref_squeeze %dma_start3A_29 : memref<1x128xi32, #tpu.memory_space<hbm>> -> memref<128xi32, #tpu.memory_space<hbm>>
      %dma_start3A_31 = tpu.memref_slice %arg23[%dma_start3A_28] : memref<6x!tpu.dma_semaphore, #tpu.memory_space<semaphore_mem>> -> memref<1x!tpu.dma_semaphore, #tpu.memory_space<semaphore_mem>>
      %dma_start3A_32 = tpu.memref_squeeze %dma_start3A_31 : memref<1x!tpu.dma_semaphore, #tpu.memory_space<semaphore_mem>> -> memref<!tpu.dma_semaphore, #tpu.memory_space<semaphore_mem>>
      %dma_start3A_33 = tpu.memref_slice %arg4[%dma_start3A_27, %mul3A_19] : memref<2x160000xi32, #tpu.memory_space<hbm>> -> memref<1x128xi32, #tpu.memory_space<hbm>>
      %dma_start3A_34 = tpu.memref_squeeze %dma_start3A_33 : memref<1x128xi32, #tpu.memory_space<hbm>> -> memref<128xi32, #tpu.memory_space<hbm>>
      tpu.enqueue_dma source(%dma_start3A_34 : memref<128xi32, #tpu.memory_space<hbm>>) target(%arg13 : memref<128xi32, #tpu.memory_space<vmem>>) target_semaphore(%dma_start3A_32 : memref<!tpu.dma_semaphore, #tpu.memory_space<semaphore_mem>>)
      %add3A_35 = arith.constant 1 : i32
      %add3A_36 = arith.addi %mul3A_7, %add3A_35 : i32
      %mul3A_37 = arith.constant 128 : i32
      %mul3A_38 = arith.muli %add3A_36, %mul3A_37 : i32
      %dma_start3A_39 = arith.constant 0 : i32
      %dma_start3A_40 = arith.constant 1 : i32
      %dma_start3A_41 = tpu.memref_slice %arg4[%dma_start3A_39, %mul3A_38] : memref<2x160000xi32, #tpu.memory_space<hbm>> -> memref<1x128xi32, #tpu.memory_space<hbm>>
      %dma_start3A_42 = tpu.memref_squeeze %dma_start3A_41 : memref<1x128xi32, #tpu.memory_space<hbm>> -> memref<128xi32, #tpu.memory_space<hbm>>
      %dma_start3A_43 = tpu.memref_slice %arg23[%dma_start3A_40] : memref<6x!tpu.dma_semaphore, #tpu.memory_space<semaphore_mem>> -> memref<1x!tpu.dma_semaphore, #tpu.memory_space<semaphore_mem>>
      %dma_start3A_44 = tpu.memref_squeeze %dma_start3A_43 : memref<1x!tpu.dma_semaphore, #tpu.memory_space<semaphore_mem>> -> memref<!tpu.dma_semaphore, #tpu.memory_space<semaphore_mem>>
      %dma_start3A_45 = tpu.memref_slice %arg4[%dma_start3A_39, %mul3A_38] : memref<2x160000xi32, #tpu.memory_space<hbm>> -> memref<1x128xi32, #tpu.memory_space<hbm>>
      %dma_start3A_46 = tpu.memref_squeeze %dma_start3A_45 : memref<1x128xi32, #tpu.memory_space<hbm>> -> memref<128xi32, #tpu.memory_space<hbm>>
      tpu.enqueue_dma source(%dma_start3A_46 : memref<128xi32, #tpu.memory_space<hbm>>) target(%arg8 : memref<128xi32, #tpu.memory_space<vmem>>) target_semaphore(%dma_start3A_44 : memref<!tpu.dma_semaphore, #tpu.memory_space<semaphore_mem>>)
      %dma_start3A_47 = arith.constant 1 : i32
      %dma_start3A_48 = arith.constant 1 : i32
      %dma_start3A_49 = tpu.memref_slice %arg4[%dma_start3A_47, %mul3A_38] : memref<2x160000xi32, #tpu.memory_space<hbm>> -> memref<1x128xi32, #tpu.memory_space<hbm>>
      %dma_start3A_50 = tpu.memref_squeeze %dma_start3A_49 : memref<1x128xi32, #tpu.memory_space<hbm>> -> memref<128xi32, #tpu.memory_space<hbm>>
      %dma_start3A_51 = tpu.memref_slice %arg23[%dma_start3A_48] : memref<6x!tpu.dma_semaphore, #tpu.memory_space<semaphore_mem>> -> memref<1x!tpu.dma_semaphore, #tpu.memory_space<semaphore_mem>>
      %dma_start3A_52 = tpu.memref_squeeze %dma_start3A_51 : memref<1x!tpu.dma_semaphore, #tpu.memory_space<semaphore_mem>> -> memref<!tpu.dma_semaphore, #tpu.memory_space<semaphore_mem>>
      %dma_start3A_53 = tpu.memref_slice %arg4[%dma_start3A_47, %mul3A_38] : memref<2x160000xi32, #tpu.memory_space<hbm>> -> memref<1x128xi32, #tpu.memory_space<hbm>>
      %dma_start3A_54 = tpu.memref_squeeze %dma_start3A_53 : memref<1x128xi32, #tpu.memory_space<hbm>> -> memref<128xi32, #tpu.memory_space<hbm>>
      tpu.enqueue_dma source(%dma_start3A_54 : memref<128xi32, #tpu.memory_space<hbm>>) target(%arg14 : memref<128xi32, #tpu.memory_space<vmem>>) target_semaphore(%dma_start3A_52 : memref<!tpu.dma_semaphore, #tpu.memory_space<semaphore_mem>>)
      %add3A_55 = arith.constant 2 : i32
      %add3A_56 = arith.addi %mul3A_7, %add3A_55 : i32
      %mul3A_57 = arith.constant 128 : i32
      %mul3A_58 = arith.muli %add3A_56, %mul3A_57 : i32
      %dma_start3A_59 = arith.constant 0 : i32
      %dma_start3A_60 = arith.constant 2 : i32
      %dma_start3A_61 = tpu.memref_slice %arg4[%dma_start3A_59, %mul3A_58] : memref<2x160000xi32, #tpu.memory_space<hbm>> -> memref<1x128xi32, #tpu.memory_space<hbm>>
      %dma_start3A_62 = tpu.memref_squeeze %dma_start3A_61 : memref<1x128xi32, #tpu.memory_space<hbm>> -> memref<128xi32, #tpu.memory_space<hbm>>
      %dma_start3A_63 = tpu.memref_slice %arg23[%dma_start3A_60] : memref<6x!tpu.dma_semaphore, #tpu.memory_space<semaphore_mem>> -> memref<1x!tpu.dma_semaphore, #tpu.memory_space<semaphore_mem>>
      %dma_start3A_64 = tpu.memref_squeeze %dma_start3A_63 : memref<1x!tpu.dma_semaphore, #tpu.memory_space<semaphore_mem>> -> memref<!tpu.dma_semaphore, #tpu.memory_space<semaphore_mem>>
      %dma_start3A_65 = tpu.memref_slice %arg4[%dma_start3A_59, %mul3A_58] : memref<2x160000xi32, #tpu.memory_space<hbm>> -> memref<1x128xi32, #tpu.memory_space<hbm>>
      %dma_start3A_66 = tpu.memref_squeeze %dma_start3A_65 : memref<1x128xi32, #tpu.memory_space<hbm>> -> memref<128xi32, #tpu.memory_space<hbm>>
      tpu.enqueue_dma source(%dma_start3A_66 : memref<128xi32, #tpu.memory_space<hbm>>) target(%arg9 : memref<128xi32, #tpu.memory_space<vmem>>) target_semaphore(%dma_start3A_64 : memref<!tpu.dma_semaphore, #tpu.memory_space<semaphore_mem>>)
      %dma_start3A_67 = arith.constant 1 : i32
      %dma_start3A_68 = arith.constant 2 : i32
      %dma_start3A_69 = tpu.memref_slice %arg4[%dma_start3A_67, %mul3A_58] : memref<2x160000xi32, #tpu.memory_space<hbm>> -> memref<1x128xi32, #tpu.memory_space<hbm>>
      %dma_start3A_70 = tpu.memref_squeeze %dma_start3A_69 : memref<1x128xi32, #tpu.memory_space<hbm>> -> memref<128xi32, #tpu.memory_space<hbm>>
      %dma_start3A_71 = tpu.memref_slice %arg23[%dma_start3A_68] : memref<6x!tpu.dma_semaphore, #tpu.memory_space<semaphore_mem>> -> memref<1x!tpu.dma_semaphore, #tpu.memory_space<semaphore_mem>>
      %dma_start3A_72 = tpu.memref_squeeze %dma_start3A_71 : memref<1x!tpu.dma_semaphore, #tpu.memory_space<semaphore_mem>> -> memref<!tpu.dma_semaphore, #tpu.memory_space<semaphore_mem>>
      %dma_start3A_73 = tpu.memref_slice %arg4[%dma_start3A_67, %mul3A_58] : memref<2x160000xi32, #tpu.memory_space<hbm>> -> memref<1x128xi32, #tpu.memory_space<hbm>>
      %dma_start3A_74 = tpu.memref_squeeze %dma_start3A_73 : memref<1x128xi32, #tpu.memory_space<hbm>> -> memref<128xi32, #tpu.memory_space<hbm>>
      tpu.enqueue_dma source(%dma_start3A_74 : memref<128xi32, #tpu.memory_space<hbm>>) target(%arg15 : memref<128xi32, #tpu.memory_space<vmem>>) target_semaphore(%dma_start3A_72 : memref<!tpu.dma_semaphore, #tpu.memory_space<semaphore_mem>>)
      %add3A_75 = arith.constant 3 : i32
      %add3A_76 = arith.addi %mul3A_7, %add3A_75 : i32
      %mul3A_77 = arith.constant 128 : i32
      %mul3A_78 = arith.muli %add3A_76, %mul3A_77 : i32
      %dma_start3A_79 = arith.constant 0 : i32
      %dma_start3A_80 = arith.constant 3 : i32
      %dma_start3A_81 = tpu.memref_slice %arg4[%dma_start3A_79, %mul3A_78] : memref<2x160000xi32, #tpu.memory_space<hbm>> -> memref<1x128xi32, #tpu.memory_space<hbm>>
      %dma_start3A_82 = tpu.memref_squeeze %dma_start3A_81 : memref<1x128xi32, #tpu.memory_space<hbm>> -> memref<128xi32, #tpu.memory_space<hbm>>
      %dma_start3A_83 = tpu.memref_slice %arg23[%dma_start3A_80] : memref<6x!tpu.dma_semaphore, #tpu.memory_space<semaphore_mem>> -> memref<1x!tpu.dma_semaphore, #tpu.memory_space<semaphore_mem>>
      %dma_start3A_84 = tpu.memref_squeeze %dma_start3A_83 : memref<1x!tpu.dma_semaphore, #tpu.memory_space<semaphore_mem>> -> memref<!tpu.dma_semaphore, #tpu.memory_space<semaphore_mem>>
      %dma_start3A_85 = tpu.memref_slice %arg4[%dma_start3A_79, %mul3A_78] : memref<2x160000xi32, #tpu.memory_space<hbm>> -> memref<1x128xi32, #tpu.memory_space<hbm>>
      %dma_start3A_86 = tpu.memref_squeeze %dma_start3A_85 : memref<1x128xi32, #tpu.memory_space<hbm>> -> memref<128xi32, #tpu.memory_space<hbm>>
      tpu.enqueue_dma source(%dma_start3A_86 : memref<128xi32, #tpu.memory_space<hbm>>) target(%arg10 : memref<128xi32, #tpu.memory_space<vmem>>) target_semaphore(%dma_start3A_84 : memref<!tpu.dma_semaphore, #tpu.memory_space<semaphore_mem>>)
      %dma_start3A_87 = arith.constant 1 : i32
      %dma_start3A_88 = arith.constant 3 : i32
      %dma_start3A_89 = tpu.memref_slice %arg4[%dma_start3A_87, %mul3A_78] : memref<2x160000xi32, #tpu.memory_space<hbm>> -> memref<1x128xi32, #tpu.memory_space<hbm>>
      %dma_start3A_90 = tpu.memref_squeeze %dma_start3A_89 : memref<1x128xi32, #tpu.memory_space<hbm>> -> memref<128xi32, #tpu.memory_space<hbm>>
      %dma_start3A_91 = tpu.memref_slice %arg23[%dma_start3A_88] : memref<6x!tpu.dma_semaphore, #tpu.memory_space<semaphore_mem>> -> memref<1x!tpu.dma_semaphore, #tpu.memory_space<semaphore_mem>>
      %dma_start3A_92 = tpu.memref_squeeze %dma_start3A_91 : memref<1x!tpu.dma_semaphore, #tpu.memory_space<semaphore_mem>> -> memref<!tpu.dma_semaphore, #tpu.memory_space<semaphore_mem>>
      %dma_start3A_93 = tpu.memref_slice %arg4[%dma_start3A_87, %mul3A_78] : memref<2x160000xi32, #tpu.memory_space<hbm>> -> memref<1x128xi32, #tpu.memory_space<hbm>>
      %dma_start3A_94 = tpu.memref_squeeze %dma_start3A_93 : memref<1x128xi32, #tpu.memory_space<hbm>> -> memref<128xi32, #tpu.memory_space<hbm>>
      tpu.enqueue_dma source(%dma_start3A_94 : memref<128xi32, #tpu.memory_space<hbm>>) target(%arg16 : memref<128xi32, #tpu.memory_space<vmem>>) target_semaphore(%dma_start3A_92 : memref<!tpu.dma_semaphore, #tpu.memory_space<semaphore_mem>>)
      %add3A_95 = arith.constant 0 : i32
      %add3A_96 = arith.addi %mul3A_7, %add3A_95 : i32
      %mul3A_97 = arith.constant 128 : i32
      %mul3A_98 = arith.muli %add3A_96, %mul3A_97 : i32
      %dma_wait3A = arith.constant 0 : i32
      %dma_wait3A_99 = arith.constant 0 : i32
      %dma_wait3A_100 = tpu.memref_slice %arg4[%dma_wait3A, %mul3A_98] : memref<2x160000xi32, #tpu.memory_space<hbm>> -> memref<1x128xi32, #tpu.memory_space<hbm>>
      %dma_wait3A_101 = tpu.memref_squeeze %dma_wait3A_100 : memref<1x128xi32, #tpu.memory_space<hbm>> -> memref<128xi32, #tpu.memory_space<hbm>>
      %dma_wait3A_102 = tpu.memref_slice %arg23[%dma_wait3A_99] : memref<6x!tpu.dma_semaphore, #tpu.memory_space<semaphore_mem>> -> memref<1x!tpu.dma_semaphore, #tpu.memory_space<semaphore_mem>>
      %dma_wait3A_103 = tpu.memref_squeeze %dma_wait3A_102 : memref<1x!tpu.dma_semaphore, #tpu.memory_space<semaphore_mem>> -> memref<!tpu.dma_semaphore, #tpu.memory_space<semaphore_mem>>
      %dma_wait3A_104 = tpu.memref_slice %arg4[%dma_wait3A, %mul3A_98] : memref<2x160000xi32, #tpu.memory_space<hbm>> -> memref<1x128xi32, #tpu.memory_space<hbm>>
      %dma_wait3A_105 = tpu.memref_squeeze %dma_wait3A_104 : memref<1x128xi32, #tpu.memory_space<hbm>> -> memref<128xi32, #tpu.memory_space<hbm>>
      tpu.wait_dma2 semaphore(%dma_wait3A_103 : memref<!tpu.dma_semaphore, #tpu.memory_space<semaphore_mem>>) src(%dma_wait3A_105 : memref<128xi32, #tpu.memory_space<hbm>>) dst(%arg7 : memref<128xi32, #tpu.memory_space<vmem>>)
      %dma_wait3A_106 = arith.constant 1 : i32
      %dma_wait3A_107 = arith.constant 0 : i32
      %dma_wait3A_108 = tpu.memref_slice %arg4[%dma_wait3A_106, %mul3A_98] : memref<2x160000xi32, #tpu.memory_space<hbm>> -> memref<1x128xi32, #tpu.memory_space<hbm>>
      %dma_wait3A_109 = tpu.memref_squeeze %dma_wait3A_108 : memref<1x128xi32, #tpu.memory_space<hbm>> -> memref<128xi32, #tpu.memory_space<hbm>>
      %dma_wait3A_110 = tpu.memref_slice %arg23[%dma_wait3A_107] : memref<6x!tpu.dma_semaphore, #tpu.memory_space<semaphore_mem>> -> memref<1x!tpu.dma_semaphore, #tpu.memory_space<semaphore_mem>>
      %dma_wait3A_111 = tpu.memref_squeeze %dma_wait3A_110 : memref<1x!tpu.dma_semaphore, #tpu.memory_space<semaphore_mem>> -> memref<!tpu.dma_semaphore, #tpu.memory_space<semaphore_mem>>
      %dma_wait3A_112 = tpu.memref_slice %arg4[%dma_wait3A_106, %mul3A_98] : memref<2x160000xi32, #tpu.memory_space<hbm>> -> memref<1x128xi32, #tpu.memory_space<hbm>>
      %dma_wait3A_113 = tpu.memref_squeeze %dma_wait3A_112 : memref<1x128xi32, #tpu.memory_space<hbm>> -> memref<128xi32, #tpu.memory_space<hbm>>
      tpu.wait_dma2 semaphore(%dma_wait3A_111 : memref<!tpu.dma_semaphore, #tpu.memory_space<semaphore_mem>>) src(%dma_wait3A_113 : memref<128xi32, #tpu.memory_space<hbm>>) dst(%arg13 : memref<128xi32, #tpu.memory_space<vmem>>)
      %dma_start3A_114 = arith.constant 0 : i32
      %dma_start3A_115 = arith.constant 0 : i32
      %dma_start3A_116 = arith.constant 0 : i32
      %dma_start3A_117 = tpu.memref_slice %arg3[%dma_start3A_115, %dma_start3A_116] : memref<10000x128xf32, #tpu.memory_space<hbm>> -> memref<10000x128xf32, #tpu.memory_space<hbm>>
      %dma_start3A_118 = tpu.memref_slice %arg24[%dma_start3A_114] : memref<3x!tpu.dma_semaphore, #tpu.memory_space<semaphore_mem>> -> memref<1x!tpu.dma_semaphore, #tpu.memory_space<semaphore_mem>>
      %dma_start3A_119 = tpu.memref_squeeze %dma_start3A_118 : memref<1x!tpu.dma_semaphore, #tpu.memory_space<semaphore_mem>> -> memref<!tpu.dma_semaphore, #tpu.memory_space<semaphore_mem>>
      tpu.enqueue_indirect_dma source(%dma_start3A_117 : memref<10000x128xf32, #tpu.memory_space<hbm>>) target(%arg19 : memref<128x128xf32, #tpu.memory_space<vmem>>) offsets(%arg7 : memref<128xi32, #tpu.memory_space<vmem>>) semaphore(%dma_start3A_119 : memref<!tpu.dma_semaphore, #tpu.memory_space<semaphore_mem>>)
      %add3A_120 = arith.constant 1 : i32
      %add3A_121 = arith.addi %mul3A_7, %add3A_120 : i32
      %mul3A_122 = arith.constant 128 : i32
      %mul3A_123 = arith.muli %add3A_121, %mul3A_122 : i32
      %dma_wait3A_124 = arith.constant 0 : i32
      %dma_wait3A_125 = arith.constant 1 : i32
      %dma_wait3A_126 = tpu.memref_slice %arg4[%dma_wait3A_124, %mul3A_123] : memref<2x160000xi32, #tpu.memory_space<hbm>> -> memref<1x128xi32, #tpu.memory_space<hbm>>
      %dma_wait3A_127 = tpu.memref_squeeze %dma_wait3A_126 : memref<1x128xi32, #tpu.memory_space<hbm>> -> memref<128xi32, #tpu.memory_space<hbm>>
      %dma_wait3A_128 = tpu.memref_slice %arg23[%dma_wait3A_125] : memref<6x!tpu.dma_semaphore, #tpu.memory_space<semaphore_mem>> -> memref<1x!tpu.dma_semaphore, #tpu.memory_space<semaphore_mem>>
      %dma_wait3A_129 = tpu.memref_squeeze %dma_wait3A_128 : memref<1x!tpu.dma_semaphore, #tpu.memory_space<semaphore_mem>> -> memref<!tpu.dma_semaphore, #tpu.memory_space<semaphore_mem>>
      %dma_wait3A_130 = tpu.memref_slice %arg4[%dma_wait3A_124, %mul3A_123] : memref<2x160000xi32, #tpu.memory_space<hbm>> -> memref<1x128xi32, #tpu.memory_space<hbm>>
      %dma_wait3A_131 = tpu.memref_squeeze %dma_wait3A_130 : memref<1x128xi32, #tpu.memory_space<hbm>> -> memref<128xi32, #tpu.memory_space<hbm>>
      tpu.wait_dma2 semaphore(%dma_wait3A_129 : memref<!tpu.dma_semaphore, #tpu.memory_space<semaphore_mem>>) src(%dma_wait3A_131 : memref<128xi32, #tpu.memory_space<hbm>>) dst(%arg8 : memref<128xi32, #tpu.memory_space<vmem>>)
      %dma_wait3A_132 = arith.constant 1 : i32
      %dma_wait3A_133 = arith.constant 1 : i32
      %dma_wait3A_134 = tpu.memref_slice %arg4[%dma_wait3A_132, %mul3A_123] : memref<2x160000xi32, #tpu.memory_space<hbm>> -> memref<1x128xi32, #tpu.memory_space<hbm>>
      %dma_wait3A_135 = tpu.memref_squeeze %dma_wait3A_134 : memref<1x128xi32, #tpu.memory_space<hbm>> -> memref<128xi32, #tpu.memory_space<hbm>>
      %dma_wait3A_136 = tpu.memref_slice %arg23[%dma_wait3A_133] : memref<6x!tpu.dma_semaphore, #tpu.memory_space<semaphore_mem>> -> memref<1x!tpu.dma_semaphore, #tpu.memory_space<semaphore_mem>>
      %dma_wait3A_137 = tpu.memref_squeeze %dma_wait3A_136 : memref<1x!tpu.dma_semaphore, #tpu.memory_space<semaphore_mem>> -> memref<!tpu.dma_semaphore, #tpu.memory_space<semaphore_mem>>
      %dma_wait3A_138 = tpu.memref_slice %arg4[%dma_wait3A_132, %mul3A_123] : memref<2x160000xi32, #tpu.memory_space<hbm>> -> memref<1x128xi32, #tpu.memory_space<hbm>>
      %dma_wait3A_139 = tpu.memref_squeeze %dma_wait3A_138 : memref<1x128xi32, #tpu.memory_space<hbm>> -> memref<128xi32, #tpu.memory_space<hbm>>
      tpu.wait_dma2 semaphore(%dma_wait3A_137 : memref<!tpu.dma_semaphore, #tpu.memory_space<semaphore_mem>>) src(%dma_wait3A_139 : memref<128xi32, #tpu.memory_space<hbm>>) dst(%arg14 : memref<128xi32, #tpu.memory_space<vmem>>)
      %dma_start3A_140 = arith.constant 1 : i32
      %dma_start3A_141 = arith.constant 0 : i32
      %dma_start3A_142 = arith.constant 0 : i32
      %dma_start3A_143 = tpu.memref_slice %arg3[%dma_start3A_141, %dma_start3A_142] : memref<10000x128xf32, #tpu.memory_space<hbm>> -> memref<10000x128xf32, #tpu.memory_space<hbm>>
      %dma_start3A_144 = tpu.memref_slice %arg24[%dma_start3A_140] : memref<3x!tpu.dma_semaphore, #tpu.memory_space<semaphore_mem>> -> memref<1x!tpu.dma_semaphore, #tpu.memory_space<semaphore_mem>>
      %dma_start3A_145 = tpu.memref_squeeze %dma_start3A_144 : memref<1x!tpu.dma_semaphore, #tpu.memory_space<semaphore_mem>> -> memref<!tpu.dma_semaphore, #tpu.memory_space<semaphore_mem>>
      tpu.enqueue_indirect_dma source(%dma_start3A_143 : memref<10000x128xf32, #tpu.memory_space<hbm>>) target(%arg20 : memref<128x128xf32, #tpu.memory_space<vmem>>) offsets(%arg8 : memref<128xi32, #tpu.memory_space<vmem>>) semaphore(%dma_start3A_145 : memref<!tpu.dma_semaphore, #tpu.memory_space<semaphore_mem>>)
      %lt3A_146 = arith.constant 15 : i32
      %lt3A_147 = arith.cmpi slt, %arg1, %lt3A_146 : i32
      %convert_element_type3A_148 = arith.extui %lt3A_147 : i1 to i32
      %cond3A_149 = arith.constant 0 : i32
      %cond3A_150 = arith.cmpi ne, %convert_element_type3A_148, %cond3A_149 : i32
      scf.if %cond3A_150 {
        %mul3A_194 = arith.constant 632 : i32
        %mul3A_195 = arith.muli %arg1, %mul3A_194 : i32
        %mul3A_196 = arith.constant 632 : i32
        %mul3A_197 = arith.muli %arg1, %mul3A_196 : i32
        %dma_wait3A_198 = arith.constant 0 : i32
        %dma_wait3A_199 = tpu.memref_slice %arg26[%mul3A_197, %dma_wait3A_198] : memref<10000x128xf32, #tpu.memory_space<vmem_shared>> -> memref<632x128xf32, #tpu.memory_space<vmem_shared>>
        %dma_wait3A_200 = arith.constant 0 : i32
        %dma_wait3A_201 = tpu.memref_slice %arg3[%mul3A_195, %dma_wait3A_200] : memref<10000x128xf32, #tpu.memory_space<hbm>> -> memref<632x128xf32, #tpu.memory_space<hbm>>
        tpu.wait_dma2 semaphore(%arg22 : memref<!tpu.dma_semaphore, #tpu.memory_space<semaphore_mem>>) src(%dma_wait3A_201 : memref<632x128xf32, #tpu.memory_space<hbm>>) dst(%dma_wait3A_199 : memref<632x128xf32, #tpu.memory_space<vmem_shared>>)
      } else {
      }
      %eq3A_151 = arith.constant 15 : i32
      %eq3A_152 = arith.cmpi eq, %arg1, %eq3A_151 : i32
      %convert_element_type3A_153 = arith.extui %eq3A_152 : i1 to i32
      %cond3A_154 = arith.constant 0 : i32
      %cond3A_155 = arith.cmpi ne, %convert_element_type3A_153, %cond3A_154 : i32
      scf.if %cond3A_155 {
        %dma_wait3A_194 = arith.constant 9480 : i32
        %dma_wait3A_195 = arith.constant 0 : i32
        %dma_wait3A_196 = tpu.memref_slice %arg26[%dma_wait3A_194, %dma_wait3A_195] : memref<10000x128xf32, #tpu.memory_space<vmem_shared>> -> memref<520x128xf32, #tpu.memory_space<vmem_shared>>
        %dma_wait3A_197 = arith.constant 9480 : i32
        %dma_wait3A_198 = arith.constant 0 : i32
        %dma_wait3A_199 = tpu.memref_slice %arg3[%dma_wait3A_197, %dma_wait3A_198] : memref<10000x128xf32, #tpu.memory_space<hbm>> -> memref<520x128xf32, #tpu.memory_space<hbm>>
        tpu.wait_dma2 semaphore(%arg22 : memref<!tpu.dma_semaphore, #tpu.memory_space<semaphore_mem>>) src(%dma_wait3A_199 : memref<520x128xf32, #tpu.memory_space<hbm>>) dst(%dma_wait3A_196 : memref<520x128xf32, #tpu.memory_space<vmem_shared>>)
      } else {
      }
      %barrier3A = arith.constant 0 : index
      tpu.barrier barrier_id(%barrier3A)
      %scan3A = arith.constant 0 : i32
      %scan3A_156 = arith.constant 13 : i32
      %scan3A_157 = arith.addi %scan3A, %scan3A_156 : i32
      %scan3A_158 = arith.constant 1 : i32
      scf.for %scan3A_194 = %scan3A to %scan3A_157 step %scan3A_158  : i32 {
        %mul3A_195 = arith.constant 6 : i32
        %mul3A_196 = arith.muli %scan3A_194, %mul3A_195 : i32
        %add3A_197 = arith.constant 0 : i32
        %add3A_198 = arith.addi %add3A_197, %mul3A_196 : i32
        %add3A_199 = arith.constant 0 : i32
        %add3A_200 = arith.addi %add3A_198, %add3A_199 : i32
        %dma_wait3A_201 = arith.constant 0 : i32
        %dma_wait3A_202 = arith.constant 0 : i32
        %dma_wait3A_203 = arith.constant 0 : i32
        %dma_wait3A_204 = tpu.memref_slice %arg3[%dma_wait3A_202, %dma_wait3A_203] : memref<10000x128xf32, #tpu.memory_space<hbm>> -> memref<10000x128xf32, #tpu.memory_space<hbm>>
        %dma_wait3A_205 = tpu.memref_slice %arg24[%dma_wait3A_201] : memref<3x!tpu.dma_semaphore, #tpu.memory_space<semaphore_mem>> -> memref<1x!tpu.dma_semaphore, #tpu.memory_space<semaphore_mem>>
        %dma_wait3A_206 = tpu.memref_squeeze %dma_wait3A_205 : memref<1x!tpu.dma_semaphore, #tpu.memory_space<semaphore_mem>> -> memref<!tpu.dma_semaphore, #tpu.memory_space<semaphore_mem>>
        tpu.wait_indirect_dma semaphore(%dma_wait3A_206 : memref<!tpu.dma_semaphore, #tpu.memory_space<semaphore_mem>>) src(%dma_wait3A_204 : memref<10000x128xf32, #tpu.memory_space<hbm>>) dst(%arg19 : memref<128x128xf32, #tpu.memory_space<vmem>>)
        %dma_start3A_207 = arith.constant 0 : i32
        %dma_start3A_208 = arith.constant 0 : i32
        %dma_start3A_209 = arith.constant 0 : i32
        %dma_start3A_210 = tpu.memref_slice %arg26[%dma_start3A_208, %dma_start3A_209] : memref<10000x128xf32, #tpu.memory_space<vmem_shared>> -> memref<10000x128xf32, #tpu.memory_space<vmem_shared>>
        %dma_start3A_211 = tpu.memref_slice %arg25[%dma_start3A_207] : memref<3x!tpu.dma_semaphore, #tpu.memory_space<semaphore_mem>> -> memref<1x!tpu.dma_semaphore, #tpu.memory_space<semaphore_mem>>
        %dma_start3A_212 = tpu.memref_squeeze %dma_start3A_211 : memref<1x!tpu.dma_semaphore, #tpu.memory_space<semaphore_mem>> -> memref<!tpu.dma_semaphore, #tpu.memory_space<semaphore_mem>>
        tpu.enqueue_indirect_dma source(%arg19 : memref<128x128xf32, #tpu.memory_space<vmem>>) target(%dma_start3A_210 : memref<10000x128xf32, #tpu.memory_space<vmem_shared>>) offsets(%arg13 : memref<128xi32, #tpu.memory_space<vmem>>) semaphore(%dma_start3A_212 : memref<!tpu.dma_semaphore, #tpu.memory_space<semaphore_mem>>) {add = true}
        %add3A_213 = arith.constant 2 : i32
        %add3A_214 = arith.addi %add3A_200, %add3A_213 : i32
        %lt3A_215 = arith.constant 78 : i32
        %lt3A_216 = arith.cmpi slt, %add3A_214, %lt3A_215 : i32
        %convert_element_type3A_217 = arith.extui %lt3A_216 : i1 to i32
        %cond3A_218 = arith.constant 0 : i32
        %cond3A_219 = arith.cmpi ne, %convert_element_type3A_217, %cond3A_218 : i32
        scf.if %cond3A_219 {
          %add3A_367 = arith.constant 2 : i32
          %add3A_368 = arith.addi %add3A_200, %add3A_367 : i32
          %add3A_369 = arith.addi %mul3A_7, %add3A_368 : i32
          %mul3A_370 = arith.constant 128 : i32
          %mul3A_371 = arith.muli %add3A_369, %mul3A_370 : i32
          %dma_wait3A_372 = arith.constant 0 : i32
          %dma_wait3A_373 = arith.constant 2 : i32
          %dma_wait3A_374 = tpu.memref_slice %arg4[%dma_wait3A_372, %mul3A_371] : memref<2x160000xi32, #tpu.memory_space<hbm>> -> memref<1x128xi32, #tpu.memory_space<hbm>>
          %dma_wait3A_375 = tpu.memref_squeeze %dma_wait3A_374 : memref<1x128xi32, #tpu.memory_space<hbm>> -> memref<128xi32, #tpu.memory_space<hbm>>
          %dma_wait3A_376 = tpu.memref_slice %arg23[%dma_wait3A_373] : memref<6x!tpu.dma_semaphore, #tpu.memory_space<semaphore_mem>> -> memref<1x!tpu.dma_semaphore, #tpu.memory_space<semaphore_mem>>
          %dma_wait3A_377 = tpu.memref_squeeze %dma_wait3A_376 : memref<1x!tpu.dma_semaphore, #tpu.memory_space<semaphore_mem>> -> memref<!tpu.dma_semaphore, #tpu.memory_space<semaphore_mem>>
          %dma_wait3A_378 = tpu.memref_slice %arg4[%dma_wait3A_372, %mul3A_371] : memref<2x160000xi32, #tpu.memory_space<hbm>> -> memref<1x128xi32, #tpu.memory_space<hbm>>
          %dma_wait3A_379 = tpu.memref_squeeze %dma_wait3A_378 : memref<1x128xi32, #tpu.memory_space<hbm>> -> memref<128xi32, #tpu.memory_space<hbm>>
          tpu.wait_dma2 semaphore(%dma_wait3A_377 : memref<!tpu.dma_semaphore, #tpu.memory_space<semaphore_mem>>) src(%dma_wait3A_379 : memref<128xi32, #tpu.memory_space<hbm>>) dst(%arg9 : memref<128xi32, #tpu.memory_space<vmem>>)
          %dma_wait3A_380 = arith.constant 1 : i32
          %dma_wait3A_381 = arith.constant 2 : i32
          %dma_wait3A_382 = tpu.memref_slice %arg4[%dma_wait3A_380, %mul3A_371] : memref<2x160000xi32, #tpu.memory_space<hbm>> -> memref<1x128xi32, #tpu.memory_space<hbm>>
          %dma_wait3A_383 = tpu.memref_squeeze %dma_wait3A_382 : memref<1x128xi32, #tpu.memory_space<hbm>> -> memref<128xi32, #tpu.memory_space<hbm>>
          %dma_wait3A_384 = tpu.memref_slice %arg23[%dma_wait3A_381] : memref<6x!tpu.dma_semaphore, #tpu.memory_space<semaphore_mem>> -> memref<1x!tpu.dma_semaphore, #tpu.memory_space<semaphore_mem>>
          %dma_wait3A_385 = tpu.memref_squeeze %dma_wait3A_384 : memref<1x!tpu.dma_semaphore, #tpu.memory_space<semaphore_mem>> -> memref<!tpu.dma_semaphore, #tpu.memory_space<semaphore_mem>>
          %dma_wait3A_386 = tpu.memref_slice %arg4[%dma_wait3A_380, %mul3A_371] : memref<2x160000xi32, #tpu.memory_space<hbm>> -> memref<1x128xi32, #tpu.memory_space<hbm>>
          %dma_wait3A_387 = tpu.memref_squeeze %dma_wait3A_386 : memref<1x128xi32, #tpu.memory_space<hbm>> -> memref<128xi32, #tpu.memory_space<hbm>>
          tpu.wait_dma2 semaphore(%dma_wait3A_385 : memref<!tpu.dma_semaphore, #tpu.memory_space<semaphore_mem>>) src(%dma_wait3A_387 : memref<128xi32, #tpu.memory_space<hbm>>) dst(%arg15 : memref<128xi32, #tpu.memory_space<vmem>>)
          %ge3A = arith.constant 1 : i32
          %ge3A_388 = arith.cmpi sge, %add3A_200, %ge3A : i32
          %convert_element_type3A_389 = arith.extui %ge3A_388 : i1 to i32
          %cond3A_390 = arith.constant 0 : i32
          %cond3A_391 = arith.cmpi ne, %convert_element_type3A_389, %cond3A_390 : i32
          scf.if %cond3A_391 {
            %dma_wait3A_398 = arith.constant 2 : i32
            %dma_wait3A_399 = arith.constant 0 : i32
            %dma_wait3A_400 = arith.constant 0 : i32
            %dma_wait3A_401 = tpu.memref_slice %arg26[%dma_wait3A_399, %dma_wait3A_400] : memref<10000x128xf32, #tpu.memory_space<vmem_shared>> -> memref<10000x128xf32, #tpu.memory_space<vmem_shared>>
            %dma_wait3A_402 = tpu.memref_slice %arg25[%dma_wait3A_398] : memref<3x!tpu.dma_semaphore, #tpu.memory_space<semaphore_mem>> -> memref<1x!tpu.dma_semaphore, #tpu.memory_space<semaphore_mem>>
            %dma_wait3A_403 = tpu.memref_squeeze %dma_wait3A_402 : memref<1x!tpu.dma_semaphore, #tpu.memory_space<semaphore_mem>> -> memref<!tpu.dma_semaphore, #tpu.memory_space<semaphore_mem>>
            tpu.wait_indirect_dma semaphore(%dma_wait3A_403 : memref<!tpu.dma_semaphore, #tpu.memory_space<semaphore_mem>>) src(%arg21 : memref<128x128xf32, #tpu.memory_space<vmem>>) dst(%dma_wait3A_401 : memref<10000x128xf32, #tpu.memory_space<vmem_shared>>)
          } else {
          }
          %dma_start3A_392 = arith.constant 2 : i32
          %dma_start3A_393 = arith.constant 0 : i32
          %dma_start3A_394 = arith.constant 0 : i32
          %dma_start3A_395 = tpu.memref_slice %arg3[%dma_start3A_393, %dma_start3A_394] : memref<10000x128xf32, #tpu.memory_space<hbm>> -> memref<10000x128xf32, #tpu.memory_space<hbm>>
          %dma_start3A_396 = tpu.memref_slice %arg24[%dma_start3A_392] : memref<3x!tpu.dma_semaphore, #tpu.memory_space<semaphore_mem>> -> memref<1x!tpu.dma_semaphore, #tpu.memory_space<semaphore_mem>>
          %dma_start3A_397 = tpu.memref_squeeze %dma_start3A_396 : memref<1x!tpu.dma_semaphore, #tpu.memory_space<semaphore_mem>> -> memref<!tpu.dma_semaphore, #tpu.memory_space<semaphore_mem>>
          tpu.enqueue_indirect_dma source(%dma_start3A_395 : memref<10000x128xf32, #tpu.memory_space<hbm>>) target(%arg21 : memref<128x128xf32, #tpu.memory_space<vmem>>) offsets(%arg9 : memref<128xi32, #tpu.memory_space<vmem>>) semaphore(%dma_start3A_397 : memref<!tpu.dma_semaphore, #tpu.memory_space<semaphore_mem>>)
        } else {
        }
        %add3A_220 = arith.constant 4 : i32
        %add3A_221 = arith.addi %add3A_200, %add3A_220 : i32
        %lt3A_222 = arith.constant 78 : i32
        %lt3A_223 = arith.cmpi slt, %add3A_221, %lt3A_222 : i32
        %convert_element_type3A_224 = arith.extui %lt3A_223 : i1 to i32
        %cond3A_225 = arith.constant 0 : i32
        %cond3A_226 = arith.cmpi ne, %convert_element_type3A_224, %cond3A_225 : i32
        scf.if %cond3A_226 {
          %add3A_367 = arith.constant 4 : i32
          %add3A_368 = arith.addi %add3A_200, %add3A_367 : i32
          %add3A_369 = arith.addi %mul3A_7, %add3A_368 : i32
          %mul3A_370 = arith.constant 128 : i32
          %mul3A_371 = arith.muli %add3A_369, %mul3A_370 : i32
          %dma_start3A_372 = arith.constant 0 : i32
          %dma_start3A_373 = arith.constant 4 : i32
          %dma_start3A_374 = tpu.memref_slice %arg4[%dma_start3A_372, %mul3A_371] : memref<2x160000xi32, #tpu.memory_space<hbm>> -> memref<1x128xi32, #tpu.memory_space<hbm>>
          %dma_start3A_375 = tpu.memref_squeeze %dma_start3A_374 : memref<1x128xi32, #tpu.memory_space<hbm>> -> memref<128xi32, #tpu.memory_space<hbm>>
          %dma_start3A_376 = tpu.memref_slice %arg23[%dma_start3A_373] : memref<6x!tpu.dma_semaphore, #tpu.memory_space<semaphore_mem>> -> memref<1x!tpu.dma_semaphore, #tpu.memory_space<semaphore_mem>>
          %dma_start3A_377 = tpu.memref_squeeze %dma_start3A_376 : memref<1x!tpu.dma_semaphore, #tpu.memory_space<semaphore_mem>> -> memref<!tpu.dma_semaphore, #tpu.memory_space<semaphore_mem>>
          %dma_start3A_378 = tpu.memref_slice %arg4[%dma_start3A_372, %mul3A_371] : memref<2x160000xi32, #tpu.memory_space<hbm>> -> memref<1x128xi32, #tpu.memory_space<hbm>>
          %dma_start3A_379 = tpu.memref_squeeze %dma_start3A_378 : memref<1x128xi32, #tpu.memory_space<hbm>> -> memref<128xi32, #tpu.memory_space<hbm>>
          tpu.enqueue_dma source(%dma_start3A_379 : memref<128xi32, #tpu.memory_space<hbm>>) target(%arg11 : memref<128xi32, #tpu.memory_space<vmem>>) target_semaphore(%dma_start3A_377 : memref<!tpu.dma_semaphore, #tpu.memory_space<semaphore_mem>>)
          %dma_start3A_380 = arith.constant 1 : i32
          %dma_start3A_381 = arith.constant 4 : i32
          %dma_start3A_382 = tpu.memref_slice %arg4[%dma_start3A_380, %mul3A_371] : memref<2x160000xi32, #tpu.memory_space<hbm>> -> memref<1x128xi32, #tpu.memory_space<hbm>>
          %dma_start3A_383 = tpu.memref_squeeze %dma_start3A_382 : memref<1x128xi32, #tpu.memory_space<hbm>> -> memref<128xi32, #tpu.memory_space<hbm>>
          %dma_start3A_384 = tpu.memref_slice %arg23[%dma_start3A_381] : memref<6x!tpu.dma_semaphore, #tpu.memory_space<semaphore_mem>> -> memref<1x!tpu.dma_semaphore, #tpu.memory_space<semaphore_mem>>
          %dma_start3A_385 = tpu.memref_squeeze %dma_start3A_384 : memref<1x!tpu.dma_semaphore, #tpu.memory_space<semaphore_mem>> -> memref<!tpu.dma_semaphore, #tpu.memory_space<semaphore_mem>>
          %dma_start3A_386 = tpu.memref_slice %arg4[%dma_start3A_380, %mul3A_371] : memref<2x160000xi32, #tpu.memory_space<hbm>> -> memref<1x128xi32, #tpu.memory_space<hbm>>
          %dma_start3A_387 = tpu.memref_squeeze %dma_start3A_386 : memref<1x128xi32, #tpu.memory_space<hbm>> -> memref<128xi32, #tpu.memory_space<hbm>>
          tpu.enqueue_dma source(%dma_start3A_387 : memref<128xi32, #tpu.memory_space<hbm>>) target(%arg17 : memref<128xi32, #tpu.memory_space<vmem>>) target_semaphore(%dma_start3A_385 : memref<!tpu.dma_semaphore, #tpu.memory_space<semaphore_mem>>)
        } else {
        }
        %add3A_227 = arith.constant 1 : i32
        %add3A_228 = arith.addi %add3A_198, %add3A_227 : i32
        %dma_wait3A_229 = arith.constant 1 : i32
        %dma_wait3A_230 = arith.constant 0 : i32
        %dma_wait3A_231 = arith.constant 0 : i32
        %dma_wait3A_232 = tpu.memref_slice %arg3[%dma_wait3A_230, %dma_wait3A_231] : memref<10000x128xf32, #tpu.memory_space<hbm>> -> memref<10000x128xf32, #tpu.memory_space<hbm>>
        %dma_wait3A_233 = tpu.memref_slice %arg24[%dma_wait3A_229] : memref<3x!tpu.dma_semaphore, #tpu.memory_space<semaphore_mem>> -> memref<1x!tpu.dma_semaphore, #tpu.memory_space<semaphore_mem>>
        %dma_wait3A_234 = tpu.memref_squeeze %dma_wait3A_233 : memref<1x!tpu.dma_semaphore, #tpu.memory_space<semaphore_mem>> -> memref<!tpu.dma_semaphore, #tpu.memory_space<semaphore_mem>>
        tpu.wait_indirect_dma semaphore(%dma_wait3A_234 : memref<!tpu.dma_semaphore, #tpu.memory_space<semaphore_mem>>) src(%dma_wait3A_232 : memref<10000x128xf32, #tpu.memory_space<hbm>>) dst(%arg20 : memref<128x128xf32, #tpu.memory_space<vmem>>)
        %dma_start3A_235 = arith.constant 1 : i32
        %dma_start3A_236 = arith.constant 0 : i32
        %dma_start3A_237 = arith.constant 0 : i32
        %dma_start3A_238 = tpu.memref_slice %arg26[%dma_start3A_236, %dma_start3A_237] : memref<10000x128xf32, #tpu.memory_space<vmem_shared>> -> memref<10000x128xf32, #tpu.memory_space<vmem_shared>>
        %dma_start3A_239 = tpu.memref_slice %arg25[%dma_start3A_235] : memref<3x!tpu.dma_semaphore, #tpu.memory_space<semaphore_mem>> -> memref<1x!tpu.dma_semaphore, #tpu.memory_space<semaphore_mem>>
        %dma_start3A_240 = tpu.memref_squeeze %dma_start3A_239 : memref<1x!tpu.dma_semaphore, #tpu.memory_space<semaphore_mem>> -> memref<!tpu.dma_semaphore, #tpu.memory_space<semaphore_mem>>
        tpu.enqueue_indirect_dma source(%arg20 : memref<128x128xf32, #tpu.memory_space<vmem>>) target(%dma_start3A_238 : memref<10000x128xf32, #tpu.memory_space<vmem_shared>>) offsets(%arg14 : memref<128xi32, #tpu.memory_space<vmem>>) semaphore(%dma_start3A_240 : memref<!tpu.dma_semaphore, #tpu.memory_space<semaphore_mem>>) {add = true}
        %add3A_241 = arith.constant 2 : i32
        %add3A_242 = arith.addi %add3A_228, %add3A_241 : i32
        %lt3A_243 = arith.constant 78 : i32
        %lt3A_244 = arith.cmpi slt, %add3A_242, %lt3A_243 : i32
        %convert_element_type3A_245 = arith.extui %lt3A_244 : i1 to i32
        %cond3A_246 = arith.constant 0 : i32
        %cond3A_247 = arith.cmpi ne, %convert_element_type3A_245, %cond3A_246 : i32
        scf.if %cond3A_247 {
          %add3A_367 = arith.constant 2 : i32
          %add3A_368 = arith.addi %add3A_228, %add3A_367 : i32
          %add3A_369 = arith.addi %mul3A_7, %add3A_368 : i32
          %mul3A_370 = arith.constant 128 : i32
          %mul3A_371 = arith.muli %add3A_369, %mul3A_370 : i32
          %dma_wait3A_372 = arith.constant 0 : i32
          %dma_wait3A_373 = arith.constant 3 : i32
          %dma_wait3A_374 = tpu.memref_slice %arg4[%dma_wait3A_372, %mul3A_371] : memref<2x160000xi32, #tpu.memory_space<hbm>> -> memref<1x128xi32, #tpu.memory_space<hbm>>
          %dma_wait3A_375 = tpu.memref_squeeze %dma_wait3A_374 : memref<1x128xi32, #tpu.memory_space<hbm>> -> memref<128xi32, #tpu.memory_space<hbm>>
          %dma_wait3A_376 = tpu.memref_slice %arg23[%dma_wait3A_373] : memref<6x!tpu.dma_semaphore, #tpu.memory_space<semaphore_mem>> -> memref<1x!tpu.dma_semaphore, #tpu.memory_space<semaphore_mem>>
          %dma_wait3A_377 = tpu.memref_squeeze %dma_wait3A_376 : memref<1x!tpu.dma_semaphore, #tpu.memory_space<semaphore_mem>> -> memref<!tpu.dma_semaphore, #tpu.memory_space<semaphore_mem>>
          %dma_wait3A_378 = tpu.memref_slice %arg4[%dma_wait3A_372, %mul3A_371] : memref<2x160000xi32, #tpu.memory_space<hbm>> -> memref<1x128xi32, #tpu.memory_space<hbm>>
          %dma_wait3A_379 = tpu.memref_squeeze %dma_wait3A_378 : memref<1x128xi32, #tpu.memory_space<hbm>> -> memref<128xi32, #tpu.memory_space<hbm>>
          tpu.wait_dma2 semaphore(%dma_wait3A_377 : memref<!tpu.dma_semaphore, #tpu.memory_space<semaphore_mem>>) src(%dma_wait3A_379 : memref<128xi32, #tpu.memory_space<hbm>>) dst(%arg10 : memref<128xi32, #tpu.memory_space<vmem>>)
          %dma_wait3A_380 = arith.constant 1 : i32
          %dma_wait3A_381 = arith.constant 3 : i32
          %dma_wait3A_382 = tpu.memref_slice %arg4[%dma_wait3A_380, %mul3A_371] : memref<2x160000xi32, #tpu.memory_space<hbm>> -> memref<1x128xi32, #tpu.memory_space<hbm>>
          %dma_wait3A_383 = tpu.memref_squeeze %dma_wait3A_382 : memref<1x128xi32, #tpu.memory_space<hbm>> -> memref<128xi32, #tpu.memory_space<hbm>>
          %dma_wait3A_384 = tpu.memref_slice %arg23[%dma_wait3A_381] : memref<6x!tpu.dma_semaphore, #tpu.memory_space<semaphore_mem>> -> memref<1x!tpu.dma_semaphore, #tpu.memory_space<semaphore_mem>>
          %dma_wait3A_385 = tpu.memref_squeeze %dma_wait3A_384 : memref<1x!tpu.dma_semaphore, #tpu.memory_space<semaphore_mem>> -> memref<!tpu.dma_semaphore, #tpu.memory_space<semaphore_mem>>
          %dma_wait3A_386 = tpu.memref_slice %arg4[%dma_wait3A_380, %mul3A_371] : memref<2x160000xi32, #tpu.memory_space<hbm>> -> memref<1x128xi32, #tpu.memory_space<hbm>>
          %dma_wait3A_387 = tpu.memref_squeeze %dma_wait3A_386 : memref<1x128xi32, #tpu.memory_space<hbm>> -> memref<128xi32, #tpu.memory_space<hbm>>
          tpu.wait_dma2 semaphore(%dma_wait3A_385 : memref<!tpu.dma_semaphore, #tpu.memory_space<semaphore_mem>>) src(%dma_wait3A_387 : memref<128xi32, #tpu.memory_space<hbm>>) dst(%arg16 : memref<128xi32, #tpu.memory_space<vmem>>)
          %ge3A = arith.constant 1 : i32
          %ge3A_388 = arith.cmpi sge, %add3A_228, %ge3A : i32
          %convert_element_type3A_389 = arith.extui %ge3A_388 : i1 to i32
          %cond3A_390 = arith.constant 0 : i32
          %cond3A_391 = arith.cmpi ne, %convert_element_type3A_389, %cond3A_390 : i32
          scf.if %cond3A_391 {
            %dma_wait3A_398 = arith.constant 0 : i32
            %dma_wait3A_399 = arith.constant 0 : i32
            %dma_wait3A_400 = arith.constant 0 : i32
            %dma_wait3A_401 = tpu.memref_slice %arg26[%dma_wait3A_399, %dma_wait3A_400] : memref<10000x128xf32, #tpu.memory_space<vmem_shared>> -> memref<10000x128xf32, #tpu.memory_space<vmem_shared>>
            %dma_wait3A_402 = tpu.memref_slice %arg25[%dma_wait3A_398] : memref<3x!tpu.dma_semaphore, #tpu.memory_space<semaphore_mem>> -> memref<1x!tpu.dma_semaphore, #tpu.memory_space<semaphore_mem>>
            %dma_wait3A_403 = tpu.memref_squeeze %dma_wait3A_402 : memref<1x!tpu.dma_semaphore, #tpu.memory_space<semaphore_mem>> -> memref<!tpu.dma_semaphore, #tpu.memory_space<semaphore_mem>>
            tpu.wait_indirect_dma semaphore(%dma_wait3A_403 : memref<!tpu.dma_semaphore, #tpu.memory_space<semaphore_mem>>) src(%arg19 : memref<128x128xf32, #tpu.memory_space<vmem>>) dst(%dma_wait3A_401 : memref<10000x128xf32, #tpu.memory_space<vmem_shared>>)
          } else {
          }
          %dma_start3A_392 = arith.constant 0 : i32
          %dma_start3A_393 = arith.constant 0 : i32
          %dma_start3A_394 = arith.constant 0 : i32
          %dma_start3A_395 = tpu.memref_slice %arg3[%dma_start3A_393, %dma_start3A_394] : memref<10000x128xf32, #tpu.memory_space<hbm>> -> memref<10000x128xf32, #tpu.memory_space<hbm>>
          %dma_start3A_396 = tpu.memref_slice %arg24[%dma_start3A_392] : memref<3x!tpu.dma_semaphore, #tpu.memory_space<semaphore_mem>> -> memref<1x!tpu.dma_semaphore, #tpu.memory_space<semaphore_mem>>
          %dma_start3A_397 = tpu.memref_squeeze %dma_start3A_396 : memref<1x!tpu.dma_semaphore, #tpu.memory_space<semaphore_mem>> -> memref<!tpu.dma_semaphore, #tpu.memory_space<semaphore_mem>>
          tpu.enqueue_indirect_dma source(%dma_start3A_395 : memref<10000x128xf32, #tpu.memory_space<hbm>>) target(%arg19 : memref<128x128xf32, #tpu.memory_space<vmem>>) offsets(%arg10 : memref<128xi32, #tpu.memory_space<vmem>>) semaphore(%dma_start3A_397 : memref<!tpu.dma_semaphore, #tpu.memory_space<semaphore_mem>>)
        } else {
        }
        %add3A_248 = arith.constant 4 : i32
        %add3A_249 = arith.addi %add3A_228, %add3A_248 : i32
        %lt3A_250 = arith.constant 78 : i32
        %lt3A_251 = arith.cmpi slt, %add3A_249, %lt3A_250 : i32
        %convert_element_type3A_252 = arith.extui %lt3A_251 : i1 to i32
        %cond3A_253 = arith.constant 0 : i32
        %cond3A_254 = arith.cmpi ne, %convert_element_type3A_252, %cond3A_253 : i32
        scf.if %cond3A_254 {
          %add3A_367 = arith.constant 4 : i32
          %add3A_368 = arith.addi %add3A_228, %add3A_367 : i32
          %add3A_369 = arith.addi %mul3A_7, %add3A_368 : i32
          %mul3A_370 = arith.constant 128 : i32
          %mul3A_371 = arith.muli %add3A_369, %mul3A_370 : i32
          %dma_start3A_372 = arith.constant 0 : i32
          %dma_start3A_373 = arith.constant 5 : i32
          %dma_start3A_374 = tpu.memref_slice %arg4[%dma_start3A_372, %mul3A_371] : memref<2x160000xi32, #tpu.memory_space<hbm>> -> memref<1x128xi32, #tpu.memory_space<hbm>>
          %dma_start3A_375 = tpu.memref_squeeze %dma_start3A_374 : memref<1x128xi32, #tpu.memory_space<hbm>> -> memref<128xi32, #tpu.memory_space<hbm>>
          %dma_start3A_376 = tpu.memref_slice %arg23[%dma_start3A_373] : memref<6x!tpu.dma_semaphore, #tpu.memory_space<semaphore_mem>> -> memref<1x!tpu.dma_semaphore, #tpu.memory_space<semaphore_mem>>
          %dma_start3A_377 = tpu.memref_squeeze %dma_start3A_376 : memref<1x!tpu.dma_semaphore, #tpu.memory_space<semaphore_mem>> -> memref<!tpu.dma_semaphore, #tpu.memory_space<semaphore_mem>>
          %dma_start3A_378 = tpu.memref_slice %arg4[%dma_start3A_372, %mul3A_371] : memref<2x160000xi32, #tpu.memory_space<hbm>> -> memref<1x128xi32, #tpu.memory_space<hbm>>
          %dma_start3A_379 = tpu.memref_squeeze %dma_start3A_378 : memref<1x128xi32, #tpu.memory_space<hbm>> -> memref<128xi32, #tpu.memory_space<hbm>>
          tpu.enqueue_dma source(%dma_start3A_379 : memref<128xi32, #tpu.memory_space<hbm>>) target(%arg12 : memref<128xi32, #tpu.memory_space<vmem>>) target_semaphore(%dma_start3A_377 : memref<!tpu.dma_semaphore, #tpu.memory_space<semaphore_mem>>)
          %dma_start3A_380 = arith.constant 1 : i32
          %dma_start3A_381 = arith.constant 5 : i32
          %dma_start3A_382 = tpu.memref_slice %arg4[%dma_start3A_380, %mul3A_371] : memref<2x160000xi32, #tpu.memory_space<hbm>> -> memref<1x128xi32, #tpu.memory_space<hbm>>
          %dma_start3A_383 = tpu.memref_squeeze %dma_start3A_382 : memref<1x128xi32, #tpu.memory_space<hbm>> -> memref<128xi32, #tpu.memory_space<hbm>>
          %dma_start3A_384 = tpu.memref_slice %arg23[%dma_start3A_381] : memref<6x!tpu.dma_semaphore, #tpu.memory_space<semaphore_mem>> -> memref<1x!tpu.dma_semaphore, #tpu.memory_space<semaphore_mem>>
          %dma_start3A_385 = tpu.memref_squeeze %dma_start3A_384 : memref<1x!tpu.dma_semaphore, #tpu.memory_space<semaphore_mem>> -> memref<!tpu.dma_semaphore, #tpu.memory_space<semaphore_mem>>
          %dma_start3A_386 = tpu.memref_slice %arg4[%dma_start3A_380, %mul3A_371] : memref<2x160000xi32, #tpu.memory_space<hbm>> -> memref<1x128xi32, #tpu.memory_space<hbm>>
          %dma_start3A_387 = tpu.memref_squeeze %dma_start3A_386 : memref<1x128xi32, #tpu.memory_space<hbm>> -> memref<128xi32, #tpu.memory_space<hbm>>
          tpu.enqueue_dma source(%dma_start3A_387 : memref<128xi32, #tpu.memory_space<hbm>>) target(%arg18 : memref<128xi32, #tpu.memory_space<vmem>>) target_semaphore(%dma_start3A_385 : memref<!tpu.dma_semaphore, #tpu.memory_space<semaphore_mem>>)
        } else {
        }
        %add3A_255 = arith.constant 2 : i32
        %add3A_256 = arith.addi %add3A_198, %add3A_255 : i32
        %dma_wait3A_257 = arith.constant 2 : i32
        %dma_wait3A_258 = arith.constant 0 : i32
        %dma_wait3A_259 = arith.constant 0 : i32
        %dma_wait3A_260 = tpu.memref_slice %arg3[%dma_wait3A_258, %dma_wait3A_259] : memref<10000x128xf32, #tpu.memory_space<hbm>> -> memref<10000x128xf32, #tpu.memory_space<hbm>>
        %dma_wait3A_261 = tpu.memref_slice %arg24[%dma_wait3A_257] : memref<3x!tpu.dma_semaphore, #tpu.memory_space<semaphore_mem>> -> memref<1x!tpu.dma_semaphore, #tpu.memory_space<semaphore_mem>>
        %dma_wait3A_262 = tpu.memref_squeeze %dma_wait3A_261 : memref<1x!tpu.dma_semaphore, #tpu.memory_space<semaphore_mem>> -> memref<!tpu.dma_semaphore, #tpu.memory_space<semaphore_mem>>
        tpu.wait_indirect_dma semaphore(%dma_wait3A_262 : memref<!tpu.dma_semaphore, #tpu.memory_space<semaphore_mem>>) src(%dma_wait3A_260 : memref<10000x128xf32, #tpu.memory_space<hbm>>) dst(%arg21 : memref<128x128xf32, #tpu.memory_space<vmem>>)
        %dma_start3A_263 = arith.constant 2 : i32
        %dma_start3A_264 = arith.constant 0 : i32
        %dma_start3A_265 = arith.constant 0 : i32
        %dma_start3A_266 = tpu.memref_slice %arg26[%dma_start3A_264, %dma_start3A_265] : memref<10000x128xf32, #tpu.memory_space<vmem_shared>> -> memref<10000x128xf32, #tpu.memory_space<vmem_shared>>
        %dma_start3A_267 = tpu.memref_slice %arg25[%dma_start3A_263] : memref<3x!tpu.dma_semaphore, #tpu.memory_space<semaphore_mem>> -> memref<1x!tpu.dma_semaphore, #tpu.memory_space<semaphore_mem>>
        %dma_start3A_268 = tpu.memref_squeeze %dma_start3A_267 : memref<1x!tpu.dma_semaphore, #tpu.memory_space<semaphore_mem>> -> memref<!tpu.dma_semaphore, #tpu.memory_space<semaphore_mem>>
        tpu.enqueue_indirect_dma source(%arg21 : memref<128x128xf32, #tpu.memory_space<vmem>>) target(%dma_start3A_266 : memref<10000x128xf32, #tpu.memory_space<vmem_shared>>) offsets(%arg15 : memref<128xi32, #tpu.memory_space<vmem>>) semaphore(%dma_start3A_268 : memref<!tpu.dma_semaphore, #tpu.memory_space<semaphore_mem>>) {add = true}
        %add3A_269 = arith.constant 2 : i32
        %add3A_270 = arith.addi %add3A_256, %add3A_269 : i32
        %lt3A_271 = arith.constant 78 : i32
        %lt3A_272 = arith.cmpi slt, %add3A_270, %lt3A_271 : i32
        %convert_element_type3A_273 = arith.extui %lt3A_272 : i1 to i32
        %cond3A_274 = arith.constant 0 : i32
        %cond3A_275 = arith.cmpi ne, %convert_element_type3A_273, %cond3A_274 : i32
        scf.if %cond3A_275 {
          %add3A_367 = arith.constant 2 : i32
          %add3A_368 = arith.addi %add3A_256, %add3A_367 : i32
          %add3A_369 = arith.addi %mul3A_7, %add3A_368 : i32
          %mul3A_370 = arith.constant 128 : i32
          %mul3A_371 = arith.muli %add3A_369, %mul3A_370 : i32
          %dma_wait3A_372 = arith.constant 0 : i32
          %dma_wait3A_373 = arith.constant 4 : i32
          %dma_wait3A_374 = tpu.memref_slice %arg4[%dma_wait3A_372, %mul3A_371] : memref<2x160000xi32, #tpu.memory_space<hbm>> -> memref<1x128xi32, #tpu.memory_space<hbm>>
          %dma_wait3A_375 = tpu.memref_squeeze %dma_wait3A_374 : memref<1x128xi32, #tpu.memory_space<hbm>> -> memref<128xi32, #tpu.memory_space<hbm>>
          %dma_wait3A_376 = tpu.memref_slice %arg23[%dma_wait3A_373] : memref<6x!tpu.dma_semaphore, #tpu.memory_space<semaphore_mem>> -> memref<1x!tpu.dma_semaphore, #tpu.memory_space<semaphore_mem>>
          %dma_wait3A_377 = tpu.memref_squeeze %dma_wait3A_376 : memref<1x!tpu.dma_semaphore, #tpu.memory_space<semaphore_mem>> -> memref<!tpu.dma_semaphore, #tpu.memory_space<semaphore_mem>>
          %dma_wait3A_378 = tpu.memref_slice %arg4[%dma_wait3A_372, %mul3A_371] : memref<2x160000xi32, #tpu.memory_space<hbm>> -> memref<1x128xi32, #tpu.memory_space<hbm>>
          %dma_wait3A_379 = tpu.memref_squeeze %dma_wait3A_378 : memref<1x128xi32, #tpu.memory_space<hbm>> -> memref<128xi32, #tpu.memory_space<hbm>>
          tpu.wait_dma2 semaphore(%dma_wait3A_377 : memref<!tpu.dma_semaphore, #tpu.memory_space<semaphore_mem>>) src(%dma_wait3A_379 : memref<128xi32, #tpu.memory_space<hbm>>) dst(%arg11 : memref<128xi32, #tpu.memory_space<vmem>>)
          %dma_wait3A_380 = arith.constant 1 : i32
          %dma_wait3A_381 = arith.constant 4 : i32
          %dma_wait3A_382 = tpu.memref_slice %arg4[%dma_wait3A_380, %mul3A_371] : memref<2x160000xi32, #tpu.memory_space<hbm>> -> memref<1x128xi32, #tpu.memory_space<hbm>>
          %dma_wait3A_383 = tpu.memref_squeeze %dma_wait3A_382 : memref<1x128xi32, #tpu.memory_space<hbm>> -> memref<128xi32, #tpu.memory_space<hbm>>
          %dma_wait3A_384 = tpu.memref_slice %arg23[%dma_wait3A_381] : memref<6x!tpu.dma_semaphore, #tpu.memory_space<semaphore_mem>> -> memref<1x!tpu.dma_semaphore, #tpu.memory_space<semaphore_mem>>
          %dma_wait3A_385 = tpu.memref_squeeze %dma_wait3A_384 : memref<1x!tpu.dma_semaphore, #tpu.memory_space<semaphore_mem>> -> memref<!tpu.dma_semaphore, #tpu.memory_space<semaphore_mem>>
          %dma_wait3A_386 = tpu.memref_slice %arg4[%dma_wait3A_380, %mul3A_371] : memref<2x160000xi32, #tpu.memory_space<hbm>> -> memref<1x128xi32, #tpu.memory_space<hbm>>
          %dma_wait3A_387 = tpu.memref_squeeze %dma_wait3A_386 : memref<1x128xi32, #tpu.memory_space<hbm>> -> memref<128xi32, #tpu.memory_space<hbm>>
          tpu.wait_dma2 semaphore(%dma_wait3A_385 : memref<!tpu.dma_semaphore, #tpu.memory_space<semaphore_mem>>) src(%dma_wait3A_387 : memref<128xi32, #tpu.memory_space<hbm>>) dst(%arg17 : memref<128xi32, #tpu.memory_space<vmem>>)
          %ge3A = arith.constant 1 : i32
          %ge3A_388 = arith.cmpi sge, %add3A_256, %ge3A : i32
          %convert_element_type3A_389 = arith.extui %ge3A_388 : i1 to i32
          %cond3A_390 = arith.constant 0 : i32
          %cond3A_391 = arith.cmpi ne, %convert_element_type3A_389, %cond3A_390 : i32
          scf.if %cond3A_391 {
            %dma_wait3A_398 = arith.constant 1 : i32
            %dma_wait3A_399 = arith.constant 0 : i32
            %dma_wait3A_400 = arith.constant 0 : i32
            %dma_wait3A_401 = tpu.memref_slice %arg26[%dma_wait3A_399, %dma_wait3A_400] : memref<10000x128xf32, #tpu.memory_space<vmem_shared>> -> memref<10000x128xf32, #tpu.memory_space<vmem_shared>>
            %dma_wait3A_402 = tpu.memref_slice %arg25[%dma_wait3A_398] : memref<3x!tpu.dma_semaphore, #tpu.memory_space<semaphore_mem>> -> memref<1x!tpu.dma_semaphore, #tpu.memory_space<semaphore_mem>>
            %dma_wait3A_403 = tpu.memref_squeeze %dma_wait3A_402 : memref<1x!tpu.dma_semaphore, #tpu.memory_space<semaphore_mem>> -> memref<!tpu.dma_semaphore, #tpu.memory_space<semaphore_mem>>
            tpu.wait_indirect_dma semaphore(%dma_wait3A_403 : memref<!tpu.dma_semaphore, #tpu.memory_space<semaphore_mem>>) src(%arg20 : memref<128x128xf32, #tpu.memory_space<vmem>>) dst(%dma_wait3A_401 : memref<10000x128xf32, #tpu.memory_space<vmem_shared>>)
          } else {
          }
          %dma_start3A_392 = arith.constant 1 : i32
          %dma_start3A_393 = arith.constant 0 : i32
          %dma_start3A_394 = arith.constant 0 : i32
          %dma_start3A_395 = tpu.memref_slice %arg3[%dma_start3A_393, %dma_start3A_394] : memref<10000x128xf32, #tpu.memory_space<hbm>> -> memref<10000x128xf32, #tpu.memory_space<hbm>>
          %dma_start3A_396 = tpu.memref_slice %arg24[%dma_start3A_392] : memref<3x!tpu.dma_semaphore, #tpu.memory_space<semaphore_mem>> -> memref<1x!tpu.dma_semaphore, #tpu.memory_space<semaphore_mem>>
          %dma_start3A_397 = tpu.memref_squeeze %dma_start3A_396 : memref<1x!tpu.dma_semaphore, #tpu.memory_space<semaphore_mem>> -> memref<!tpu.dma_semaphore, #tpu.memory_space<semaphore_mem>>
          tpu.enqueue_indirect_dma source(%dma_start3A_395 : memref<10000x128xf32, #tpu.memory_space<hbm>>) target(%arg20 : memref<128x128xf32, #tpu.memory_space<vmem>>) offsets(%arg11 : memref<128xi32, #tpu.memory_space<vmem>>) semaphore(%dma_start3A_397 : memref<!tpu.dma_semaphore, #tpu.memory_space<semaphore_mem>>)
        } else {
        }
        %add3A_276 = arith.constant 4 : i32
        %add3A_277 = arith.addi %add3A_256, %add3A_276 : i32
        %lt3A_278 = arith.constant 78 : i32
        %lt3A_279 = arith.cmpi slt, %add3A_277, %lt3A_278 : i32
        %convert_element_type3A_280 = arith.extui %lt3A_279 : i1 to i32
        %cond3A_281 = arith.constant 0 : i32
        %cond3A_282 = arith.cmpi ne, %convert_element_type3A_280, %cond3A_281 : i32
        scf.if %cond3A_282 {
          %add3A_367 = arith.constant 4 : i32
          %add3A_368 = arith.addi %add3A_256, %add3A_367 : i32
          %add3A_369 = arith.addi %mul3A_7, %add3A_368 : i32
          %mul3A_370 = arith.constant 128 : i32
          %mul3A_371 = arith.muli %add3A_369, %mul3A_370 : i32
          %dma_start3A_372 = arith.constant 0 : i32
          %dma_start3A_373 = arith.constant 0 : i32
          %dma_start3A_374 = tpu.memref_slice %arg4[%dma_start3A_372, %mul3A_371] : memref<2x160000xi32, #tpu.memory_space<hbm>> -> memref<1x128xi32, #tpu.memory_space<hbm>>
          %dma_start3A_375 = tpu.memref_squeeze %dma_start3A_374 : memref<1x128xi32, #tpu.memory_space<hbm>> -> memref<128xi32, #tpu.memory_space<hbm>>
          %dma_start3A_376 = tpu.memref_slice %arg23[%dma_start3A_373] : memref<6x!tpu.dma_semaphore, #tpu.memory_space<semaphore_mem>> -> memref<1x!tpu.dma_semaphore, #tpu.memory_space<semaphore_mem>>
          %dma_start3A_377 = tpu.memref_squeeze %dma_start3A_376 : memref<1x!tpu.dma_semaphore, #tpu.memory_space<semaphore_mem>> -> memref<!tpu.dma_semaphore, #tpu.memory_space<semaphore_mem>>
          %dma_start3A_378 = tpu.memref_slice %arg4[%dma_start3A_372, %mul3A_371] : memref<2x160000xi32, #tpu.memory_space<hbm>> -> memref<1x128xi32, #tpu.memory_space<hbm>>
          %dma_start3A_379 = tpu.memref_squeeze %dma_start3A_378 : memref<1x128xi32, #tpu.memory_space<hbm>> -> memref<128xi32, #tpu.memory_space<hbm>>
          tpu.enqueue_dma source(%dma_start3A_379 : memref<128xi32, #tpu.memory_space<hbm>>) target(%arg7 : memref<128xi32, #tpu.memory_space<vmem>>) target_semaphore(%dma_start3A_377 : memref<!tpu.dma_semaphore, #tpu.memory_space<semaphore_mem>>)
          %dma_start3A_380 = arith.constant 1 : i32
          %dma_start3A_381 = arith.constant 0 : i32
          %dma_start3A_382 = tpu.memref_slice %arg4[%dma_start3A_380, %mul3A_371] : memref<2x160000xi32, #tpu.memory_space<hbm>> -> memref<1x128xi32, #tpu.memory_space<hbm>>
          %dma_start3A_383 = tpu.memref_squeeze %dma_start3A_382 : memref<1x128xi32, #tpu.memory_space<hbm>> -> memref<128xi32, #tpu.memory_space<hbm>>
          %dma_start3A_384 = tpu.memref_slice %arg23[%dma_start3A_381] : memref<6x!tpu.dma_semaphore, #tpu.memory_space<semaphore_mem>> -> memref<1x!tpu.dma_semaphore, #tpu.memory_space<semaphore_mem>>
          %dma_start3A_385 = tpu.memref_squeeze %dma_start3A_384 : memref<1x!tpu.dma_semaphore, #tpu.memory_space<semaphore_mem>> -> memref<!tpu.dma_semaphore, #tpu.memory_space<semaphore_mem>>
          %dma_start3A_386 = tpu.memref_slice %arg4[%dma_start3A_380, %mul3A_371] : memref<2x160000xi32, #tpu.memory_space<hbm>> -> memref<1x128xi32, #tpu.memory_space<hbm>>
          %dma_start3A_387 = tpu.memref_squeeze %dma_start3A_386 : memref<1x128xi32, #tpu.memory_space<hbm>> -> memref<128xi32, #tpu.memory_space<hbm>>
          tpu.enqueue_dma source(%dma_start3A_387 : memref<128xi32, #tpu.memory_space<hbm>>) target(%arg13 : memref<128xi32, #tpu.memory_space<vmem>>) target_semaphore(%dma_start3A_385 : memref<!tpu.dma_semaphore, #tpu.memory_space<semaphore_mem>>)
        } else {
        }
        %add3A_283 = arith.constant 3 : i32
        %add3A_284 = arith.addi %add3A_198, %add3A_283 : i32
        %dma_wait3A_285 = arith.constant 0 : i32
        %dma_wait3A_286 = arith.constant 0 : i32
        %dma_wait3A_287 = arith.constant 0 : i32
        %dma_wait3A_288 = tpu.memref_slice %arg3[%dma_wait3A_286, %dma_wait3A_287] : memref<10000x128xf32, #tpu.memory_space<hbm>> -> memref<10000x128xf32, #tpu.memory_space<hbm>>
        %dma_wait3A_289 = tpu.memref_slice %arg24[%dma_wait3A_285] : memref<3x!tpu.dma_semaphore, #tpu.memory_space<semaphore_mem>> -> memref<1x!tpu.dma_semaphore, #tpu.memory_space<semaphore_mem>>
        %dma_wait3A_290 = tpu.memref_squeeze %dma_wait3A_289 : memref<1x!tpu.dma_semaphore, #tpu.memory_space<semaphore_mem>> -> memref<!tpu.dma_semaphore, #tpu.memory_space<semaphore_mem>>
        tpu.wait_indirect_dma semaphore(%dma_wait3A_290 : memref<!tpu.dma_semaphore, #tpu.memory_space<semaphore_mem>>) src(%dma_wait3A_288 : memref<10000x128xf32, #tpu.memory_space<hbm>>) dst(%arg19 : memref<128x128xf32, #tpu.memory_space<vmem>>)
        %dma_start3A_291 = arith.constant 0 : i32
        %dma_start3A_292 = arith.constant 0 : i32
        %dma_start3A_293 = arith.constant 0 : i32
        %dma_start3A_294 = tpu.memref_slice %arg26[%dma_start3A_292, %dma_start3A_293] : memref<10000x128xf32, #tpu.memory_space<vmem_shared>> -> memref<10000x128xf32, #tpu.memory_space<vmem_shared>>
        %dma_start3A_295 = tpu.memref_slice %arg25[%dma_start3A_291] : memref<3x!tpu.dma_semaphore, #tpu.memory_space<semaphore_mem>> -> memref<1x!tpu.dma_semaphore, #tpu.memory_space<semaphore_mem>>
        %dma_start3A_296 = tpu.memref_squeeze %dma_start3A_295 : memref<1x!tpu.dma_semaphore, #tpu.memory_space<semaphore_mem>> -> memref<!tpu.dma_semaphore, #tpu.memory_space<semaphore_mem>>
        tpu.enqueue_indirect_dma source(%arg19 : memref<128x128xf32, #tpu.memory_space<vmem>>) target(%dma_start3A_294 : memref<10000x128xf32, #tpu.memory_space<vmem_shared>>) offsets(%arg16 : memref<128xi32, #tpu.memory_space<vmem>>) semaphore(%dma_start3A_296 : memref<!tpu.dma_semaphore, #tpu.memory_space<semaphore_mem>>) {add = true}
        %add3A_297 = arith.constant 2 : i32
        %add3A_298 = arith.addi %add3A_284, %add3A_297 : i32
        %lt3A_299 = arith.constant 78 : i32
        %lt3A_300 = arith.cmpi slt, %add3A_298, %lt3A_299 : i32
        %convert_element_type3A_301 = arith.extui %lt3A_300 : i1 to i32
        %cond3A_302 = arith.constant 0 : i32
        %cond3A_303 = arith.cmpi ne, %convert_element_type3A_301, %cond3A_302 : i32
        scf.if %cond3A_303 {
          %add3A_367 = arith.constant 2 : i32
          %add3A_368 = arith.addi %add3A_284, %add3A_367 : i32
          %add3A_369 = arith.addi %mul3A_7, %add3A_368 : i32
          %mul3A_370 = arith.constant 128 : i32
          %mul3A_371 = arith.muli %add3A_369, %mul3A_370 : i32
          %dma_wait3A_372 = arith.constant 0 : i32
          %dma_wait3A_373 = arith.constant 5 : i32
          %dma_wait3A_374 = tpu.memref_slice %arg4[%dma_wait3A_372, %mul3A_371] : memref<2x160000xi32, #tpu.memory_space<hbm>> -> memref<1x128xi32, #tpu.memory_space<hbm>>
          %dma_wait3A_375 = tpu.memref_squeeze %dma_wait3A_374 : memref<1x128xi32, #tpu.memory_space<hbm>> -> memref<128xi32, #tpu.memory_space<hbm>>
          %dma_wait3A_376 = tpu.memref_slice %arg23[%dma_wait3A_373] : memref<6x!tpu.dma_semaphore, #tpu.memory_space<semaphore_mem>> -> memref<1x!tpu.dma_semaphore, #tpu.memory_space<semaphore_mem>>
          %dma_wait3A_377 = tpu.memref_squeeze %dma_wait3A_376 : memref<1x!tpu.dma_semaphore, #tpu.memory_space<semaphore_mem>> -> memref<!tpu.dma_semaphore, #tpu.memory_space<semaphore_mem>>
          %dma_wait3A_378 = tpu.memref_slice %arg4[%dma_wait3A_372, %mul3A_371] : memref<2x160000xi32, #tpu.memory_space<hbm>> -> memref<1x128xi32, #tpu.memory_space<hbm>>
          %dma_wait3A_379 = tpu.memref_squeeze %dma_wait3A_378 : memref<1x128xi32, #tpu.memory_space<hbm>> -> memref<128xi32, #tpu.memory_space<hbm>>
          tpu.wait_dma2 semaphore(%dma_wait3A_377 : memref<!tpu.dma_semaphore, #tpu.memory_space<semaphore_mem>>) src(%dma_wait3A_379 : memref<128xi32, #tpu.memory_space<hbm>>) dst(%arg12 : memref<128xi32, #tpu.memory_space<vmem>>)
          %dma_wait3A_380 = arith.constant 1 : i32
          %dma_wait3A_381 = arith.constant 5 : i32
          %dma_wait3A_382 = tpu.memref_slice %arg4[%dma_wait3A_380, %mul3A_371] : memref<2x160000xi32, #tpu.memory_space<hbm>> -> memref<1x128xi32, #tpu.memory_space<hbm>>
          %dma_wait3A_383 = tpu.memref_squeeze %dma_wait3A_382 : memref<1x128xi32, #tpu.memory_space<hbm>> -> memref<128xi32, #tpu.memory_space<hbm>>
          %dma_wait3A_384 = tpu.memref_slice %arg23[%dma_wait3A_381] : memref<6x!tpu.dma_semaphore, #tpu.memory_space<semaphore_mem>> -> memref<1x!tpu.dma_semaphore, #tpu.memory_space<semaphore_mem>>
          %dma_wait3A_385 = tpu.memref_squeeze %dma_wait3A_384 : memref<1x!tpu.dma_semaphore, #tpu.memory_space<semaphore_mem>> -> memref<!tpu.dma_semaphore, #tpu.memory_space<semaphore_mem>>
          %dma_wait3A_386 = tpu.memref_slice %arg4[%dma_wait3A_380, %mul3A_371] : memref<2x160000xi32, #tpu.memory_space<hbm>> -> memref<1x128xi32, #tpu.memory_space<hbm>>
          %dma_wait3A_387 = tpu.memref_squeeze %dma_wait3A_386 : memref<1x128xi32, #tpu.memory_space<hbm>> -> memref<128xi32, #tpu.memory_space<hbm>>
          tpu.wait_dma2 semaphore(%dma_wait3A_385 : memref<!tpu.dma_semaphore, #tpu.memory_space<semaphore_mem>>) src(%dma_wait3A_387 : memref<128xi32, #tpu.memory_space<hbm>>) dst(%arg18 : memref<128xi32, #tpu.memory_space<vmem>>)
          %ge3A = arith.constant 1 : i32
          %ge3A_388 = arith.cmpi sge, %add3A_284, %ge3A : i32
          %convert_element_type3A_389 = arith.extui %ge3A_388 : i1 to i32
          %cond3A_390 = arith.constant 0 : i32
          %cond3A_391 = arith.cmpi ne, %convert_element_type3A_389, %cond3A_390 : i32
          scf.if %cond3A_391 {
            %dma_wait3A_398 = arith.constant 2 : i32
            %dma_wait3A_399 = arith.constant 0 : i32
            %dma_wait3A_400 = arith.constant 0 : i32
            %dma_wait3A_401 = tpu.memref_slice %arg26[%dma_wait3A_399, %dma_wait3A_400] : memref<10000x128xf32, #tpu.memory_space<vmem_shared>> -> memref<10000x128xf32, #tpu.memory_space<vmem_shared>>
            %dma_wait3A_402 = tpu.memref_slice %arg25[%dma_wait3A_398] : memref<3x!tpu.dma_semaphore, #tpu.memory_space<semaphore_mem>> -> memref<1x!tpu.dma_semaphore, #tpu.memory_space<semaphore_mem>>
            %dma_wait3A_403 = tpu.memref_squeeze %dma_wait3A_402 : memref<1x!tpu.dma_semaphore, #tpu.memory_space<semaphore_mem>> -> memref<!tpu.dma_semaphore, #tpu.memory_space<semaphore_mem>>
            tpu.wait_indirect_dma semaphore(%dma_wait3A_403 : memref<!tpu.dma_semaphore, #tpu.memory_space<semaphore_mem>>) src(%arg21 : memref<128x128xf32, #tpu.memory_space<vmem>>) dst(%dma_wait3A_401 : memref<10000x128xf32, #tpu.memory_space<vmem_shared>>)
          } else {
          }
          %dma_start3A_392 = arith.constant 2 : i32
          %dma_start3A_393 = arith.constant 0 : i32
          %dma_start3A_394 = arith.constant 0 : i32
          %dma_start3A_395 = tpu.memref_slice %arg3[%dma_start3A_393, %dma_start3A_394] : memref<10000x128xf32, #tpu.memory_space<hbm>> -> memref<10000x128xf32, #tpu.memory_space<hbm>>
          %dma_start3A_396 = tpu.memref_slice %arg24[%dma_start3A_392] : memref<3x!tpu.dma_semaphore, #tpu.memory_space<semaphore_mem>> -> memref<1x!tpu.dma_semaphore, #tpu.memory_space<semaphore_mem>>
          %dma_start3A_397 = tpu.memref_squeeze %dma_start3A_396 : memref<1x!tpu.dma_semaphore, #tpu.memory_space<semaphore_mem>> -> memref<!tpu.dma_semaphore, #tpu.memory_space<semaphore_mem>>
          tpu.enqueue_indirect_dma source(%dma_start3A_395 : memref<10000x128xf32, #tpu.memory_space<hbm>>) target(%arg21 : memref<128x128xf32, #tpu.memory_space<vmem>>) offsets(%arg12 : memref<128xi32, #tpu.memory_space<vmem>>) semaphore(%dma_start3A_397 : memref<!tpu.dma_semaphore, #tpu.memory_space<semaphore_mem>>)
        } else {
        }
        %add3A_304 = arith.constant 4 : i32
        %add3A_305 = arith.addi %add3A_284, %add3A_304 : i32
        %lt3A_306 = arith.constant 78 : i32
        %lt3A_307 = arith.cmpi slt, %add3A_305, %lt3A_306 : i32
        %convert_element_type3A_308 = arith.extui %lt3A_307 : i1 to i32
        %cond3A_309 = arith.constant 0 : i32
        %cond3A_310 = arith.cmpi ne, %convert_element_type3A_308, %cond3A_309 : i32
        scf.if %cond3A_310 {
          %add3A_367 = arith.constant 4 : i32
          %add3A_368 = arith.addi %add3A_284, %add3A_367 : i32
          %add3A_369 = arith.addi %mul3A_7, %add3A_368 : i32
          %mul3A_370 = arith.constant 128 : i32
          %mul3A_371 = arith.muli %add3A_369, %mul3A_370 : i32
          %dma_start3A_372 = arith.constant 0 : i32
          %dma_start3A_373 = arith.constant 1 : i32
          %dma_start3A_374 = tpu.memref_slice %arg4[%dma_start3A_372, %mul3A_371] : memref<2x160000xi32, #tpu.memory_space<hbm>> -> memref<1x128xi32, #tpu.memory_space<hbm>>
          %dma_start3A_375 = tpu.memref_squeeze %dma_start3A_374 : memref<1x128xi32, #tpu.memory_space<hbm>> -> memref<128xi32, #tpu.memory_space<hbm>>
          %dma_start3A_376 = tpu.memref_slice %arg23[%dma_start3A_373] : memref<6x!tpu.dma_semaphore, #tpu.memory_space<semaphore_mem>> -> memref<1x!tpu.dma_semaphore, #tpu.memory_space<semaphore_mem>>
          %dma_start3A_377 = tpu.memref_squeeze %dma_start3A_376 : memref<1x!tpu.dma_semaphore, #tpu.memory_space<semaphore_mem>> -> memref<!tpu.dma_semaphore, #tpu.memory_space<semaphore_mem>>
          %dma_start3A_378 = tpu.memref_slice %arg4[%dma_start3A_372, %mul3A_371] : memref<2x160000xi32, #tpu.memory_space<hbm>> -> memref<1x128xi32, #tpu.memory_space<hbm>>
          %dma_start3A_379 = tpu.memref_squeeze %dma_start3A_378 : memref<1x128xi32, #tpu.memory_space<hbm>> -> memref<128xi32, #tpu.memory_space<hbm>>
          tpu.enqueue_dma source(%dma_start3A_379 : memref<128xi32, #tpu.memory_space<hbm>>) target(%arg8 : memref<128xi32, #tpu.memory_space<vmem>>) target_semaphore(%dma_start3A_377 : memref<!tpu.dma_semaphore, #tpu.memory_space<semaphore_mem>>)
          %dma_start3A_380 = arith.constant 1 : i32
          %dma_start3A_381 = arith.constant 1 : i32
          %dma_start3A_382 = tpu.memref_slice %arg4[%dma_start3A_380, %mul3A_371] : memref<2x160000xi32, #tpu.memory_space<hbm>> -> memref<1x128xi32, #tpu.memory_space<hbm>>
          %dma_start3A_383 = tpu.memref_squeeze %dma_start3A_382 : memref<1x128xi32, #tpu.memory_space<hbm>> -> memref<128xi32, #tpu.memory_space<hbm>>
          %dma_start3A_384 = tpu.memref_slice %arg23[%dma_start3A_381] : memref<6x!tpu.dma_semaphore, #tpu.memory_space<semaphore_mem>> -> memref<1x!tpu.dma_semaphore, #tpu.memory_space<semaphore_mem>>
          %dma_start3A_385 = tpu.memref_squeeze %dma_start3A_384 : memref<1x!tpu.dma_semaphore, #tpu.memory_space<semaphore_mem>> -> memref<!tpu.dma_semaphore, #tpu.memory_space<semaphore_mem>>
          %dma_start3A_386 = tpu.memref_slice %arg4[%dma_start3A_380, %mul3A_371] : memref<2x160000xi32, #tpu.memory_space<hbm>> -> memref<1x128xi32, #tpu.memory_space<hbm>>
          %dma_start3A_387 = tpu.memref_squeeze %dma_start3A_386 : memref<1x128xi32, #tpu.memory_space<hbm>> -> memref<128xi32, #tpu.memory_space<hbm>>
          tpu.enqueue_dma source(%dma_start3A_387 : memref<128xi32, #tpu.memory_space<hbm>>) target(%arg14 : memref<128xi32, #tpu.memory_space<vmem>>) target_semaphore(%dma_start3A_385 : memref<!tpu.dma_semaphore, #tpu.memory_space<semaphore_mem>>)
        } else {
        }
        %add3A_311 = arith.constant 4 : i32
        %add3A_312 = arith.addi %add3A_198, %add3A_311 : i32
        %dma_wait3A_313 = arith.constant 1 : i32
        %dma_wait3A_314 = arith.constant 0 : i32
        %dma_wait3A_315 = arith.constant 0 : i32
        %dma_wait3A_316 = tpu.memref_slice %arg3[%dma_wait3A_314, %dma_wait3A_315] : memref<10000x128xf32, #tpu.memory_space<hbm>> -> memref<10000x128xf32, #tpu.memory_space<hbm>>
        %dma_wait3A_317 = tpu.memref_slice %arg24[%dma_wait3A_313] : memref<3x!tpu.dma_semaphore, #tpu.memory_space<semaphore_mem>> -> memref<1x!tpu.dma_semaphore, #tpu.memory_space<semaphore_mem>>
        %dma_wait3A_318 = tpu.memref_squeeze %dma_wait3A_317 : memref<1x!tpu.dma_semaphore, #tpu.memory_space<semaphore_mem>> -> memref<!tpu.dma_semaphore, #tpu.memory_space<semaphore_mem>>
        tpu.wait_indirect_dma semaphore(%dma_wait3A_318 : memref<!tpu.dma_semaphore, #tpu.memory_space<semaphore_mem>>) src(%dma_wait3A_316 : memref<10000x128xf32, #tpu.memory_space<hbm>>) dst(%arg20 : memref<128x128xf32, #tpu.memory_space<vmem>>)
        %dma_start3A_319 = arith.constant 1 : i32
        %dma_start3A_320 = arith.constant 0 : i32
        %dma_start3A_321 = arith.constant 0 : i32
        %dma_start3A_322 = tpu.memref_slice %arg26[%dma_start3A_320, %dma_start3A_321] : memref<10000x128xf32, #tpu.memory_space<vmem_shared>> -> memref<10000x128xf32, #tpu.memory_space<vmem_shared>>
        %dma_start3A_323 = tpu.memref_slice %arg25[%dma_start3A_319] : memref<3x!tpu.dma_semaphore, #tpu.memory_space<semaphore_mem>> -> memref<1x!tpu.dma_semaphore, #tpu.memory_space<semaphore_mem>>
        %dma_start3A_324 = tpu.memref_squeeze %dma_start3A_323 : memref<1x!tpu.dma_semaphore, #tpu.memory_space<semaphore_mem>> -> memref<!tpu.dma_semaphore, #tpu.memory_space<semaphore_mem>>
        tpu.enqueue_indirect_dma source(%arg20 : memref<128x128xf32, #tpu.memory_space<vmem>>) target(%dma_start3A_322 : memref<10000x128xf32, #tpu.memory_space<vmem_shared>>) offsets(%arg17 : memref<128xi32, #tpu.memory_space<vmem>>) semaphore(%dma_start3A_324 : memref<!tpu.dma_semaphore, #tpu.memory_space<semaphore_mem>>) {add = true}
        %add3A_325 = arith.constant 2 : i32
        %add3A_326 = arith.addi %add3A_312, %add3A_325 : i32
        %lt3A_327 = arith.constant 78 : i32
        %lt3A_328 = arith.cmpi slt, %add3A_326, %lt3A_327 : i32
        %convert_element_type3A_329 = arith.extui %lt3A_328 : i1 to i32
        %cond3A_330 = arith.constant 0 : i32
        %cond3A_331 = arith.cmpi ne, %convert_element_type3A_329, %cond3A_330 : i32
        scf.if %cond3A_331 {
          %add3A_367 = arith.constant 2 : i32
          %add3A_368 = arith.addi %add3A_312, %add3A_367 : i32
          %add3A_369 = arith.addi %mul3A_7, %add3A_368 : i32
          %mul3A_370 = arith.constant 128 : i32
          %mul3A_371 = arith.muli %add3A_369, %mul3A_370 : i32
          %dma_wait3A_372 = arith.constant 0 : i32
          %dma_wait3A_373 = arith.constant 0 : i32
          %dma_wait3A_374 = tpu.memref_slice %arg4[%dma_wait3A_372, %mul3A_371] : memref<2x160000xi32, #tpu.memory_space<hbm>> -> memref<1x128xi32, #tpu.memory_space<hbm>>
          %dma_wait3A_375 = tpu.memref_squeeze %dma_wait3A_374 : memref<1x128xi32, #tpu.memory_space<hbm>> -> memref<128xi32, #tpu.memory_space<hbm>>
          %dma_wait3A_376 = tpu.memref_slice %arg23[%dma_wait3A_373] : memref<6x!tpu.dma_semaphore, #tpu.memory_space<semaphore_mem>> -> memref<1x!tpu.dma_semaphore, #tpu.memory_space<semaphore_mem>>
          %dma_wait3A_377 = tpu.memref_squeeze %dma_wait3A_376 : memref<1x!tpu.dma_semaphore, #tpu.memory_space<semaphore_mem>> -> memref<!tpu.dma_semaphore, #tpu.memory_space<semaphore_mem>>
          %dma_wait3A_378 = tpu.memref_slice %arg4[%dma_wait3A_372, %mul3A_371] : memref<2x160000xi32, #tpu.memory_space<hbm>> -> memref<1x128xi32, #tpu.memory_space<hbm>>
          %dma_wait3A_379 = tpu.memref_squeeze %dma_wait3A_378 : memref<1x128xi32, #tpu.memory_space<hbm>> -> memref<128xi32, #tpu.memory_space<hbm>>
          tpu.wait_dma2 semaphore(%dma_wait3A_377 : memref<!tpu.dma_semaphore, #tpu.memory_space<semaphore_mem>>) src(%dma_wait3A_379 : memref<128xi32, #tpu.memory_space<hbm>>) dst(%arg7 : memref<128xi32, #tpu.memory_space<vmem>>)
          %dma_wait3A_380 = arith.constant 1 : i32
          %dma_wait3A_381 = arith.constant 0 : i32
          %dma_wait3A_382 = tpu.memref_slice %arg4[%dma_wait3A_380, %mul3A_371] : memref<2x160000xi32, #tpu.memory_space<hbm>> -> memref<1x128xi32, #tpu.memory_space<hbm>>
          %dma_wait3A_383 = tpu.memref_squeeze %dma_wait3A_382 : memref<1x128xi32, #tpu.memory_space<hbm>> -> memref<128xi32, #tpu.memory_space<hbm>>
          %dma_wait3A_384 = tpu.memref_slice %arg23[%dma_wait3A_381] : memref<6x!tpu.dma_semaphore, #tpu.memory_space<semaphore_mem>> -> memref<1x!tpu.dma_semaphore, #tpu.memory_space<semaphore_mem>>
          %dma_wait3A_385 = tpu.memref_squeeze %dma_wait3A_384 : memref<1x!tpu.dma_semaphore, #tpu.memory_space<semaphore_mem>> -> memref<!tpu.dma_semaphore, #tpu.memory_space<semaphore_mem>>
          %dma_wait3A_386 = tpu.memref_slice %arg4[%dma_wait3A_380, %mul3A_371] : memref<2x160000xi32, #tpu.memory_space<hbm>> -> memref<1x128xi32, #tpu.memory_space<hbm>>
          %dma_wait3A_387 = tpu.memref_squeeze %dma_wait3A_386 : memref<1x128xi32, #tpu.memory_space<hbm>> -> memref<128xi32, #tpu.memory_space<hbm>>
          tpu.wait_dma2 semaphore(%dma_wait3A_385 : memref<!tpu.dma_semaphore, #tpu.memory_space<semaphore_mem>>) src(%dma_wait3A_387 : memref<128xi32, #tpu.memory_space<hbm>>) dst(%arg13 : memref<128xi32, #tpu.memory_space<vmem>>)
          %ge3A = arith.constant 1 : i32
          %ge3A_388 = arith.cmpi sge, %add3A_312, %ge3A : i32
          %convert_element_type3A_389 = arith.extui %ge3A_388 : i1 to i32
          %cond3A_390 = arith.constant 0 : i32
          %cond3A_391 = arith.cmpi ne, %convert_element_type3A_389, %cond3A_390 : i32
          scf.if %cond3A_391 {
            %dma_wait3A_398 = arith.constant 0 : i32
            %dma_wait3A_399 = arith.constant 0 : i32
            %dma_wait3A_400 = arith.constant 0 : i32
            %dma_wait3A_401 = tpu.memref_slice %arg26[%dma_wait3A_399, %dma_wait3A_400] : memref<10000x128xf32, #tpu.memory_space<vmem_shared>> -> memref<10000x128xf32, #tpu.memory_space<vmem_shared>>
            %dma_wait3A_402 = tpu.memref_slice %arg25[%dma_wait3A_398] : memref<3x!tpu.dma_semaphore, #tpu.memory_space<semaphore_mem>> -> memref<1x!tpu.dma_semaphore, #tpu.memory_space<semaphore_mem>>
            %dma_wait3A_403 = tpu.memref_squeeze %dma_wait3A_402 : memref<1x!tpu.dma_semaphore, #tpu.memory_space<semaphore_mem>> -> memref<!tpu.dma_semaphore, #tpu.memory_space<semaphore_mem>>
            tpu.wait_indirect_dma semaphore(%dma_wait3A_403 : memref<!tpu.dma_semaphore, #tpu.memory_space<semaphore_mem>>) src(%arg19 : memref<128x128xf32, #tpu.memory_space<vmem>>) dst(%dma_wait3A_401 : memref<10000x128xf32, #tpu.memory_space<vmem_shared>>)
          } else {
          }
          %dma_start3A_392 = arith.constant 0 : i32
          %dma_start3A_393 = arith.constant 0 : i32
          %dma_start3A_394 = arith.constant 0 : i32
          %dma_start3A_395 = tpu.memref_slice %arg3[%dma_start3A_393, %dma_start3A_394] : memref<10000x128xf32, #tpu.memory_space<hbm>> -> memref<10000x128xf32, #tpu.memory_space<hbm>>
          %dma_start3A_396 = tpu.memref_slice %arg24[%dma_start3A_392] : memref<3x!tpu.dma_semaphore, #tpu.memory_space<semaphore_mem>> -> memref<1x!tpu.dma_semaphore, #tpu.memory_space<semaphore_mem>>
          %dma_start3A_397 = tpu.memref_squeeze %dma_start3A_396 : memref<1x!tpu.dma_semaphore, #tpu.memory_space<semaphore_mem>> -> memref<!tpu.dma_semaphore, #tpu.memory_space<semaphore_mem>>
          tpu.enqueue_indirect_dma source(%dma_start3A_395 : memref<10000x128xf32, #tpu.memory_space<hbm>>) target(%arg19 : memref<128x128xf32, #tpu.memory_space<vmem>>) offsets(%arg7 : memref<128xi32, #tpu.memory_space<vmem>>) semaphore(%dma_start3A_397 : memref<!tpu.dma_semaphore, #tpu.memory_space<semaphore_mem>>)
        } else {
        }
        %add3A_332 = arith.constant 4 : i32
        %add3A_333 = arith.addi %add3A_312, %add3A_332 : i32
        %lt3A_334 = arith.constant 78 : i32
        %lt3A_335 = arith.cmpi slt, %add3A_333, %lt3A_334 : i32
        %convert_element_type3A_336 = arith.extui %lt3A_335 : i1 to i32
        %cond3A_337 = arith.constant 0 : i32
        %cond3A_338 = arith.cmpi ne, %convert_element_type3A_336, %cond3A_337 : i32
        scf.if %cond3A_338 {
          %add3A_367 = arith.constant 4 : i32
          %add3A_368 = arith.addi %add3A_312, %add3A_367 : i32
          %add3A_369 = arith.addi %mul3A_7, %add3A_368 : i32
          %mul3A_370 = arith.constant 128 : i32
          %mul3A_371 = arith.muli %add3A_369, %mul3A_370 : i32
          %dma_start3A_372 = arith.constant 0 : i32
          %dma_start3A_373 = arith.constant 2 : i32
          %dma_start3A_374 = tpu.memref_slice %arg4[%dma_start3A_372, %mul3A_371] : memref<2x160000xi32, #tpu.memory_space<hbm>> -> memref<1x128xi32, #tpu.memory_space<hbm>>
          %dma_start3A_375 = tpu.memref_squeeze %dma_start3A_374 : memref<1x128xi32, #tpu.memory_space<hbm>> -> memref<128xi32, #tpu.memory_space<hbm>>
          %dma_start3A_376 = tpu.memref_slice %arg23[%dma_start3A_373] : memref<6x!tpu.dma_semaphore, #tpu.memory_space<semaphore_mem>> -> memref<1x!tpu.dma_semaphore, #tpu.memory_space<semaphore_mem>>
          %dma_start3A_377 = tpu.memref_squeeze %dma_start3A_376 : memref<1x!tpu.dma_semaphore, #tpu.memory_space<semaphore_mem>> -> memref<!tpu.dma_semaphore, #tpu.memory_space<semaphore_mem>>
          %dma_start3A_378 = tpu.memref_slice %arg4[%dma_start3A_372, %mul3A_371] : memref<2x160000xi32, #tpu.memory_space<hbm>> -> memref<1x128xi32, #tpu.memory_space<hbm>>
          %dma_start3A_379 = tpu.memref_squeeze %dma_start3A_378 : memref<1x128xi32, #tpu.memory_space<hbm>> -> memref<128xi32, #tpu.memory_space<hbm>>
          tpu.enqueue_dma source(%dma_start3A_379 : memref<128xi32, #tpu.memory_space<hbm>>) target(%arg9 : memref<128xi32, #tpu.memory_space<vmem>>) target_semaphore(%dma_start3A_377 : memref<!tpu.dma_semaphore, #tpu.memory_space<semaphore_mem>>)
          %dma_start3A_380 = arith.constant 1 : i32
          %dma_start3A_381 = arith.constant 2 : i32
          %dma_start3A_382 = tpu.memref_slice %arg4[%dma_start3A_380, %mul3A_371] : memref<2x160000xi32, #tpu.memory_space<hbm>> -> memref<1x128xi32, #tpu.memory_space<hbm>>
          %dma_start3A_383 = tpu.memref_squeeze %dma_start3A_382 : memref<1x128xi32, #tpu.memory_space<hbm>> -> memref<128xi32, #tpu.memory_space<hbm>>
          %dma_start3A_384 = tpu.memref_slice %arg23[%dma_start3A_381] : memref<6x!tpu.dma_semaphore, #tpu.memory_space<semaphore_mem>> -> memref<1x!tpu.dma_semaphore, #tpu.memory_space<semaphore_mem>>
          %dma_start3A_385 = tpu.memref_squeeze %dma_start3A_384 : memref<1x!tpu.dma_semaphore, #tpu.memory_space<semaphore_mem>> -> memref<!tpu.dma_semaphore, #tpu.memory_space<semaphore_mem>>
          %dma_start3A_386 = tpu.memref_slice %arg4[%dma_start3A_380, %mul3A_371] : memref<2x160000xi32, #tpu.memory_space<hbm>> -> memref<1x128xi32, #tpu.memory_space<hbm>>
          %dma_start3A_387 = tpu.memref_squeeze %dma_start3A_386 : memref<1x128xi32, #tpu.memory_space<hbm>> -> memref<128xi32, #tpu.memory_space<hbm>>
          tpu.enqueue_dma source(%dma_start3A_387 : memref<128xi32, #tpu.memory_space<hbm>>) target(%arg15 : memref<128xi32, #tpu.memory_space<vmem>>) target_semaphore(%dma_start3A_385 : memref<!tpu.dma_semaphore, #tpu.memory_space<semaphore_mem>>)
        } else {
        }
        %add3A_339 = arith.constant 5 : i32
        %add3A_340 = arith.addi %add3A_198, %add3A_339 : i32
        %dma_wait3A_341 = arith.constant 2 : i32
        %dma_wait3A_342 = arith.constant 0 : i32
        %dma_wait3A_343 = arith.constant 0 : i32
        %dma_wait3A_344 = tpu.memref_slice %arg3[%dma_wait3A_342, %dma_wait3A_343] : memref<10000x128xf32, #tpu.memory_space<hbm>> -> memref<10000x128xf32, #tpu.memory_space<hbm>>
        %dma_wait3A_345 = tpu.memref_slice %arg24[%dma_wait3A_341] : memref<3x!tpu.dma_semaphore, #tpu.memory_space<semaphore_mem>> -> memref<1x!tpu.dma_semaphore, #tpu.memory_space<semaphore_mem>>
        %dma_wait3A_346 = tpu.memref_squeeze %dma_wait3A_345 : memref<1x!tpu.dma_semaphore, #tpu.memory_space<semaphore_mem>> -> memref<!tpu.dma_semaphore, #tpu.memory_space<semaphore_mem>>
        tpu.wait_indirect_dma semaphore(%dma_wait3A_346 : memref<!tpu.dma_semaphore, #tpu.memory_space<semaphore_mem>>) src(%dma_wait3A_344 : memref<10000x128xf32, #tpu.memory_space<hbm>>) dst(%arg21 : memref<128x128xf32, #tpu.memory_space<vmem>>)
        %dma_start3A_347 = arith.constant 2 : i32
        %dma_start3A_348 = arith.constant 0 : i32
        %dma_start3A_349 = arith.constant 0 : i32
        %dma_start3A_350 = tpu.memref_slice %arg26[%dma_start3A_348, %dma_start3A_349] : memref<10000x128xf32, #tpu.memory_space<vmem_shared>> -> memref<10000x128xf32, #tpu.memory_space<vmem_shared>>
        %dma_start3A_351 = tpu.memref_slice %arg25[%dma_start3A_347] : memref<3x!tpu.dma_semaphore, #tpu.memory_space<semaphore_mem>> -> memref<1x!tpu.dma_semaphore, #tpu.memory_space<semaphore_mem>>
        %dma_start3A_352 = tpu.memref_squeeze %dma_start3A_351 : memref<1x!tpu.dma_semaphore, #tpu.memory_space<semaphore_mem>> -> memref<!tpu.dma_semaphore, #tpu.memory_space<semaphore_mem>>
        tpu.enqueue_indirect_dma source(%arg21 : memref<128x128xf32, #tpu.memory_space<vmem>>) target(%dma_start3A_350 : memref<10000x128xf32, #tpu.memory_space<vmem_shared>>) offsets(%arg18 : memref<128xi32, #tpu.memory_space<vmem>>) semaphore(%dma_start3A_352 : memref<!tpu.dma_semaphore, #tpu.memory_space<semaphore_mem>>) {add = true}
        %add3A_353 = arith.constant 2 : i32
        %add3A_354 = arith.addi %add3A_340, %add3A_353 : i32
        %lt3A_355 = arith.constant 78 : i32
        %lt3A_356 = arith.cmpi slt, %add3A_354, %lt3A_355 : i32
        %convert_element_type3A_357 = arith.extui %lt3A_356 : i1 to i32
        %cond3A_358 = arith.constant 0 : i32
        %cond3A_359 = arith.cmpi ne, %convert_element_type3A_357, %cond3A_358 : i32
        scf.if %cond3A_359 {
          %add3A_367 = arith.constant 2 : i32
          %add3A_368 = arith.addi %add3A_340, %add3A_367 : i32
          %add3A_369 = arith.addi %mul3A_7, %add3A_368 : i32
          %mul3A_370 = arith.constant 128 : i32
          %mul3A_371 = arith.muli %add3A_369, %mul3A_370 : i32
          %dma_wait3A_372 = arith.constant 0 : i32
          %dma_wait3A_373 = arith.constant 1 : i32
          %dma_wait3A_374 = tpu.memref_slice %arg4[%dma_wait3A_372, %mul3A_371] : memref<2x160000xi32, #tpu.memory_space<hbm>> -> memref<1x128xi32, #tpu.memory_space<hbm>>
          %dma_wait3A_375 = tpu.memref_squeeze %dma_wait3A_374 : memref<1x128xi32, #tpu.memory_space<hbm>> -> memref<128xi32, #tpu.memory_space<hbm>>
          %dma_wait3A_376 = tpu.memref_slice %arg23[%dma_wait3A_373] : memref<6x!tpu.dma_semaphore, #tpu.memory_space<semaphore_mem>> -> memref<1x!tpu.dma_semaphore, #tpu.memory_space<semaphore_mem>>
          %dma_wait3A_377 = tpu.memref_squeeze %dma_wait3A_376 : memref<1x!tpu.dma_semaphore, #tpu.memory_space<semaphore_mem>> -> memref<!tpu.dma_semaphore, #tpu.memory_space<semaphore_mem>>
          %dma_wait3A_378 = tpu.memref_slice %arg4[%dma_wait3A_372, %mul3A_371] : memref<2x160000xi32, #tpu.memory_space<hbm>> -> memref<1x128xi32, #tpu.memory_space<hbm>>
          %dma_wait3A_379 = tpu.memref_squeeze %dma_wait3A_378 : memref<1x128xi32, #tpu.memory_space<hbm>> -> memref<128xi32, #tpu.memory_space<hbm>>
          tpu.wait_dma2 semaphore(%dma_wait3A_377 : memref<!tpu.dma_semaphore, #tpu.memory_space<semaphore_mem>>) src(%dma_wait3A_379 : memref<128xi32, #tpu.memory_space<hbm>>) dst(%arg8 : memref<128xi32, #tpu.memory_space<vmem>>)
          %dma_wait3A_380 = arith.constant 1 : i32
          %dma_wait3A_381 = arith.constant 1 : i32
          %dma_wait3A_382 = tpu.memref_slice %arg4[%dma_wait3A_380, %mul3A_371] : memref<2x160000xi32, #tpu.memory_space<hbm>> -> memref<1x128xi32, #tpu.memory_space<hbm>>
          %dma_wait3A_383 = tpu.memref_squeeze %dma_wait3A_382 : memref<1x128xi32, #tpu.memory_space<hbm>> -> memref<128xi32, #tpu.memory_space<hbm>>
          %dma_wait3A_384 = tpu.memref_slice %arg23[%dma_wait3A_381] : memref<6x!tpu.dma_semaphore, #tpu.memory_space<semaphore_mem>> -> memref<1x!tpu.dma_semaphore, #tpu.memory_space<semaphore_mem>>
          %dma_wait3A_385 = tpu.memref_squeeze %dma_wait3A_384 : memref<1x!tpu.dma_semaphore, #tpu.memory_space<semaphore_mem>> -> memref<!tpu.dma_semaphore, #tpu.memory_space<semaphore_mem>>
          %dma_wait3A_386 = tpu.memref_slice %arg4[%dma_wait3A_380, %mul3A_371] : memref<2x160000xi32, #tpu.memory_space<hbm>> -> memref<1x128xi32, #tpu.memory_space<hbm>>
          %dma_wait3A_387 = tpu.memref_squeeze %dma_wait3A_386 : memref<1x128xi32, #tpu.memory_space<hbm>> -> memref<128xi32, #tpu.memory_space<hbm>>
          tpu.wait_dma2 semaphore(%dma_wait3A_385 : memref<!tpu.dma_semaphore, #tpu.memory_space<semaphore_mem>>) src(%dma_wait3A_387 : memref<128xi32, #tpu.memory_space<hbm>>) dst(%arg14 : memref<128xi32, #tpu.memory_space<vmem>>)
          %ge3A = arith.constant 1 : i32
          %ge3A_388 = arith.cmpi sge, %add3A_340, %ge3A : i32
          %convert_element_type3A_389 = arith.extui %ge3A_388 : i1 to i32
          %cond3A_390 = arith.constant 0 : i32
          %cond3A_391 = arith.cmpi ne, %convert_element_type3A_389, %cond3A_390 : i32
          scf.if %cond3A_391 {
            %dma_wait3A_398 = arith.constant 1 : i32
            %dma_wait3A_399 = arith.constant 0 : i32
            %dma_wait3A_400 = arith.constant 0 : i32
            %dma_wait3A_401 = tpu.memref_slice %arg26[%dma_wait3A_399, %dma_wait3A_400] : memref<10000x128xf32, #tpu.memory_space<vmem_shared>> -> memref<10000x128xf32, #tpu.memory_space<vmem_shared>>
            %dma_wait3A_402 = tpu.memref_slice %arg25[%dma_wait3A_398] : memref<3x!tpu.dma_semaphore, #tpu.memory_space<semaphore_mem>> -> memref<1x!tpu.dma_semaphore, #tpu.memory_space<semaphore_mem>>
            %dma_wait3A_403 = tpu.memref_squeeze %dma_wait3A_402 : memref<1x!tpu.dma_semaphore, #tpu.memory_space<semaphore_mem>> -> memref<!tpu.dma_semaphore, #tpu.memory_space<semaphore_mem>>
            tpu.wait_indirect_dma semaphore(%dma_wait3A_403 : memref<!tpu.dma_semaphore, #tpu.memory_space<semaphore_mem>>) src(%arg20 : memref<128x128xf32, #tpu.memory_space<vmem>>) dst(%dma_wait3A_401 : memref<10000x128xf32, #tpu.memory_space<vmem_shared>>)
          } else {
          }
          %dma_start3A_392 = arith.constant 1 : i32
          %dma_start3A_393 = arith.constant 0 : i32
          %dma_start3A_394 = arith.constant 0 : i32
          %dma_start3A_395 = tpu.memref_slice %arg3[%dma_start3A_393, %dma_start3A_394] : memref<10000x128xf32, #tpu.memory_space<hbm>> -> memref<10000x128xf32, #tpu.memory_space<hbm>>
          %dma_start3A_396 = tpu.memref_slice %arg24[%dma_start3A_392] : memref<3x!tpu.dma_semaphore, #tpu.memory_space<semaphore_mem>> -> memref<1x!tpu.dma_semaphore, #tpu.memory_space<semaphore_mem>>
          %dma_start3A_397 = tpu.memref_squeeze %dma_start3A_396 : memref<1x!tpu.dma_semaphore, #tpu.memory_space<semaphore_mem>> -> memref<!tpu.dma_semaphore, #tpu.memory_space<semaphore_mem>>
          tpu.enqueue_indirect_dma source(%dma_start3A_395 : memref<10000x128xf32, #tpu.memory_space<hbm>>) target(%arg20 : memref<128x128xf32, #tpu.memory_space<vmem>>) offsets(%arg8 : memref<128xi32, #tpu.memory_space<vmem>>) semaphore(%dma_start3A_397 : memref<!tpu.dma_semaphore, #tpu.memory_space<semaphore_mem>>)
        } else {
        }
        %add3A_360 = arith.constant 4 : i32
        %add3A_361 = arith.addi %add3A_340, %add3A_360 : i32
        %lt3A_362 = arith.constant 78 : i32
        %lt3A_363 = arith.cmpi slt, %add3A_361, %lt3A_362 : i32
        %convert_element_type3A_364 = arith.extui %lt3A_363 : i1 to i32
        %cond3A_365 = arith.constant 0 : i32
        %cond3A_366 = arith.cmpi ne, %convert_element_type3A_364, %cond3A_365 : i32
        scf.if %cond3A_366 {
          %add3A_367 = arith.constant 4 : i32
          %add3A_368 = arith.addi %add3A_340, %add3A_367 : i32
          %add3A_369 = arith.addi %mul3A_7, %add3A_368 : i32
          %mul3A_370 = arith.constant 128 : i32
          %mul3A_371 = arith.muli %add3A_369, %mul3A_370 : i32
          %dma_start3A_372 = arith.constant 0 : i32
          %dma_start3A_373 = arith.constant 3 : i32
          %dma_start3A_374 = tpu.memref_slice %arg4[%dma_start3A_372, %mul3A_371] : memref<2x160000xi32, #tpu.memory_space<hbm>> -> memref<1x128xi32, #tpu.memory_space<hbm>>
          %dma_start3A_375 = tpu.memref_squeeze %dma_start3A_374 : memref<1x128xi32, #tpu.memory_space<hbm>> -> memref<128xi32, #tpu.memory_space<hbm>>
          %dma_start3A_376 = tpu.memref_slice %arg23[%dma_start3A_373] : memref<6x!tpu.dma_semaphore, #tpu.memory_space<semaphore_mem>> -> memref<1x!tpu.dma_semaphore, #tpu.memory_space<semaphore_mem>>
          %dma_start3A_377 = tpu.memref_squeeze %dma_start3A_376 : memref<1x!tpu.dma_semaphore, #tpu.memory_space<semaphore_mem>> -> memref<!tpu.dma_semaphore, #tpu.memory_space<semaphore_mem>>
          %dma_start3A_378 = tpu.memref_slice %arg4[%dma_start3A_372, %mul3A_371] : memref<2x160000xi32, #tpu.memory_space<hbm>> -> memref<1x128xi32, #tpu.memory_space<hbm>>
          %dma_start3A_379 = tpu.memref_squeeze %dma_start3A_378 : memref<1x128xi32, #tpu.memory_space<hbm>> -> memref<128xi32, #tpu.memory_space<hbm>>
          tpu.enqueue_dma source(%dma_start3A_379 : memref<128xi32, #tpu.memory_space<hbm>>) target(%arg10 : memref<128xi32, #tpu.memory_space<vmem>>) target_semaphore(%dma_start3A_377 : memref<!tpu.dma_semaphore, #tpu.memory_space<semaphore_mem>>)
          %dma_start3A_380 = arith.constant 1 : i32
          %dma_start3A_381 = arith.constant 3 : i32
          %dma_start3A_382 = tpu.memref_slice %arg4[%dma_start3A_380, %mul3A_371] : memref<2x160000xi32, #tpu.memory_space<hbm>> -> memref<1x128xi32, #tpu.memory_space<hbm>>
          %dma_start3A_383 = tpu.memref_squeeze %dma_start3A_382 : memref<1x128xi32, #tpu.memory_space<hbm>> -> memref<128xi32, #tpu.memory_space<hbm>>
          %dma_start3A_384 = tpu.memref_slice %arg23[%dma_start3A_381] : memref<6x!tpu.dma_semaphore, #tpu.memory_space<semaphore_mem>> -> memref<1x!tpu.dma_semaphore, #tpu.memory_space<semaphore_mem>>
          %dma_start3A_385 = tpu.memref_squeeze %dma_start3A_384 : memref<1x!tpu.dma_semaphore, #tpu.memory_space<semaphore_mem>> -> memref<!tpu.dma_semaphore, #tpu.memory_space<semaphore_mem>>
          %dma_start3A_386 = tpu.memref_slice %arg4[%dma_start3A_380, %mul3A_371] : memref<2x160000xi32, #tpu.memory_space<hbm>> -> memref<1x128xi32, #tpu.memory_space<hbm>>
          %dma_start3A_387 = tpu.memref_squeeze %dma_start3A_386 : memref<1x128xi32, #tpu.memory_space<hbm>> -> memref<128xi32, #tpu.memory_space<hbm>>
          tpu.enqueue_dma source(%dma_start3A_387 : memref<128xi32, #tpu.memory_space<hbm>>) target(%arg16 : memref<128xi32, #tpu.memory_space<vmem>>) target_semaphore(%dma_start3A_385 : memref<!tpu.dma_semaphore, #tpu.memory_space<semaphore_mem>>)
        } else {
        }
      }
      %scan3A_159 = arith.constant 13 : i32
      %dma_wait3A_160 = arith.constant 0 : i32
      %dma_wait3A_161 = arith.constant 0 : i32
      %dma_wait3A_162 = arith.constant 0 : i32
      %dma_wait3A_163 = tpu.memref_slice %arg26[%dma_wait3A_161, %dma_wait3A_162] : memref<10000x128xf32, #tpu.memory_space<vmem_shared>> -> memref<10000x128xf32, #tpu.memory_space<vmem_shared>>
      %dma_wait3A_164 = tpu.memref_slice %arg25[%dma_wait3A_160] : memref<3x!tpu.dma_semaphore, #tpu.memory_space<semaphore_mem>> -> memref<1x!tpu.dma_semaphore, #tpu.memory_space<semaphore_mem>>
      %dma_wait3A_165 = tpu.memref_squeeze %dma_wait3A_164 : memref<1x!tpu.dma_semaphore, #tpu.memory_space<semaphore_mem>> -> memref<!tpu.dma_semaphore, #tpu.memory_space<semaphore_mem>>
      tpu.wait_indirect_dma semaphore(%dma_wait3A_165 : memref<!tpu.dma_semaphore, #tpu.memory_space<semaphore_mem>>) src(%arg19 : memref<128x128xf32, #tpu.memory_space<vmem>>) dst(%dma_wait3A_163 : memref<10000x128xf32, #tpu.memory_space<vmem_shared>>)
      %dma_wait3A_166 = arith.constant 1 : i32
      %dma_wait3A_167 = arith.constant 0 : i32
      %dma_wait3A_168 = arith.constant 0 : i32
      %dma_wait3A_169 = tpu.memref_slice %arg26[%dma_wait3A_167, %dma_wait3A_168] : memref<10000x128xf32, #tpu.memory_space<vmem_shared>> -> memref<10000x128xf32, #tpu.memory_space<vmem_shared>>
      %dma_wait3A_170 = tpu.memref_slice %arg25[%dma_wait3A_166] : memref<3x!tpu.dma_semaphore, #tpu.memory_space<semaphore_mem>> -> memref<1x!tpu.dma_semaphore, #tpu.memory_space<semaphore_mem>>
      %dma_wait3A_171 = tpu.memref_squeeze %dma_wait3A_170 : memref<1x!tpu.dma_semaphore, #tpu.memory_space<semaphore_mem>> -> memref<!tpu.dma_semaphore, #tpu.memory_space<semaphore_mem>>
      tpu.wait_indirect_dma semaphore(%dma_wait3A_171 : memref<!tpu.dma_semaphore, #tpu.memory_space<semaphore_mem>>) src(%arg20 : memref<128x128xf32, #tpu.memory_space<vmem>>) dst(%dma_wait3A_169 : memref<10000x128xf32, #tpu.memory_space<vmem_shared>>)
      %dma_wait3A_172 = arith.constant 2 : i32
      %dma_wait3A_173 = arith.constant 0 : i32
      %dma_wait3A_174 = arith.constant 0 : i32
      %dma_wait3A_175 = tpu.memref_slice %arg26[%dma_wait3A_173, %dma_wait3A_174] : memref<10000x128xf32, #tpu.memory_space<vmem_shared>> -> memref<10000x128xf32, #tpu.memory_space<vmem_shared>>
      %dma_wait3A_176 = tpu.memref_slice %arg25[%dma_wait3A_172] : memref<3x!tpu.dma_semaphore, #tpu.memory_space<semaphore_mem>> -> memref<1x!tpu.dma_semaphore, #tpu.memory_space<semaphore_mem>>
      %dma_wait3A_177 = tpu.memref_squeeze %dma_wait3A_176 : memref<1x!tpu.dma_semaphore, #tpu.memory_space<semaphore_mem>> -> memref<!tpu.dma_semaphore, #tpu.memory_space<semaphore_mem>>
      tpu.wait_indirect_dma semaphore(%dma_wait3A_177 : memref<!tpu.dma_semaphore, #tpu.memory_space<semaphore_mem>>) src(%arg21 : memref<128x128xf32, #tpu.memory_space<vmem>>) dst(%dma_wait3A_175 : memref<10000x128xf32, #tpu.memory_space<vmem_shared>>)
      %lt3A_178 = arith.constant 2 : i32
      %lt3A_179 = arith.cmpi slt, %arg1, %lt3A_178 : i32
      %convert_element_type3A_180 = arith.extui %lt3A_179 : i1 to i32
      %cond3A_181 = arith.constant 0 : i32
      %cond3A_182 = arith.cmpi ne, %convert_element_type3A_180, %cond3A_181 : i32
      scf.if %cond3A_182 {
        %mul3A_194 = arith.constant 128 : i32
        %mul3A_195 = arith.muli %arg1, %mul3A_194 : i32
        %add3A_196 = arith.constant 159744 : i32
        %add3A_197 = arith.addi %add3A_196, %mul3A_195 : i32
        %run_scoped3A = arith.constant 0 : i32
        "tpu.region"() ({
          %run_scoped3A_211 = tpu.sem_alloc : memref<!tpu.dma_semaphore, #tpu.memory_space<semaphore_mem>>
          %dma_start3A_212 = tpu.memref_slice %arg4[%run_scoped3A, %add3A_197] : memref<2x160000xi32, #tpu.memory_space<hbm>> -> memref<1x128xi32, #tpu.memory_space<hbm>>
          %dma_start3A_213 = tpu.memref_squeeze %dma_start3A_212 : memref<1x128xi32, #tpu.memory_space<hbm>> -> memref<128xi32, #tpu.memory_space<hbm>>
          %dma_start3A_214 = tpu.memref_slice %arg4[%run_scoped3A, %add3A_197] : memref<2x160000xi32, #tpu.memory_space<hbm>> -> memref<1x128xi32, #tpu.memory_space<hbm>>
          %dma_start3A_215 = tpu.memref_squeeze %dma_start3A_214 : memref<1x128xi32, #tpu.memory_space<hbm>> -> memref<128xi32, #tpu.memory_space<hbm>>
          tpu.enqueue_dma source(%dma_start3A_215 : memref<128xi32, #tpu.memory_space<hbm>>) target(%arg7 : memref<128xi32, #tpu.memory_space<vmem>>) target_semaphore(%run_scoped3A_211 : memref<!tpu.dma_semaphore, #tpu.memory_space<semaphore_mem>>)
          %dma_wait3A_216 = tpu.memref_slice %arg4[%run_scoped3A, %add3A_197] : memref<2x160000xi32, #tpu.memory_space<hbm>> -> memref<1x128xi32, #tpu.memory_space<hbm>>
          %dma_wait3A_217 = tpu.memref_squeeze %dma_wait3A_216 : memref<1x128xi32, #tpu.memory_space<hbm>> -> memref<128xi32, #tpu.memory_space<hbm>>
          %dma_wait3A_218 = tpu.memref_slice %arg4[%run_scoped3A, %add3A_197] : memref<2x160000xi32, #tpu.memory_space<hbm>> -> memref<1x128xi32, #tpu.memory_space<hbm>>
          %dma_wait3A_219 = tpu.memref_squeeze %dma_wait3A_218 : memref<1x128xi32, #tpu.memory_space<hbm>> -> memref<128xi32, #tpu.memory_space<hbm>>
          tpu.wait_dma2 semaphore(%run_scoped3A_211 : memref<!tpu.dma_semaphore, #tpu.memory_space<semaphore_mem>>) src(%dma_wait3A_219 : memref<128xi32, #tpu.memory_space<hbm>>) dst(%arg7 : memref<128xi32, #tpu.memory_space<vmem>>)
          tpu.yield
        }) : () -> ()
        %run_scoped3A_198 = arith.constant 1 : i32
        "tpu.region"() ({
          %run_scoped3A_211 = tpu.sem_alloc : memref<!tpu.dma_semaphore, #tpu.memory_space<semaphore_mem>>
          %dma_start3A_212 = tpu.memref_slice %arg4[%run_scoped3A_198, %add3A_197] : memref<2x160000xi32, #tpu.memory_space<hbm>> -> memref<1x128xi32, #tpu.memory_space<hbm>>
          %dma_start3A_213 = tpu.memref_squeeze %dma_start3A_212 : memref<1x128xi32, #tpu.memory_space<hbm>> -> memref<128xi32, #tpu.memory_space<hbm>>
          %dma_start3A_214 = tpu.memref_slice %arg4[%run_scoped3A_198, %add3A_197] : memref<2x160000xi32, #tpu.memory_space<hbm>> -> memref<1x128xi32, #tpu.memory_space<hbm>>
          %dma_start3A_215 = tpu.memref_squeeze %dma_start3A_214 : memref<1x128xi32, #tpu.memory_space<hbm>> -> memref<128xi32, #tpu.memory_space<hbm>>
          tpu.enqueue_dma source(%dma_start3A_215 : memref<128xi32, #tpu.memory_space<hbm>>) target(%arg13 : memref<128xi32, #tpu.memory_space<vmem>>) target_semaphore(%run_scoped3A_211 : memref<!tpu.dma_semaphore, #tpu.memory_space<semaphore_mem>>)
          %dma_wait3A_216 = tpu.memref_slice %arg4[%run_scoped3A_198, %add3A_197] : memref<2x160000xi32, #tpu.memory_space<hbm>> -> memref<1x128xi32, #tpu.memory_space<hbm>>
          %dma_wait3A_217 = tpu.memref_squeeze %dma_wait3A_216 : memref<1x128xi32, #tpu.memory_space<hbm>> -> memref<128xi32, #tpu.memory_space<hbm>>
          %dma_wait3A_218 = tpu.memref_slice %arg4[%run_scoped3A_198, %add3A_197] : memref<2x160000xi32, #tpu.memory_space<hbm>> -> memref<1x128xi32, #tpu.memory_space<hbm>>
          %dma_wait3A_219 = tpu.memref_squeeze %dma_wait3A_218 : memref<1x128xi32, #tpu.memory_space<hbm>> -> memref<128xi32, #tpu.memory_space<hbm>>
          tpu.wait_dma2 semaphore(%run_scoped3A_211 : memref<!tpu.dma_semaphore, #tpu.memory_space<semaphore_mem>>) src(%dma_wait3A_219 : memref<128xi32, #tpu.memory_space<hbm>>) dst(%arg13 : memref<128xi32, #tpu.memory_space<vmem>>)
          tpu.yield
        }) : () -> ()
        %dma_start3A_199 = arith.constant 0 : i32
        %dma_start3A_200 = arith.constant 0 : i32
        %dma_start3A_201 = arith.constant 0 : i32
        %dma_start3A_202 = tpu.memref_slice %arg3[%dma_start3A_200, %dma_start3A_201] : memref<10000x128xf32, #tpu.memory_space<hbm>> -> memref<10000x128xf32, #tpu.memory_space<hbm>>
        %dma_start3A_203 = tpu.memref_slice %arg24[%dma_start3A_199] : memref<3x!tpu.dma_semaphore, #tpu.memory_space<semaphore_mem>> -> memref<1x!tpu.dma_semaphore, #tpu.memory_space<semaphore_mem>>
        %dma_start3A_204 = tpu.memref_squeeze %dma_start3A_203 : memref<1x!tpu.dma_semaphore, #tpu.memory_space<semaphore_mem>> -> memref<!tpu.dma_semaphore, #tpu.memory_space<semaphore_mem>>
        tpu.enqueue_indirect_dma source(%dma_start3A_202 : memref<10000x128xf32, #tpu.memory_space<hbm>>) target(%arg19 : memref<128x128xf32, #tpu.memory_space<vmem>>) offsets(%arg7 : memref<128xi32, #tpu.memory_space<vmem>>) semaphore(%dma_start3A_204 : memref<!tpu.dma_semaphore, #tpu.memory_space<semaphore_mem>>)
        %dma_wait3A_205 = arith.constant 0 : i32
        %dma_wait3A_206 = arith.constant 0 : i32
        %dma_wait3A_207 = arith.constant 0 : i32
        %dma_wait3A_208 = tpu.memref_slice %arg3[%dma_wait3A_206, %dma_wait3A_207] : memref<10000x128xf32, #tpu.memory_space<hbm>> -> memref<10000x128xf32, #tpu.memory_space<hbm>>
        %dma_wait3A_209 = tpu.memref_slice %arg24[%dma_wait3A_205] : memref<3x!tpu.dma_semaphore, #tpu.memory_space<semaphore_mem>> -> memref<1x!tpu.dma_semaphore, #tpu.memory_space<semaphore_mem>>
        %dma_wait3A_210 = tpu.memref_squeeze %dma_wait3A_209 : memref<1x!tpu.dma_semaphore, #tpu.memory_space<semaphore_mem>> -> memref<!tpu.dma_semaphore, #tpu.memory_space<semaphore_mem>>
        tpu.wait_indirect_dma semaphore(%dma_wait3A_210 : memref<!tpu.dma_semaphore, #tpu.memory_space<semaphore_mem>>) src(%dma_wait3A_208 : memref<10000x128xf32, #tpu.memory_space<hbm>>) dst(%arg19 : memref<128x128xf32, #tpu.memory_space<vmem>>)
        "tpu.region"() ({
          %run_scoped3A_211 = tpu.sem_alloc : memref<!tpu.dma_semaphore, #tpu.memory_space<semaphore_mem>>
          %dma_start3A_212 = arith.constant 0 : i32
          %dma_start3A_213 = arith.constant 0 : i32
          %dma_start3A_214 = tpu.memref_slice %arg26[%dma_start3A_212, %dma_start3A_213] : memref<10000x128xf32, #tpu.memory_space<vmem_shared>> -> memref<10000x128xf32, #tpu.memory_space<vmem_shared>>
          tpu.enqueue_indirect_dma source(%arg19 : memref<128x128xf32, #tpu.memory_space<vmem>>) target(%dma_start3A_214 : memref<10000x128xf32, #tpu.memory_space<vmem_shared>>) offsets(%arg13 : memref<128xi32, #tpu.memory_space<vmem>>) semaphore(%run_scoped3A_211 : memref<!tpu.dma_semaphore, #tpu.memory_space<semaphore_mem>>) {add = true}
          %dma_wait3A_215 = arith.constant 0 : i32
          %dma_wait3A_216 = arith.constant 0 : i32
          %dma_wait3A_217 = tpu.memref_slice %arg26[%dma_wait3A_215, %dma_wait3A_216] : memref<10000x128xf32, #tpu.memory_space<vmem_shared>> -> memref<10000x128xf32, #tpu.memory_space<vmem_shared>>
          tpu.wait_indirect_dma semaphore(%run_scoped3A_211 : memref<!tpu.dma_semaphore, #tpu.memory_space<semaphore_mem>>) src(%arg19 : memref<128x128xf32, #tpu.memory_space<vmem>>) dst(%dma_wait3A_217 : memref<10000x128xf32, #tpu.memory_space<vmem_shared>>)
          tpu.yield
        }) : () -> ()
      } else {
      }
      %barrier3A_183 = arith.constant 0 : index
      tpu.barrier barrier_id(%barrier3A_183)
      %lt3A_184 = arith.constant 15 : i32
      %lt3A_185 = arith.cmpi slt, %arg1, %lt3A_184 : i32
      %convert_element_type3A_186 = arith.extui %lt3A_185 : i1 to i32
      %cond3A_187 = arith.constant 0 : i32
      %cond3A_188 = arith.cmpi ne, %convert_element_type3A_186, %cond3A_187 : i32
      scf.if %cond3A_188 {
        %mul3A_194 = arith.constant 632 : i32
        %mul3A_195 = arith.muli %arg1, %mul3A_194 : i32
        %mul3A_196 = arith.constant 632 : i32
        %mul3A_197 = arith.muli %arg1, %mul3A_196 : i32
        "tpu.region"() ({
          %run_scoped3A = tpu.sem_alloc : memref<!tpu.dma_semaphore, #tpu.memory_space<semaphore_mem>>
          %dma_start3A_198 = arith.constant 0 : i32
          %dma_start3A_199 = tpu.memref_slice %arg6[%mul3A_197, %dma_start3A_198] : memref<10000x128xf32, #tpu.memory_space<hbm>> -> memref<632x128xf32, #tpu.memory_space<hbm>>
          %dma_start3A_200 = arith.constant 0 : i32
          %dma_start3A_201 = tpu.memref_slice %arg26[%mul3A_195, %dma_start3A_200] : memref<10000x128xf32, #tpu.memory_space<vmem_shared>> -> memref<632x128xf32, #tpu.memory_space<vmem_shared>>
          tpu.enqueue_dma source(%dma_start3A_201 : memref<632x128xf32, #tpu.memory_space<vmem_shared>>) target(%dma_start3A_199 : memref<632x128xf32, #tpu.memory_space<hbm>>) target_semaphore(%run_scoped3A : memref<!tpu.dma_semaphore, #tpu.memory_space<semaphore_mem>>)
          %dma_wait3A_202 = arith.constant 0 : i32
          %dma_wait3A_203 = tpu.memref_slice %arg6[%mul3A_197, %dma_wait3A_202] : memref<10000x128xf32, #tpu.memory_space<hbm>> -> memref<632x128xf32, #tpu.memory_space<hbm>>
          %dma_wait3A_204 = arith.constant 0 : i32
          %dma_wait3A_205 = tpu.memref_slice %arg26[%mul3A_195, %dma_wait3A_204] : memref<10000x128xf32, #tpu.memory_space<vmem_shared>> -> memref<632x128xf32, #tpu.memory_space<vmem_shared>>
          tpu.wait_dma2 semaphore(%run_scoped3A : memref<!tpu.dma_semaphore, #tpu.memory_space<semaphore_mem>>) src(%dma_wait3A_205 : memref<632x128xf32, #tpu.memory_space<vmem_shared>>) dst(%dma_wait3A_203 : memref<632x128xf32, #tpu.memory_space<hbm>>)
          tpu.yield
        }) : () -> ()
      } else {
      }
      %eq3A_189 = arith.constant 15 : i32
      %eq3A_190 = arith.cmpi eq, %arg1, %eq3A_189 : i32
      %convert_element_type3A_191 = arith.extui %eq3A_190 : i1 to i32
      %cond3A_192 = arith.constant 0 : i32
      %cond3A_193 = arith.cmpi ne, %convert_element_type3A_191, %cond3A_192 : i32
      scf.if %cond3A_193 {
        "tpu.region"() ({
          %run_scoped3A = tpu.sem_alloc : memref<!tpu.dma_semaphore, #tpu.memory_space<semaphore_mem>>
          %dma_start3A_194 = arith.constant 9480 : i32
          %dma_start3A_195 = arith.constant 0 : i32
          %dma_start3A_196 = tpu.memref_slice %arg6[%dma_start3A_194, %dma_start3A_195] : memref<10000x128xf32, #tpu.memory_space<hbm>> -> memref<520x128xf32, #tpu.memory_space<hbm>>
          %dma_start3A_197 = arith.constant 9480 : i32
          %dma_start3A_198 = arith.constant 0 : i32
          %dma_start3A_199 = tpu.memref_slice %arg26[%dma_start3A_197, %dma_start3A_198] : memref<10000x128xf32, #tpu.memory_space<vmem_shared>> -> memref<520x128xf32, #tpu.memory_space<vmem_shared>>
          tpu.enqueue_dma source(%dma_start3A_199 : memref<520x128xf32, #tpu.memory_space<vmem_shared>>) target(%dma_start3A_196 : memref<520x128xf32, #tpu.memory_space<hbm>>) target_semaphore(%run_scoped3A : memref<!tpu.dma_semaphore, #tpu.memory_space<semaphore_mem>>)
          %dma_wait3A_200 = arith.constant 9480 : i32
          %dma_wait3A_201 = arith.constant 0 : i32
          %dma_wait3A_202 = tpu.memref_slice %arg6[%dma_wait3A_200, %dma_wait3A_201] : memref<10000x128xf32, #tpu.memory_space<hbm>> -> memref<520x128xf32, #tpu.memory_space<hbm>>
          %dma_wait3A_203 = arith.constant 9480 : i32
          %dma_wait3A_204 = arith.constant 0 : i32
          %dma_wait3A_205 = tpu.memref_slice %arg26[%dma_wait3A_203, %dma_wait3A_204] : memref<10000x128xf32, #tpu.memory_space<vmem_shared>> -> memref<520x128xf32, #tpu.memory_space<vmem_shared>>
          tpu.wait_dma2 semaphore(%run_scoped3A : memref<!tpu.dma_semaphore, #tpu.memory_space<semaphore_mem>>) src(%dma_wait3A_205 : memref<520x128xf32, #tpu.memory_space<vmem_shared>>) dst(%dma_wait3A_202 : memref<520x128xf32, #tpu.memory_space<hbm>>)
          tpu.yield
        }) : () -> ()
      } else {
      }
    } else {
    }
    return
  }
}

module attributes {stable_mosaic.version = 14 : i64} {
  func.func @_ep_body(%arg0: i32, %arg1: memref<5000x1xf32, #tpu.memory_space<vmem>>, %arg2: memref<5000x1xf32, #tpu.memory_space<vmem>>, %arg3: memref<1x256xf32, #tpu.memory_space<vmem>>, %arg4: memref<5000x128xf32, #tpu.memory_space<vmem>>, %arg5: memref<5000x128xf32, #tpu.memory_space<vmem>>, %arg6: memref<5000x256xf32, #tpu.memory_space<vmem>>) attributes {dimension_semantics = [#tpu.dimension_semantics<arbitrary>], iteration_bounds = array<i64: 2>, scalar_prefetch = 0 : i64, scratch_operands = 0 : i64, tpu.core_type = #tpu.core_type<tc>, window_params = [{transform_indices = @transform_0, window_bounds = array<i64: 5000, 1>}, {transform_indices = @transform_1, window_bounds = array<i64: 5000, 1>}, {pipeline_mode = #tpu.pipeline_mode<synchronous>, transform_indices = @transform_2, window_bounds = array<i64: 1, 256>}, {transform_indices = @transform_3, window_bounds = array<i64: 5000, 128>}, {transform_indices = @transform_4, window_bounds = array<i64: 5000, 128>}, {transform_indices = @transform_5, window_bounds = array<i64: 5000, 256>}]} {
    %get3A = arith.constant 0 : index
    %get3A_0 = arith.constant 0 : index
    %get3A_1 = vector.load %arg1[%get3A, %get3A_0] : memref<5000x1xf32, #tpu.memory_space<vmem>>, vector<5000x1xf32>
    %get3A_2 = arith.constant 0 : index
    %get3A_3 = arith.constant 0 : index
    %get3A_4 = vector.load %arg2[%get3A_2, %get3A_3] : memref<5000x1xf32, #tpu.memory_space<vmem>>, vector<5000x1xf32>
    %add3A = arith.addf %get3A_1, %get3A_4 : vector<5000x1xf32>
    %add3A_5 = arith.constant 1.000000e+00 : f32
    %add3A_6 = vector.broadcast %add3A_5 : f32 to vector<5000x1xf32>
    %add3A_7 = arith.addf %add3A, %add3A_6 : vector<5000x1xf32>
    %rsqrt3A = math.rsqrt %add3A_7 : vector<5000x1xf32>
    %get3A_8 = arith.constant 0 : index
    %get3A_9 = arith.constant 0 : index
    %get3A_10 = vector.load %arg4[%get3A_8, %get3A_9] : memref<5000x128xf32, #tpu.memory_space<vmem>>, vector<5000x128xf32>
    %mul3A = vector.broadcast %rsqrt3A : vector<5000x1xf32> to vector<5000x128xf32>
    %mul3A_11 = arith.mulf %get3A_10, %mul3A : vector<5000x128xf32>
    %get3A_12 = arith.constant 0 : index
    %get3A_13 = arith.constant 0 : index
    %get3A_14 = vector.load %arg3[%get3A_12, %get3A_13] : memref<1x256xf32, #tpu.memory_space<vmem>>, vector<1x128xf32>
    %add3A_15 = vector.broadcast %get3A_14 : vector<1x128xf32> to vector<5000x128xf32>
    %add3A_16 = arith.addf %mul3A_11, %add3A_15 : vector<5000x128xf32>
    %swap3A = arith.constant 0 : index
    %swap3A_17 = arith.constant 0 : index
    %swap3A_18 = vector.load %arg6[%swap3A, %swap3A_17] : memref<5000x256xf32, #tpu.memory_space<vmem>>, vector<5000x128xf32>
    tpu.vector_store %arg6[%swap3A, %swap3A_17], %add3A_16 {strides = array<i32>} : memref<5000x256xf32, #tpu.memory_space<vmem>>, vector<5000x128xf32>,
    %get3A_19 = arith.constant 0 : index
    %get3A_20 = arith.constant 0 : index
    %get3A_21 = vector.load %arg5[%get3A_19, %get3A_20] : memref<5000x128xf32, #tpu.memory_space<vmem>>, vector<5000x128xf32>
    %mul3A_22 = vector.broadcast %rsqrt3A : vector<5000x1xf32> to vector<5000x128xf32>
    %mul3A_23 = arith.mulf %get3A_21, %mul3A_22 : vector<5000x128xf32>
    %get3A_24 = arith.constant 0 : index
    %get3A_25 = arith.constant 128 : index
    %get3A_26 = vector.load %arg3[%get3A_24, %get3A_25] : memref<1x256xf32, #tpu.memory_space<vmem>>, vector<1x128xf32>
    %add3A_27 = vector.broadcast %get3A_26 : vector<1x128xf32> to vector<5000x128xf32>
    %add3A_28 = arith.addf %mul3A_23, %add3A_27 : vector<5000x128xf32>
    %swap3A_29 = arith.constant 0 : index
    %swap3A_30 = arith.constant 128 : index
    %swap3A_31 = vector.load %arg6[%swap3A_29, %swap3A_30] : memref<5000x256xf32, #tpu.memory_space<vmem>>, vector<5000x128xf32>
    tpu.vector_store %arg6[%swap3A_29, %swap3A_30], %add3A_28 {strides = array<i32>} : memref<5000x256xf32, #tpu.memory_space<vmem>>, vector<5000x128xf32>,
    return
  }
  func.func @transform_0(%arg0: i32) -> (i32, i32) {
    %c0_i32 = arith.constant 0 : i32
    %c0_i32_0 = arith.constant 0 : i32
    return %arg0, %c0_i32 : i32, i32
  }
  func.func @transform_1(%arg0: i32) -> (i32, i32) {
    %c0_i32 = arith.constant 0 : i32
    %c0_i32_0 = arith.constant 0 : i32
    return %arg0, %c0_i32 : i32, i32
  }
  func.func @transform_2(%arg0: i32) -> (i32, i32) {
    %c0_i32 = arith.constant 0 : i32
    %c0_i32_0 = arith.constant 0 : i32
    %c0_i32_1 = arith.constant 0 : i32
    return %c0_i32, %c0_i32_0 : i32, i32
  }
  func.func @transform_3(%arg0: i32) -> (i32, i32) {
    %c0_i32 = arith.constant 0 : i32
    %c0_i32_0 = arith.constant 0 : i32
    return %arg0, %c0_i32 : i32, i32
  }
  func.func @transform_4(%arg0: i32) -> (i32, i32) {
    %c0_i32 = arith.constant 0 : i32
    %c0_i32_0 = arith.constant 0 : i32
    return %arg0, %c0_i32 : i32, i32
  }
  func.func @transform_5(%arg0: i32) -> (i32, i32) {
    %c0_i32 = arith.constant 0 : i32
    %c0_i32_0 = arith.constant 0 : i32
    return %arg0, %c0_i32 : i32, i32
  }
}

module attributes {stable_mosaic.version = 14 : i64} {
  func.func @_mm_body(%arg0: i32, %arg1: memref<5000x1xf32, #tpu.memory_space<vmem>>, %arg2: memref<5000x1xf32, #tpu.memory_space<vmem>>, %arg3: memref<5000x256xf32, #tpu.memory_space<vmem>>, %arg4: memref<256x256xf32, #tpu.memory_space<vmem>>, %arg5: memref<5000x128xf32, #tpu.memory_space<vmem>>, %arg6: memref<5000x128xf32, #tpu.memory_space<vmem>>) attributes {dimension_semantics = [#tpu.dimension_semantics<arbitrary>], iteration_bounds = array<i64: 2>, scalar_prefetch = 0 : i64, scratch_operands = 0 : i64, tpu.core_type = #tpu.core_type<tc>, window_params = [{transform_indices = @transform_0, window_bounds = array<i64: 5000, 1>}, {transform_indices = @transform_1, window_bounds = array<i64: 5000, 1>}, {transform_indices = @transform_2, window_bounds = array<i64: 5000, 256>}, {pipeline_mode = #tpu.pipeline_mode<synchronous>, transform_indices = @transform_3, window_bounds = array<i64: 256, 256>}, {transform_indices = @transform_4, window_bounds = array<i64: 5000, 128>}, {transform_indices = @transform_5, window_bounds = array<i64: 5000, 128>}]} {
    %get3A = arith.constant 0 : index
    %get3A_0 = arith.constant 0 : index
    %get3A_1 = vector.load %arg1[%get3A, %get3A_0] : memref<5000x1xf32, #tpu.memory_space<vmem>>, vector<5000x1xf32>
    %get3A_2 = arith.constant 0 : index
    %get3A_3 = arith.constant 0 : index
    %get3A_4 = vector.load %arg2[%get3A_2, %get3A_3] : memref<5000x1xf32, #tpu.memory_space<vmem>>, vector<5000x1xf32>
    %add3A = arith.addf %get3A_1, %get3A_4 : vector<5000x1xf32>
    %add3A_5 = arith.constant 1.000000e+00 : f32
    %add3A_6 = vector.broadcast %add3A_5 : f32 to vector<5000x1xf32>
    %add3A_7 = arith.addf %add3A, %add3A_6 : vector<5000x1xf32>
    %rsqrt3A = math.rsqrt %add3A_7 : vector<5000x1xf32>
    %get3A_8 = arith.constant 0 : index
    %get3A_9 = arith.constant 0 : index
    %get3A_10 = vector.load %arg3[%get3A_8, %get3A_9] : memref<5000x256xf32, #tpu.memory_space<vmem>>, vector<5000x256xf32>
    %get3A_11 = arith.constant 0 : index
    %get3A_12 = arith.constant 0 : index
    %get3A_13 = vector.load %arg4[%get3A_11, %get3A_12] : memref<256x256xf32, #tpu.memory_space<vmem>>, vector<256x256xf32>
    %dot_general3A = arith.constant dense<0.000000e+00> : vector<5000x256xf32>
    %dot_general3A_14 = tpu.matmul %get3A_10, %get3A_13, %dot_general3A {dimension_numbers = #tpu.dot_dimension_numbers<[1], [0], [0], [1], [0, 0, 1, 1], [], []>, transpose_lhs_hint = false} : vector<5000x256xf32>, vector<256x256xf32>, vector<5000x256xf32> -> vector<5000x256xf32>
    %mul3A = vector.broadcast %rsqrt3A : vector<5000x1xf32> to vector<5000x256xf32>
    %mul3A_15 = arith.mulf %dot_general3A_14, %mul3A : vector<5000x256xf32>
    %slice3A = vector.extract_strided_slice %mul3A_15 {offsets = [0, 0], sizes = [5000, 128], strides = [1, 1]} : vector<5000x256xf32> to vector<5000x128xf32>
    %swap3A = arith.constant 0 : index
    %swap3A_16 = arith.constant 0 : index
    %swap3A_17 = vector.load %arg5[%swap3A, %swap3A_16] : memref<5000x128xf32, #tpu.memory_space<vmem>>, vector<5000x128xf32>
    tpu.vector_store %arg5[%swap3A, %swap3A_16], %slice3A {strides = array<i32>} : memref<5000x128xf32, #tpu.memory_space<vmem>>, vector<5000x128xf32>,
    %slice3A_18 = vector.extract_strided_slice %mul3A_15 {offsets = [0, 128], sizes = [5000, 128], strides = [1, 1]} : vector<5000x256xf32> to vector<5000x128xf32>
    %swap3A_19 = arith.constant 0 : index
    %swap3A_20 = arith.constant 0 : index
    %swap3A_21 = vector.load %arg6[%swap3A_19, %swap3A_20] : memref<5000x128xf32, #tpu.memory_space<vmem>>, vector<5000x128xf32>
    tpu.vector_store %arg6[%swap3A_19, %swap3A_20], %slice3A_18 {strides = array<i32>} : memref<5000x128xf32, #tpu.memory_space<vmem>>, vector<5000x128xf32>,
    return
  }
  func.func @transform_0(%arg0: i32) -> (i32, i32) {
    %c0_i32 = arith.constant 0 : i32
    %c0_i32_0 = arith.constant 0 : i32
    return %arg0, %c0_i32 : i32, i32
  }
  func.func @transform_1(%arg0: i32) -> (i32, i32) {
    %c0_i32 = arith.constant 0 : i32
    %c0_i32_0 = arith.constant 0 : i32
    return %arg0, %c0_i32 : i32, i32
  }
  func.func @transform_2(%arg0: i32) -> (i32, i32) {
    %c0_i32 = arith.constant 0 : i32
    %c0_i32_0 = arith.constant 0 : i32
    return %arg0, %c0_i32 : i32, i32
  }
  func.func @transform_3(%arg0: i32) -> (i32, i32) {
    %c0_i32 = arith.constant 0 : i32
    %c0_i32_0 = arith.constant 0 : i32
    %c0_i32_1 = arith.constant 0 : i32
    return %c0_i32, %c0_i32_0 : i32, i32
  }
  func.func @transform_4(%arg0: i32) -> (i32, i32) {
    %c0_i32 = arith.constant 0 : i32
    %c0_i32_0 = arith.constant 0 : i32
    return %arg0, %c0_i32 : i32, i32
  }
  func.func @transform_5(%arg0: i32) -> (i32, i32) {
    %c0_i32 = arith.constant 0 : i32
    %c0_i32_0 = arith.constant 0 : i32
    return %arg0, %c0_i32 : i32, i32
  }
}

</mosaic_0001>

<sc_bundles>
// kernel: kernel.6.cloned.1.call-start
scs
__scs_entry_jumppad:
0x0: {  	(pc) =	sbr.rel $0x88, $3  }
0x1: {  	(tag) =	ssettag $0x0;
	lr =	simm.s32 $0x1  }
0x2: {  	[smem:$0x3F9D] =	sst lr;
	_ =	strace $0xD0000000  }
0x3: {  	_ = 	snop  }
0x4: {  	_ = 	snop  }
0x5: {  	_ = 	snop  }
0x6: {  	_ = 	snop  }
0x7: {  	_ = 	snop  }
__scs_overlays_trampoline_lowered:
0x8: {  	[smem:$0x3FAC] =	sst s0  }
0x9: {  	[smem:$0x3FAD] =	sst s1  }
0xa: {  	[smem:$0x3FAE] =	sst s2  }
0xb: {  	[smem:$0x3FAF] =	sst s3  }
0xc: {  	[smem:$0x3FB0] =	sst s4  }
0xd: {  	[smem:$0x3FB1] =	sst s5  }
0xe: {  	[smem:$0x3FB2] =	sst s6  }
0xf: {  	[smem:$0x3FB3] =	sst s7  }
0x10: {  	[smem:$0x3FB4] =	sst s8  }
0x11: {  	[smem:$0x3FB5] =	sst s9;
	s0 =	simm.s32 @!p0 $0x0  }
0x12: {  	s1 =	sld [smem:$0x3F9B];
	s0 =	simm.s32 @p0 $0x1  }
0x13: {  	[smem:$0x3FB6] =	sst s0;
	s0 =	simm.s32 @!p1 $0x0  }
0x14: {  	s2 =	sld [smem:$0x3F9A];
	s0 =	simm.s32 @p1 $0x1  }
0x15: {  	[smem:$0x3FB7] =	sst s0;
	s0 =	simm.s32 @!p2 $0x0  }
0x16: {  	s3 =	sld [smem:$0x3FDB];
	s0 =	simm.s32 @p2 $0x1  }
0x17: {  	s4 =	simm.s32 $0x1BF5;
	[smem:$0x3FB9] =	sst s0  }
0x18: {  	s0 =	sld [smem:$0x3F9C];
	_ =	swait.ge [sflag:s4], $0x0  }
0x19: {  	s7 =	sld [smem:$0x3F9D]  }
0x1a: {  	s8 =	sadd.s32 $0xFFFFE003, lr  }
0x1b: {  	s9 =	sadd.s32 $0xFFFFFEF7, lr;
	s5 =	simm.s32 $0xFFFFFFFF;
	p2 =	slt.u32 s8, $0xFFFFF086  }
0x1c: {  	p1 =	slt.u32 s9, $0xF7A;
	s5 =	simm.s32 @!p2 $0x0  }
0x1d: {  	s5 =	simm.s32 @p1 $0x1;
	p0 =	seq.s32 s7, s2  }
0x1e: {  	s7 =	smul.u32 @!p0 $0xF7A, s2;
	p2 =	seq.s32 @!p0 s5, $0x0  }
0x1f: {  	s9 =	smul.u32 $0xF7A, s1;
	s8 =	simm.s32 @!p0 $0x1BF5;
	p2 =	por !p2, p0  }
0x20: {  	[sflag:s8] =	ssyncset.s32 @!p0 $0xFFFFF086;
	s6 =	sadd.s32 @!p0 s3, s7;
	s7 =	simm.s32 @!p0 $0x108  }
0x21: {  	s3 =	sadd.s32 s3, s9;
	s6 =	sadd.s32 @!p0 $0x88, s6;
	s7 =	simm.s32 @p2 $0x1082  }
0x22: {  	[simem:s7], [sflag:s8] =	dma.local @!p0 [hbm:s6], $0xF7A  }
0x23: {  	s9 =	sor.u32 $0xD0000000, s2;
	s6 =	simm.s32 $0x108;
	_ =	swait.ge @!p0 [sflag:s8], $0x0  }
0x24: {  	s3 =	sadd.s32 $0x88, s3;
	s6 =	simm.s32 @!p1 $0x1082;
	[sflag:s4] =	ssyncset.s32 $0xFFFFF086  }
0x25: {  	[simem:s6], [sflag:s4] =	dma.local [hbm:s3], $0xF7A  }
0x26: {  	[smem:$0x3F9D] =	sst s1;
	(tag) =	ssettag s2;
	_ =	strace s9  }
0x27: {  	s1 =	sld [smem:$0x3FAD]  }
0x28: {  	s2 =	sld [smem:$0x3FAE]  }
0x29: {  	s4 =	sld [smem:$0x3FB0]  }
0x2a: {  	p0 =	seq.s32 s5, $0x0;
	s5 =	sld [smem:$0x3FB1]  }
0x2b: {  	s6 =	sld [smem:$0x3FB2]  }
0x2c: {  	s7 =	sld [smem:$0x3FB3]  }
0x2d: {  	s3 =	simm.s32 $0x108;
	s8 =	sld [smem:$0x3FB4]  }
0x2e: {  	s3 =	simm.s32 @!p0 $0x1082;
	s9 =	sld [smem:$0x3FB5]  }
0x2f: {  	lr =	sadd.s32 s0, s3;
	s0 =	sld [smem:$0x3FAC]  }
0x30: {  	s3 =	sld [smem:$0x3FAF]  }
0x31: {  	[smem:$0x3FB8] =	sst s10  }
0x32: {  	s10 =	sld [smem:$0x3FB6];
	_ =	sdelay $0x3  }
0x33: {  	p0 =	seq.s32 s10, $0x1;
	s10 =	sld [smem:$0x3FB8];
	_ =	sdelay $0x3  }
0x34: {  	[smem:$0x3FB8] =	sst s10  }
0x35: {  	s10 =	sld [smem:$0x3FB7];
	_ =	sdelay $0x3  }
0x36: {  	p1 =	seq.s32 s10, $0x1;
	s10 =	sld [smem:$0x3FB8];
	_ =	sdelay $0x3  }
0x37: {  	[smem:$0x3FB8] =	sst s10  }
0x38: {  	s10 =	sld [smem:$0x3FB9]  }
0x39: {  	_ = 	snop;
	(pc) =	sbr.ind lr, $3  }
0x3a: {  	_ = 	snop  }
0x3b: {  	_ = 	snop  }
0x3c: {  	p2 =	seq.s32 s10, $0x1;
	s10 =	sld [smem:$0x3FB8]  }
0x3d: {  	_ =	shalt  }
0x3e: {  	_ =	shalt  }
0x3f: {  	_ =	shalt  }
0x40: {  	_ =	shalt  }
0x41: {  	_ =	shalt  }
0x42: {  	_ =	shalt  }
0x43: {  	_ =	shalt  }
0x44: {  	_ =	shalt  }
0x45: {  	_ =	shalt  }
0x46: {  	_ =	shalt  }
0x47: {  	_ =	shalt  }
0x48: {  	_ =	shalt  }
0x49: {  	_ =	shalt  }
0x4a: {  	_ =	shalt  }
0x4b: {  	_ =	shalt  }
0x4c: {  	_ =	shalt  }
0x4d: {  	_ =	shalt  }
0x4e: {  	_ =	shalt  }
0x4f: {  	_ =	shalt  }
0x50: {  	_ =	shalt  }
0x51: {  	_ =	shalt  }
0x52: {  	_ =	shalt  }
0x53: {  	_ =	shalt  }
0x54: {  	_ =	shalt  }
0x55: {  	_ =	shalt  }
0x56: {  	_ =	shalt  }
0x57: {  	_ =	shalt  }
0x58: {  	_ =	shalt  }
0x59: {  	_ =	shalt  }
0x5a: {  	_ =	shalt  }
0x5b: {  	_ =	shalt  }
0x5c: {  	_ =	shalt  }
0x5d: {  	_ =	shalt  }
0x5e: {  	_ =	shalt  }
0x5f: {  	_ =	shalt  }
0x60: {  	_ =	shalt  }
0x61: {  	_ =	shalt  }
0x62: {  	_ =	shalt  }
0x63: {  	_ =	shalt  }
0x64: {  	_ =	shalt  }
0x65: {  	_ =	shalt  }
0x66: {  	_ =	shalt  }
0x67: {  	_ =	shalt  }
0x68: {  	_ =	shalt  }
0x69: {  	_ =	shalt  }
0x6a: {  	_ =	shalt  }
0x6b: {  	_ =	shalt  }
0x6c: {  	_ =	shalt  }
0x6d: {  	_ =	shalt  }
0x6e: {  	_ =	shalt  }
0x6f: {  	_ =	shalt  }
0x70: {  	_ =	shalt  }
0x71: {  	_ =	shalt  }
0x72: {  	_ =	shalt  }
0x73: {  	_ =	shalt  }
0x74: {  	_ =	shalt  }
0x75: {  	_ =	shalt  }
0x76: {  	_ =	shalt  }
0x77: {  	_ =	shalt  }
0x78: {  	_ =	shalt  }
0x79: {  	_ =	shalt  }
0x7a: {  	_ =	shalt  }
0x7b: {  	_ =	shalt  }
0x7c: {  	_ =	shalt  }
0x7d: {  	_ =	shalt  }
0x7e: {  	_ =	shalt  }
0x7f: {  	_ =	shalt  }
0x80: {  	_ =	shalt  }
0x81: {  	_ =	shalt  }
0x82: {  	_ =	shalt  }
0x83: {  	_ =	shalt  }
0x84: {  	_ =	shalt  }
0x85: {  	_ =	shalt  }
0x86: {  	_ =	shalt  }
0x87: {  	_ =	shalt  }
.Lfunc_end0:
.L_simem_size_0:
called_computation_lowered:
.L_overlay_start_0:
0x88: {  	s2 =	sld [smem:$0x3FD9]  }
0x89: {  	s3 =	sld [smem:$0x3FFE];
	_ =	sdelay $0x1  }
0x8a: {  	s1 =	srdreg.scid  }
0x8b: {  	s0 =	sand.u32 $0x1, s1  }
0x8c: {  	s17 =	sshll.u32 s0, $0xA;
	s2 =	sadd.s32 s3, s2  }
0x8d: {  	s2 =	sadd.s32 s2, s17  }
0x8e: {  	[smem:$0x3FC4] =	sst s2  }
0x8f: {  	_ = 	snop  }
0x90: {  	s2 =	sld [smem:$0x3FC8]  }
0x91: {  	s18 =	sld [smem:$0x3FD0];
	(tm) =	ssettm $0x1  }
0x92: {  	s4 =	sld [smem:$0x3FFB];
	_ =	sdelay $0x3  }
0x93: {  	_ =	strace s4  }
0x94: {  	s4 =	sld [smem:$0x3FFC];
	_ =	sdelay $0x3  }
0x95: {  	_ =	strace s4  }
0x96: {  	s4 =	sld [smem:$0x3FFD];
	_ =	sdelay $0x3  }
0x97: {  	_ =	strace s4  }
0x98: {  	_ =	strace $0x8FFFFFFF  }
0x99: {  	s19 =	sld [smem:$0x3FDB];
	_ =	sdelay $0x1  }
0x9a: {  	s5 =	simm.s32 $_scs_section_size  }
0x9b: {  	s6 =	simm.s32 $_size__tile_overlayer_lowered;
	s7 =	simm.s32 $_tile_overlayer_lowered  }
0x9c: {  	s22 =	simm.s32 $0x1BFF;
	s21 =	sshll.u32 s7, $0x1;
	s4 =	sadd.s32 s5, s19  }
0x9d: {  	s8 =	simm.s32 $0x0;
	s20 =	sshll.u32 s6, $0x1;
	s6 =	sadd.s32 s21, s4  }
0x9e: {  	[timem:s8], [sflag:s22] =	dma.local [hbm:s6], s20  }
0x9f: {  	_ =	swait.ge [sflag:s22], s20  }
0xa0: {  	s5 =	ssub.s32 $0x0, s20;
	[sflag:s22] =	ssyncset.done $0x0  }
0xa1: {  	[sflag:s22] =	ssyncadd.s32 s5;
	_ =	sdelay $0x1  }
0xa2: {  	s23 =	simm.s32 $0x1B8B  }
0xa3: {  	_ =	swait.ge [sflag:s23], $0x1  }
0xa4: {  	[sflag:s23] =	ssyncset.done $0x0  }
0xa5: {  	s25 =	simm.s32 $0x1B8E;
	s24 =	sld [smem:$0x3FFE];
	[sflag:s23] =	ssyncadd.s32 $0xFFFFFFFF  }
0xa6: {  	s26 =	simm.s32 $execute0_lowered;
	[smem:$0x3FD2] =	sst s25  }
0xa7: {  	s6 =	sshll.u32 s26, $0x1;
	_ =	strace $0x80000046;
	[dreg:$0x1] =	wrdreg $0xFFFFFFFF  }
0xa8: {  	s28 =	simm.s32 $_size_execute0_lowered;
	s4 =	sadd.s32 s4, s6;
	[dreg:$0x0] =	wrdreg $0x0  }
0xa9: {  	s6 =	sshll.u32 s28, $0x1;
	[dreg:$0x2] =	wrdreg s4  }
0xaa: {  	[dreg:$0x3] =	wrdreg s6  }
0xab: {  	[dreg:$0x4] =	wrdreg $0xC0  }
0xac: {  	_ =	task [dreg:s8], $0x5FFFF  }
0xad: {  	[dreg:$0x1] =	wrdreg $0xFFFFFFFF  }
0xae: {  	[dreg:$0x0] =	wrdreg $0x60  }
0xaf: {  	[dreg:$0x2] =	wrdreg s2  }
0xb0: {  	[dreg:$0x3] =	wrdreg s18  }
0xb1: {  	[dreg:$0x4] =	wrdreg s24  }
0xb2: {  	[dreg:$0x5] =	wrdreg $0x8800  }
0xb3: {  	[dreg:$0x6] =	wrdreg $0x9  }
0xb4: {  	_ =	task.clear_ibuf [dreg:s8], $0x7FFFF;
	_ =	strace $0x90000046  }
0xb5: {  	s29 =	simm.s32 $0x9;
	_ =	strace $0x80000048  }
0xb6: {  	_ =	swait.ge [sflag:s29], $0x1  }
0xb7: {  	[sflag:s29] =	ssyncadd.s32 $0xFFFFFFFF  }
0xb8: {  	_ =	strace $0x90000048  }
0xb9: {  	_ =	sfence  }
0xba: {  	s30 =	sld [smem:$0x0];
	_ =	sdelay $0x2  }
0xbb: {  	s31 =	sshll.u32 s1, $0xD;
	s1 =	sshrl.u32 s1, $0x2  }
0xbc: {  	s3 =	sand.u32 $0x4000, s31;
	s1 =	sadd.s32 s1, s30  }
0xbd: {  	s0 =	sor.u32 s3, s0;
	s1 =	sshll.u32 s1, $0x11  }
0xbe: {  	s0 =	sor.u32 s1, s0  }
0xbf: {  	s0 =	sadd.s32 $0x8F2B, s0  }
0xc0: {  	[sflag:s0] =	ssyncadd.remote.s32 $0x1  }
0xc1: {  	_ =	sfence.sel $0xFFFF  }
0xc2: {  	[dreg:$0x0] =	wrdreg $0xFFFFFFFF;
	(pc) =	sbr.abs _section_cstart, $3  }
0xc3: {  	[dreg:$0x1] =	wrdreg $0xFFFFFFFF  }
0xc4: {  	_ =	task.clear_ibuf [dreg:s8], $0x2FFFF;
	_ =	strace $0x9FFFFFFF  }
0xc5: {  	(tm) =	ssettm $0x7FFFFFFF  }
tec
execute0_lowered:
.L_overlay_start_1:
0x0: {  	(tag) =	ssettag $0x1  }
0x1: {  	s0 =	rddreg [dreg:$0x0]  }
0x2: {  	s3 =	rddreg [dreg:$0x1]  }
0x3: {  	s4 =	rddreg [dreg:$0x2]  }
0x4: {  	s1 =	rddreg [dreg:$0x3];
	s2 =	simm.s32 $0x0;
	s5 =	srdreg.scid  }
0x5: {  	s13 =	stileid.u32;
	s18 =	simm.s32 $0x9;
	s19 =	simm.s32 $0x80  }
0x6: {  	s20 =	simm.s32 $0x100;
	s21 =	simm.s32 $0x1;
	s22 =	simm.s32 $0x400  }
0x7: {  	s23 =	simm.s32 $0x200;
	s24 =	simm.s32 $0x2;
	s25 =	simm.s32 $0x300  }
0x8: {  	s28 =	simm.s32 $0x5;
	s29 =	simm.s32 $0x4;
	s30 =	simm.s32 $0x6  }
0x9: {  	s31 =	simm.s32 $0x7;
	[smem:$0x7FF] =	sst s2;
	s7 =	sand.u32 $0x1, s5  }
0xa: {  	s9 =	smul.u32 $0x280, s13;
	s12 =	sadd.s32 $0x2000, s4;
	_ =	strace $0x80000047  }
0xb: {  	s5 =	ssub.s32 $0x2, s7;
	s6 =	sshll.u32 s7, $0x4;
	p0 =	seq.s32 s7, $0x1  }
0xc: {  	s7 =	sshll.u32 s7, $0xA;
	s8 =	sshrl.u32 s5, $0x1;
	s16 =	sor.u32 s13, s6  }
0xd: {  	s4 =	sadd.s32 s9, s1;
	s14 =	sshrl.u32 s9, $0x3;
	s3 =	smov.u32 @p0 s12  }
0xe: {  	s12 =	sshll.u32 s13, $0x6;
	s8 =	ssub.s32 s5, s8;
	s6 =	sshll.u32 s16, $0x6  }
0xf: {  	s5 =	sadd.s32 $0x10, s0;
	s14 =	sadd.s32 s3, s14;
	s17 =	sor.u32 $0xE0, s16  }
0x10: {  	v0 =	vimm.f32 $1.000000000e+00;
	v1 =	vimm.s32 $0x2710;
	v2 =	vimm.s32 $0x2711;
	s3 =	simm.s32 $0x0;
	s10 =	sadd.s32 s6, s0;
	s6 =	sadd.s32 s6, s5  }
.Ltmp0:
0x11: {  	v3 =	vimm.s32 $0x2712;
	v4 =	vimm.s32 $0x2713;
	v5 =	vimm.s32 $0x2714;
	s8 =	smax.u32 s8, $0x1;
	s0 =	sadd.s32 s7, s0;
	(pc) =	sbr.rel .LBB2_1-.Ltmp0, $4  }
0x12: {  	v6 =	vimm.s32 $0x2715;
	v7 =	vimm.s32 $0x2716;
	v8 =	vimm.s32 $0x2717;
	s10 =	sadd.s32 $0x810, s10;
	[dreg:$0x6] =	wrdreg s8;
	s26 =	sadd.s32 $0x1000, s6  }
0x13: {  	v9 =	vimm.s32 $0x2718;
	v10 =	vimm.s32 $0x2719;
	v11 =	vimm.s32 $0x271A;
	s11 =	sadd.s32 $0x2000, s6;
	s13 =	sadd.s32 $0x2800, s6;
	[dreg:$0x5] =	wrdreg s10  }
0x14: {  	v12 =	vimm.s32 $0x271B;
	v13 =	vimm.s32 $0x271C;
	v14 =	vimm.s32 $0x271D;
	s0 =	sadd.s32 s12, s0;
	[dreg:$0x7] =	wrdreg s26;
	s10 =	sadd.s32 $0x1800, s6  }
0x15: {  	v15 =	vimm.s32 $0x271E;
	v16 =	vimm.s32 $0x271F;
	v17 =	vimm.f32 $0.0e+00;
	s15 =	sadd.s32 $0x3010, s0;
	s26 =	simm.s32 $0x3;
	s0 =	simm.s32 $0x8  }
.LBB2_4:
0x16: {  	_ =	swait.ge [sflag:s29], $0x100  }
0x17: {  	[sflag:s29] =	ssyncset.done $0x0  }
0x18: {  	[sflag:s29] =	ssyncadd.s32 $0xFFFFFF00  }
0x19: {  	[spmem:s1] =	stream.indirect.scatter.add.f32 [tilespmem:s22], [sflag:$0x8], $0x1, s8, s20, $0xb8;
	[tilespmem:$0xB00] =	vst v63  }
0x1a: {  	_ =	swait.ge [sflag:s28], $0x100  }
0x1b: {  	[sflag:s28] =	ssyncset.done $0x0  }
0x1c: {  	[sflag:s28] =	ssyncadd.s32 $0xFFFFFF00  }
0x1d: {  	_ =	swait.ge [sflag:s30], $0x100  }
0x1e: {  	[sflag:s30] =	ssyncset.done $0x0  }
0x1f: {  	[sflag:s30] =	ssyncadd.s32 $0xFFFFFF00  }
0x20: {  	_ =	swait.ge [sflag:s31], $0x100  }
0x21: {  	[sflag:s31] =	ssyncset.done $0x0  }
0x22: {  	[sflag:s31] =	ssyncadd.s32 $0xFFFFFF00  }
0x23: {  	_ =	swait.ge [sflag:s0], $0x100  }
0x24: {  	[sflag:s0] =	ssyncset.done $0x0  }
0x25: {  	[sflag:s0] =	ssyncadd.s32 $0xFFFFFF00  }
0x26: {  	s7 =	sor.u32 $0x1C09, s12;
	s9 =	sshrl.u32 s4, $0x3;
	[bflag:$0x0] =	sbarrier.arrive $0xFFFF  }
0x27: {  	[hbm:s14], [sflag:s7] =	dma.local [spmem:s9], $0x50  }
0x28: {  	_ =	swait.ge [sflag:s18], $0x50  }
0x29: {  	s3 =	sadd.s32 $0x1, s3;
	s16 =	rddreg [dreg:$0x6]  }
0x2a: {  	p0 =	sne.s32 s3, s16  }
.Ltmp1:
0x2b: {  	_ = 	snop;
	(pc) =	sbr.rel @!p0 .LBB2_5-.Ltmp1, $3  }
0x2c: {  	_ =	sdelay $0x1  }
0x2d: {  	[sflag:s18] =	ssyncset.done $0x0  }
0x2e: {  	[sflag:s18] =	ssyncadd.s32 $0xFFFFFFB0  }
.LBB2_1:
0x2f: {  	[tilespmem:$0x400] =	vst v0  }
0x30: {  	[tilespmem:$0x780] =	vst v1  }
0x31: {  	[tilespmem:$0x410] =	vst v0  }
0x32: {  	[tilespmem:$0x790] =	vst v2  }
0x33: {  	[tilespmem:$0x420] =	vst v0  }
0x34: {  	[tilespmem:$0x7A0] =	vst v3  }
0x35: {  	[tilespmem:$0x430] =	vst v0  }
0x36: {  	[tilespmem:$0x7B0] =	vst v4  }
0x37: {  	[tilespmem:$0x440] =	vst v0  }
0x38: {  	[tilespmem:$0x7C0] =	vst v5  }
0x39: {  	[tilespmem:$0x450] =	vst v0  }
0x3a: {  	[tilespmem:$0x7D0] =	vst v6  }
0x3b: {  	[tilespmem:$0x460] =	vst v0  }
0x3c: {  	[tilespmem:$0x7E0] =	vst v7  }
0x3d: {  	[tilespmem:$0x470] =	vst v0  }
0x3e: {  	[tilespmem:$0x7F0] =	vst v8  }
0x3f: {  	[tilespmem:$0x480] =	vst v0  }
0x40: {  	[tilespmem:$0x800] =	vst v9  }
0x41: {  	[tilespmem:$0x490] =	vst v0  }
0x42: {  	[tilespmem:$0x810] =	vst v10  }
0x43: {  	[tilespmem:$0x4A0] =	vst v0  }
0x44: {  	[tilespmem:$0x820] =	vst v11  }
0x45: {  	[tilespmem:$0x4B0] =	vst v0  }
0x46: {  	[tilespmem:$0x830] =	vst v12  }
0x47: {  	[tilespmem:$0x4C0] =	vst v0  }
0x48: {  	[tilespmem:$0x840] =	vst v13  }
0x49: {  	[tilespmem:$0x4D0] =	vst v0  }
0x4a: {  	[tilespmem:$0x850] =	vst v14  }
0x4b: {  	[tilespmem:$0x4E0] =	vst v0  }
0x4c: {  	[tilespmem:$0x860] =	vst v15  }
0x4d: {  	[tilespmem:$0x4F0] =	vst v0  }
0x4e: {  	[tilespmem:$0x870] =	vst v16  }
0x4f: {  	[tilespmem:$0x500] =	vst v17  }
0x50: {  	[tilespmem:$0x510] =	vst v17  }
0x51: {  	[tilespmem:$0x520] =	vst v17  }
0x52: {  	[tilespmem:$0x530] =	vst v17  }
0x53: {  	[tilespmem:$0x540] =	vst v17  }
0x54: {  	[tilespmem:$0x550] =	vst v17  }
0x55: {  	[tilespmem:$0x560] =	vst v17  }
0x56: {  	[tilespmem:$0x570] =	vst v17  }
0x57: {  	[tilespmem:$0x580] =	vst v17  }
0x58: {  	[tilespmem:$0x590] =	vst v17  }
0x59: {  	[tilespmem:$0x5A0] =	vst v17  }
0x5a: {  	[tilespmem:$0x5B0] =	vst v17  }
0x5b: {  	[tilespmem:$0x5C0] =	vst v17  }
0x5c: {  	[tilespmem:$0x5D0] =	vst v17  }
0x5d: {  	[tilespmem:$0x5E0] =	vst v17  }
0x5e: {  	[tilespmem:$0x5F0] =	vst v17  }
0x5f: {  	[tilespmem:$0x600] =	vst v17  }
0x60: {  	[tilespmem:$0x610] =	vst v17  }
0x61: {  	[tilespmem:$0x620] =	vst v17  }
0x62: {  	[tilespmem:$0x630] =	vst v17  }
0x63: {  	[tilespmem:$0x640] =	vst v17  }
0x64: {  	[tilespmem:$0x650] =	vst v17  }
0x65: {  	[tilespmem:$0x660] =	vst v17  }
0x66: {  	[tilespmem:$0x670] =	vst v17  }
0x67: {  	[tilespmem:$0x680] =	vst v17  }
0x68: {  	[tilespmem:$0x690] =	vst v17  }
0x69: {  	[tilespmem:$0x6A0] =	vst v17  }
0x6a: {  	[tilespmem:$0x6B0] =	vst v17  }
0x6b: {  	[tilespmem:$0x6C0] =	vst v17  }
0x6c: {  	[tilespmem:$0x6D0] =	vst v17  }
0x6d: {  	[tilespmem:$0x6E0] =	vst v17  }
0x6e: {  	[tilespmem:$0x6F0] =	vst v17  }
0x6f: {  	[tilespmem:$0x700] =	vst v17  }
0x70: {  	[tilespmem:$0x710] =	vst v17  }
0x71: {  	[tilespmem:$0x720] =	vst v17  }
0x72: {  	[tilespmem:$0x730] =	vst v17  }
0x73: {  	[tilespmem:$0x740] =	vst v17  }
0x74: {  	[tilespmem:$0x750] =	vst v17  }
0x75: {  	[tilespmem:$0x760] =	vst v17  }
0x76: {  	[tilespmem:$0x770] =	vst v17;
	s7 =	simm.s32 $0x500  }
0x77: {  	[spmem:s4] =	stream.linear.scatter [tilespmem:s7], [sflag:$0x9], $0x280, $0x38;
	[tilespmem:$0xB00] =	vst v63  }
0x78: {  	_ =	swait.ge [sflag:s18], $0x280  }
0x79: {  	[sflag:s18] =	ssyncset.done $0x0  }
0x7a: {  	[sflag:s18] =	ssyncadd.s32 $0xFFFFFD80  }
0x7b: {  	[bflag:$0x0] =	sbarrier.arrive $0xFFFF  }
0x7c: {  	[tilespmem:s2], [sflag:$0x1] =	stream.strided.gather [hbm4b:s6+s19], $0x100, s20, s19, $0x38;
	[tilespmem:$0xB00] =	vst v63  }
0x7d: {  	s9 =	rddreg [dreg:$0x5]  }
0x7e: {  	[tilespmem:s20], [sflag:$0x2] =	stream.strided.gather [hbm4b:s9+s19], $0x100, s20, s19, $0x38;
	[tilespmem:$0xB00] =	vst v63  }
0x7f: {  	_ =	swait.ge [sflag:s21], $0x100  }
0x80: {  	[sflag:s21] =	ssyncset.done $0x0  }
0x81: {  	[sflag:s21] =	ssyncadd.s32 $0xFFFFFF00  }
0x82: {  	[spmem:s1] =	stream.indirect.scatter.add.f32 [tilespmem:s22], [sflag:$0x5], $0x1, s2, s20, $0xb8;
	[tilespmem:$0xB00] =	vst v63  }
0x83: {  	s16 =	rddreg [dreg:$0x7]  }
0x84: {  	[tilespmem:s23], [sflag:$0x3] =	stream.strided.gather [hbm4b:s16+s19], $0x100, s20, s19, $0x38;
	[tilespmem:$0xB00] =	vst v63  }
0x85: {  	_ =	swait.ge [sflag:s24], $0x100  }
0x86: {  	[sflag:s24] =	ssyncset.done $0x0  }
0x87: {  	[sflag:s24] =	ssyncadd.s32 $0xFFFFFF00  }
0x88: {  	[spmem:s1] =	stream.indirect.scatter.add.f32 [tilespmem:s22], [sflag:$0x6], $0x1, s20, s20, $0xb8;
	[tilespmem:$0xB00] =	vst v63  }
0x89: {  	_ = 	snop  }
0x8a: {  	[tilespmem:s25], [sflag:$0x4] =	stream.strided.gather [hbm4b:s10+s19], $0x100, s20, s19, $0x38;
	[tilespmem:$0xB00] =	vst v63  }
0x8b: {  	_ =	swait.ge [sflag:s26], $0x100  }
0x8c: {  	[sflag:s26] =	ssyncset.done $0x0  }
0x8d: {  	[sflag:s26] =	ssyncadd.s32 $0xFFFFFF00  }
0x8e: {  	[spmem:s1] =	stream.indirect.scatter.add.f32 [tilespmem:s22], [sflag:$0x7], $0x1, s23, s20, $0xb8;
	[tilespmem:$0xB00] =	vst v63  }
0x8f: {  	_ =	swait.ge [sflag:s28], $0x100  }
0x90: {  	[sflag:s28] =	ssyncset.done $0x0  }
0x91: {  	[sflag:s28] =	ssyncadd.s32 $0xFFFFFF00  }
0x92: {  	[tilespmem:s2], [sflag:$0x1] =	stream.strided.gather [hbm4b:s11+s19], $0x100, s20, s19, $0x38;
	[tilespmem:$0xB00] =	vst v63  }
0x93: {  	_ =	swait.ge [sflag:s29], $0x100  }
0x94: {  	[sflag:s29] =	ssyncset.done $0x0  }
0x95: {  	[sflag:s29] =	ssyncadd.s32 $0xFFFFFF00  }
0x96: {  	[spmem:s1] =	stream.indirect.scatter.add.f32 [tilespmem:s22], [sflag:$0x8], $0x1, s25, s20, $0xb8;
	[tilespmem:$0xB00] =	vst v63  }
0x97: {  	_ =	swait.ge [sflag:s30], $0x100  }
0x98: {  	[sflag:s30] =	ssyncset.done $0x0  }
0x99: {  	s7 =	simm.s32 $0x0;
	s16 =	smov.u32 s17;
	[sflag:s30] =	ssyncadd.s32 $0xFFFFFF00  }
0x9a: {  	[tilespmem:s20], [sflag:$0x2] =	stream.strided.gather [hbm4b:s13+s19], $0x100, s20, s19, $0x38;
	[tilespmem:$0xB00] =	vst v63  }
.LBB2_2:
0x9b: {  	_ =	swait.ge [sflag:s21], $0x100  }
0x9c: {  	[sflag:s21] =	ssyncset.done $0x0  }
0x9d: {  	[sflag:s21] =	ssyncadd.s32 $0xFFFFFF00  }
0x9e: {  	[spmem:s1] =	stream.indirect.scatter.add.f32 [tilespmem:s22], [sflag:$0x5], $0x1, s2, s20, $0xb8;
	[tilespmem:$0xB00] =	vst v63  }
0x9f: {  	_ =	swait.ge [sflag:s31], $0x100  }
0xa0: {  	[sflag:s31] =	ssyncset.done $0x0  }
0xa1: {  	s8 =	sadd.s32 s7, s15;
	[sflag:s31] =	ssyncadd.s32 $0xFFFFFF00  }
0xa2: {  	[tilespmem:s23], [sflag:$0x3] =	stream.strided.gather [hbm4b:s8+s19], $0x100, s20, s19, $0x38;
	[tilespmem:$0xB00] =	vst v63  }
0xa3: {  	_ =	swait.ge [sflag:s24], $0x100  }
0xa4: {  	[sflag:s24] =	ssyncset.done $0x0  }
0xa5: {  	p0 =	slt.s32 s16, $0x270;
	s8 =	smov.u32 s16;
	[sflag:s24] =	ssyncadd.s32 $0xFFFFFF00  }
0xa6: {  	[spmem:s1] =	stream.indirect.scatter.add.f32 [tilespmem:s22], [sflag:$0x6], $0x1, s20, s20, $0xb8;
	[tilespmem:$0xB00] =	vst v63  }
0xa7: {  	s8 =	simm.s32 @!p0 $0x270;
	_ =	swait.ge [sflag:s0], $0x100  }
0xa8: {  	s8 =	sshll.u32 s8, $0x6;
	[sflag:s0] =	ssyncset.done $0x0  }
0xa9: {  	p0 =	seq.s32 s7, $0x6000;
	s8 =	sadd.s32 s8, s5;
	[sflag:s0] =	ssyncadd.s32 $0xFFFFFF00  }
0xaa: {  	[tilespmem:s25], [sflag:$0x4] =	stream.strided.gather [hbm4b:s8+s19], $0x100, s20, s19, $0x38;
	[tilespmem:$0xB00] =	vst v63  }
.Ltmp2:
0xab: {  	_ = 	snop;
	(pc) =	sbr.rel @p0 .LBB2_4-.Ltmp2, $4  }
0xac: {  	_ =	swait.ge [sflag:s26], $0x100  }
0xad: {  	p1 =	slt.u32 s16, $0x271;
	s8 =	simm.s32 $0x300;
	[sflag:s26] =	ssyncset.done $0x0  }
0xae: {  	s8 =	simm.s32 @!p1 $0x780;
	[sflag:s26] =	ssyncadd.s32 $0xFFFFFF00  }
0xaf: {  	[spmem:s1] =	stream.indirect.scatter.add.f32 [tilespmem:s22], [sflag:$0x7], $0x1, s23, s20, $0xb8;
	[tilespmem:$0xB00] =	vst v63  }
0xb0: {  	s9 =	sadd.s32 $0x20, s16  }
0xb1: {  	p0 =	slt.s32 s9, $0x270  }
0xb2: {  	_ =	swait.ge [sflag:s28], $0x100;
	s9 =	simm.s32 @!p0 $0x270  }
0xb3: {  	[sflag:s28] =	ssyncset.done $0x0;
	s9 =	sshll.u32 s9, $0x6  }
0xb4: {  	[sflag:s28] =	ssyncadd.s32 $0xFFFFFF00;
	s9 =	sadd.s32 s9, s5  }
0xb5: {  	[tilespmem:s2], [sflag:$0x1] =	stream.strided.gather [hbm4b:s9+s19], $0x100, s20, s19, $0x38;
	[tilespmem:$0xB00] =	vst v63  }
0xb6: {  	_ =	swait.ge [sflag:s29], $0x100  }
0xb7: {  	[sflag:s29] =	ssyncset.done $0x0  }
0xb8: {  	[sflag:s29] =	ssyncadd.s32 $0xFFFFFF00  }
0xb9: {  	[spmem:s1] =	stream.indirect.scatter.add.f32 [tilespmem:s22], [sflag:$0x8], $0x1, s8, s20, $0xb8;
	[tilespmem:$0xB00] =	vst v63  }
0xba: {  	s8 =	sadd.s32 $0x40, s16  }
.Ltmp3:
0xbb: {  	p0 =	slt.s32 s8, $0x270;
	(pc) =	sbr.rel .LBB2_2-.Ltmp3, $4  }
0xbc: {  	_ =	swait.ge [sflag:s30], $0x100;
	s8 =	simm.s32 @!p0 $0x270  }
0xbd: {  	s7 =	sadd.s32 $0x2000, s7;
	[sflag:s30] =	ssyncset.done $0x0;
	s8 =	sshll.u32 s8, $0x6  }
0xbe: {  	s16 =	sadd.s32 $0x80, s16;
	[sflag:s30] =	ssyncadd.s32 $0xFFFFFF00;
	s8 =	sadd.s32 s8, s5  }
0xbf: {  	[tilespmem:s20], [sflag:$0x2] =	stream.strided.gather [hbm4b:s8+s19], $0x100, s20, s19, $0x38;
	[tilespmem:$0xB00] =	vst v63  }
.LBB2_5:
0xc0: {  	_ =	sfence.sel $0x180000  }
0xc1: {  	[bflag:$0x0] =	sbarrier.arrive $0xFFFF  }
0xc2: {  	_ =	strace $0x90000047  }
0xc3: {  	s0 =	stileid.u32;
	[bflag:$0x2] =	sbarrier.arrive $0xFFFF  }
0xc4: {  	p0 =	sne.s32 s0, $0x0;
	s0 =	rddreg [dreg:$0x4]  }
0xc5: {  	s0 =	sadd.s32 @!p0 $0x100000, s0  }
0xc6: {  	[sflag:s0] =	ssyncadd.tile.s32 @!p0 $0x1;
	_ =	shalt  }
.Lfunc_end2:
_tile_overlayer_lowered:
.L_overlay_start_2:
0xc7: {  	(tag) =	ssettag $0x2  }
0xc8: {  	s0 =	rddreg [dreg:$0x0];
	s2 =	stileid.u32  }
0xc9: {  	s1 =	rddreg [dreg:$0x1];
	p0 =	sne.s32 s2, $0x0  }
0xca: {  	s3 =	rddreg [dreg:$0x2];
	[bflag:$0x3] =	sbarrier.arrive $0xFFFF;
	s2 =	simm.s32 @!p0 $0x1C09  }
0xcb: {  	[timem:s3], [sflag:s2] =	dma.local @!p0 [hbm:s0], s1  }
0xcc: {  	s0 =	simm.s32 @!p0 $0x9  }
0xcd: {  	_ =	swait.ge @!p0 [sflag:s0], s1  }
0xce: {  	s1 =	ssub.s32 @!p0 $0x0, s1;
	[sflag:s0] =	ssyncset.done @!p0 $0x0  }
0xcf: {  	[sflag:s0] =	ssyncadd.s32 @!p0 s1  }
0xd0: {  	[bflag:$0x3] =	sbarrier.arrive $0xFFFF  }
0xd1: {  	_ =	shalt  }

// kernel: kernel.9.cloned.1.call-start
scs
__scs_entry_jumppad:
0x0: {  	(pc) =	sbr.rel $0x88, $3  }
0x1: {  	(tag) =	ssettag $0x0;
	lr =	simm.s32 $0x1  }
0x2: {  	[smem:$0x3F9D] =	sst lr;
	_ =	strace $0xD0000000  }
0x3: {  	_ = 	snop  }
0x4: {  	_ = 	snop  }
0x5: {  	_ = 	snop  }
0x6: {  	_ = 	snop  }
0x7: {  	_ = 	snop  }
__scs_overlays_trampoline_lowered:
0x8: {  	[smem:$0x3FAC] =	sst s0  }
0x9: {  	[smem:$0x3FAD] =	sst s1  }
0xa: {  	[smem:$0x3FAE] =	sst s2  }
0xb: {  	[smem:$0x3FAF] =	sst s3  }
0xc: {  	[smem:$0x3FB0] =	sst s4  }
0xd: {  	[smem:$0x3FB1] =	sst s5  }
0xe: {  	[smem:$0x3FB2] =	sst s6  }
0xf: {  	[smem:$0x3FB3] =	sst s7  }
0x10: {  	[smem:$0x3FB4] =	sst s8  }
0x11: {  	[smem:$0x3FB5] =	sst s9;
	s0 =	simm.s32 @!p0 $0x0  }
0x12: {  	s1 =	sld [smem:$0x3F9B];
	s0 =	simm.s32 @p0 $0x1  }
0x13: {  	[smem:$0x3FB6] =	sst s0;
	s0 =	simm.s32 @!p1 $0x0  }
0x14: {  	s2 =	sld [smem:$0x3F9A];
	s0 =	simm.s32 @p1 $0x1  }
0x15: {  	[smem:$0x3FB7] =	sst s0;
	s0 =	simm.s32 @!p2 $0x0  }
0x16: {  	s3 =	sld [smem:$0x3FDB];
	s0 =	simm.s32 @p2 $0x1  }
0x17: {  	s4 =	simm.s32 $0x1BF5;
	[smem:$0x3FB9] =	sst s0  }
0x18: {  	s0 =	sld [smem:$0x3F9C];
	_ =	swait.ge [sflag:s4], $0x0  }
0x19: {  	s7 =	sld [smem:$0x3F9D]  }
0x1a: {  	s8 =	sadd.s32 $0xFFFFE003, lr  }
0x1b: {  	s9 =	sadd.s32 $0xFFFFFEF7, lr;
	s5 =	simm.s32 $0xFFFFFFFF;
	p2 =	slt.u32 s8, $0xFFFFF086  }
0x1c: {  	p1 =	slt.u32 s9, $0xF7A;
	s5 =	simm.s32 @!p2 $0x0  }
0x1d: {  	s5 =	simm.s32 @p1 $0x1;
	p0 =	seq.s32 s7, s2  }
0x1e: {  	s7 =	smul.u32 @!p0 $0xF7A, s2;
	p2 =	seq.s32 @!p0 s5, $0x0  }
0x1f: {  	s9 =	smul.u32 $0xF7A, s1;
	s8 =	simm.s32 @!p0 $0x1BF5;
	p2 =	por !p2, p0  }
0x20: {  	[sflag:s8] =	ssyncset.s32 @!p0 $0xFFFFF086;
	s6 =	sadd.s32 @!p0 s3, s7;
	s7 =	simm.s32 @!p0 $0x108  }
0x21: {  	s3 =	sadd.s32 s3, s9;
	s6 =	sadd.s32 @!p0 $0x88, s6;
	s7 =	simm.s32 @p2 $0x1082  }
0x22: {  	[simem:s7], [sflag:s8] =	dma.local @!p0 [hbm:s6], $0xF7A  }
0x23: {  	s9 =	sor.u32 $0xD0000000, s2;
	s6 =	simm.s32 $0x108;
	_ =	swait.ge @!p0 [sflag:s8], $0x0  }
0x24: {  	s3 =	sadd.s32 $0x88, s3;
	s6 =	simm.s32 @!p1 $0x1082;
	[sflag:s4] =	ssyncset.s32 $0xFFFFF086  }
0x25: {  	[simem:s6], [sflag:s4] =	dma.local [hbm:s3], $0xF7A  }
0x26: {  	[smem:$0x3F9D] =	sst s1;
	(tag) =	ssettag s2;
	_ =	strace s9  }
0x27: {  	s1 =	sld [smem:$0x3FAD]  }
0x28: {  	s2 =	sld [smem:$0x3FAE]  }
0x29: {  	s4 =	sld [smem:$0x3FB0]  }
0x2a: {  	p0 =	seq.s32 s5, $0x0;
	s5 =	sld [smem:$0x3FB1]  }
0x2b: {  	s6 =	sld [smem:$0x3FB2]  }
0x2c: {  	s7 =	sld [smem:$0x3FB3]  }
0x2d: {  	s3 =	simm.s32 $0x108;
	s8 =	sld [smem:$0x3FB4]  }
0x2e: {  	s3 =	simm.s32 @!p0 $0x1082;
	s9 =	sld [smem:$0x3FB5]  }
0x2f: {  	lr =	sadd.s32 s0, s3;
	s0 =	sld [smem:$0x3FAC]  }
0x30: {  	s3 =	sld [smem:$0x3FAF]  }
0x31: {  	[smem:$0x3FB8] =	sst s10  }
0x32: {  	s10 =	sld [smem:$0x3FB6];
	_ =	sdelay $0x3  }
0x33: {  	p0 =	seq.s32 s10, $0x1;
	s10 =	sld [smem:$0x3FB8];
	_ =	sdelay $0x3  }
0x34: {  	[smem:$0x3FB8] =	sst s10  }
0x35: {  	s10 =	sld [smem:$0x3FB7];
	_ =	sdelay $0x3  }
0x36: {  	p1 =	seq.s32 s10, $0x1;
	s10 =	sld [smem:$0x3FB8];
	_ =	sdelay $0x3  }
0x37: {  	[smem:$0x3FB8] =	sst s10  }
0x38: {  	s10 =	sld [smem:$0x3FB9]  }
0x39: {  	_ = 	snop;
	(pc) =	sbr.ind lr, $3  }
0x3a: {  	_ = 	snop  }
0x3b: {  	_ = 	snop  }
0x3c: {  	p2 =	seq.s32 s10, $0x1;
	s10 =	sld [smem:$0x3FB8]  }
0x3d: {  	_ =	shalt  }
0x3e: {  	_ =	shalt  }
0x3f: {  	_ =	shalt  }
0x40: {  	_ =	shalt  }
0x41: {  	_ =	shalt  }
0x42: {  	_ =	shalt  }
0x43: {  	_ =	shalt  }
0x44: {  	_ =	shalt  }
0x45: {  	_ =	shalt  }
0x46: {  	_ =	shalt  }
0x47: {  	_ =	shalt  }
0x48: {  	_ =	shalt  }
0x49: {  	_ =	shalt  }
0x4a: {  	_ =	shalt  }
0x4b: {  	_ =	shalt  }
0x4c: {  	_ =	shalt  }
0x4d: {  	_ =	shalt  }
0x4e: {  	_ =	shalt  }
0x4f: {  	_ =	shalt  }
0x50: {  	_ =	shalt  }
0x51: {  	_ =	shalt  }
0x52: {  	_ =	shalt  }
0x53: {  	_ =	shalt  }
0x54: {  	_ =	shalt  }
0x55: {  	_ =	shalt  }
0x56: {  	_ =	shalt  }
0x57: {  	_ =	shalt  }
0x58: {  	_ =	shalt  }
0x59: {  	_ =	shalt  }
0x5a: {  	_ =	shalt  }
0x5b: {  	_ =	shalt  }
0x5c: {  	_ =	shalt  }
0x5d: {  	_ =	shalt  }
0x5e: {  	_ =	shalt  }
0x5f: {  	_ =	shalt  }
0x60: {  	_ =	shalt  }
0x61: {  	_ =	shalt  }
0x62: {  	_ =	shalt  }
0x63: {  	_ =	shalt  }
0x64: {  	_ =	shalt  }
0x65: {  	_ =	shalt  }
0x66: {  	_ =	shalt  }
0x67: {  	_ =	shalt  }
0x68: {  	_ =	shalt  }
0x69: {  	_ =	shalt  }
0x6a: {  	_ =	shalt  }
0x6b: {  	_ =	shalt  }
0x6c: {  	_ =	shalt  }
0x6d: {  	_ =	shalt  }
0x6e: {  	_ =	shalt  }
0x6f: {  	_ =	shalt  }
0x70: {  	_ =	shalt  }
0x71: {  	_ =	shalt  }
0x72: {  	_ =	shalt  }
0x73: {  	_ =	shalt  }
0x74: {  	_ =	shalt  }
0x75: {  	_ =	shalt  }
0x76: {  	_ =	shalt  }
0x77: {  	_ =	shalt  }
0x78: {  	_ =	shalt  }
0x79: {  	_ =	shalt  }
0x7a: {  	_ =	shalt  }
0x7b: {  	_ =	shalt  }
0x7c: {  	_ =	shalt  }
0x7d: {  	_ =	shalt  }
0x7e: {  	_ =	shalt  }
0x7f: {  	_ =	shalt  }
0x80: {  	_ =	shalt  }
0x81: {  	_ =	shalt  }
0x82: {  	_ =	shalt  }
0x83: {  	_ =	shalt  }
0x84: {  	_ =	shalt  }
0x85: {  	_ =	shalt  }
0x86: {  	_ =	shalt  }
0x87: {  	_ =	shalt  }
.Lfunc_end0:
.L_simem_size_0:
called_computation.1_lowered:
.L_overlay_start_0:
0x88: {  	s2 =	sld [smem:$0x3FD9]  }
0x89: {  	s3 =	sld [smem:$0x3FFE];
	_ =	sdelay $0x1  }
0x8a: {  	s1 =	srdreg.scid  }
0x8b: {  	s0 =	sand.u32 $0x1, s1  }
0x8c: {  	s17 =	sshll.u32 s0, $0xA;
	s2 =	sadd.s32 s3, s2  }
0x8d: {  	s2 =	sadd.s32 s2, s17  }
0x8e: {  	[smem:$0x3FC4] =	sst s2  }
0x8f: {  	_ = 	snop  }
0x90: {  	s2 =	sld [smem:$0x3FC8]  }
0x91: {  	s18 =	sld [smem:$0x3FD0];
	(tm) =	ssettm $0x1  }
0x92: {  	s4 =	sld [smem:$0x3FFB];
	_ =	sdelay $0x3  }
0x93: {  	_ =	strace s4  }
0x94: {  	s4 =	sld [smem:$0x3FFC];
	_ =	sdelay $0x3  }
0x95: {  	_ =	strace s4  }
0x96: {  	s4 =	sld [smem:$0x3FFD];
	_ =	sdelay $0x3  }
0x97: {  	_ =	strace s4  }
0x98: {  	_ =	strace $0x8FFFFFFF  }
0x99: {  	s19 =	sld [smem:$0x3FDB];
	_ =	sdelay $0x1  }
0x9a: {  	s5 =	simm.s32 $_scs_section_size  }
0x9b: {  	s6 =	simm.s32 $_size__tile_overlayer_lowered;
	s7 =	simm.s32 $_tile_overlayer_lowered  }
0x9c: {  	s22 =	simm.s32 $0x1BFF;
	s21 =	sshll.u32 s7, $0x1;
	s4 =	sadd.s32 s5, s19  }
0x9d: {  	s8 =	simm.s32 $0x0;
	s20 =	sshll.u32 s6, $0x1;
	s6 =	sadd.s32 s21, s4  }
0x9e: {  	[timem:s8], [sflag:s22] =	dma.local [hbm:s6], s20  }
0x9f: {  	_ =	swait.ge [sflag:s22], s20  }
0xa0: {  	s5 =	ssub.s32 $0x0, s20;
	[sflag:s22] =	ssyncset.done $0x0  }
0xa1: {  	[sflag:s22] =	ssyncadd.s32 s5;
	_ =	sdelay $0x1  }
0xa2: {  	s23 =	simm.s32 $0x1B8B  }
0xa3: {  	_ =	swait.ge [sflag:s23], $0x1  }
0xa4: {  	[sflag:s23] =	ssyncset.done $0x0  }
0xa5: {  	s25 =	simm.s32 $0x1B8E;
	s24 =	sld [smem:$0x3FFE];
	[sflag:s23] =	ssyncadd.s32 $0xFFFFFFFF  }
0xa6: {  	s26 =	simm.s32 $execute0_lowered;
	[smem:$0x3FD2] =	sst s25  }
0xa7: {  	s6 =	sshll.u32 s26, $0x1;
	_ =	strace $0x80000049;
	[dreg:$0x1] =	wrdreg $0xFFFFFFFF  }
0xa8: {  	s28 =	simm.s32 $_size_execute0_lowered;
	s4 =	sadd.s32 s4, s6;
	[dreg:$0x0] =	wrdreg $0x0  }
0xa9: {  	s6 =	sshll.u32 s28, $0x1;
	[dreg:$0x2] =	wrdreg s4  }
0xaa: {  	[dreg:$0x3] =	wrdreg s6  }
0xab: {  	[dreg:$0x4] =	wrdreg $0xC0  }
0xac: {  	_ =	task [dreg:s8], $0x5FFFF  }
0xad: {  	[dreg:$0x1] =	wrdreg $0xFFFFFFFF  }
0xae: {  	[dreg:$0x0] =	wrdreg $0x60  }
0xaf: {  	[dreg:$0x2] =	wrdreg s18  }
0xb0: {  	[dreg:$0x3] =	wrdreg s24  }
0xb1: {  	[dreg:$0x4] =	wrdreg s2  }
0xb2: {  	[dreg:$0x5] =	wrdreg $0xC6000  }
0xb3: {  	[dreg:$0x6] =	wrdreg $0x9  }
0xb4: {  	_ =	task.clear_ibuf [dreg:s8], $0x7FFFF;
	_ =	strace $0x90000049  }
0xb5: {  	s29 =	simm.s32 $0x9;
	_ =	strace $0x8000004B  }
0xb6: {  	_ =	swait.ge [sflag:s29], $0x1  }
0xb7: {  	[sflag:s29] =	ssyncadd.s32 $0xFFFFFFFF  }
0xb8: {  	_ =	strace $0x9000004B  }
0xb9: {  	_ =	sfence  }
0xba: {  	s30 =	sld [smem:$0x0];
	_ =	sdelay $0x2  }
0xbb: {  	s31 =	sshll.u32 s1, $0xD;
	s1 =	sshrl.u32 s1, $0x2  }
0xbc: {  	s3 =	sand.u32 $0x4000, s31;
	s1 =	sadd.s32 s1, s30  }
0xbd: {  	s0 =	sor.u32 s3, s0;
	s1 =	sshll.u32 s1, $0x11  }
0xbe: {  	s0 =	sor.u32 s1, s0  }
0xbf: {  	s0 =	sadd.s32 $0x8F2B, s0  }
0xc0: {  	[sflag:s0] =	ssyncadd.remote.s32 $0x1  }
0xc1: {  	_ =	sfence.sel $0xFFFF  }
0xc2: {  	[dreg:$0x0] =	wrdreg $0xFFFFFFFF;
	(pc) =	sbr.abs _section_cstart, $3  }
0xc3: {  	[dreg:$0x1] =	wrdreg $0xFFFFFFFF  }
0xc4: {  	_ =	task.clear_ibuf [dreg:s8], $0x2FFFF;
	_ =	strace $0x9FFFFFFF  }
0xc5: {  	(tm) =	ssettm $0x7FFFFFFF  }
tec
execute0_lowered:
.L_overlay_start_1:
0x0: {  	(tag) =	ssettag $0x1  }
0x1: {  	s1 =	rddreg [dreg:$0x0]  }
0x2: {  	s0 =	rddreg [dreg:$0x1]  }
0x3: {  	s2 =	rddreg [dreg:$0x2]  }
0x4: {  	s3 =	rddreg [dreg:$0x3];
	s4 =	simm.s32 $0x0;
	s13 =	stileid.u32  }
0x5: {  	s5 =	srdreg.scid;
	s30 =	simm.s32 $0x80;
	s6 =	smul.u32 $0x2780, s13  }
0x6: {  	s28 =	simm.s32 $0x6;
	[smem:$0x7FF] =	sst s4;
	s9 =	smul.u32 $0x4F000, s13  }
0x7: {  	s7 =	sand.u32 $0x1, s5;
	s5 =	sadd.s32 $0x2000, s0;
	s12 =	smul.u32 $0x4E00, s13  }
0x8: {  	s19 =	sshll.u32 s13, $0x5;
	s20 =	sadd.s32 $0x4E280, s0;
	s21 =	smul.u32 $0x9C0, s13  }
0x9: {  	s24 =	sadd.s32 $0x27080, s0;
	p1 =	seq.s32 s13, $0xF;
	p2 =	sgt.u32 s13, $0x1  }
0xa: {  	s13 =	simm.s32 $0x5;
	_ =	strace $0x8000004A;
	[dreg:$0xf] =	wrdreg s20  }
0xb: {  	s8 =	ssub.s32 $0x2, s7;
	p0 =	seq.s32 s7, $0x1;
	[dreg:$0x14] =	wrdreg s24  }
0xc: {  	s20 =	simm.s32 $0x4;
	s10 =	sadd.s32 s6, s0;
	s29 =	sadd.s32 s1, s6  }
0xd: {  	s31 =	sshrl.u32 s12, $0x3;
	s12 =	sadd.s32 $0x25080, s1;
	[dreg:$0x6] =	wrdreg s29  }
0xe: {  	s11 =	sshrl.u32 s8, $0x1;
	s6 =	sadd.s32 s5, s6;
	[dreg:$0x8] =	wrdreg s12  }
0xf: {  	s26 =	sshrl.u32 s9, $0x2;
	s0 =	sadd.s32 $0x75480, s0;
	[dreg:$0x13] =	wrdreg s6  }
0x10: {  	s21 =	sadd.s32 s21, s2;
	s7 =	sadd.s32 s26, s3;
	[dreg:$0x15] =	wrdreg s0  }
0x11: {  	s8 =	ssub.s32 s8, s11;
	s11 =	sadd.s32 $0x128400, s3;
	[dreg:$0x5] =	wrdreg s7  }
0x12: {  	s9 =	simm.s32 $0x3;
	s23 =	sadd.s32 $0x29200, s10;
	[dreg:$0x7] =	wrdreg s11  }
0x13: {  	s14 =	sadd.s32 s2, s31;
	s25 =	sadd.s32 $0x50400, s10;
	[dreg:$0x12] =	wrdreg s23  }
0x14: {  	s12 =	simm.s32 $0x9;
	s10 =	simm.s32 $0xC;
	[dreg:$0x16] =	wrdreg s25  }
0x15: {  	s6 =	simm.s32 $0xD;
	s7 =	sadd.s32 $0x10, s14;
	[dreg:$0x9] =	wrdreg s14  }
0x16: {  	s15 =	sadd.s32 $0x20, s14;
	s16 =	sadd.s32 $0x30, s14;
	[dreg:$0xa] =	wrdreg s7  }
0x17: {  	s17 =	sadd.s32 $0x40, s14;
	s18 =	sadd.s32 $0x50, s14;
	[dreg:$0xb] =	wrdreg s15  }
0x18: {  	s26 =	smax.u32 s8, $0x1;
	s29 =	sadd.s32 $0x60, s14;
	[dreg:$0xc] =	wrdreg s16  }
0x19: {  	s31 =	sadd.s32 $0x70, s14;
	s23 =	simm.s32 $0x180;
	[dreg:$0xd] =	wrdreg s17  }
0x1a: {  	s14 =	simm.s32 $0xB;
	s25 =	simm.s32 $0x580;
	[dreg:$0xe] =	wrdreg s18  }
0x1b: {  	s8 =	simm.s32 $0x7;
	s11 =	simm.s32 $0x0;
	[dreg:$0x17] =	wrdreg s26  }
.Ltmp0:
0x1c: {  	s7 =	sadd.s32 s19, s2;
	[dreg:$0x18] =	wrdreg s29;
	(pc) =	sbr.rel .LBB2_1-.Ltmp0, $4  }
0x1d: {  	[dreg:$0x19] =	wrdreg s31;
	s19 =	simm.s32 $0x300;
	s2 =	simm.s32 $0x480  }
0x1e: {  	s17 =	simm.s32 $0x4600;
	s18 =	simm.s32 $0x8;
	s22 =	sadd.s32 $0x9C00, s7  }
0x1f: {  	s26 =	simm.s32 $0xA;
	s7 =	sadd.s32 $0x9C10, s7;
	[dreg:$0x10] =	wrdreg s22  }
0x20: {  	[dreg:$0x11] =	wrdreg s7;
	s7 =	simm.s32 $0x600;
	s22 =	simm.s32 $0x8600  }
.LBB2_17:
0x21: {  	s0 =	rddreg [dreg:$0x7]  }
0x22: {  	s11 =	rddreg [dreg:$0x15];
	s16 =	simm.s32 $0x1FCE;
	s0 =	sshrl.u32 s0, $0x3  }
0x23: {  	[hbm:s11], [sflag:s16] =	dma.local [spmem:s0], $0x2080  }
0x24: {  	_ =	swait.ge [sflag:s15], $0x2080  }
0x25: {  	[sflag:s15] =	ssyncset.done $0x0  }
0x26: {  	s11 =	rddreg [dreg:$0x1a];
	[sflag:s15] =	ssyncadd.s32 $0xFFFFDF80  }
.LBB2_18:
0x27: {  	s11 =	sadd.s32 $0x1, s11;
	s0 =	rddreg [dreg:$0x17]  }
0x28: {  	p3 =	sne.s32 s11, s0  }
.Ltmp1:
0x29: {  	_ = 	snop;
	(pc) =	sbr.rel @!p3 .LBB2_19-.Ltmp1, $1  }
0x2a: {  	_ =	sdelay $0x3  }
.LBB2_1:
.Ltmp2:
0x2b: {  	(pc) =	sbr.rel @!p0 .LBB2_2-.Ltmp2, $4  }
0x2c: {  	s0 =	stileid.u32  }
0x2d: {  	s31 =	sshll.u32 @!p1 s0, $0x6;
	s0 =	rddreg [dreg:$0x7]  }
0x2e: {  	s24 =	sshrl.u32 @p1 s0, $0x3;
	s0 =	rddreg [dreg:$0x5]  }
0x2f: {  	[dreg:$0x1a] =	wrdreg s11;
	s31 =	sor.u32 @!p1 $0x1C01, s31;
	s11 =	sshrl.u32 @!p1 s0, $0x3  }
0x30: {  	s0 =	simm.s32 @p1 $0x1FC1;
	s16 =	rddreg [dreg:$0x14]  }
0x31: {  	[spmem:s24], [sflag:s0] =	dma.local @p1 [hbm:s16], $0x2080  }
0x32: {  	s0 =	rddreg [dreg:$0x13]  }
0x33: {  	[spmem:s11], [sflag:s31] =	dma.local @!p1 [hbm:s0], $0x2780  }
0x34: {  	s0 =	rddreg [dreg:$0x9]  }
0x35: {  	[tilespmem:s4], [sflag:$0x2] =	stream.linear.gather [hbm4b:s0+s4], $0x80, $0x38;
	[tilespmem:$0x1FE80] =	vst v63  }
0x36: {  	s11 =	rddreg [dreg:$0xa]  }
0x37: {  	[tilespmem:s19], [sflag:$0x2] =	stream.linear.gather [hbm4b:s11+s4], $0x80, $0x38;
	[tilespmem:$0x1FE80] =	vst v63  }
0x38: {  	s15 =	rddreg [dreg:$0xb]  }
0x39: {  	[tilespmem:s30], [sflag:$0x3] =	stream.linear.gather [hbm4b:s15+s4], $0x80, $0x38;
	[tilespmem:$0x1FE80] =	vst v63  }
0x3a: {  	s24 =	simm.s32 $0x380;
	s16 =	rddreg [dreg:$0xc]  }
0x3b: {  	[tilespmem:s24], [sflag:$0x3] =	stream.linear.gather [hbm4b:s16+s4], $0x80, $0x38;
	[tilespmem:$0x1FE80] =	vst v63  }
0x3c: {  	s31 =	simm.s32 $0x100;
	s29 =	rddreg [dreg:$0xd]  }
0x3d: {  	[tilespmem:s31], [sflag:$0x4] =	stream.linear.gather [hbm4b:s29+s4], $0x80, $0x38;
	[tilespmem:$0x1FE80] =	vst v63  }
0x3e: {  	s15 =	rddreg [dreg:$0xe];
	s16 =	simm.s32 $0x400  }
0x3f: {  	[tilespmem:s16], [sflag:$0x4] =	stream.linear.gather [hbm4b:s15+s4], $0x80, $0x38;
	[tilespmem:$0x1FE80] =	vst v63  }
0x40: {  	s24 =	rddreg [dreg:$0x18]  }
0x41: {  	[tilespmem:s23], [sflag:$0x5] =	stream.linear.gather [hbm4b:s24+s4], $0x80, $0x38;
	[tilespmem:$0x1FE80] =	vst v63  }
0x42: {  	s29 =	rddreg [dreg:$0x19];
	s31 =	simm.s32 $0x2  }
0x43: {  	[tilespmem:s2], [sflag:$0x5] =	stream.linear.gather [hbm4b:s29+s4], $0x80, $0x38;
	[tilespmem:$0x1FE80] =	vst v63  }
0x44: {  	_ =	swait.ge [sflag:s31], $0x80  }
0x45: {  	[sflag:s31] =	ssyncset.done $0x0  }
0x46: {  	[sflag:s31] =	ssyncadd.s32 $0xFFFFFF80  }
0x47: {  	_ =	swait.ge [sflag:s31], $0x80  }
0x48: {  	[sflag:s31] =	ssyncset.done $0x0  }
0x49: {  	[sflag:s31] =	ssyncadd.s32 $0xFFFFFF80  }
0x4a: {  	[tilespmem:s7], [sflag:$0x8] =	stream.indirect.gather [hbm4b:s5+s30], $0x80, s4, s30, $0xb8;
	[tilespmem:$0x1FE80] =	vst v63  }
0x4b: {  	_ =	swait.ge [sflag:s9], $0x80  }
0x4c: {  	[sflag:s9] =	ssyncset.done $0x0  }
0x4d: {  	[sflag:s9] =	ssyncadd.s32 $0xFFFFFF80  }
0x4e: {  	_ =	swait.ge [sflag:s9], $0x80  }
0x4f: {  	[sflag:s9] =	ssyncset.done $0x0  }
0x50: {  	s0 =	simm.s32 @p1 $0x1;
	[sflag:s9] =	ssyncadd.s32 $0xFFFFFF80  }
0x51: {  	[tilespmem:s17], [sflag:$0x9] =	stream.indirect.gather [hbm4b:s5+s30], $0x80, s30, s30, $0xb8;
	[tilespmem:$0x1FE80] =	vst v63  }
0x52: {  	_ =	swait.ge @p1 [sflag:s0], $0x2080  }
0x53: {  	[sflag:s0] =	ssyncset.done @p1 $0x0  }
0x54: {  	[sflag:s0] =	ssyncadd.s32 @p1 $0xFFFFDF80;
	s0 =	simm.s32 @!p1 $0x1  }
0x55: {  	_ =	swait.ge @!p1 [sflag:s0], $0x2780  }
0x56: {  	[sflag:s0] =	ssyncset.done @!p1 $0x0  }
0x57: {  	[sflag:s0] =	ssyncadd.s32 @!p1 $0xFFFFD880  }
0x58: {  	s15 =	simm.s32 $0x480;
	s24 =	simm.s32 $0x0;
	[bflag:$0x0] =	sbarrier.arrive $0xFFFF  }
.LBB2_11:
0x59: {  	_ =	swait.ge [sflag:s18], $0x4000  }
0x5a: {  	[sflag:s18] =	ssyncset.done $0x0  }
0x5b: {  	[sflag:s18] =	ssyncadd.s32 $0xFFFFC000  }
0x5c: {  	[spmem:s3] =	stream.indirect.scatter.add.f32 [tilespmem:s7], [sflag:$0xB], $0x80, s19, s30, $0xb8;
	[tilespmem:$0x1FE80] =	vst v63  }
0x5d: {  	_ =	swait.ge [sflag:s20], $0x80  }
0x5e: {  	[sflag:s20] =	ssyncset.done $0x0  }
0x5f: {  	[sflag:s20] =	ssyncadd.s32 $0xFFFFFF80  }
0x60: {  	_ =	swait.ge [sflag:s20], $0x80  }
0x61: {  	p3 =	seq.s32 s24, $0x0;
	[sflag:s20] =	ssyncset.done $0x0  }
0x62: {  	s0 =	simm.s32 @!p3 $0xD;
	[sflag:s20] =	ssyncadd.s32 $0xFFFFFF80  }
0x63: {  	_ =	swait.ge @!p3 [sflag:s0], $0x4000  }
0x64: {  	[sflag:s0] =	ssyncset.done @!p3 $0x0  }
0x65: {  	s11 =	simm.s32 $0x100;
	[sflag:s0] =	ssyncadd.s32 @!p3 $0xFFFFC000  }
0x66: {  	[tilespmem:s22], [sflag:$0xA] =	stream.indirect.gather [hbm4b:s5+s30], $0x80, s11, s30, $0xb8;
	[tilespmem:$0x1FE80] =	vst v63  }
0x67: {  	s11 =	sadd.s32 s24, s21  }
0x68: {  	s2 =	simm.s32 $0x200;
	s16 =	sadd.s32 $0x80, s11  }
0x69: {  	[tilespmem:s2], [sflag:$0x6] =	stream.linear.gather [hbm4b:s16+s4], $0x80, $0x38;
	[tilespmem:$0x1FE80] =	vst v63  }
0x6a: {  	s29 =	sadd.s32 $0x90, s11;
	s16 =	simm.s32 $0x500  }
0x6b: {  	[tilespmem:s16], [sflag:$0x6] =	stream.linear.gather [hbm4b:s29+s4], $0x80, $0x38;
	[tilespmem:$0x1FE80] =	vst v63  }
0x6c: {  	_ =	swait.ge [sflag:s12], $0x4000  }
0x6d: {  	[sflag:s12] =	ssyncset.done $0x0  }
0x6e: {  	s31 =	simm.s32 $0x380;
	[sflag:s12] =	ssyncadd.s32 $0xFFFFC000  }
0x6f: {  	[spmem:s3] =	stream.indirect.scatter.add.f32 [tilespmem:s17], [sflag:$0xC], $0x80, s31, s30, $0xb8;
	[tilespmem:$0x1FE80] =	vst v63  }
0x70: {  	_ =	swait.ge [sflag:s13], $0x80  }
0x71: {  	[sflag:s13] =	ssyncset.done $0x0  }
0x72: {  	[sflag:s13] =	ssyncadd.s32 $0xFFFFFF80  }
0x73: {  	_ =	swait.ge [sflag:s13], $0x80  }
0x74: {  	[sflag:s13] =	ssyncset.done $0x0  }
0x75: {  	[sflag:s13] =	ssyncadd.s32 $0xFFFFFF80  }
0x76: {  	_ =	swait.ge [sflag:s14], $0x4000  }
0x77: {  	[sflag:s14] =	ssyncset.done $0x0  }
0x78: {  	[sflag:s14] =	ssyncadd.s32 $0xFFFFC000  }
0x79: {  	[tilespmem:s7], [sflag:$0x8] =	stream.indirect.gather [hbm4b:s5+s30], $0x80, s23, s30, $0xb8;
	[tilespmem:$0x1FE80] =	vst v63  }
0x7a: {  	s16 =	sadd.s32 $0xA0, s11;
	s31 =	simm.s32 $0x280  }
0x7b: {  	[tilespmem:s31], [sflag:$0x7] =	stream.linear.gather [hbm4b:s16+s4], $0x80, $0x38;
	[tilespmem:$0x1FE80] =	vst v63  }
0x7c: {  	s23 =	sadd.s32 $0xB0, s11  }
0x7d: {  	[tilespmem:s25], [sflag:$0x7] =	stream.linear.gather [hbm4b:s23+s4], $0x80, $0x38;
	[tilespmem:$0x1FE80] =	vst v63  }
0x7e: {  	_ =	swait.ge [sflag:s26], $0x4000  }
0x7f: {  	[sflag:s26] =	ssyncset.done $0x0  }
0x80: {  	s29 =	simm.s32 $0x400;
	[sflag:s26] =	ssyncadd.s32 $0xFFFFC000  }
0x81: {  	[spmem:s3] =	stream.indirect.scatter.add.f32 [tilespmem:s22], [sflag:$0xD], $0x80, s29, s30, $0xb8;
	[tilespmem:$0x1FE80] =	vst v63  }
0x82: {  	_ =	swait.ge [sflag:s28], $0x80  }
0x83: {  	[sflag:s28] =	ssyncset.done $0x0  }
0x84: {  	[sflag:s28] =	ssyncadd.s32 $0xFFFFFF80  }
0x85: {  	_ =	swait.ge [sflag:s28], $0x80  }
0x86: {  	[sflag:s28] =	ssyncset.done $0x0  }
0x87: {  	[sflag:s28] =	ssyncadd.s32 $0xFFFFFF80  }
0x88: {  	_ =	swait.ge [sflag:s10], $0x4000  }
0x89: {  	p3 =	seq.s32 s24, $0x900;
	[sflag:s10] =	ssyncset.done $0x0  }
0x8a: {  	s0 =	sadd.s32 @!p3 s24, s21;
	[sflag:s10] =	ssyncadd.s32 $0xFFFFC000  }
0x8b: {  	[tilespmem:s17], [sflag:$0x9] =	stream.indirect.gather [hbm4b:s5+s30], $0x80, s2, s30, $0xb8;
	[tilespmem:$0x1FE80] =	vst v63  }
0x8c: {  	s16 =	sadd.s32 @!p3 $0xC0, s0;
	s23 =	simm.s32 @!p3 $0x0  }
0x8d: {  	[tilespmem:s23], [sflag:$0x2] =	stream.linear.gather @!p3 [hbm4b:s16+s23], $0x80, $0x38;
	[tilespmem:$0x1FE80] =	vst v63  }
0x8e: {  	s29 =	simm.s32 @!p3 $0x300;
	s16 =	sadd.s32 @!p3 $0xD0, s0  }
0x8f: {  	[tilespmem:s29], [sflag:$0x2] =	stream.linear.gather @!p3 [hbm4b:s16+s23], $0x80, $0x38;
	[tilespmem:$0x1FE80] =	vst v63  }
0x90: {  	_ =	swait.ge [sflag:s18], $0x4000  }
0x91: {  	[sflag:s18] =	ssyncset.done $0x0  }
0x92: {  	[sflag:s18] =	ssyncadd.s32 $0xFFFFC000  }
0x93: {  	[spmem:s3] =	stream.indirect.scatter.add.f32 [tilespmem:s7], [sflag:$0xB], $0x80, s15, s30, $0xb8;
	[tilespmem:$0x1FE80] =	vst v63  }
0x94: {  	_ =	swait.ge [sflag:s8], $0x80  }
0x95: {  	[sflag:s8] =	ssyncset.done $0x0  }
0x96: {  	[sflag:s8] =	ssyncadd.s32 $0xFFFFFF80  }
0x97: {  	_ =	swait.ge [sflag:s8], $0x80  }
0x98: {  	[sflag:s8] =	ssyncset.done $0x0  }
0x99: {  	[sflag:s8] =	ssyncadd.s32 $0xFFFFFF80  }
0x9a: {  	_ =	swait.ge [sflag:s6], $0x4000  }
0x9b: {  	[sflag:s6] =	ssyncset.done $0x0  }
0x9c: {  	s16 =	simm.s32 @p3 $0x9;
	[sflag:s6] =	ssyncadd.s32 $0xFFFFC000  }
0x9d: {  	[tilespmem:s22], [sflag:$0xA] =	stream.indirect.gather [hbm4b:s5+s30], $0x80, s31, s30, $0xb8;
	[tilespmem:$0x1FE80] =	vst v63  }
0x9e: {  	_ =	swait.ge @p3 [sflag:s16], $0x4000  }
0x9f: {  	s29 =	simm.s32 @p3 $0x500;
	[sflag:s16] =	ssyncset.done @p3 $0x0  }
0xa0: {  	s31 =	simm.s32 @p3 $0x4600;
	[sflag:s16] =	ssyncadd.s32 @p3 $0xFFFFC000;
	s16 =	simm.s32 @p3 $0x80  }
0xa1: {  	[spmem:s3] =	stream.indirect.scatter.add.f32 @p3 [tilespmem:s31], [sflag:$0xC], $0x80, s29, s16, $0xb8;
	[tilespmem:$0x1FE80] =	vst v63  }
0xa2: {  	s16 =	sadd.s32 @!p3 $0xE0, s0;
	s29 =	simm.s32 @!p3 $0x80  }
0xa3: {  	[tilespmem:s29], [sflag:$0x3] =	stream.linear.gather @!p3 [hbm4b:s16+s23], $0x80, $0x38;
	[tilespmem:$0x1FE80] =	vst v63  }
0xa4: {  	s31 =	simm.s32 @!p3 $0x380;
	s16 =	sadd.s32 @!p3 $0xF0, s0  }
0xa5: {  	[tilespmem:s31], [sflag:$0x3] =	stream.linear.gather @!p3 [hbm4b:s16+s23], $0x80, $0x38;
	[tilespmem:$0x1FE80] =	vst v63  }
0xa6: {  	s16 =	simm.s32 @!p3 $0x9  }
0xa7: {  	_ =	swait.ge @!p3 [sflag:s16], $0x4000  }
0xa8: {  	[sflag:s16] =	ssyncset.done @!p3 $0x0  }
0xa9: {  	s31 =	simm.s32 @!p3 $0x4600;
	[sflag:s16] =	ssyncadd.s32 @!p3 $0xFFFFC000;
	s16 =	simm.s32 @!p3 $0x500  }
0xaa: {  	[spmem:s3] =	stream.indirect.scatter.add.f32 @!p3 [tilespmem:s31], [sflag:$0xC], $0x80, s16, s29, $0xb8;
	[tilespmem:$0x1FE80] =	vst v63  }
0xab: {  	s16 =	simm.s32 @!p3 $0x2  }
0xac: {  	_ =	swait.ge @!p3 [sflag:s16], $0x80  }
0xad: {  	[sflag:s16] =	ssyncset.done @!p3 $0x0  }
0xae: {  	[sflag:s16] =	ssyncadd.s32 @!p3 $0xFFFFFF80  }
0xaf: {  	_ =	swait.ge @!p3 [sflag:s16], $0x80  }
0xb0: {  	[sflag:s16] =	ssyncset.done @!p3 $0x0  }
0xb1: {  	[sflag:s16] =	ssyncadd.s32 @!p3 $0xFFFFFF80;
	s16 =	simm.s32 @!p3 $0xB  }
0xb2: {  	_ =	swait.ge @!p3 [sflag:s16], $0x4000  }
0xb3: {  	[sflag:s16] =	ssyncset.done @!p3 $0x0  }
0xb4: {  	[sflag:s16] =	ssyncadd.s32 @!p3 $0xFFFFC000;
	s16 =	simm.s32 @!p3 $0x600  }
0xb5: {  	[tilespmem:s16], [sflag:$0x8] =	stream.indirect.gather @!p3 [hbm4b:s5+s29], $0x80, s23, s29, $0xb8;
	[tilespmem:$0x1FE80] =	vst v63  }
0xb6: {  	s16 =	sadd.s32 @!p3 $0x100, s0;
	s29 =	simm.s32 @!p3 $0x100  }
0xb7: {  	[tilespmem:s29], [sflag:$0x4] =	stream.linear.gather @!p3 [hbm4b:s16+s23], $0x80, $0x38;
	[tilespmem:$0x1FE80] =	vst v63  }
0xb8: {  	s0 =	sadd.s32 @!p3 $0x110, s0;
	s16 =	simm.s32 @!p3 $0x400  }
0xb9: {  	[tilespmem:s16], [sflag:$0x4] =	stream.linear.gather @!p3 [hbm4b:s0+s23], $0x80, $0x38;
	[tilespmem:$0x1FE80] =	vst v63  }
.Ltmp3:
0xba: {  	_ = 	snop;
	(pc) =	sbr.rel @p3 .LBB2_13-.Ltmp3, $4  }
0xbb: {  	_ =	swait.ge [sflag:s26], $0x4000  }
0xbc: {  	[sflag:s26] =	ssyncset.done $0x0  }
0xbd: {  	s2 =	simm.s32 $0x180;
	[sflag:s26] =	ssyncadd.s32 $0xFFFFC000  }
0xbe: {  	[spmem:s3] =	stream.indirect.scatter.add.f32 [tilespmem:s22], [sflag:$0xD], $0x80, s25, s30, $0xb8;
	[tilespmem:$0x1FE80] =	vst v63  }
0xbf: {  	_ =	swait.ge [sflag:s9], $0x80  }
0xc0: {  	[sflag:s9] =	ssyncset.done $0x0  }
0xc1: {  	[sflag:s9] =	ssyncadd.s32 $0xFFFFFF80  }
0xc2: {  	_ =	swait.ge [sflag:s9], $0x80  }
0xc3: {  	[sflag:s9] =	ssyncset.done $0x0  }
0xc4: {  	[sflag:s9] =	ssyncadd.s32 $0xFFFFFF80  }
0xc5: {  	_ =	swait.ge [sflag:s10], $0x4000  }
0xc6: {  	[sflag:s10] =	ssyncset.done $0x0  }
0xc7: {  	[sflag:s10] =	ssyncadd.s32 $0xFFFFC000  }
0xc8: {  	[tilespmem:s17], [sflag:$0x9] =	stream.indirect.gather [hbm4b:s5+s30], $0x80, s30, s30, $0xb8;
	[tilespmem:$0x1FE80] =	vst v63  }
.Ltmp4:
0xc9: {  	_ = 	snop;
	(pc) =	sbr.rel .LBB2_11-.Ltmp4, $4  }
0xca: {  	s0 =	sadd.s32 $0x120, s11  }
0xcb: {  	[tilespmem:s2], [sflag:$0x5] =	stream.linear.gather [hbm4b:s0+s4], $0x80, $0x38;
	[tilespmem:$0x1FE80] =	vst v63  }
0xcc: {  	s31 =	sadd.s32 $0x130, s11;
	s24 =	sadd.s32 $0xC0, s24;
	s23 =	simm.s32 $0x180  }
0xcd: {  	[tilespmem:s15], [sflag:$0x5] =	stream.linear.gather [hbm4b:s31+s4], $0x80, $0x38;
	[tilespmem:$0x1FE80] =	vst v63  }
.LBB2_2:
0xce: {  	s0 =	simm.s32 @p1 $0x1FC1;
	s16 =	rddreg [dreg:$0x8]  }
0xcf: {  	[spmem:s24], [sflag:s0] =	dma.local @p1 [hbm:s16], $0x2080  }
0xd0: {  	s0 =	rddreg [dreg:$0x6]  }
0xd1: {  	[spmem:s11], [sflag:s31] =	dma.local @!p1 [hbm:s0], $0x2780  }
0xd2: {  	s0 =	rddreg [dreg:$0x9]  }
0xd3: {  	[tilespmem:s4], [sflag:$0x2] =	stream.linear.gather [hbm4b:s0+s4], $0x80, $0x38;
	[tilespmem:$0x1FE80] =	vst v63  }
0xd4: {  	s11 =	rddreg [dreg:$0xa]  }
0xd5: {  	[tilespmem:s19], [sflag:$0x2] =	stream.linear.gather [hbm4b:s11+s4], $0x80, $0x38;
	[tilespmem:$0x1FE80] =	vst v63  }
0xd6: {  	s15 =	rddreg [dreg:$0xb]  }
0xd7: {  	[tilespmem:s30], [sflag:$0x3] =	stream.linear.gather [hbm4b:s15+s4], $0x80, $0x38;
	[tilespmem:$0x1FE80] =	vst v63  }
0xd8: {  	s24 =	simm.s32 $0x380;
	s16 =	rddreg [dreg:$0xc]  }
0xd9: {  	[tilespmem:s24], [sflag:$0x3] =	stream.linear.gather [hbm4b:s16+s4], $0x80, $0x38;
	[tilespmem:$0x1FE80] =	vst v63  }
0xda: {  	s31 =	simm.s32 $0x100;
	s29 =	rddreg [dreg:$0xd]  }
0xdb: {  	[tilespmem:s31], [sflag:$0x4] =	stream.linear.gather [hbm4b:s29+s4], $0x80, $0x38;
	[tilespmem:$0x1FE80] =	vst v63  }
0xdc: {  	s15 =	rddreg [dreg:$0xe];
	s16 =	simm.s32 $0x400  }
0xdd: {  	[tilespmem:s16], [sflag:$0x4] =	stream.linear.gather [hbm4b:s15+s4], $0x80, $0x38;
	[tilespmem:$0x1FE80] =	vst v63  }
0xde: {  	s24 =	rddreg [dreg:$0x18]  }
0xdf: {  	[tilespmem:s23], [sflag:$0x5] =	stream.linear.gather [hbm4b:s24+s4], $0x80, $0x38;
	[tilespmem:$0x1FE80] =	vst v63  }
0xe0: {  	s29 =	rddreg [dreg:$0x19];
	s31 =	simm.s32 $0x2  }
0xe1: {  	[tilespmem:s2], [sflag:$0x5] =	stream.linear.gather [hbm4b:s29+s4], $0x80, $0x38;
	[tilespmem:$0x1FE80] =	vst v63  }
0xe2: {  	_ =	swait.ge [sflag:s31], $0x80  }
0xe3: {  	[sflag:s31] =	ssyncset.done $0x0  }
0xe4: {  	[sflag:s31] =	ssyncadd.s32 $0xFFFFFF80  }
0xe5: {  	_ =	swait.ge [sflag:s31], $0x80  }
0xe6: {  	[sflag:s31] =	ssyncset.done $0x0  }
0xe7: {  	[sflag:s31] =	ssyncadd.s32 $0xFFFFFF80  }
0xe8: {  	[tilespmem:s7], [sflag:$0x8] =	stream.indirect.gather [hbm4b:s1+s30], $0x80, s4, s30, $0xb8;
	[tilespmem:$0x1FE80] =	vst v63  }
0xe9: {  	_ =	swait.ge [sflag:s9], $0x80  }
0xea: {  	[sflag:s9] =	ssyncset.done $0x0  }
0xeb: {  	[sflag:s9] =	ssyncadd.s32 $0xFFFFFF80  }
0xec: {  	_ =	swait.ge [sflag:s9], $0x80  }
0xed: {  	[sflag:s9] =	ssyncset.done $0x0  }
0xee: {  	s0 =	simm.s32 @p1 $0x1;
	[sflag:s9] =	ssyncadd.s32 $0xFFFFFF80  }
0xef: {  	[tilespmem:s17], [sflag:$0x9] =	stream.indirect.gather [hbm4b:s1+s30], $0x80, s30, s30, $0xb8;
	[tilespmem:$0x1FE80] =	vst v63  }
0xf0: {  	_ =	swait.ge @p1 [sflag:s0], $0x2080  }
0xf1: {  	[sflag:s0] =	ssyncset.done @p1 $0x0  }
0xf2: {  	[sflag:s0] =	ssyncadd.s32 @p1 $0xFFFFDF80;
	s0 =	simm.s32 @!p1 $0x1  }
0xf3: {  	_ =	swait.ge @!p1 [sflag:s0], $0x2780  }
0xf4: {  	[sflag:s0] =	ssyncset.done @!p1 $0x0  }
0xf5: {  	[sflag:s0] =	ssyncadd.s32 @!p1 $0xFFFFD880  }
0xf6: {  	s24 =	simm.s32 $0x0;
	[bflag:$0x0] =	sbarrier.arrive $0xFFFF  }
.LBB2_3:
0xf7: {  	_ =	swait.ge [sflag:s18], $0x4000  }
0xf8: {  	[sflag:s18] =	ssyncset.done $0x0  }
0xf9: {  	[sflag:s18] =	ssyncadd.s32 $0xFFFFC000  }
0xfa: {  	[spmem:s3] =	stream.indirect.scatter.add.f32 [tilespmem:s7], [sflag:$0xB], $0x80, s19, s30, $0xb8;
	[tilespmem:$0x1FE80] =	vst v63  }
0xfb: {  	_ =	swait.ge [sflag:s20], $0x80  }
0xfc: {  	[sflag:s20] =	ssyncset.done $0x0  }
0xfd: {  	[sflag:s20] =	ssyncadd.s32 $0xFFFFFF80  }
0xfe: {  	_ =	swait.ge [sflag:s20], $0x80  }
0xff: {  	p3 =	seq.s32 s24, $0x0;
	[sflag:s20] =	ssyncset.done $0x0  }
0x100: {  	s0 =	simm.s32 @!p3 $0xD;
	[sflag:s20] =	ssyncadd.s32 $0xFFFFFF80  }
0x101: {  	_ =	swait.ge @!p3 [sflag:s0], $0x4000  }
0x102: {  	[sflag:s0] =	ssyncset.done @!p3 $0x0  }
0x103: {  	s15 =	simm.s32 $0x100;
	s11 =	sadd.s32 s24, s21;
	[sflag:s0] =	ssyncadd.s32 @!p3 $0xFFFFC000  }
0x104: {  	[tilespmem:s22], [sflag:$0xA] =	stream.indirect.gather [hbm4b:s1+s30], $0x80, s15, s30, $0xb8;
	[tilespmem:$0x1FE80] =	vst v63  }
0x105: {  	s16 =	sadd.s32 $0x80, s11;
	s15 =	simm.s32 $0x200  }
0x106: {  	[tilespmem:s15], [sflag:$0x6] =	stream.linear.gather [hbm4b:s16+s4], $0x80, $0x38;
	[tilespmem:$0x1FE80] =	vst v63  }
0x107: {  	s29 =	sadd.s32 $0x90, s11;
	s16 =	simm.s32 $0x500  }
0x108: {  	[tilespmem:s16], [sflag:$0x6] =	stream.linear.gather [hbm4b:s29+s4], $0x80, $0x38;
	[tilespmem:$0x1FE80] =	vst v63  }
0x109: {  	_ =	swait.ge [sflag:s12], $0x4000  }
0x10a: {  	[sflag:s12] =	ssyncset.done $0x0  }
0x10b: {  	s31 =	simm.s32 $0x380;
	[sflag:s12] =	ssyncadd.s32 $0xFFFFC000  }
0x10c: {  	[spmem:s3] =	stream.indirect.scatter.add.f32 [tilespmem:s17], [sflag:$0xC], $0x80, s31, s30, $0xb8;
	[tilespmem:$0x1FE80] =	vst v63  }
0x10d: {  	_ =	swait.ge [sflag:s13], $0x80  }
0x10e: {  	[sflag:s13] =	ssyncset.done $0x0  }
0x10f: {  	[sflag:s13] =	ssyncadd.s32 $0xFFFFFF80  }
0x110: {  	_ =	swait.ge [sflag:s13], $0x80  }
0x111: {  	[sflag:s13] =	ssyncset.done $0x0  }
0x112: {  	[sflag:s13] =	ssyncadd.s32 $0xFFFFFF80  }
0x113: {  	_ =	swait.ge [sflag:s14], $0x4000  }
0x114: {  	[sflag:s14] =	ssyncset.done $0x0  }
0x115: {  	[sflag:s14] =	ssyncadd.s32 $0xFFFFC000  }
0x116: {  	[tilespmem:s7], [sflag:$0x8] =	stream.indirect.gather [hbm4b:s1+s30], $0x80, s23, s30, $0xb8;
	[tilespmem:$0x1FE80] =	vst v63  }
0x117: {  	s16 =	sadd.s32 $0xA0, s11;
	s23 =	simm.s32 $0x280  }
0x118: {  	[tilespmem:s23], [sflag:$0x7] =	stream.linear.gather [hbm4b:s16+s4], $0x80, $0x38;
	[tilespmem:$0x1FE80] =	vst v63  }
0x119: {  	s29 =	sadd.s32 $0xB0, s11  }
0x11a: {  	[tilespmem:s25], [sflag:$0x7] =	stream.linear.gather [hbm4b:s29+s4], $0x80, $0x38;
	[tilespmem:$0x1FE80] =	vst v63  }
0x11b: {  	_ =	swait.ge [sflag:s26], $0x4000  }
0x11c: {  	[sflag:s26] =	ssyncset.done $0x0  }
0x11d: {  	s31 =	simm.s32 $0x400;
	[sflag:s26] =	ssyncadd.s32 $0xFFFFC000  }
0x11e: {  	[spmem:s3] =	stream.indirect.scatter.add.f32 [tilespmem:s22], [sflag:$0xD], $0x80, s31, s30, $0xb8;
	[tilespmem:$0x1FE80] =	vst v63  }
0x11f: {  	_ =	swait.ge [sflag:s28], $0x80  }
0x120: {  	[sflag:s28] =	ssyncset.done $0x0  }
0x121: {  	[sflag:s28] =	ssyncadd.s32 $0xFFFFFF80  }
0x122: {  	_ =	swait.ge [sflag:s28], $0x80  }
0x123: {  	[sflag:s28] =	ssyncset.done $0x0  }
0x124: {  	[sflag:s28] =	ssyncadd.s32 $0xFFFFFF80  }
0x125: {  	_ =	swait.ge [sflag:s10], $0x4000  }
0x126: {  	p3 =	seq.s32 s24, $0x900;
	[sflag:s10] =	ssyncset.done $0x0  }
0x127: {  	s0 =	sadd.s32 @!p3 s24, s21;
	[sflag:s10] =	ssyncadd.s32 $0xFFFFC000  }
0x128: {  	[tilespmem:s17], [sflag:$0x9] =	stream.indirect.gather [hbm4b:s1+s30], $0x80, s15, s30, $0xb8;
	[tilespmem:$0x1FE80] =	vst v63  }
0x129: {  	s16 =	simm.s32 @!p3 $0x0;
	s31 =	sadd.s32 @!p3 $0xC0, s0  }
0x12a: {  	[tilespmem:s16], [sflag:$0x2] =	stream.linear.gather @!p3 [hbm4b:s31+s16], $0x80, $0x38;
	[tilespmem:$0x1FE80] =	vst v63  }
0x12b: {  	s29 =	simm.s32 @!p3 $0x300;
	s31 =	sadd.s32 @!p3 $0xD0, s0  }
0x12c: {  	[tilespmem:s29], [sflag:$0x2] =	stream.linear.gather @!p3 [hbm4b:s31+s16], $0x80, $0x38;
	[tilespmem:$0x1FE80] =	vst v63  }
0x12d: {  	_ =	swait.ge [sflag:s18], $0x4000  }
0x12e: {  	[sflag:s18] =	ssyncset.done $0x0  }
0x12f: {  	[sflag:s18] =	ssyncadd.s32 $0xFFFFC000  }
0x130: {  	[spmem:s3] =	stream.indirect.scatter.add.f32 [tilespmem:s7], [sflag:$0xB], $0x80, s2, s30, $0xb8;
	[tilespmem:$0x1FE80] =	vst v63  }
0x131: {  	_ =	swait.ge [sflag:s8], $0x80  }
0x132: {  	[sflag:s8] =	ssyncset.done $0x0  }
0x133: {  	[sflag:s8] =	ssyncadd.s32 $0xFFFFFF80  }
0x134: {  	_ =	swait.ge [sflag:s8], $0x80  }
0x135: {  	[sflag:s8] =	ssyncset.done $0x0  }
0x136: {  	[sflag:s8] =	ssyncadd.s32 $0xFFFFFF80  }
0x137: {  	_ =	swait.ge [sflag:s6], $0x4000  }
0x138: {  	[sflag:s6] =	ssyncset.done $0x0  }
0x139: {  	s29 =	simm.s32 @p3 $0x9;
	[sflag:s6] =	ssyncadd.s32 $0xFFFFC000  }
0x13a: {  	[tilespmem:s22], [sflag:$0xA] =	stream.indirect.gather [hbm4b:s1+s30], $0x80, s23, s30, $0xb8;
	[tilespmem:$0x1FE80] =	vst v63  }
0x13b: {  	_ =	swait.ge @p3 [sflag:s29], $0x4000  }
0x13c: {  	s31 =	simm.s32 @p3 $0x500;
	[sflag:s29] =	ssyncset.done @p3 $0x0  }
0x13d: {  	s23 =	simm.s32 @p3 $0x4600;
	[sflag:s29] =	ssyncadd.s32 @p3 $0xFFFFC000;
	s29 =	simm.s32 @p3 $0x80  }
0x13e: {  	[spmem:s3] =	stream.indirect.scatter.add.f32 @p3 [tilespmem:s23], [sflag:$0xC], $0x80, s31, s29, $0xb8;
	[tilespmem:$0x1FE80] =	vst v63  }
0x13f: {  	s23 =	sadd.s32 @!p3 $0xE0, s0;
	s29 =	simm.s32 @!p3 $0x80  }
0x140: {  	[tilespmem:s29], [sflag:$0x3] =	stream.linear.gather @!p3 [hbm4b:s23+s16], $0x80, $0x38;
	[tilespmem:$0x1FE80] =	vst v63  }
0x141: {  	s31 =	simm.s32 @!p3 $0x380;
	s23 =	sadd.s32 @!p3 $0xF0, s0  }
0x142: {  	[tilespmem:s31], [sflag:$0x3] =	stream.linear.gather @!p3 [hbm4b:s23+s16], $0x80, $0x38;
	[tilespmem:$0x1FE80] =	vst v63  }
0x143: {  	s23 =	simm.s32 @!p3 $0x9  }
0x144: {  	_ =	swait.ge @!p3 [sflag:s23], $0x4000  }
0x145: {  	[sflag:s23] =	ssyncset.done @!p3 $0x0  }
0x146: {  	s31 =	simm.s32 @!p3 $0x4600;
	[sflag:s23] =	ssyncadd.s32 @!p3 $0xFFFFC000;
	s23 =	simm.s32 @!p3 $0x500  }
0x147: {  	[spmem:s3] =	stream.indirect.scatter.add.f32 @!p3 [tilespmem:s31], [sflag:$0xC], $0x80, s23, s29, $0xb8;
	[tilespmem:$0x1FE80] =	vst v63  }
0x148: {  	s23 =	simm.s32 @!p3 $0x2  }
0x149: {  	_ =	swait.ge @!p3 [sflag:s23], $0x80  }
0x14a: {  	[sflag:s23] =	ssyncset.done @!p3 $0x0  }
0x14b: {  	[sflag:s23] =	ssyncadd.s32 @!p3 $0xFFFFFF80  }
0x14c: {  	_ =	swait.ge @!p3 [sflag:s23], $0x80  }
0x14d: {  	[sflag:s23] =	ssyncset.done @!p3 $0x0  }
0x14e: {  	[sflag:s23] =	ssyncadd.s32 @!p3 $0xFFFFFF80;
	s23 =	simm.s32 @!p3 $0xB  }
0x14f: {  	_ =	swait.ge @!p3 [sflag:s23], $0x4000  }
0x150: {  	[sflag:s23] =	ssyncset.done @!p3 $0x0  }
0x151: {  	[sflag:s23] =	ssyncadd.s32 @!p3 $0xFFFFC000;
	s23 =	simm.s32 @!p3 $0x600  }
0x152: {  	[tilespmem:s23], [sflag:$0x8] =	stream.indirect.gather @!p3 [hbm4b:s1+s29], $0x80, s16, s29, $0xb8;
	[tilespmem:$0x1FE80] =	vst v63  }
0x153: {  	s23 =	sadd.s32 @!p3 $0x100, s0;
	s29 =	simm.s32 @!p3 $0x100  }
0x154: {  	[tilespmem:s29], [sflag:$0x4] =	stream.linear.gather @!p3 [hbm4b:s23+s16], $0x80, $0x38;
	[tilespmem:$0x1FE80] =	vst v63  }
0x155: {  	s0 =	sadd.s32 @!p3 $0x110, s0;
	s23 =	simm.s32 @!p3 $0x400  }
0x156: {  	[tilespmem:s23], [sflag:$0x4] =	stream.linear.gather @!p3 [hbm4b:s0+s16], $0x80, $0x38;
	[tilespmem:$0x1FE80] =	vst v63  }
.Ltmp5:
0x157: {  	_ = 	snop;
	(pc) =	sbr.rel @p3 .LBB2_5-.Ltmp5, $4  }
0x158: {  	_ =	swait.ge [sflag:s26], $0x4000  }
0x159: {  	[sflag:s26] =	ssyncset.done $0x0  }
0x15a: {  	s15 =	simm.s32 $0x480;
	s2 =	simm.s32 $0x180;
	[sflag:s26] =	ssyncadd.s32 $0xFFFFC000  }
0x15b: {  	[spmem:s3] =	stream.indirect.scatter.add.f32 [tilespmem:s22], [sflag:$0xD], $0x80, s25, s30, $0xb8;
	[tilespmem:$0x1FE80] =	vst v63  }
0x15c: {  	_ =	swait.ge [sflag:s9], $0x80  }
0x15d: {  	[sflag:s9] =	ssyncset.done $0x0  }
0x15e: {  	[sflag:s9] =	ssyncadd.s32 $0xFFFFFF80  }
0x15f: {  	_ =	swait.ge [sflag:s9], $0x80  }
0x160: {  	[sflag:s9] =	ssyncset.done $0x0  }
0x161: {  	[sflag:s9] =	ssyncadd.s32 $0xFFFFFF80  }
0x162: {  	_ =	swait.ge [sflag:s10], $0x4000  }
0x163: {  	[sflag:s10] =	ssyncset.done $0x0  }
0x164: {  	[sflag:s10] =	ssyncadd.s32 $0xFFFFC000  }
0x165: {  	[tilespmem:s17], [sflag:$0x9] =	stream.indirect.gather [hbm4b:s1+s30], $0x80, s30, s30, $0xb8;
	[tilespmem:$0x1FE80] =	vst v63  }
.Ltmp6:
0x166: {  	_ = 	snop;
	(pc) =	sbr.rel .LBB2_3-.Ltmp6, $4  }
0x167: {  	s0 =	sadd.s32 $0x120, s11;
	s31 =	sadd.s32 $0x130, s11  }
0x168: {  	[tilespmem:s2], [sflag:$0x5] =	stream.linear.gather [hbm4b:s0+s4], $0x80, $0x38;
	[tilespmem:$0x1FE80] =	vst v63  }
0x169: {  	s24 =	sadd.s32 $0xC0, s24;
	s23 =	simm.s32 $0x180;
	s2 =	simm.s32 $0x480  }
0x16a: {  	[tilespmem:s15], [sflag:$0x5] =	stream.linear.gather [hbm4b:s31+s4], $0x80, $0x38;
	[tilespmem:$0x1FE80] =	vst v63  }
.LBB2_13:
0x16b: {  	_ =	swait.ge [sflag:s14], $0x4000  }
0x16c: {  	[sflag:s14] =	ssyncset.done $0x0  }
0x16d: {  	[sflag:s14] =	ssyncadd.s32 $0xFFFFC000  }
0x16e: {  	_ =	swait.ge [sflag:s10], $0x4000  }
.Ltmp7:
0x16f: {  	[sflag:s10] =	ssyncset.done $0x0;
	(pc) =	sbr.rel @p2 .LBB2_15-.Ltmp7, $4  }
0x170: {  	[sflag:s10] =	ssyncadd.s32 $0xFFFFC000  }
0x171: {  	_ =	swait.ge [sflag:s6], $0x4000  }
0x172: {  	[sflag:s6] =	ssyncset.done $0x0  }
0x173: {  	[sflag:s6] =	ssyncadd.s32 $0xFFFFC000  }
0x174: {  	s0 =	rddreg [dreg:$0x10];
	s15 =	simm.s32 $0xE  }
0x175: {  	[tilespmem:s4], [sflag:$0xE] =	stream.linear.gather [hbm4b:s0+s4], $0x80, $0x38;
	[tilespmem:$0x1FE80] =	vst v63  }
0x176: {  	_ =	swait.ge [sflag:s15], $0x80  }
0x177: {  	[sflag:s15] =	ssyncset.done $0x0  }
0x178: {  	s11 =	simm.s32 $0x300;
	s31 =	rddreg [dreg:$0x11];
	[sflag:s15] =	ssyncadd.s32 $0xFFFFFF80  }
0x179: {  	[tilespmem:s11], [sflag:$0xE] =	stream.linear.gather [hbm4b:s31+s4], $0x80, $0x38;
	[tilespmem:$0x1FE80] =	vst v63  }
0x17a: {  	_ =	swait.ge [sflag:s15], $0x80  }
0x17b: {  	[sflag:s15] =	ssyncset.done $0x0  }
0x17c: {  	[sflag:s15] =	ssyncadd.s32 $0xFFFFFF80  }
0x17d: {  	[tilespmem:s7], [sflag:$0x8] =	stream.indirect.gather [hbm4b:s5+s30], $0x80, s4, s30, $0xb8;
	[tilespmem:$0x1FE80] =	vst v63  }
0x17e: {  	_ =	swait.ge [sflag:s18], $0x4000  }
0x17f: {  	[sflag:s18] =	ssyncset.done $0x0  }
0x180: {  	[sflag:s18] =	ssyncadd.s32 $0xFFFFC000  }
0x181: {  	[spmem:s3] =	stream.indirect.scatter.add.f32 [tilespmem:s7], [sflag:$0xE], $0x80, s11, s30, $0xb8;
	[tilespmem:$0x1FE80] =	vst v63  }
.Ltmp8:
0x182: {  	_ =	swait.ge [sflag:s15], $0x4000;
	(pc) =	sbr.rel .LBB2_16-.Ltmp8, $4  }
0x183: {  	[sflag:s15] =	ssyncset.done $0x0  }
0x184: {  	[sflag:s15] =	ssyncadd.s32 $0xFFFFC000  }
0x185: {  	[bflag:$0x0] =	sbarrier.arrive $0xFFFF  }
0x186: {  	s19 =	simm.s32 $0x300;
	s23 =	simm.s32 $0x180;
	s2 =	simm.s32 $0x480  }
.LBB2_5:
0x187: {  	_ =	swait.ge [sflag:s14], $0x4000  }
0x188: {  	[sflag:s14] =	ssyncset.done $0x0  }
0x189: {  	[sflag:s14] =	ssyncadd.s32 $0xFFFFC000  }
0x18a: {  	_ =	swait.ge [sflag:s10], $0x4000  }
.Ltmp9:
0x18b: {  	[sflag:s10] =	ssyncset.done $0x0;
	(pc) =	sbr.rel @p2 .LBB2_7-.Ltmp9, $4  }
0x18c: {  	[sflag:s10] =	ssyncadd.s32 $0xFFFFC000  }
0x18d: {  	_ =	swait.ge [sflag:s6], $0x4000  }
0x18e: {  	[sflag:s6] =	ssyncset.done $0x0  }
0x18f: {  	[sflag:s6] =	ssyncadd.s32 $0xFFFFC000  }
0x190: {  	s0 =	rddreg [dreg:$0x10];
	s15 =	simm.s32 $0xE  }
0x191: {  	[tilespmem:s4], [sflag:$0xE] =	stream.linear.gather [hbm4b:s0+s4], $0x80, $0x38;
	[tilespmem:$0x1FE80] =	vst v63  }
0x192: {  	_ =	swait.ge [sflag:s15], $0x80  }
0x193: {  	[sflag:s15] =	ssyncset.done $0x0  }
0x194: {  	s11 =	simm.s32 $0x300;
	s31 =	rddreg [dreg:$0x11];
	[sflag:s15] =	ssyncadd.s32 $0xFFFFFF80  }
0x195: {  	[tilespmem:s11], [sflag:$0xE] =	stream.linear.gather [hbm4b:s31+s4], $0x80, $0x38;
	[tilespmem:$0x1FE80] =	vst v63  }
0x196: {  	_ =	swait.ge [sflag:s15], $0x80  }
0x197: {  	[sflag:s15] =	ssyncset.done $0x0  }
0x198: {  	[sflag:s15] =	ssyncadd.s32 $0xFFFFFF80  }
0x199: {  	[tilespmem:s7], [sflag:$0x8] =	stream.indirect.gather [hbm4b:s1+s30], $0x80, s4, s30, $0xb8;
	[tilespmem:$0x1FE80] =	vst v63  }
0x19a: {  	_ =	swait.ge [sflag:s18], $0x4000  }
0x19b: {  	[sflag:s18] =	ssyncset.done $0x0  }
0x19c: {  	[sflag:s18] =	ssyncadd.s32 $0xFFFFC000  }
0x19d: {  	[spmem:s3] =	stream.indirect.scatter.add.f32 [tilespmem:s7], [sflag:$0xE], $0x80, s11, s30, $0xb8;
	[tilespmem:$0x1FE80] =	vst v63  }
.Ltmp10:
0x19e: {  	_ =	swait.ge [sflag:s15], $0x4000;
	(pc) =	sbr.rel .LBB2_8-.Ltmp10, $4  }
0x19f: {  	[sflag:s15] =	ssyncset.done $0x0  }
0x1a0: {  	[sflag:s15] =	ssyncadd.s32 $0xFFFFC000  }
0x1a1: {  	[bflag:$0x0] =	sbarrier.arrive $0xFFFF  }
0x1a2: {  	s19 =	simm.s32 $0x300;
	s23 =	simm.s32 $0x180;
	s2 =	simm.s32 $0x480  }
.LBB2_15:
.Ltmp11:
0x1a3: {  	(pc) =	sbr.rel @p1 .LBB2_17-.Ltmp11, $3  }
0x1a4: {  	_ =	sdelay $0x1  }
0x1a5: {  	[bflag:$0x0] =	sbarrier.arrive $0xFFFF  }
0x1a6: {  	s23 =	simm.s32 $0x180;
	s2 =	simm.s32 $0x480;
	s15 =	simm.s32 $0xE  }
.LBB2_16:
0x1a7: {  	s0 =	stileid.u32;
	s11 =	rddreg [dreg:$0x5]  }
0x1a8: {  	s16 =	rddreg [dreg:$0x16];
	s0 =	sshll.u32 s0, $0x6  }
.Ltmp12:
0x1a9: {  	s11 =	sshrl.u32 s11, $0x3;
	s0 =	sor.u32 $0x1C0E, s0;
	(pc) =	sbr.rel .LBB2_18-.Ltmp12, $4  }
0x1aa: {  	[hbm:s16], [sflag:s0] =	dma.local [spmem:s11], $0x2780  }
0x1ab: {  	_ =	swait.ge [sflag:s15], $0x2780  }
0x1ac: {  	[sflag:s15] =	ssyncset.done $0x0  }
0x1ad: {  	s11 =	rddreg [dreg:$0x1a];
	[sflag:s15] =	ssyncadd.s32 $0xFFFFD880  }
.LBB2_7:
.Ltmp13:
0x1ae: {  	(pc) =	sbr.rel @!p1 .LBB2_8-.Ltmp13, $3  }
0x1af: {  	_ =	sdelay $0x1  }
0x1b0: {  	[bflag:$0x0] =	sbarrier.arrive $0xFFFF  }
0x1b1: {  	s23 =	simm.s32 $0x180;
	s2 =	simm.s32 $0x480;
	s15 =	simm.s32 $0xE  }
0x1b2: {  	s0 =	rddreg [dreg:$0x7]  }
0x1b3: {  	s11 =	rddreg [dreg:$0xf]  }
.Ltmp14:
0x1b4: {  	s16 =	simm.s32 $0x1FCE;
	s0 =	sshrl.u32 s0, $0x3;
	(pc) =	sbr.rel .LBB2_18-.Ltmp14, $4  }
0x1b5: {  	[hbm:s11], [sflag:s16] =	dma.local [spmem:s0], $0x2080  }
0x1b6: {  	_ =	swait.ge [sflag:s15], $0x2080  }
0x1b7: {  	[sflag:s15] =	ssyncset.done $0x0  }
0x1b8: {  	s11 =	rddreg [dreg:$0x1a];
	[sflag:s15] =	ssyncadd.s32 $0xFFFFDF80  }
.LBB2_8:
0x1b9: {  	s0 =	stileid.u32;
	s11 =	rddreg [dreg:$0x5]  }
0x1ba: {  	s16 =	rddreg [dreg:$0x12];
	s0 =	sshll.u32 s0, $0x6  }
.Ltmp15:
0x1bb: {  	s11 =	sshrl.u32 s11, $0x3;
	s0 =	sor.u32 $0x1C0E, s0;
	(pc) =	sbr.rel .LBB2_18-.Ltmp15, $4  }
0x1bc: {  	[hbm:s16], [sflag:s0] =	dma.local [spmem:s11], $0x2780  }
0x1bd: {  	_ =	swait.ge [sflag:s15], $0x2780  }
0x1be: {  	[sflag:s15] =	ssyncset.done $0x0  }
0x1bf: {  	s11 =	rddreg [dreg:$0x1a];
	[sflag:s15] =	ssyncadd.s32 $0xFFFFD880  }
.LBB2_19:
0x1c0: {  	_ =	sfence.sel $0x180000  }
0x1c1: {  	[bflag:$0x0] =	sbarrier.arrive $0xFFFF  }
0x1c2: {  	_ =	strace $0x9000004A  }
0x1c3: {  	s0 =	stileid.u32;
	[bflag:$0x2] =	sbarrier.arrive $0xFFFF  }
0x1c4: {  	p0 =	sne.s32 s0, $0x0;
	s0 =	rddreg [dreg:$0x4]  }
0x1c5: {  	s0 =	sadd.s32 @!p0 $0x100000, s0  }
0x1c6: {  	[sflag:s0] =	ssyncadd.tile.s32 @!p0 $0x1;
	_ =	shalt  }
.Lfunc_end2:
_tile_overlayer_lowered:
.L_overlay_start_2:
0x1c7: {  	(tag) =	ssettag $0x2  }
0x1c8: {  	s0 =	rddreg [dreg:$0x0];
	s2 =	stileid.u32  }
0x1c9: {  	s1 =	rddreg [dreg:$0x1];
	p0 =	sne.s32 s2, $0x0  }
0x1ca: {  	s3 =	rddreg [dreg:$0x2];
	[bflag:$0x3] =	sbarrier.arrive $0xFFFF;
	s2 =	simm.s32 @!p0 $0x1C0E  }
0x1cb: {  	[timem:s3], [sflag:s2] =	dma.local @!p0 [hbm:s0], s1  }
0x1cc: {  	s0 =	simm.s32 @!p0 $0xE  }
0x1cd: {  	_ =	swait.ge @!p0 [sflag:s0], s1  }
0x1ce: {  	s1 =	ssub.s32 @!p0 $0x0, s1;
	[sflag:s0] =	ssyncset.done @!p0 $0x0  }
0x1cf: {  	[sflag:s0] =	ssyncadd.s32 @!p0 s1  }
0x1d0: {  	[bflag:$0x3] =	sbarrier.arrive $0xFFFF  }
0x1d1: {  	_ =	shalt  }

</sc_bundles>
